<compile_context>
chip_gen: v7x
topology: tpu7x:2x2x1
jax: 0.10.2.dev20260603
libtpu: 0.0.44.dev20260713+nightly
codegen_flags: <defaults>
</compile_context>

<pallas_src>
import functools

import jax
import jax.numpy as jnp
from jax import lax
from jax.experimental import pallas as pl
from jax.experimental.pallas import tpu as pltpu
from jax.experimental.pallas import tpu_sc as plsc

_STEPS = 4
_HIGH = jax.lax.Precision.HIGHEST



def _hinit_body(x_ref, w_ref, b_ref, o_ref):
    o_ref[...] = (
        jnp.dot(x_ref[...], w_ref[...], precision=_HIGH) + b_ref[...]
    )


_RB = 2000


def _hinit(x, w, b):
    n, d = x.shape
    h = w.shape[1]
    return pl.pallas_call(
        _hinit_body,
        grid=(n // _RB,),
        in_specs=[
            pl.BlockSpec((_RB, d), lambda i: (i, 0)),
            pl.BlockSpec((d, h), lambda i: (0, 0)),
            pl.BlockSpec((1, h), lambda i: (0, 0)),
        ],
        out_specs=pl.BlockSpec((_RB, h), lambda i: (i, 0)),
        out_shape=jax.ShapeDtypeStruct((n, h), jnp.float32),
    )(x, w, b)


def _mtable_body(h_ref, w_ref, b_ref, o_ref):
    t = pl.program_id(0)
    m = jnp.dot(h_ref[...], w_ref[0], precision=_HIGH) + b_ref[t, 0]
    o_ref[0] = jnp.maximum(m, 0.0)


def _mtable(h, edge_w, edge_b):
    n, hd = h.shape
    t = edge_w.shape[0]
    return pl.pallas_call(
        _mtable_body,
        grid=(t, n // _RB),
        in_specs=[
            pl.BlockSpec((_RB, hd), lambda t, i: (i, 0)),
            pl.BlockSpec((1, hd, hd), lambda t, i: (t, 0, 0)),
            pl.BlockSpec(memory_space=pltpu.SMEM),
        ],
        out_specs=pl.BlockSpec((1, _RB, hd), lambda t, i: (t, i, 0)),
        out_shape=jax.ShapeDtypeStruct((t, n, hd), jnp.float32),
    )(h, edge_w, edge_b)


def _gru_body(agg_ref, h_ref, wir, wiz, win, whr, whz, whn, br, bz, bni, bnh,
              o_ref):
    agg = agg_ref[0] + agg_ref[1]
    h = h_ref[...]

    def dot(a, w_ref):
        return jnp.dot(a, w_ref[...], precision=_HIGH)

    r = jax.nn.sigmoid(dot(agg, wir) + dot(h, whr) + br[...])
    z = jax.nn.sigmoid(dot(agg, wiz) + dot(h, whz) + bz[...])
    n = jnp.tanh(dot(agg, win) + bni[...] + r * (dot(h, whn) + bnh[...]))
    o_ref[...] = (1.0 - z) * n + z * h


def _gru(agg2, h, ws, bs):
    n, hd = h.shape
    wspec = pl.BlockSpec((hd, hd), lambda i: (0, 0))
    bspec = pl.BlockSpec((1, hd), lambda i: (0, 0))
    return pl.pallas_call(
        _gru_body,
        grid=(n // _RB,),
        in_specs=[
            pl.BlockSpec((2, _RB, hd), lambda i: (0, i, 0)),
            pl.BlockSpec((_RB, hd), lambda i: (i, 0)),
        ] + [wspec] * 6 + [bspec] * 4,
        out_specs=pl.BlockSpec((_RB, hd), lambda i: (i, 0)),
        out_shape=jax.ShapeDtypeStruct((n, hd), jnp.float32),
    )(agg2, h, *ws, *bs)


def _final_body(hi_ref, h_ref, w1a, w1b, b1, w2, b2, o_ref):
    t1 = jnp.maximum(
        jnp.dot(hi_ref[...], w1a[...], precision=_HIGH)
        + jnp.dot(h_ref[...], w1b[...], precision=_HIGH)
        + b1[...],
        0.0,
    )
    o_ref[...] = jnp.tanh(jnp.dot(t1, w2[...], precision=_HIGH) + b2[...])


def _final(h_init, h, w1a, w1b, b1, w2, b2):
    n, hd = h.shape
    wspec = pl.BlockSpec((hd, hd), lambda i: (0, 0))
    bspec = pl.BlockSpec((1, hd), lambda i: (0, 0))
    return pl.pallas_call(
        _final_body,
        grid=(n // _RB,),
        in_specs=[
            pl.BlockSpec((_RB, hd), lambda i: (i, 0)),
            pl.BlockSpec((_RB, hd), lambda i: (i, 0)),
            wspec, wspec, bspec, wspec, bspec,
        ],
        out_specs=pl.BlockSpec((_RB, hd), lambda i: (i, 0)),
        out_shape=jax.ShapeDtypeStruct((n, hd), jnp.float32),
    )(h_init, h, w1a, w1b, b1, w2, b2)



_CHUNK = 128


@functools.lru_cache(maxsize=None)
def _make_sc_agg(n_nodes, h_dim, e_pad, npad, nc, ns):
    nw = nc * ns
    per_w = e_pad // nw
    n_chunks = per_w // _CHUNK
    zrows = npad // ns

    mesh = plsc.VectorSubcoreMesh(core_axis_name="c", subcore_axis_name="s")

    @functools.partial(
        pl.kernel,
        out_type=jax.ShapeDtypeStruct((nc, npad, h_dim), jnp.float32),
        mesh=mesh,
        scratch_types=[
            pltpu.VMEM((_CHUNK,), jnp.int32),
            pltpu.VMEM((_CHUNK,), jnp.int32),
            pltpu.VMEM((_CHUNK, h_dim), jnp.float32),
            pltpu.VMEM((16, h_dim), jnp.float32),
            pltpu.VMEM_SHARED((npad, h_dim), jnp.float32),
            pltpu.SemaphoreType.DMA,
        ],
        compiler_params=pltpu.CompilerParams(use_tc_tiling_on_sc=False),
    )
    def sc_agg(table_hbm, fidx_hbm, dst_hbm, out_hbm,
               idx_v, dst_v, rows_v, zero_v, acc_sh, sem):
        cid = lax.axis_index("c")
        sid = lax.axis_index("s")
        wid = sid * nc + cid

        for i in range(16):
            for j in range(h_dim // 16):
                zero_v[i, pl.ds(j * 16, 16)] = jnp.zeros((16,), jnp.float32)

        def zbody(k, c):
            pltpu.sync_copy(zero_v, acc_sh.at[pl.ds(sid * zrows + k * 16, 16)])
            return c

        lax.fori_loop(0, zrows // 16, zbody, 0)
        plsc.subcore_barrier()

        base0 = wid * per_w

        def body(i, c):
            base = base0 + i * _CHUNK
            pltpu.sync_copy(fidx_hbm.at[pl.ds(base, _CHUNK)], idx_v)
            pltpu.sync_copy(dst_hbm.at[pl.ds(base, _CHUNK)], dst_v)
            pltpu.async_copy(table_hbm.at[idx_v], rows_v, sem).wait()
            pltpu.sync_copy(rows_v, acc_sh.at[dst_v], add=True)
            return c

        lax.fori_loop(0, n_chunks, body, 0)
        plsc.subcore_barrier()

        pltpu.sync_copy(
            acc_sh.at[pl.ds(sid * zrows, zrows)],
            out_hbm.at[cid, pl.ds(sid * zrows, zrows)],
        )

    return sc_agg



def kernel(x, edge_index, edge_attr, W_in, b_in, edge_W, edge_b,
           gru_W_ih, gru_W_hh, gru_b_ih, gru_b_hh, W_t1, b_t1, W_t2, b_t2):
    n, _ = x.shape
    e = edge_index.shape[1]
    t, h, _ = edge_W.shape

    info = plsc.get_sparse_core_info()
    nc, ns = info.num_cores, info.num_subcores
    nw = nc * ns

    et = jnp.argmax(edge_attr, axis=1).astype(jnp.int32)
    fidx = et * n + edge_index[0]
    dst = edge_index[1]

    quant = nw * _CHUNK
    e_pad = ((e + quant - 1) // quant) * quant
    npad = ((n + 16 * ns) // (16 * ns)) * (16 * ns)
    if e_pad > e:
        fidx = jnp.concatenate([fidx, jnp.zeros((e_pad - e,), jnp.int32)])
        dst = jnp.concatenate(
            [dst, jnp.full((e_pad - e,), npad - 1, jnp.int32)])

    sc_agg = _make_sc_agg(n, h, e_pad, npad, nc, ns)

    wir, wiz, win = (gru_W_ih[:h].T, gru_W_ih[h:2 * h].T, gru_W_ih[2 * h:].T)
    whr, whz, whn = (gru_W_hh[:h].T, gru_W_hh[h:2 * h].T, gru_W_hh[2 * h:].T)
    br = (gru_b_ih[:h] + gru_b_hh[:h]).reshape(1, h)
    bz = (gru_b_ih[h:2 * h] + gru_b_hh[h:2 * h]).reshape(1, h)
    bni = gru_b_ih[2 * h:].reshape(1, h)
    bnh = gru_b_hh[2 * h:].reshape(1, h)
    gws = (wir, wiz, win, whr, whz, whn)
    gbs = (br, bz, bni, bnh)

    h_init = _hinit(x, W_in, b_in.reshape(1, h))
    hs = h_init
    for _ in range(_STEPS):
        m = _mtable(hs, edge_W, edge_b).reshape(t * n, h)
        agg2 = sc_agg(m, fidx, dst)[:, :n]
        hs = _gru(agg2, hs, gws, gbs)

    return _final(h_init, hs, W_t1[:h], W_t1[h:], b_t1.reshape(1, h),
                  W_t2, b_t2.reshape(1, h))

# --- scband reference (transcript-rebuilt; emitter-appended) ---
"""Pipeline reference for scband-ggnn-22797686407335 (READ-ONLY COPY).

The authoritative reference and input builder live on the scoring server;
editing this copy changes nothing except your own understanding.
"""

import jax, jax.numpy as jnp
import numpy as np

N = 10000
E = 320000
D_NODE = 128
H = 64
T_EDGE = 4
STEPS = 4


def setup_inputs(seed: int = 0) -> dict:
    key = jax.random.key(seed)
    ks = jax.random.split(key, 20)
    s = 0.05
    inp = {}
    inp["x"] = jax.random.normal(ks[0], (N, D_NODE), dtype=jnp.float32)
    inp["edge_index"] = jax.random.randint(ks[1], (2, E), 0, N, dtype=jnp.int32)
    inp["edge_attr"] = jax.random.normal(ks[2], (E, T_EDGE), dtype=jnp.float32)
    # learned parameters
    inp["W_in"] = jax.random.normal(ks[3], (D_NODE, H), dtype=jnp.float32) * s
    inp["b_in"] = jnp.zeros((H,), dtype=jnp.float32)
    inp["edge_W"] = jax.random.normal(ks[4], (T_EDGE, H, H), dtype=jnp.float32) * s
    inp["edge_b"] = jax.random.normal(ks[5], (T_EDGE, 1), dtype=jnp.float32) * s
    inp["gru_W_ih"] = jax.random.normal(ks[6], (3 * H, H), dtype=jnp.float32) * s
    inp["gru_W_hh"] = jax.random.normal(ks[7], (3 * H, H), dtype=jnp.float32) * s
    inp["gru_b_ih"] = jnp.zeros((3 * H,), dtype=jnp.float32)
    inp["gru_b_hh"] = jnp.zeros((3 * H,), dtype=jnp.float32)
    inp["W_t1"] = jax.random.normal(ks[8], (2 * H, H), dtype=jnp.float32) * s
    inp["b_t1"] = jnp.zeros((H,), dtype=jnp.float32)
    inp["W_t2"] = jax.random.normal(ks[9], (H, H), dtype=jnp.float32) * s
    inp["b_t2"] = jnp.zeros((H,), dtype=jnp.float32)
    return inp


def reference(x, edge_index, edge_attr, W_in, b_in, edge_W, edge_b, gru_W_ih, gru_W_hh, gru_b_ih, gru_b_hh, W_t1, b_t1, W_t2, b_t2):
    src = edge_index[0]
    dst = edge_index[1]
    # efeats = one-hot edge features argmax -> integer edge type per edge
    efeats = jnp.argmax(edge_attr, axis=1)
    h_init = x @ W_in + b_in
    h = h_init
    for _ in range(STEPS):
        h_in = h
        # gather source node states along edges
        src_feat = jnp.take(h, src, axis=0)  # [E, H]
        # einsum('nio,ni->no', edge_W[efeats], src_feat) done as transform-then-select
        # (mathematically identical; selection by edge type commutes with the linear map)
        transformed = jnp.einsum('ei,tio->eto', src_feat, edge_W)  # [E, T, H]
        msg = jnp.take_along_axis(transformed, efeats[:, None, None], axis=1)[:, 0, :]
        msg = msg + jnp.take(edge_b, efeats, axis=0)  # [E,1] broadcast bias
        msg = jax.nn.relu(msg)
        # fn.sum('m','_h'): scatter-add messages to destination nodes
        agg = jax.ops.segment_sum(msg, dst, num_segments=N)  # [N, H]
        # torch.nn.GRUCell(input=agg, hidden=h_in)
        gi = agg @ gru_W_ih.T + gru_b_ih
        gh = h_in @ gru_W_hh.T + gru_b_hh
        i_r, i_z, i_n = jnp.split(gi, 3, axis=1)
        h_r, h_z, h_n = jnp.split(gh, 3, axis=1)
        r = jax.nn.sigmoid(i_r + h_r)
        z = jax.nn.sigmoid(i_z + h_z)
        n = jnp.tanh(i_n + r * h_n)
        h = (1.0 - z) * n + z * h_in
    node_level = jnp.concatenate([h_init, h], axis=-1)
    out = jnp.tanh(jax.nn.relu(node_level @ W_t1 + b_t1) @ W_t2 + b_t2)
    return out

if __name__ == "__main__":
    import jax
    _d = setup_inputs()
    print(jax.jit(kernel)(*tuple(_d.values())))

</pallas_src>

<mosaic_0001>
#map = affine_map<(d0, d1) -> (0, 0)>
#map1 = affine_map<(d0, d1) -> (0)>
#map2 = affine_map<(d0, d1) -> (0, 0, 0)>
module attributes {stable_mosaic.version = 14 : i64} {
  func.func @sc_agg(%arg0: i32, %arg1: i32, %arg2: memref<40000x64xf32, #tpu.memory_space<hbm>>, %arg3: memref<323584xi32, #tpu.memory_space<hbm>>, %arg4: memref<323584xi32, #tpu.memory_space<hbm>>, %arg5: memref<2x10240x64xf32, #tpu.memory_space<hbm>>, %arg6: memref<128xi32, #tpu.memory_space<vmem>>, %arg7: memref<128xi32, #tpu.memory_space<vmem>>, %arg8: memref<128x64xf32, #tpu.memory_space<vmem>>, %arg9: memref<16x64xf32, #tpu.memory_space<vmem>>, %arg10: memref<10240x64xf32, #tpu.memory_space<vmem_shared>>, %arg11: memref<!tpu.dma_semaphore, #tpu.memory_space<semaphore_mem>>) attributes {dimension_semantics = [#tpu.dimension_semantics<core_parallel>, #tpu.dimension_semantics<subcore_parallel>], iteration_bounds = array<i64: 2, 16>, scalar_prefetch = 0 : i64, scratch_operands = 6 : i64, tpu.core_type = #tpu.core_type<sc_vector_subcore>, window_params = [{transform_indices = #map}, {transform_indices = #map1}, {transform_indices = #map1}, {transform_indices = #map2}]} {
    %mul3A = arith.constant 2 : i32
    %mul3A_0 = arith.muli %arg1, %mul3A : i32
    %add3A = arith.addi %mul3A_0, %arg0 : i32
    %broadcast_in_dim3A = arith.constant 0.000000e+00 : f32
    %broadcast_in_dim3A_1 = vector.broadcast %broadcast_in_dim3A : f32 to vector<16xf32>
    %swap3A = arith.constant 0 : i32
    %swap3A_2 = arith.index_cast %swap3A : i32 to index
    %swap3A_3 = arith.constant 0 : index
    %swap3A_4 = tpu.vector_load %arg9[%swap3A_2, %swap3A_3] {strides = array<i32>} : memref<16x64xf32, #tpu.memory_space<vmem>>, vector<1x16xf32>,
    %swap3A_5 = vector.shape_cast %swap3A_4 : vector<1x16xf32> to vector<16xf32>
    %swap3A_6 = vector.shape_cast %broadcast_in_dim3A_1 : vector<16xf32> to vector<1x16xf32>
    tpu.vector_store %arg9[%swap3A_2, %swap3A_3], %swap3A_6 {strides = array<i32>} : memref<16x64xf32, #tpu.memory_space<vmem>>, vector<1x16xf32>,
    %broadcast_in_dim3A_7 = arith.constant 0.000000e+00 : f32
    %broadcast_in_dim3A_8 = vector.broadcast %broadcast_in_dim3A_7 : f32 to vector<16xf32>
    %swap3A_9 = arith.constant 0 : i32
    %swap3A_10 = arith.index_cast %swap3A_9 : i32 to index
    %swap3A_11 = arith.constant 16 : index
    %swap3A_12 = tpu.vector_load %arg9[%swap3A_10, %swap3A_11] {strides = array<i32>} : memref<16x64xf32, #tpu.memory_space<vmem>>, vector<1x16xf32>,
    %swap3A_13 = vector.shape_cast %swap3A_12 : vector<1x16xf32> to vector<16xf32>
    %swap3A_14 = vector.shape_cast %broadcast_in_dim3A_8 : vector<16xf32> to vector<1x16xf32>
    tpu.vector_store %arg9[%swap3A_10, %swap3A_11], %swap3A_14 {strides = array<i32>} : memref<16x64xf32, #tpu.memory_space<vmem>>, vector<1x16xf32>,
    %broadcast_in_dim3A_15 = arith.constant 0.000000e+00 : f32
    %broadcast_in_dim3A_16 = vector.broadcast %broadcast_in_dim3A_15 : f32 to vector<16xf32>
    %swap3A_17 = arith.constant 0 : i32
    %swap3A_18 = arith.index_cast %swap3A_17 : i32 to index
    %swap3A_19 = arith.constant 32 : index
    %swap3A_20 = tpu.vector_load %arg9[%swap3A_18, %swap3A_19] {strides = array<i32>} : memref<16x64xf32, #tpu.memory_space<vmem>>, vector<1x16xf32>,
    %swap3A_21 = vector.shape_cast %swap3A_20 : vector<1x16xf32> to vector<16xf32>
    %swap3A_22 = vector.shape_cast %broadcast_in_dim3A_16 : vector<16xf32> to vector<1x16xf32>
    tpu.vector_store %arg9[%swap3A_18, %swap3A_19], %swap3A_22 {strides = array<i32>} : memref<16x64xf32, #tpu.memory_space<vmem>>, vector<1x16xf32>,
    %broadcast_in_dim3A_23 = arith.constant 0.000000e+00 : f32
    %broadcast_in_dim3A_24 = vector.broadcast %broadcast_in_dim3A_23 : f32 to vector<16xf32>
    %swap3A_25 = arith.constant 0 : i32
    %swap3A_26 = arith.index_cast %swap3A_25 : i32 to index
    %swap3A_27 = arith.constant 48 : index
    %swap3A_28 = tpu.vector_load %arg9[%swap3A_26, %swap3A_27] {strides = array<i32>} : memref<16x64xf32, #tpu.memory_space<vmem>>, vector<1x16xf32>,
    %swap3A_29 = vector.shape_cast %swap3A_28 : vector<1x16xf32> to vector<16xf32>
    %swap3A_30 = vector.shape_cast %broadcast_in_dim3A_24 : vector<16xf32> to vector<1x16xf32>
    tpu.vector_store %arg9[%swap3A_26, %swap3A_27], %swap3A_30 {strides = array<i32>} : memref<16x64xf32, #tpu.memory_space<vmem>>, vector<1x16xf32>,
    %broadcast_in_dim3A_31 = arith.constant 0.000000e+00 : f32
    %broadcast_in_dim3A_32 = vector.broadcast %broadcast_in_dim3A_31 : f32 to vector<16xf32>
    %swap3A_33 = arith.constant 1 : i32
    %swap3A_34 = arith.index_cast %swap3A_33 : i32 to index
    %swap3A_35 = arith.constant 0 : index
    %swap3A_36 = tpu.vector_load %arg9[%swap3A_34, %swap3A_35] {strides = array<i32>} : memref<16x64xf32, #tpu.memory_space<vmem>>, vector<1x16xf32>,
    %swap3A_37 = vector.shape_cast %swap3A_36 : vector<1x16xf32> to vector<16xf32>
    %swap3A_38 = vector.shape_cast %broadcast_in_dim3A_32 : vector<16xf32> to vector<1x16xf32>
    tpu.vector_store %arg9[%swap3A_34, %swap3A_35], %swap3A_38 {strides = array<i32>} : memref<16x64xf32, #tpu.memory_space<vmem>>, vector<1x16xf32>,
    %broadcast_in_dim3A_39 = arith.constant 0.000000e+00 : f32
    %broadcast_in_dim3A_40 = vector.broadcast %broadcast_in_dim3A_39 : f32 to vector<16xf32>
    %swap3A_41 = arith.constant 1 : i32
    %swap3A_42 = arith.index_cast %swap3A_41 : i32 to index
    %swap3A_43 = arith.constant 16 : index
    %swap3A_44 = tpu.vector_load %arg9[%swap3A_42, %swap3A_43] {strides = array<i32>} : memref<16x64xf32, #tpu.memory_space<vmem>>, vector<1x16xf32>,
    %swap3A_45 = vector.shape_cast %swap3A_44 : vector<1x16xf32> to vector<16xf32>
    %swap3A_46 = vector.shape_cast %broadcast_in_dim3A_40 : vector<16xf32> to vector<1x16xf32>
    tpu.vector_store %arg9[%swap3A_42, %swap3A_43], %swap3A_46 {strides = array<i32>} : memref<16x64xf32, #tpu.memory_space<vmem>>, vector<1x16xf32>,
    %broadcast_in_dim3A_47 = arith.constant 0.000000e+00 : f32
    %broadcast_in_dim3A_48 = vector.broadcast %broadcast_in_dim3A_47 : f32 to vector<16xf32>
    %swap3A_49 = arith.constant 1 : i32
    %swap3A_50 = arith.index_cast %swap3A_49 : i32 to index
    %swap3A_51 = arith.constant 32 : index
    %swap3A_52 = tpu.vector_load %arg9[%swap3A_50, %swap3A_51] {strides = array<i32>} : memref<16x64xf32, #tpu.memory_space<vmem>>, vector<1x16xf32>,
    %swap3A_53 = vector.shape_cast %swap3A_52 : vector<1x16xf32> to vector<16xf32>
    %swap3A_54 = vector.shape_cast %broadcast_in_dim3A_48 : vector<16xf32> to vector<1x16xf32>
    tpu.vector_store %arg9[%swap3A_50, %swap3A_51], %swap3A_54 {strides = array<i32>} : memref<16x64xf32, #tpu.memory_space<vmem>>, vector<1x16xf32>,
    %broadcast_in_dim3A_55 = arith.constant 0.000000e+00 : f32
    %broadcast_in_dim3A_56 = vector.broadcast %broadcast_in_dim3A_55 : f32 to vector<16xf32>
    %swap3A_57 = arith.constant 1 : i32
    %swap3A_58 = arith.index_cast %swap3A_57 : i32 to index
    %swap3A_59 = arith.constant 48 : index
    %swap3A_60 = tpu.vector_load %arg9[%swap3A_58, %swap3A_59] {strides = array<i32>} : memref<16x64xf32, #tpu.memory_space<vmem>>, vector<1x16xf32>,
    %swap3A_61 = vector.shape_cast %swap3A_60 : vector<1x16xf32> to vector<16xf32>
    %swap3A_62 = vector.shape_cast %broadcast_in_dim3A_56 : vector<16xf32> to vector<1x16xf32>
    tpu.vector_store %arg9[%swap3A_58, %swap3A_59], %swap3A_62 {strides = array<i32>} : memref<16x64xf32, #tpu.memory_space<vmem>>, vector<1x16xf32>,
    %broadcast_in_dim3A_63 = arith.constant 0.000000e+00 : f32
    %broadcast_in_dim3A_64 = vector.broadcast %broadcast_in_dim3A_63 : f32 to vector<16xf32>
    %swap3A_65 = arith.constant 2 : i32
    %swap3A_66 = arith.index_cast %swap3A_65 : i32 to index
    %swap3A_67 = arith.constant 0 : index
    %swap3A_68 = tpu.vector_load %arg9[%swap3A_66, %swap3A_67] {strides = array<i32>} : memref<16x64xf32, #tpu.memory_space<vmem>>, vector<1x16xf32>,
    %swap3A_69 = vector.shape_cast %swap3A_68 : vector<1x16xf32> to vector<16xf32>
    %swap3A_70 = vector.shape_cast %broadcast_in_dim3A_64 : vector<16xf32> to vector<1x16xf32>
    tpu.vector_store %arg9[%swap3A_66, %swap3A_67], %swap3A_70 {strides = array<i32>} : memref<16x64xf32, #tpu.memory_space<vmem>>, vector<1x16xf32>,
    %broadcast_in_dim3A_71 = arith.constant 0.000000e+00 : f32
    %broadcast_in_dim3A_72 = vector.broadcast %broadcast_in_dim3A_71 : f32 to vector<16xf32>
    %swap3A_73 = arith.constant 2 : i32
    %swap3A_74 = arith.index_cast %swap3A_73 : i32 to index
    %swap3A_75 = arith.constant 16 : index
    %swap3A_76 = tpu.vector_load %arg9[%swap3A_74, %swap3A_75] {strides = array<i32>} : memref<16x64xf32, #tpu.memory_space<vmem>>, vector<1x16xf32>,
    %swap3A_77 = vector.shape_cast %swap3A_76 : vector<1x16xf32> to vector<16xf32>
    %swap3A_78 = vector.shape_cast %broadcast_in_dim3A_72 : vector<16xf32> to vector<1x16xf32>
    tpu.vector_store %arg9[%swap3A_74, %swap3A_75], %swap3A_78 {strides = array<i32>} : memref<16x64xf32, #tpu.memory_space<vmem>>, vector<1x16xf32>,
    %broadcast_in_dim3A_79 = arith.constant 0.000000e+00 : f32
    %broadcast_in_dim3A_80 = vector.broadcast %broadcast_in_dim3A_79 : f32 to vector<16xf32>
    %swap3A_81 = arith.constant 2 : i32
    %swap3A_82 = arith.index_cast %swap3A_81 : i32 to index
    %swap3A_83 = arith.constant 32 : index
    %swap3A_84 = tpu.vector_load %arg9[%swap3A_82, %swap3A_83] {strides = array<i32>} : memref<16x64xf32, #tpu.memory_space<vmem>>, vector<1x16xf32>,
    %swap3A_85 = vector.shape_cast %swap3A_84 : vector<1x16xf32> to vector<16xf32>
    %swap3A_86 = vector.shape_cast %broadcast_in_dim3A_80 : vector<16xf32> to vector<1x16xf32>
    tpu.vector_store %arg9[%swap3A_82, %swap3A_83], %swap3A_86 {strides = array<i32>} : memref<16x64xf32, #tpu.memory_space<vmem>>, vector<1x16xf32>,
    %broadcast_in_dim3A_87 = arith.constant 0.000000e+00 : f32
    %broadcast_in_dim3A_88 = vector.broadcast %broadcast_in_dim3A_87 : f32 to vector<16xf32>
    %swap3A_89 = arith.constant 2 : i32
    %swap3A_90 = arith.index_cast %swap3A_89 : i32 to index
    %swap3A_91 = arith.constant 48 : index
    %swap3A_92 = tpu.vector_load %arg9[%swap3A_90, %swap3A_91] {strides = array<i32>} : memref<16x64xf32, #tpu.memory_space<vmem>>, vector<1x16xf32>,
    %swap3A_93 = vector.shape_cast %swap3A_92 : vector<1x16xf32> to vector<16xf32>
    %swap3A_94 = vector.shape_cast %broadcast_in_dim3A_88 : vector<16xf32> to vector<1x16xf32>
    tpu.vector_store %arg9[%swap3A_90, %swap3A_91], %swap3A_94 {strides = array<i32>} : memref<16x64xf32, #tpu.memory_space<vmem>>, vector<1x16xf32>,
    %broadcast_in_dim3A_95 = arith.constant 0.000000e+00 : f32
    %broadcast_in_dim3A_96 = vector.broadcast %broadcast_in_dim3A_95 : f32 to vector<16xf32>
    %swap3A_97 = arith.constant 3 : i32
    %swap3A_98 = arith.index_cast %swap3A_97 : i32 to index
    %swap3A_99 = arith.constant 0 : index
    %swap3A_100 = tpu.vector_load %arg9[%swap3A_98, %swap3A_99] {strides = array<i32>} : memref<16x64xf32, #tpu.memory_space<vmem>>, vector<1x16xf32>,
    %swap3A_101 = vector.shape_cast %swap3A_100 : vector<1x16xf32> to vector<16xf32>
    %swap3A_102 = vector.shape_cast %broadcast_in_dim3A_96 : vector<16xf32> to vector<1x16xf32>
    tpu.vector_store %arg9[%swap3A_98, %swap3A_99], %swap3A_102 {strides = array<i32>} : memref<16x64xf32, #tpu.memory_space<vmem>>, vector<1x16xf32>,
    %broadcast_in_dim3A_103 = arith.constant 0.000000e+00 : f32
    %broadcast_in_dim3A_104 = vector.broadcast %broadcast_in_dim3A_103 : f32 to vector<16xf32>
    %swap3A_105 = arith.constant 3 : i32
    %swap3A_106 = arith.index_cast %swap3A_105 : i32 to index
    %swap3A_107 = arith.constant 16 : index
    %swap3A_108 = tpu.vector_load %arg9[%swap3A_106, %swap3A_107] {strides = array<i32>} : memref<16x64xf32, #tpu.memory_space<vmem>>, vector<1x16xf32>,
    %swap3A_109 = vector.shape_cast %swap3A_108 : vector<1x16xf32> to vector<16xf32>
    %swap3A_110 = vector.shape_cast %broadcast_in_dim3A_104 : vector<16xf32> to vector<1x16xf32>
    tpu.vector_store %arg9[%swap3A_106, %swap3A_107], %swap3A_110 {strides = array<i32>} : memref<16x64xf32, #tpu.memory_space<vmem>>, vector<1x16xf32>,
    %broadcast_in_dim3A_111 = arith.constant 0.000000e+00 : f32
    %broadcast_in_dim3A_112 = vector.broadcast %broadcast_in_dim3A_111 : f32 to vector<16xf32>
    %swap3A_113 = arith.constant 3 : i32
    %swap3A_114 = arith.index_cast %swap3A_113 : i32 to index
    %swap3A_115 = arith.constant 32 : index
    %swap3A_116 = tpu.vector_load %arg9[%swap3A_114, %swap3A_115] {strides = array<i32>} : memref<16x64xf32, #tpu.memory_space<vmem>>, vector<1x16xf32>,
    %swap3A_117 = vector.shape_cast %swap3A_116 : vector<1x16xf32> to vector<16xf32>
    %swap3A_118 = vector.shape_cast %broadcast_in_dim3A_112 : vector<16xf32> to vector<1x16xf32>
    tpu.vector_store %arg9[%swap3A_114, %swap3A_115], %swap3A_118 {strides = array<i32>} : memref<16x64xf32, #tpu.memory_space<vmem>>, vector<1x16xf32>,
    %broadcast_in_dim3A_119 = arith.constant 0.000000e+00 : f32
    %broadcast_in_dim3A_120 = vector.broadcast %broadcast_in_dim3A_119 : f32 to vector<16xf32>
    %swap3A_121 = arith.constant 3 : i32
    %swap3A_122 = arith.index_cast %swap3A_121 : i32 to index
    %swap3A_123 = arith.constant 48 : index
    %swap3A_124 = tpu.vector_load %arg9[%swap3A_122, %swap3A_123] {strides = array<i32>} : memref<16x64xf32, #tpu.memory_space<vmem>>, vector<1x16xf32>,
    %swap3A_125 = vector.shape_cast %swap3A_124 : vector<1x16xf32> to vector<16xf32>
    %swap3A_126 = vector.shape_cast %broadcast_in_dim3A_120 : vector<16xf32> to vector<1x16xf32>
    tpu.vector_store %arg9[%swap3A_122, %swap3A_123], %swap3A_126 {strides = array<i32>} : memref<16x64xf32, #tpu.memory_space<vmem>>, vector<1x16xf32>,
    %broadcast_in_dim3A_127 = arith.constant 0.000000e+00 : f32
    %broadcast_in_dim3A_128 = vector.broadcast %broadcast_in_dim3A_127 : f32 to vector<16xf32>
    %swap3A_129 = arith.constant 4 : i32
    %swap3A_130 = arith.index_cast %swap3A_129 : i32 to index
    %swap3A_131 = arith.constant 0 : index
    %swap3A_132 = tpu.vector_load %arg9[%swap3A_130, %swap3A_131] {strides = array<i32>} : memref<16x64xf32, #tpu.memory_space<vmem>>, vector<1x16xf32>,
    %swap3A_133 = vector.shape_cast %swap3A_132 : vector<1x16xf32> to vector<16xf32>
    %swap3A_134 = vector.shape_cast %broadcast_in_dim3A_128 : vector<16xf32> to vector<1x16xf32>
    tpu.vector_store %arg9[%swap3A_130, %swap3A_131], %swap3A_134 {strides = array<i32>} : memref<16x64xf32, #tpu.memory_space<vmem>>, vector<1x16xf32>,
    %broadcast_in_dim3A_135 = arith.constant 0.000000e+00 : f32
    %broadcast_in_dim3A_136 = vector.broadcast %broadcast_in_dim3A_135 : f32 to vector<16xf32>
    %swap3A_137 = arith.constant 4 : i32
    %swap3A_138 = arith.index_cast %swap3A_137 : i32 to index
    %swap3A_139 = arith.constant 16 : index
    %swap3A_140 = tpu.vector_load %arg9[%swap3A_138, %swap3A_139] {strides = array<i32>} : memref<16x64xf32, #tpu.memory_space<vmem>>, vector<1x16xf32>,
    %swap3A_141 = vector.shape_cast %swap3A_140 : vector<1x16xf32> to vector<16xf32>
    %swap3A_142 = vector.shape_cast %broadcast_in_dim3A_136 : vector<16xf32> to vector<1x16xf32>
    tpu.vector_store %arg9[%swap3A_138, %swap3A_139], %swap3A_142 {strides = array<i32>} : memref<16x64xf32, #tpu.memory_space<vmem>>, vector<1x16xf32>,
    %broadcast_in_dim3A_143 = arith.constant 0.000000e+00 : f32
    %broadcast_in_dim3A_144 = vector.broadcast %broadcast_in_dim3A_143 : f32 to vector<16xf32>
    %swap3A_145 = arith.constant 4 : i32
    %swap3A_146 = arith.index_cast %swap3A_145 : i32 to index
    %swap3A_147 = arith.constant 32 : index
    %swap3A_148 = tpu.vector_load %arg9[%swap3A_146, %swap3A_147] {strides = array<i32>} : memref<16x64xf32, #tpu.memory_space<vmem>>, vector<1x16xf32>,
    %swap3A_149 = vector.shape_cast %swap3A_148 : vector<1x16xf32> to vector<16xf32>
    %swap3A_150 = vector.shape_cast %broadcast_in_dim3A_144 : vector<16xf32> to vector<1x16xf32>
    tpu.vector_store %arg9[%swap3A_146, %swap3A_147], %swap3A_150 {strides = array<i32>} : memref<16x64xf32, #tpu.memory_space<vmem>>, vector<1x16xf32>,
    %broadcast_in_dim3A_151 = arith.constant 0.000000e+00 : f32
    %broadcast_in_dim3A_152 = vector.broadcast %broadcast_in_dim3A_151 : f32 to vector<16xf32>
    %swap3A_153 = arith.constant 4 : i32
    %swap3A_154 = arith.index_cast %swap3A_153 : i32 to index
    %swap3A_155 = arith.constant 48 : index
    %swap3A_156 = tpu.vector_load %arg9[%swap3A_154, %swap3A_155] {strides = array<i32>} : memref<16x64xf32, #tpu.memory_space<vmem>>, vector<1x16xf32>,
    %swap3A_157 = vector.shape_cast %swap3A_156 : vector<1x16xf32> to vector<16xf32>
    %swap3A_158 = vector.shape_cast %broadcast_in_dim3A_152 : vector<16xf32> to vector<1x16xf32>
    tpu.vector_store %arg9[%swap3A_154, %swap3A_155], %swap3A_158 {strides = array<i32>} : memref<16x64xf32, #tpu.memory_space<vmem>>, vector<1x16xf32>,
    %broadcast_in_dim3A_159 = arith.constant 0.000000e+00 : f32
    %broadcast_in_dim3A_160 = vector.broadcast %broadcast_in_dim3A_159 : f32 to vector<16xf32>
    %swap3A_161 = arith.constant 5 : i32
    %swap3A_162 = arith.index_cast %swap3A_161 : i32 to index
    %swap3A_163 = arith.constant 0 : index
    %swap3A_164 = tpu.vector_load %arg9[%swap3A_162, %swap3A_163] {strides = array<i32>} : memref<16x64xf32, #tpu.memory_space<vmem>>, vector<1x16xf32>,
    %swap3A_165 = vector.shape_cast %swap3A_164 : vector<1x16xf32> to vector<16xf32>
    %swap3A_166 = vector.shape_cast %broadcast_in_dim3A_160 : vector<16xf32> to vector<1x16xf32>
    tpu.vector_store %arg9[%swap3A_162, %swap3A_163], %swap3A_166 {strides = array<i32>} : memref<16x64xf32, #tpu.memory_space<vmem>>, vector<1x16xf32>,
    %broadcast_in_dim3A_167 = arith.constant 0.000000e+00 : f32
    %broadcast_in_dim3A_168 = vector.broadcast %broadcast_in_dim3A_167 : f32 to vector<16xf32>
    %swap3A_169 = arith.constant 5 : i32
    %swap3A_170 = arith.index_cast %swap3A_169 : i32 to index
    %swap3A_171 = arith.constant 16 : index
    %swap3A_172 = tpu.vector_load %arg9[%swap3A_170, %swap3A_171] {strides = array<i32>} : memref<16x64xf32, #tpu.memory_space<vmem>>, vector<1x16xf32>,
    %swap3A_173 = vector.shape_cast %swap3A_172 : vector<1x16xf32> to vector<16xf32>
    %swap3A_174 = vector.shape_cast %broadcast_in_dim3A_168 : vector<16xf32> to vector<1x16xf32>
    tpu.vector_store %arg9[%swap3A_170, %swap3A_171], %swap3A_174 {strides = array<i32>} : memref<16x64xf32, #tpu.memory_space<vmem>>, vector<1x16xf32>,
    %broadcast_in_dim3A_175 = arith.constant 0.000000e+00 : f32
    %broadcast_in_dim3A_176 = vector.broadcast %broadcast_in_dim3A_175 : f32 to vector<16xf32>
    %swap3A_177 = arith.constant 5 : i32
    %swap3A_178 = arith.index_cast %swap3A_177 : i32 to index
    %swap3A_179 = arith.constant 32 : index
    %swap3A_180 = tpu.vector_load %arg9[%swap3A_178, %swap3A_179] {strides = array<i32>} : memref<16x64xf32, #tpu.memory_space<vmem>>, vector<1x16xf32>,
    %swap3A_181 = vector.shape_cast %swap3A_180 : vector<1x16xf32> to vector<16xf32>
    %swap3A_182 = vector.shape_cast %broadcast_in_dim3A_176 : vector<16xf32> to vector<1x16xf32>
    tpu.vector_store %arg9[%swap3A_178, %swap3A_179], %swap3A_182 {strides = array<i32>} : memref<16x64xf32, #tpu.memory_space<vmem>>, vector<1x16xf32>,
    %broadcast_in_dim3A_183 = arith.constant 0.000000e+00 : f32
    %broadcast_in_dim3A_184 = vector.broadcast %broadcast_in_dim3A_183 : f32 to vector<16xf32>
    %swap3A_185 = arith.constant 5 : i32
    %swap3A_186 = arith.index_cast %swap3A_185 : i32 to index
    %swap3A_187 = arith.constant 48 : index
    %swap3A_188 = tpu.vector_load %arg9[%swap3A_186, %swap3A_187] {strides = array<i32>} : memref<16x64xf32, #tpu.memory_space<vmem>>, vector<1x16xf32>,
    %swap3A_189 = vector.shape_cast %swap3A_188 : vector<1x16xf32> to vector<16xf32>
    %swap3A_190 = vector.shape_cast %broadcast_in_dim3A_184 : vector<16xf32> to vector<1x16xf32>
    tpu.vector_store %arg9[%swap3A_186, %swap3A_187], %swap3A_190 {strides = array<i32>} : memref<16x64xf32, #tpu.memory_space<vmem>>, vector<1x16xf32>,
    %broadcast_in_dim3A_191 = arith.constant 0.000000e+00 : f32
    %broadcast_in_dim3A_192 = vector.broadcast %broadcast_in_dim3A_191 : f32 to vector<16xf32>
    %swap3A_193 = arith.constant 6 : i32
    %swap3A_194 = arith.index_cast %swap3A_193 : i32 to index
    %swap3A_195 = arith.constant 0 : index
    %swap3A_196 = tpu.vector_load %arg9[%swap3A_194, %swap3A_195] {strides = array<i32>} : memref<16x64xf32, #tpu.memory_space<vmem>>, vector<1x16xf32>,
    %swap3A_197 = vector.shape_cast %swap3A_196 : vector<1x16xf32> to vector<16xf32>
    %swap3A_198 = vector.shape_cast %broadcast_in_dim3A_192 : vector<16xf32> to vector<1x16xf32>
    tpu.vector_store %arg9[%swap3A_194, %swap3A_195], %swap3A_198 {strides = array<i32>} : memref<16x64xf32, #tpu.memory_space<vmem>>, vector<1x16xf32>,
    %broadcast_in_dim3A_199 = arith.constant 0.000000e+00 : f32
    %broadcast_in_dim3A_200 = vector.broadcast %broadcast_in_dim3A_199 : f32 to vector<16xf32>
    %swap3A_201 = arith.constant 6 : i32
    %swap3A_202 = arith.index_cast %swap3A_201 : i32 to index
    %swap3A_203 = arith.constant 16 : index
    %swap3A_204 = tpu.vector_load %arg9[%swap3A_202, %swap3A_203] {strides = array<i32>} : memref<16x64xf32, #tpu.memory_space<vmem>>, vector<1x16xf32>,
    %swap3A_205 = vector.shape_cast %swap3A_204 : vector<1x16xf32> to vector<16xf32>
    %swap3A_206 = vector.shape_cast %broadcast_in_dim3A_200 : vector<16xf32> to vector<1x16xf32>
    tpu.vector_store %arg9[%swap3A_202, %swap3A_203], %swap3A_206 {strides = array<i32>} : memref<16x64xf32, #tpu.memory_space<vmem>>, vector<1x16xf32>,
    %broadcast_in_dim3A_207 = arith.constant 0.000000e+00 : f32
    %broadcast_in_dim3A_208 = vector.broadcast %broadcast_in_dim3A_207 : f32 to vector<16xf32>
    %swap3A_209 = arith.constant 6 : i32
    %swap3A_210 = arith.index_cast %swap3A_209 : i32 to index
    %swap3A_211 = arith.constant 32 : index
    %swap3A_212 = tpu.vector_load %arg9[%swap3A_210, %swap3A_211] {strides = array<i32>} : memref<16x64xf32, #tpu.memory_space<vmem>>, vector<1x16xf32>,
    %swap3A_213 = vector.shape_cast %swap3A_212 : vector<1x16xf32> to vector<16xf32>
    %swap3A_214 = vector.shape_cast %broadcast_in_dim3A_208 : vector<16xf32> to vector<1x16xf32>
    tpu.vector_store %arg9[%swap3A_210, %swap3A_211], %swap3A_214 {strides = array<i32>} : memref<16x64xf32, #tpu.memory_space<vmem>>, vector<1x16xf32>,
    %broadcast_in_dim3A_215 = arith.constant 0.000000e+00 : f32
    %broadcast_in_dim3A_216 = vector.broadcast %broadcast_in_dim3A_215 : f32 to vector<16xf32>
    %swap3A_217 = arith.constant 6 : i32
    %swap3A_218 = arith.index_cast %swap3A_217 : i32 to index
    %swap3A_219 = arith.constant 48 : index
    %swap3A_220 = tpu.vector_load %arg9[%swap3A_218, %swap3A_219] {strides = array<i32>} : memref<16x64xf32, #tpu.memory_space<vmem>>, vector<1x16xf32>,
    %swap3A_221 = vector.shape_cast %swap3A_220 : vector<1x16xf32> to vector<16xf32>
    %swap3A_222 = vector.shape_cast %broadcast_in_dim3A_216 : vector<16xf32> to vector<1x16xf32>
    tpu.vector_store %arg9[%swap3A_218, %swap3A_219], %swap3A_222 {strides = array<i32>} : memref<16x64xf32, #tpu.memory_space<vmem>>, vector<1x16xf32>,
    %broadcast_in_dim3A_223 = arith.constant 0.000000e+00 : f32
    %broadcast_in_dim3A_224 = vector.broadcast %broadcast_in_dim3A_223 : f32 to vector<16xf32>
    %swap3A_225 = arith.constant 7 : i32
    %swap3A_226 = arith.index_cast %swap3A_225 : i32 to index
    %swap3A_227 = arith.constant 0 : index
    %swap3A_228 = tpu.vector_load %arg9[%swap3A_226, %swap3A_227] {strides = array<i32>} : memref<16x64xf32, #tpu.memory_space<vmem>>, vector<1x16xf32>,
    %swap3A_229 = vector.shape_cast %swap3A_228 : vector<1x16xf32> to vector<16xf32>
    %swap3A_230 = vector.shape_cast %broadcast_in_dim3A_224 : vector<16xf32> to vector<1x16xf32>
    tpu.vector_store %arg9[%swap3A_226, %swap3A_227], %swap3A_230 {strides = array<i32>} : memref<16x64xf32, #tpu.memory_space<vmem>>, vector<1x16xf32>,
    %broadcast_in_dim3A_231 = arith.constant 0.000000e+00 : f32
    %broadcast_in_dim3A_232 = vector.broadcast %broadcast_in_dim3A_231 : f32 to vector<16xf32>
    %swap3A_233 = arith.constant 7 : i32
    %swap3A_234 = arith.index_cast %swap3A_233 : i32 to index
    %swap3A_235 = arith.constant 16 : index
    %swap3A_236 = tpu.vector_load %arg9[%swap3A_234, %swap3A_235] {strides = array<i32>} : memref<16x64xf32, #tpu.memory_space<vmem>>, vector<1x16xf32>,
    %swap3A_237 = vector.shape_cast %swap3A_236 : vector<1x16xf32> to vector<16xf32>
    %swap3A_238 = vector.shape_cast %broadcast_in_dim3A_232 : vector<16xf32> to vector<1x16xf32>
    tpu.vector_store %arg9[%swap3A_234, %swap3A_235], %swap3A_238 {strides = array<i32>} : memref<16x64xf32, #tpu.memory_space<vmem>>, vector<1x16xf32>,
    %broadcast_in_dim3A_239 = arith.constant 0.000000e+00 : f32
    %broadcast_in_dim3A_240 = vector.broadcast %broadcast_in_dim3A_239 : f32 to vector<16xf32>
    %swap3A_241 = arith.constant 7 : i32
    %swap3A_242 = arith.index_cast %swap3A_241 : i32 to index
    %swap3A_243 = arith.constant 32 : index
    %swap3A_244 = tpu.vector_load %arg9[%swap3A_242, %swap3A_243] {strides = array<i32>} : memref<16x64xf32, #tpu.memory_space<vmem>>, vector<1x16xf32>,
    %swap3A_245 = vector.shape_cast %swap3A_244 : vector<1x16xf32> to vector<16xf32>
    %swap3A_246 = vector.shape_cast %broadcast_in_dim3A_240 : vector<16xf32> to vector<1x16xf32>
    tpu.vector_store %arg9[%swap3A_242, %swap3A_243], %swap3A_246 {strides = array<i32>} : memref<16x64xf32, #tpu.memory_space<vmem>>, vector<1x16xf32>,
    %broadcast_in_dim3A_247 = arith.constant 0.000000e+00 : f32
    %broadcast_in_dim3A_248 = vector.broadcast %broadcast_in_dim3A_247 : f32 to vector<16xf32>
    %swap3A_249 = arith.constant 7 : i32
    %swap3A_250 = arith.index_cast %swap3A_249 : i32 to index
    %swap3A_251 = arith.constant 48 : index
    %swap3A_252 = tpu.vector_load %arg9[%swap3A_250, %swap3A_251] {strides = array<i32>} : memref<16x64xf32, #tpu.memory_space<vmem>>, vector<1x16xf32>,
    %swap3A_253 = vector.shape_cast %swap3A_252 : vector<1x16xf32> to vector<16xf32>
    %swap3A_254 = vector.shape_cast %broadcast_in_dim3A_248 : vector<16xf32> to vector<1x16xf32>
    tpu.vector_store %arg9[%swap3A_250, %swap3A_251], %swap3A_254 {strides = array<i32>} : memref<16x64xf32, #tpu.memory_space<vmem>>, vector<1x16xf32>,
    %broadcast_in_dim3A_255 = arith.constant 0.000000e+00 : f32
    %broadcast_in_dim3A_256 = vector.broadcast %broadcast_in_dim3A_255 : f32 to vector<16xf32>
    %swap3A_257 = arith.constant 8 : i32
    %swap3A_258 = arith.index_cast %swap3A_257 : i32 to index
    %swap3A_259 = arith.constant 0 : index
    %swap3A_260 = tpu.vector_load %arg9[%swap3A_258, %swap3A_259] {strides = array<i32>} : memref<16x64xf32, #tpu.memory_space<vmem>>, vector<1x16xf32>,
    %swap3A_261 = vector.shape_cast %swap3A_260 : vector<1x16xf32> to vector<16xf32>
    %swap3A_262 = vector.shape_cast %broadcast_in_dim3A_256 : vector<16xf32> to vector<1x16xf32>
    tpu.vector_store %arg9[%swap3A_258, %swap3A_259], %swap3A_262 {strides = array<i32>} : memref<16x64xf32, #tpu.memory_space<vmem>>, vector<1x16xf32>,
    %broadcast_in_dim3A_263 = arith.constant 0.000000e+00 : f32
    %broadcast_in_dim3A_264 = vector.broadcast %broadcast_in_dim3A_263 : f32 to vector<16xf32>
    %swap3A_265 = arith.constant 8 : i32
    %swap3A_266 = arith.index_cast %swap3A_265 : i32 to index
    %swap3A_267 = arith.constant 16 : index
    %swap3A_268 = tpu.vector_load %arg9[%swap3A_266, %swap3A_267] {strides = array<i32>} : memref<16x64xf32, #tpu.memory_space<vmem>>, vector<1x16xf32>,
    %swap3A_269 = vector.shape_cast %swap3A_268 : vector<1x16xf32> to vector<16xf32>
    %swap3A_270 = vector.shape_cast %broadcast_in_dim3A_264 : vector<16xf32> to vector<1x16xf32>
    tpu.vector_store %arg9[%swap3A_266, %swap3A_267], %swap3A_270 {strides = array<i32>} : memref<16x64xf32, #tpu.memory_space<vmem>>, vector<1x16xf32>,
    %broadcast_in_dim3A_271 = arith.constant 0.000000e+00 : f32
    %broadcast_in_dim3A_272 = vector.broadcast %broadcast_in_dim3A_271 : f32 to vector<16xf32>
    %swap3A_273 = arith.constant 8 : i32
    %swap3A_274 = arith.index_cast %swap3A_273 : i32 to index
    %swap3A_275 = arith.constant 32 : index
    %swap3A_276 = tpu.vector_load %arg9[%swap3A_274, %swap3A_275] {strides = array<i32>} : memref<16x64xf32, #tpu.memory_space<vmem>>, vector<1x16xf32>,
    %swap3A_277 = vector.shape_cast %swap3A_276 : vector<1x16xf32> to vector<16xf32>
    %swap3A_278 = vector.shape_cast %broadcast_in_dim3A_272 : vector<16xf32> to vector<1x16xf32>
    tpu.vector_store %arg9[%swap3A_274, %swap3A_275], %swap3A_278 {strides = array<i32>} : memref<16x64xf32, #tpu.memory_space<vmem>>, vector<1x16xf32>,
    %broadcast_in_dim3A_279 = arith.constant 0.000000e+00 : f32
    %broadcast_in_dim3A_280 = vector.broadcast %broadcast_in_dim3A_279 : f32 to vector<16xf32>
    %swap3A_281 = arith.constant 8 : i32
    %swap3A_282 = arith.index_cast %swap3A_281 : i32 to index
    %swap3A_283 = arith.constant 48 : index
    %swap3A_284 = tpu.vector_load %arg9[%swap3A_282, %swap3A_283] {strides = array<i32>} : memref<16x64xf32, #tpu.memory_space<vmem>>, vector<1x16xf32>,
    %swap3A_285 = vector.shape_cast %swap3A_284 : vector<1x16xf32> to vector<16xf32>
    %swap3A_286 = vector.shape_cast %broadcast_in_dim3A_280 : vector<16xf32> to vector<1x16xf32>
    tpu.vector_store %arg9[%swap3A_282, %swap3A_283], %swap3A_286 {strides = array<i32>} : memref<16x64xf32, #tpu.memory_space<vmem>>, vector<1x16xf32>,
    %broadcast_in_dim3A_287 = arith.constant 0.000000e+00 : f32
    %broadcast_in_dim3A_288 = vector.broadcast %broadcast_in_dim3A_287 : f32 to vector<16xf32>
    %swap3A_289 = arith.constant 9 : i32
    %swap3A_290 = arith.index_cast %swap3A_289 : i32 to index
    %swap3A_291 = arith.constant 0 : index
    %swap3A_292 = tpu.vector_load %arg9[%swap3A_290, %swap3A_291] {strides = array<i32>} : memref<16x64xf32, #tpu.memory_space<vmem>>, vector<1x16xf32>,
    %swap3A_293 = vector.shape_cast %swap3A_292 : vector<1x16xf32> to vector<16xf32>
    %swap3A_294 = vector.shape_cast %broadcast_in_dim3A_288 : vector<16xf32> to vector<1x16xf32>
    tpu.vector_store %arg9[%swap3A_290, %swap3A_291], %swap3A_294 {strides = array<i32>} : memref<16x64xf32, #tpu.memory_space<vmem>>, vector<1x16xf32>,
    %broadcast_in_dim3A_295 = arith.constant 0.000000e+00 : f32
    %broadcast_in_dim3A_296 = vector.broadcast %broadcast_in_dim3A_295 : f32 to vector<16xf32>
    %swap3A_297 = arith.constant 9 : i32
    %swap3A_298 = arith.index_cast %swap3A_297 : i32 to index
    %swap3A_299 = arith.constant 16 : index
    %swap3A_300 = tpu.vector_load %arg9[%swap3A_298, %swap3A_299] {strides = array<i32>} : memref<16x64xf32, #tpu.memory_space<vmem>>, vector<1x16xf32>,
    %swap3A_301 = vector.shape_cast %swap3A_300 : vector<1x16xf32> to vector<16xf32>
    %swap3A_302 = vector.shape_cast %broadcast_in_dim3A_296 : vector<16xf32> to vector<1x16xf32>
    tpu.vector_store %arg9[%swap3A_298, %swap3A_299], %swap3A_302 {strides = array<i32>} : memref<16x64xf32, #tpu.memory_space<vmem>>, vector<1x16xf32>,
    %broadcast_in_dim3A_303 = arith.constant 0.000000e+00 : f32
    %broadcast_in_dim3A_304 = vector.broadcast %broadcast_in_dim3A_303 : f32 to vector<16xf32>
    %swap3A_305 = arith.constant 9 : i32
    %swap3A_306 = arith.index_cast %swap3A_305 : i32 to index
    %swap3A_307 = arith.constant 32 : index
    %swap3A_308 = tpu.vector_load %arg9[%swap3A_306, %swap3A_307] {strides = array<i32>} : memref<16x64xf32, #tpu.memory_space<vmem>>, vector<1x16xf32>,
    %swap3A_309 = vector.shape_cast %swap3A_308 : vector<1x16xf32> to vector<16xf32>
    %swap3A_310 = vector.shape_cast %broadcast_in_dim3A_304 : vector<16xf32> to vector<1x16xf32>
    tpu.vector_store %arg9[%swap3A_306, %swap3A_307], %swap3A_310 {strides = array<i32>} : memref<16x64xf32, #tpu.memory_space<vmem>>, vector<1x16xf32>,
    %broadcast_in_dim3A_311 = arith.constant 0.000000e+00 : f32
    %broadcast_in_dim3A_312 = vector.broadcast %broadcast_in_dim3A_311 : f32 to vector<16xf32>
    %swap3A_313 = arith.constant 9 : i32
    %swap3A_314 = arith.index_cast %swap3A_313 : i32 to index
    %swap3A_315 = arith.constant 48 : index
    %swap3A_316 = tpu.vector_load %arg9[%swap3A_314, %swap3A_315] {strides = array<i32>} : memref<16x64xf32, #tpu.memory_space<vmem>>, vector<1x16xf32>,
    %swap3A_317 = vector.shape_cast %swap3A_316 : vector<1x16xf32> to vector<16xf32>
    %swap3A_318 = vector.shape_cast %broadcast_in_dim3A_312 : vector<16xf32> to vector<1x16xf32>
    tpu.vector_store %arg9[%swap3A_314, %swap3A_315], %swap3A_318 {strides = array<i32>} : memref<16x64xf32, #tpu.memory_space<vmem>>, vector<1x16xf32>,
    %broadcast_in_dim3A_319 = arith.constant 0.000000e+00 : f32
    %broadcast_in_dim3A_320 = vector.broadcast %broadcast_in_dim3A_319 : f32 to vector<16xf32>
    %swap3A_321 = arith.constant 10 : i32
    %swap3A_322 = arith.index_cast %swap3A_321 : i32 to index
    %swap3A_323 = arith.constant 0 : index
    %swap3A_324 = tpu.vector_load %arg9[%swap3A_322, %swap3A_323] {strides = array<i32>} : memref<16x64xf32, #tpu.memory_space<vmem>>, vector<1x16xf32>,
    %swap3A_325 = vector.shape_cast %swap3A_324 : vector<1x16xf32> to vector<16xf32>
    %swap3A_326 = vector.shape_cast %broadcast_in_dim3A_320 : vector<16xf32> to vector<1x16xf32>
    tpu.vector_store %arg9[%swap3A_322, %swap3A_323], %swap3A_326 {strides = array<i32>} : memref<16x64xf32, #tpu.memory_space<vmem>>, vector<1x16xf32>,
    %broadcast_in_dim3A_327 = arith.constant 0.000000e+00 : f32
    %broadcast_in_dim3A_328 = vector.broadcast %broadcast_in_dim3A_327 : f32 to vector<16xf32>
    %swap3A_329 = arith.constant 10 : i32
    %swap3A_330 = arith.index_cast %swap3A_329 : i32 to index
    %swap3A_331 = arith.constant 16 : index
    %swap3A_332 = tpu.vector_load %arg9[%swap3A_330, %swap3A_331] {strides = array<i32>} : memref<16x64xf32, #tpu.memory_space<vmem>>, vector<1x16xf32>,
    %swap3A_333 = vector.shape_cast %swap3A_332 : vector<1x16xf32> to vector<16xf32>
    %swap3A_334 = vector.shape_cast %broadcast_in_dim3A_328 : vector<16xf32> to vector<1x16xf32>
    tpu.vector_store %arg9[%swap3A_330, %swap3A_331], %swap3A_334 {strides = array<i32>} : memref<16x64xf32, #tpu.memory_space<vmem>>, vector<1x16xf32>,
    %broadcast_in_dim3A_335 = arith.constant 0.000000e+00 : f32
    %broadcast_in_dim3A_336 = vector.broadcast %broadcast_in_dim3A_335 : f32 to vector<16xf32>
    %swap3A_337 = arith.constant 10 : i32
    %swap3A_338 = arith.index_cast %swap3A_337 : i32 to index
    %swap3A_339 = arith.constant 32 : index
    %swap3A_340 = tpu.vector_load %arg9[%swap3A_338, %swap3A_339] {strides = array<i32>} : memref<16x64xf32, #tpu.memory_space<vmem>>, vector<1x16xf32>,
    %swap3A_341 = vector.shape_cast %swap3A_340 : vector<1x16xf32> to vector<16xf32>
    %swap3A_342 = vector.shape_cast %broadcast_in_dim3A_336 : vector<16xf32> to vector<1x16xf32>
    tpu.vector_store %arg9[%swap3A_338, %swap3A_339], %swap3A_342 {strides = array<i32>} : memref<16x64xf32, #tpu.memory_space<vmem>>, vector<1x16xf32>,
    %broadcast_in_dim3A_343 = arith.constant 0.000000e+00 : f32
    %broadcast_in_dim3A_344 = vector.broadcast %broadcast_in_dim3A_343 : f32 to vector<16xf32>
    %swap3A_345 = arith.constant 10 : i32
    %swap3A_346 = arith.index_cast %swap3A_345 : i32 to index
    %swap3A_347 = arith.constant 48 : index
    %swap3A_348 = tpu.vector_load %arg9[%swap3A_346, %swap3A_347] {strides = array<i32>} : memref<16x64xf32, #tpu.memory_space<vmem>>, vector<1x16xf32>,
    %swap3A_349 = vector.shape_cast %swap3A_348 : vector<1x16xf32> to vector<16xf32>
    %swap3A_350 = vector.shape_cast %broadcast_in_dim3A_344 : vector<16xf32> to vector<1x16xf32>
    tpu.vector_store %arg9[%swap3A_346, %swap3A_347], %swap3A_350 {strides = array<i32>} : memref<16x64xf32, #tpu.memory_space<vmem>>, vector<1x16xf32>,
    %broadcast_in_dim3A_351 = arith.constant 0.000000e+00 : f32
    %broadcast_in_dim3A_352 = vector.broadcast %broadcast_in_dim3A_351 : f32 to vector<16xf32>
    %swap3A_353 = arith.constant 11 : i32
    %swap3A_354 = arith.index_cast %swap3A_353 : i32 to index
    %swap3A_355 = arith.constant 0 : index
    %swap3A_356 = tpu.vector_load %arg9[%swap3A_354, %swap3A_355] {strides = array<i32>} : memref<16x64xf32, #tpu.memory_space<vmem>>, vector<1x16xf32>,
    %swap3A_357 = vector.shape_cast %swap3A_356 : vector<1x16xf32> to vector<16xf32>
    %swap3A_358 = vector.shape_cast %broadcast_in_dim3A_352 : vector<16xf32> to vector<1x16xf32>
    tpu.vector_store %arg9[%swap3A_354, %swap3A_355], %swap3A_358 {strides = array<i32>} : memref<16x64xf32, #tpu.memory_space<vmem>>, vector<1x16xf32>,
    %broadcast_in_dim3A_359 = arith.constant 0.000000e+00 : f32
    %broadcast_in_dim3A_360 = vector.broadcast %broadcast_in_dim3A_359 : f32 to vector<16xf32>
    %swap3A_361 = arith.constant 11 : i32
    %swap3A_362 = arith.index_cast %swap3A_361 : i32 to index
    %swap3A_363 = arith.constant 16 : index
    %swap3A_364 = tpu.vector_load %arg9[%swap3A_362, %swap3A_363] {strides = array<i32>} : memref<16x64xf32, #tpu.memory_space<vmem>>, vector<1x16xf32>,
    %swap3A_365 = vector.shape_cast %swap3A_364 : vector<1x16xf32> to vector<16xf32>
    %swap3A_366 = vector.shape_cast %broadcast_in_dim3A_360 : vector<16xf32> to vector<1x16xf32>
    tpu.vector_store %arg9[%swap3A_362, %swap3A_363], %swap3A_366 {strides = array<i32>} : memref<16x64xf32, #tpu.memory_space<vmem>>, vector<1x16xf32>,
    %broadcast_in_dim3A_367 = arith.constant 0.000000e+00 : f32
    %broadcast_in_dim3A_368 = vector.broadcast %broadcast_in_dim3A_367 : f32 to vector<16xf32>
    %swap3A_369 = arith.constant 11 : i32
    %swap3A_370 = arith.index_cast %swap3A_369 : i32 to index
    %swap3A_371 = arith.constant 32 : index
    %swap3A_372 = tpu.vector_load %arg9[%swap3A_370, %swap3A_371] {strides = array<i32>} : memref<16x64xf32, #tpu.memory_space<vmem>>, vector<1x16xf32>,
    %swap3A_373 = vector.shape_cast %swap3A_372 : vector<1x16xf32> to vector<16xf32>
    %swap3A_374 = vector.shape_cast %broadcast_in_dim3A_368 : vector<16xf32> to vector<1x16xf32>
    tpu.vector_store %arg9[%swap3A_370, %swap3A_371], %swap3A_374 {strides = array<i32>} : memref<16x64xf32, #tpu.memory_space<vmem>>, vector<1x16xf32>,
    %broadcast_in_dim3A_375 = arith.constant 0.000000e+00 : f32
    %broadcast_in_dim3A_376 = vector.broadcast %broadcast_in_dim3A_375 : f32 to vector<16xf32>
    %swap3A_377 = arith.constant 11 : i32
    %swap3A_378 = arith.index_cast %swap3A_377 : i32 to index
    %swap3A_379 = arith.constant 48 : index
    %swap3A_380 = tpu.vector_load %arg9[%swap3A_378, %swap3A_379] {strides = array<i32>} : memref<16x64xf32, #tpu.memory_space<vmem>>, vector<1x16xf32>,
    %swap3A_381 = vector.shape_cast %swap3A_380 : vector<1x16xf32> to vector<16xf32>
    %swap3A_382 = vector.shape_cast %broadcast_in_dim3A_376 : vector<16xf32> to vector<1x16xf32>
    tpu.vector_store %arg9[%swap3A_378, %swap3A_379], %swap3A_382 {strides = array<i32>} : memref<16x64xf32, #tpu.memory_space<vmem>>, vector<1x16xf32>,
    %broadcast_in_dim3A_383 = arith.constant 0.000000e+00 : f32
    %broadcast_in_dim3A_384 = vector.broadcast %broadcast_in_dim3A_383 : f32 to vector<16xf32>
    %swap3A_385 = arith.constant 12 : i32
    %swap3A_386 = arith.index_cast %swap3A_385 : i32 to index
    %swap3A_387 = arith.constant 0 : index
    %swap3A_388 = tpu.vector_load %arg9[%swap3A_386, %swap3A_387] {strides = array<i32>} : memref<16x64xf32, #tpu.memory_space<vmem>>, vector<1x16xf32>,
    %swap3A_389 = vector.shape_cast %swap3A_388 : vector<1x16xf32> to vector<16xf32>
    %swap3A_390 = vector.shape_cast %broadcast_in_dim3A_384 : vector<16xf32> to vector<1x16xf32>
    tpu.vector_store %arg9[%swap3A_386, %swap3A_387], %swap3A_390 {strides = array<i32>} : memref<16x64xf32, #tpu.memory_space<vmem>>, vector<1x16xf32>,
    %broadcast_in_dim3A_391 = arith.constant 0.000000e+00 : f32
    %broadcast_in_dim3A_392 = vector.broadcast %broadcast_in_dim3A_391 : f32 to vector<16xf32>
    %swap3A_393 = arith.constant 12 : i32
    %swap3A_394 = arith.index_cast %swap3A_393 : i32 to index
    %swap3A_395 = arith.constant 16 : index
    %swap3A_396 = tpu.vector_load %arg9[%swap3A_394, %swap3A_395] {strides = array<i32>} : memref<16x64xf32, #tpu.memory_space<vmem>>, vector<1x16xf32>,
    %swap3A_397 = vector.shape_cast %swap3A_396 : vector<1x16xf32> to vector<16xf32>
    %swap3A_398 = vector.shape_cast %broadcast_in_dim3A_392 : vector<16xf32> to vector<1x16xf32>
    tpu.vector_store %arg9[%swap3A_394, %swap3A_395], %swap3A_398 {strides = array<i32>} : memref<16x64xf32, #tpu.memory_space<vmem>>, vector<1x16xf32>,
    %broadcast_in_dim3A_399 = arith.constant 0.000000e+00 : f32
    %broadcast_in_dim3A_400 = vector.broadcast %broadcast_in_dim3A_399 : f32 to vector<16xf32>
    %swap3A_401 = arith.constant 12 : i32
    %swap3A_402 = arith.index_cast %swap3A_401 : i32 to index
    %swap3A_403 = arith.constant 32 : index
    %swap3A_404 = tpu.vector_load %arg9[%swap3A_402, %swap3A_403] {strides = array<i32>} : memref<16x64xf32, #tpu.memory_space<vmem>>, vector<1x16xf32>,
    %swap3A_405 = vector.shape_cast %swap3A_404 : vector<1x16xf32> to vector<16xf32>
    %swap3A_406 = vector.shape_cast %broadcast_in_dim3A_400 : vector<16xf32> to vector<1x16xf32>
    tpu.vector_store %arg9[%swap3A_402, %swap3A_403], %swap3A_406 {strides = array<i32>} : memref<16x64xf32, #tpu.memory_space<vmem>>, vector<1x16xf32>,
    %broadcast_in_dim3A_407 = arith.constant 0.000000e+00 : f32
    %broadcast_in_dim3A_408 = vector.broadcast %broadcast_in_dim3A_407 : f32 to vector<16xf32>
    %swap3A_409 = arith.constant 12 : i32
    %swap3A_410 = arith.index_cast %swap3A_409 : i32 to index
    %swap3A_411 = arith.constant 48 : index
    %swap3A_412 = tpu.vector_load %arg9[%swap3A_410, %swap3A_411] {strides = array<i32>} : memref<16x64xf32, #tpu.memory_space<vmem>>, vector<1x16xf32>,
    %swap3A_413 = vector.shape_cast %swap3A_412 : vector<1x16xf32> to vector<16xf32>
    %swap3A_414 = vector.shape_cast %broadcast_in_dim3A_408 : vector<16xf32> to vector<1x16xf32>
    tpu.vector_store %arg9[%swap3A_410, %swap3A_411], %swap3A_414 {strides = array<i32>} : memref<16x64xf32, #tpu.memory_space<vmem>>, vector<1x16xf32>,
    %broadcast_in_dim3A_415 = arith.constant 0.000000e+00 : f32
    %broadcast_in_dim3A_416 = vector.broadcast %broadcast_in_dim3A_415 : f32 to vector<16xf32>
    %swap3A_417 = arith.constant 13 : i32
    %swap3A_418 = arith.index_cast %swap3A_417 : i32 to index
    %swap3A_419 = arith.constant 0 : index
    %swap3A_420 = tpu.vector_load %arg9[%swap3A_418, %swap3A_419] {strides = array<i32>} : memref<16x64xf32, #tpu.memory_space<vmem>>, vector<1x16xf32>,
    %swap3A_421 = vector.shape_cast %swap3A_420 : vector<1x16xf32> to vector<16xf32>
    %swap3A_422 = vector.shape_cast %broadcast_in_dim3A_416 : vector<16xf32> to vector<1x16xf32>
    tpu.vector_store %arg9[%swap3A_418, %swap3A_419], %swap3A_422 {strides = array<i32>} : memref<16x64xf32, #tpu.memory_space<vmem>>, vector<1x16xf32>,
    %broadcast_in_dim3A_423 = arith.constant 0.000000e+00 : f32
    %broadcast_in_dim3A_424 = vector.broadcast %broadcast_in_dim3A_423 : f32 to vector<16xf32>
    %swap3A_425 = arith.constant 13 : i32
    %swap3A_426 = arith.index_cast %swap3A_425 : i32 to index
    %swap3A_427 = arith.constant 16 : index
    %swap3A_428 = tpu.vector_load %arg9[%swap3A_426, %swap3A_427] {strides = array<i32>} : memref<16x64xf32, #tpu.memory_space<vmem>>, vector<1x16xf32>,
    %swap3A_429 = vector.shape_cast %swap3A_428 : vector<1x16xf32> to vector<16xf32>
    %swap3A_430 = vector.shape_cast %broadcast_in_dim3A_424 : vector<16xf32> to vector<1x16xf32>
    tpu.vector_store %arg9[%swap3A_426, %swap3A_427], %swap3A_430 {strides = array<i32>} : memref<16x64xf32, #tpu.memory_space<vmem>>, vector<1x16xf32>,
    %broadcast_in_dim3A_431 = arith.constant 0.000000e+00 : f32
    %broadcast_in_dim3A_432 = vector.broadcast %broadcast_in_dim3A_431 : f32 to vector<16xf32>
    %swap3A_433 = arith.constant 13 : i32
    %swap3A_434 = arith.index_cast %swap3A_433 : i32 to index
    %swap3A_435 = arith.constant 32 : index
    %swap3A_436 = tpu.vector_load %arg9[%swap3A_434, %swap3A_435] {strides = array<i32>} : memref<16x64xf32, #tpu.memory_space<vmem>>, vector<1x16xf32>,
    %swap3A_437 = vector.shape_cast %swap3A_436 : vector<1x16xf32> to vector<16xf32>
    %swap3A_438 = vector.shape_cast %broadcast_in_dim3A_432 : vector<16xf32> to vector<1x16xf32>
    tpu.vector_store %arg9[%swap3A_434, %swap3A_435], %swap3A_438 {strides = array<i32>} : memref<16x64xf32, #tpu.memory_space<vmem>>, vector<1x16xf32>,
    %broadcast_in_dim3A_439 = arith.constant 0.000000e+00 : f32
    %broadcast_in_dim3A_440 = vector.broadcast %broadcast_in_dim3A_439 : f32 to vector<16xf32>
    %swap3A_441 = arith.constant 13 : i32
    %swap3A_442 = arith.index_cast %swap3A_441 : i32 to index
    %swap3A_443 = arith.constant 48 : index
    %swap3A_444 = tpu.vector_load %arg9[%swap3A_442, %swap3A_443] {strides = array<i32>} : memref<16x64xf32, #tpu.memory_space<vmem>>, vector<1x16xf32>,
    %swap3A_445 = vector.shape_cast %swap3A_444 : vector<1x16xf32> to vector<16xf32>
    %swap3A_446 = vector.shape_cast %broadcast_in_dim3A_440 : vector<16xf32> to vector<1x16xf32>
    tpu.vector_store %arg9[%swap3A_442, %swap3A_443], %swap3A_446 {strides = array<i32>} : memref<16x64xf32, #tpu.memory_space<vmem>>, vector<1x16xf32>,
    %broadcast_in_dim3A_447 = arith.constant 0.000000e+00 : f32
    %broadcast_in_dim3A_448 = vector.broadcast %broadcast_in_dim3A_447 : f32 to vector<16xf32>
    %swap3A_449 = arith.constant 14 : i32
    %swap3A_450 = arith.index_cast %swap3A_449 : i32 to index
    %swap3A_451 = arith.constant 0 : index
    %swap3A_452 = tpu.vector_load %arg9[%swap3A_450, %swap3A_451] {strides = array<i32>} : memref<16x64xf32, #tpu.memory_space<vmem>>, vector<1x16xf32>,
    %swap3A_453 = vector.shape_cast %swap3A_452 : vector<1x16xf32> to vector<16xf32>
    %swap3A_454 = vector.shape_cast %broadcast_in_dim3A_448 : vector<16xf32> to vector<1x16xf32>
    tpu.vector_store %arg9[%swap3A_450, %swap3A_451], %swap3A_454 {strides = array<i32>} : memref<16x64xf32, #tpu.memory_space<vmem>>, vector<1x16xf32>,
    %broadcast_in_dim3A_455 = arith.constant 0.000000e+00 : f32
    %broadcast_in_dim3A_456 = vector.broadcast %broadcast_in_dim3A_455 : f32 to vector<16xf32>
    %swap3A_457 = arith.constant 14 : i32
    %swap3A_458 = arith.index_cast %swap3A_457 : i32 to index
    %swap3A_459 = arith.constant 16 : index
    %swap3A_460 = tpu.vector_load %arg9[%swap3A_458, %swap3A_459] {strides = array<i32>} : memref<16x64xf32, #tpu.memory_space<vmem>>, vector<1x16xf32>,
    %swap3A_461 = vector.shape_cast %swap3A_460 : vector<1x16xf32> to vector<16xf32>
    %swap3A_462 = vector.shape_cast %broadcast_in_dim3A_456 : vector<16xf32> to vector<1x16xf32>
    tpu.vector_store %arg9[%swap3A_458, %swap3A_459], %swap3A_462 {strides = array<i32>} : memref<16x64xf32, #tpu.memory_space<vmem>>, vector<1x16xf32>,
    %broadcast_in_dim3A_463 = arith.constant 0.000000e+00 : f32
    %broadcast_in_dim3A_464 = vector.broadcast %broadcast_in_dim3A_463 : f32 to vector<16xf32>
    %swap3A_465 = arith.constant 14 : i32
    %swap3A_466 = arith.index_cast %swap3A_465 : i32 to index
    %swap3A_467 = arith.constant 32 : index
    %swap3A_468 = tpu.vector_load %arg9[%swap3A_466, %swap3A_467] {strides = array<i32>} : memref<16x64xf32, #tpu.memory_space<vmem>>, vector<1x16xf32>,
    %swap3A_469 = vector.shape_cast %swap3A_468 : vector<1x16xf32> to vector<16xf32>
    %swap3A_470 = vector.shape_cast %broadcast_in_dim3A_464 : vector<16xf32> to vector<1x16xf32>
    tpu.vector_store %arg9[%swap3A_466, %swap3A_467], %swap3A_470 {strides = array<i32>} : memref<16x64xf32, #tpu.memory_space<vmem>>, vector<1x16xf32>,
    %broadcast_in_dim3A_471 = arith.constant 0.000000e+00 : f32
    %broadcast_in_dim3A_472 = vector.broadcast %broadcast_in_dim3A_471 : f32 to vector<16xf32>
    %swap3A_473 = arith.constant 14 : i32
    %swap3A_474 = arith.index_cast %swap3A_473 : i32 to index
    %swap3A_475 = arith.constant 48 : index
    %swap3A_476 = tpu.vector_load %arg9[%swap3A_474, %swap3A_475] {strides = array<i32>} : memref<16x64xf32, #tpu.memory_space<vmem>>, vector<1x16xf32>,
    %swap3A_477 = vector.shape_cast %swap3A_476 : vector<1x16xf32> to vector<16xf32>
    %swap3A_478 = vector.shape_cast %broadcast_in_dim3A_472 : vector<16xf32> to vector<1x16xf32>
    tpu.vector_store %arg9[%swap3A_474, %swap3A_475], %swap3A_478 {strides = array<i32>} : memref<16x64xf32, #tpu.memory_space<vmem>>, vector<1x16xf32>,
    %broadcast_in_dim3A_479 = arith.constant 0.000000e+00 : f32
    %broadcast_in_dim3A_480 = vector.broadcast %broadcast_in_dim3A_479 : f32 to vector<16xf32>
    %swap3A_481 = arith.constant 15 : i32
    %swap3A_482 = arith.index_cast %swap3A_481 : i32 to index
    %swap3A_483 = arith.constant 0 : index
    %swap3A_484 = tpu.vector_load %arg9[%swap3A_482, %swap3A_483] {strides = array<i32>} : memref<16x64xf32, #tpu.memory_space<vmem>>, vector<1x16xf32>,
    %swap3A_485 = vector.shape_cast %swap3A_484 : vector<1x16xf32> to vector<16xf32>
    %swap3A_486 = vector.shape_cast %broadcast_in_dim3A_480 : vector<16xf32> to vector<1x16xf32>
    tpu.vector_store %arg9[%swap3A_482, %swap3A_483], %swap3A_486 {strides = array<i32>} : memref<16x64xf32, #tpu.memory_space<vmem>>, vector<1x16xf32>,
    %broadcast_in_dim3A_487 = arith.constant 0.000000e+00 : f32
    %broadcast_in_dim3A_488 = vector.broadcast %broadcast_in_dim3A_487 : f32 to vector<16xf32>
    %swap3A_489 = arith.constant 15 : i32
    %swap3A_490 = arith.index_cast %swap3A_489 : i32 to index
    %swap3A_491 = arith.constant 16 : index
    %swap3A_492 = tpu.vector_load %arg9[%swap3A_490, %swap3A_491] {strides = array<i32>} : memref<16x64xf32, #tpu.memory_space<vmem>>, vector<1x16xf32>,
    %swap3A_493 = vector.shape_cast %swap3A_492 : vector<1x16xf32> to vector<16xf32>
    %swap3A_494 = vector.shape_cast %broadcast_in_dim3A_488 : vector<16xf32> to vector<1x16xf32>
    tpu.vector_store %arg9[%swap3A_490, %swap3A_491], %swap3A_494 {strides = array<i32>} : memref<16x64xf32, #tpu.memory_space<vmem>>, vector<1x16xf32>,
    %broadcast_in_dim3A_495 = arith.constant 0.000000e+00 : f32
    %broadcast_in_dim3A_496 = vector.broadcast %broadcast_in_dim3A_495 : f32 to vector<16xf32>
    %swap3A_497 = arith.constant 15 : i32
    %swap3A_498 = arith.index_cast %swap3A_497 : i32 to index
    %swap3A_499 = arith.constant 32 : index
    %swap3A_500 = tpu.vector_load %arg9[%swap3A_498, %swap3A_499] {strides = array<i32>} : memref<16x64xf32, #tpu.memory_space<vmem>>, vector<1x16xf32>,
    %swap3A_501 = vector.shape_cast %swap3A_500 : vector<1x16xf32> to vector<16xf32>
    %swap3A_502 = vector.shape_cast %broadcast_in_dim3A_496 : vector<16xf32> to vector<1x16xf32>
    tpu.vector_store %arg9[%swap3A_498, %swap3A_499], %swap3A_502 {strides = array<i32>} : memref<16x64xf32, #tpu.memory_space<vmem>>, vector<1x16xf32>,
    %broadcast_in_dim3A_503 = arith.constant 0.000000e+00 : f32
    %broadcast_in_dim3A_504 = vector.broadcast %broadcast_in_dim3A_503 : f32 to vector<16xf32>
    %swap3A_505 = arith.constant 15 : i32
    %swap3A_506 = arith.index_cast %swap3A_505 : i32 to index
    %swap3A_507 = arith.constant 48 : index
    %swap3A_508 = tpu.vector_load %arg9[%swap3A_506, %swap3A_507] {strides = array<i32>} : memref<16x64xf32, #tpu.memory_space<vmem>>, vector<1x16xf32>,
    %swap3A_509 = vector.shape_cast %swap3A_508 : vector<1x16xf32> to vector<16xf32>
    %swap3A_510 = vector.shape_cast %broadcast_in_dim3A_504 : vector<16xf32> to vector<1x16xf32>
    tpu.vector_store %arg9[%swap3A_506, %swap3A_507], %swap3A_510 {strides = array<i32>} : memref<16x64xf32, #tpu.memory_space<vmem>>, vector<1x16xf32>,
    %scan3A = arith.constant 0 : i32
    %scan3A_511 = arith.constant 0 : i32
    %scan3A_512 = arith.constant 40 : i32
    %scan3A_513 = arith.addi %scan3A_511, %scan3A_512 : i32
    %scan3A_514 = arith.constant 1 : i32
    scf.for %scan3A_529 = %scan3A_511 to %scan3A_513 step %scan3A_514  : i32 {
      %mul3A_530 = arith.constant 640 : i32
      %mul3A_531 = arith.muli %arg1, %mul3A_530 : i32
      %mul3A_532 = arith.constant 16 : i32
      %mul3A_533 = arith.muli %scan3A_529, %mul3A_532 : i32
      %add3A_534 = arith.addi %mul3A_531, %mul3A_533 : i32
      "tpu.region"() ({
        %run_scoped3A = tpu.sem_alloc : memref<!tpu.dma_semaphore, #tpu.memory_space<semaphore_mem>>
        %dma_start3A = arith.constant 0 : i32
        %dma_start3A_535 = tpu.memref_slice %arg10[%add3A_534, %dma_start3A] : memref<10240x64xf32, #tpu.memory_space<vmem_shared>> -> memref<16x64xf32, #tpu.memory_space<vmem_shared>>
        %dma_start3A_536 = arith.constant 0 : i32
        %dma_start3A_537 = tpu.memref_slice %arg10[%add3A_534, %dma_start3A_536] : memref<10240x64xf32, #tpu.memory_space<vmem_shared>> -> memref<16x64xf32, #tpu.memory_space<vmem_shared>>
        tpu.enqueue_dma source(%arg9 : memref<16x64xf32, #tpu.memory_space<vmem>>) target(%dma_start3A_537 : memref<16x64xf32, #tpu.memory_space<vmem_shared>>) target_semaphore(%run_scoped3A : memref<!tpu.dma_semaphore, #tpu.memory_space<semaphore_mem>>)
        %dma_wait3A = arith.constant 0 : i32
        %dma_wait3A_538 = tpu.memref_slice %arg10[%add3A_534, %dma_wait3A] : memref<10240x64xf32, #tpu.memory_space<vmem_shared>> -> memref<16x64xf32, #tpu.memory_space<vmem_shared>>
        %dma_wait3A_539 = arith.constant 0 : i32
        %dma_wait3A_540 = tpu.memref_slice %arg10[%add3A_534, %dma_wait3A_539] : memref<10240x64xf32, #tpu.memory_space<vmem_shared>> -> memref<16x64xf32, #tpu.memory_space<vmem_shared>>
        tpu.wait_dma2 semaphore(%run_scoped3A : memref<!tpu.dma_semaphore, #tpu.memory_space<semaphore_mem>>) src(%arg9 : memref<16x64xf32, #tpu.memory_space<vmem>>) dst(%dma_wait3A_540 : memref<16x64xf32, #tpu.memory_space<vmem_shared>>)
        tpu.yield
      }) : () -> ()
    }
    %scan3A_515 = arith.constant 40 : i32
    %barrier3A = arith.constant 0 : index
    tpu.barrier barrier_id(%barrier3A)
    %mul3A_516 = arith.constant 10112 : i32
    %mul3A_517 = arith.muli %add3A, %mul3A_516 : i32
    %scan3A_518 = arith.constant 0 : i32
    %scan3A_519 = arith.constant 0 : i32
    %scan3A_520 = arith.constant 79 : i32
    %scan3A_521 = arith.addi %scan3A_519, %scan3A_520 : i32
    %scan3A_522 = arith.constant 1 : i32
    scf.for %scan3A_529 = %scan3A_519 to %scan3A_521 step %scan3A_522  : i32 {
      %mul3A_530 = arith.constant 128 : i32
      %mul3A_531 = arith.muli %scan3A_529, %mul3A_530 : i32
      %add3A_532 = arith.addi %mul3A_517, %mul3A_531 : i32
      "tpu.region"() ({
        %run_scoped3A = tpu.sem_alloc : memref<!tpu.dma_semaphore, #tpu.memory_space<semaphore_mem>>
        %dma_start3A_537 = tpu.memref_slice %arg3[%add3A_532] : memref<323584xi32, #tpu.memory_space<hbm>> -> memref<128xi32, #tpu.memory_space<hbm>>
        %dma_start3A_538 = tpu.memref_slice %arg3[%add3A_532] : memref<323584xi32, #tpu.memory_space<hbm>> -> memref<128xi32, #tpu.memory_space<hbm>>
        tpu.enqueue_dma source(%dma_start3A_538 : memref<128xi32, #tpu.memory_space<hbm>>) target(%arg6 : memref<128xi32, #tpu.memory_space<vmem>>) target_semaphore(%run_scoped3A : memref<!tpu.dma_semaphore, #tpu.memory_space<semaphore_mem>>)
        %dma_wait3A_539 = tpu.memref_slice %arg3[%add3A_532] : memref<323584xi32, #tpu.memory_space<hbm>> -> memref<128xi32, #tpu.memory_space<hbm>>
        %dma_wait3A_540 = tpu.memref_slice %arg3[%add3A_532] : memref<323584xi32, #tpu.memory_space<hbm>> -> memref<128xi32, #tpu.memory_space<hbm>>
        tpu.wait_dma2 semaphore(%run_scoped3A : memref<!tpu.dma_semaphore, #tpu.memory_space<semaphore_mem>>) src(%dma_wait3A_540 : memref<128xi32, #tpu.memory_space<hbm>>) dst(%arg6 : memref<128xi32, #tpu.memory_space<vmem>>)
        tpu.yield
      }) : () -> ()
      "tpu.region"() ({
        %run_scoped3A = tpu.sem_alloc : memref<!tpu.dma_semaphore, #tpu.memory_space<semaphore_mem>>
        %dma_start3A_537 = tpu.memref_slice %arg4[%add3A_532] : memref<323584xi32, #tpu.memory_space<hbm>> -> memref<128xi32, #tpu.memory_space<hbm>>
        %dma_start3A_538 = tpu.memref_slice %arg4[%add3A_532] : memref<323584xi32, #tpu.memory_space<hbm>> -> memref<128xi32, #tpu.memory_space<hbm>>
        tpu.enqueue_dma source(%dma_start3A_538 : memref<128xi32, #tpu.memory_space<hbm>>) target(%arg7 : memref<128xi32, #tpu.memory_space<vmem>>) target_semaphore(%run_scoped3A : memref<!tpu.dma_semaphore, #tpu.memory_space<semaphore_mem>>)
        %dma_wait3A_539 = tpu.memref_slice %arg4[%add3A_532] : memref<323584xi32, #tpu.memory_space<hbm>> -> memref<128xi32, #tpu.memory_space<hbm>>
        %dma_wait3A_540 = tpu.memref_slice %arg4[%add3A_532] : memref<323584xi32, #tpu.memory_space<hbm>> -> memref<128xi32, #tpu.memory_space<hbm>>
        tpu.wait_dma2 semaphore(%run_scoped3A : memref<!tpu.dma_semaphore, #tpu.memory_space<semaphore_mem>>) src(%dma_wait3A_540 : memref<128xi32, #tpu.memory_space<hbm>>) dst(%arg7 : memref<128xi32, #tpu.memory_space<vmem>>)
        tpu.yield
      }) : () -> ()
      %dma_start3A = arith.constant 0 : i32
      %dma_start3A_533 = arith.constant 0 : i32
      %dma_start3A_534 = tpu.memref_slice %arg2[%dma_start3A, %dma_start3A_533] : memref<40000x64xf32, #tpu.memory_space<hbm>> -> memref<40000x64xf32, #tpu.memory_space<hbm>>
      tpu.enqueue_indirect_dma source(%dma_start3A_534 : memref<40000x64xf32, #tpu.memory_space<hbm>>) target(%arg8 : memref<128x64xf32, #tpu.memory_space<vmem>>) offsets(%arg6 : memref<128xi32, #tpu.memory_space<vmem>>) semaphore(%arg11 : memref<!tpu.dma_semaphore, #tpu.memory_space<semaphore_mem>>)
      %dma_wait3A = arith.constant 0 : i32
      %dma_wait3A_535 = arith.constant 0 : i32
      %dma_wait3A_536 = tpu.memref_slice %arg2[%dma_wait3A, %dma_wait3A_535] : memref<40000x64xf32, #tpu.memory_space<hbm>> -> memref<40000x64xf32, #tpu.memory_space<hbm>>
      tpu.wait_indirect_dma semaphore(%arg11 : memref<!tpu.dma_semaphore, #tpu.memory_space<semaphore_mem>>) src(%dma_wait3A_536 : memref<40000x64xf32, #tpu.memory_space<hbm>>) dst(%arg8 : memref<128x64xf32, #tpu.memory_space<vmem>>)
      "tpu.region"() ({
        %run_scoped3A = tpu.sem_alloc : memref<!tpu.dma_semaphore, #tpu.memory_space<semaphore_mem>>
        %dma_start3A_537 = arith.constant 0 : i32
        %dma_start3A_538 = arith.constant 0 : i32
        %dma_start3A_539 = tpu.memref_slice %arg10[%dma_start3A_537, %dma_start3A_538] : memref<10240x64xf32, #tpu.memory_space<vmem_shared>> -> memref<10240x64xf32, #tpu.memory_space<vmem_shared>>
        tpu.enqueue_indirect_dma source(%arg8 : memref<128x64xf32, #tpu.memory_space<vmem>>) target(%dma_start3A_539 : memref<10240x64xf32, #tpu.memory_space<vmem_shared>>) offsets(%arg7 : memref<128xi32, #tpu.memory_space<vmem>>) semaphore(%run_scoped3A : memref<!tpu.dma_semaphore, #tpu.memory_space<semaphore_mem>>) {add = true}
        %dma_wait3A_540 = arith.constant 0 : i32
        %dma_wait3A_541 = arith.constant 0 : i32
        %dma_wait3A_542 = tpu.memref_slice %arg10[%dma_wait3A_540, %dma_wait3A_541] : memref<10240x64xf32, #tpu.memory_space<vmem_shared>> -> memref<10240x64xf32, #tpu.memory_space<vmem_shared>>
        tpu.wait_indirect_dma semaphore(%run_scoped3A : memref<!tpu.dma_semaphore, #tpu.memory_space<semaphore_mem>>) src(%arg8 : memref<128x64xf32, #tpu.memory_space<vmem>>) dst(%dma_wait3A_542 : memref<10240x64xf32, #tpu.memory_space<vmem_shared>>)
        tpu.yield
      }) : () -> ()
    }
    %scan3A_523 = arith.constant 79 : i32
    %barrier3A_524 = arith.constant 0 : index
    tpu.barrier barrier_id(%barrier3A_524)
    %mul3A_525 = arith.constant 640 : i32
    %mul3A_526 = arith.muli %arg1, %mul3A_525 : i32
    %mul3A_527 = arith.constant 640 : i32
    %mul3A_528 = arith.muli %arg1, %mul3A_527 : i32
    "tpu.region"() ({
      %run_scoped3A = tpu.sem_alloc : memref<!tpu.dma_semaphore, #tpu.memory_space<semaphore_mem>>
      %dma_start3A = arith.constant 0 : i32
      %dma_start3A_529 = tpu.memref_slice %arg5[%arg0, %mul3A_528, %dma_start3A] : memref<2x10240x64xf32, #tpu.memory_space<hbm>> -> memref<1x640x64xf32, #tpu.memory_space<hbm>>
      %dma_start3A_530 = tpu.memref_squeeze %dma_start3A_529 : memref<1x640x64xf32, #tpu.memory_space<hbm>> -> memref<640x64xf32, #tpu.memory_space<hbm>>
      %dma_start3A_531 = arith.constant 0 : i32
      %dma_start3A_532 = tpu.memref_slice %arg10[%mul3A_526, %dma_start3A_531] : memref<10240x64xf32, #tpu.memory_space<vmem_shared>> -> memref<640x64xf32, #tpu.memory_space<vmem_shared>>
      tpu.enqueue_dma source(%dma_start3A_532 : memref<640x64xf32, #tpu.memory_space<vmem_shared>>) target(%dma_start3A_530 : memref<640x64xf32, #tpu.memory_space<hbm>>) target_semaphore(%run_scoped3A : memref<!tpu.dma_semaphore, #tpu.memory_space<semaphore_mem>>)
      %dma_wait3A = arith.constant 0 : i32
      %dma_wait3A_533 = tpu.memref_slice %arg5[%arg0, %mul3A_528, %dma_wait3A] : memref<2x10240x64xf32, #tpu.memory_space<hbm>> -> memref<1x640x64xf32, #tpu.memory_space<hbm>>
      %dma_wait3A_534 = tpu.memref_squeeze %dma_wait3A_533 : memref<1x640x64xf32, #tpu.memory_space<hbm>> -> memref<640x64xf32, #tpu.memory_space<hbm>>
      %dma_wait3A_535 = arith.constant 0 : i32
      %dma_wait3A_536 = tpu.memref_slice %arg10[%mul3A_526, %dma_wait3A_535] : memref<10240x64xf32, #tpu.memory_space<vmem_shared>> -> memref<640x64xf32, #tpu.memory_space<vmem_shared>>
      tpu.wait_dma2 semaphore(%run_scoped3A : memref<!tpu.dma_semaphore, #tpu.memory_space<semaphore_mem>>) src(%dma_wait3A_536 : memref<640x64xf32, #tpu.memory_space<vmem_shared>>) dst(%dma_wait3A_534 : memref<640x64xf32, #tpu.memory_space<hbm>>)
      tpu.yield
    }) : () -> ()
    return
  }
}

#map = affine_map<(d0, d1) -> (0, 0)>
#map1 = affine_map<(d0, d1) -> (0)>
#map2 = affine_map<(d0, d1) -> (0, 0, 0)>
module attributes {stable_mosaic.version = 14 : i64} {
  func.func @sc_agg(%arg0: i32, %arg1: i32, %arg2: memref<40000x64xf32, #tpu.memory_space<hbm>>, %arg3: memref<323584xi32, #tpu.memory_space<hbm>>, %arg4: memref<323584xi32, #tpu.memory_space<hbm>>, %arg5: memref<2x10240x64xf32, #tpu.memory_space<hbm>>, %arg6: memref<128xi32, #tpu.memory_space<vmem>>, %arg7: memref<128xi32, #tpu.memory_space<vmem>>, %arg8: memref<128x64xf32, #tpu.memory_space<vmem>>, %arg9: memref<16x64xf32, #tpu.memory_space<vmem>>, %arg10: memref<10240x64xf32, #tpu.memory_space<vmem_shared>>, %arg11: memref<!tpu.dma_semaphore, #tpu.memory_space<semaphore_mem>>) attributes {dimension_semantics = [#tpu.dimension_semantics<core_parallel>, #tpu.dimension_semantics<subcore_parallel>], iteration_bounds = array<i64: 2, 16>, scalar_prefetch = 0 : i64, scratch_operands = 6 : i64, tpu.core_type = #tpu.core_type<sc_vector_subcore>, window_params = [{transform_indices = #map}, {transform_indices = #map1}, {transform_indices = #map1}, {transform_indices = #map2}]} {
    %mul3A = arith.constant 2 : i32
    %mul3A_0 = arith.muli %arg1, %mul3A : i32
    %add3A = arith.addi %mul3A_0, %arg0 : i32
    %broadcast_in_dim3A = arith.constant 0.000000e+00 : f32
    %broadcast_in_dim3A_1 = vector.broadcast %broadcast_in_dim3A : f32 to vector<16xf32>
    %swap3A = arith.constant 0 : i32
    %swap3A_2 = arith.index_cast %swap3A : i32 to index
    %swap3A_3 = arith.constant 0 : index
    %swap3A_4 = tpu.vector_load %arg9[%swap3A_2, %swap3A_3] {strides = array<i32>} : memref<16x64xf32, #tpu.memory_space<vmem>>, vector<1x16xf32>,
    %swap3A_5 = vector.shape_cast %swap3A_4 : vector<1x16xf32> to vector<16xf32>
    %swap3A_6 = vector.shape_cast %broadcast_in_dim3A_1 : vector<16xf32> to vector<1x16xf32>
    tpu.vector_store %arg9[%swap3A_2, %swap3A_3], %swap3A_6 {strides = array<i32>} : memref<16x64xf32, #tpu.memory_space<vmem>>, vector<1x16xf32>,
    %broadcast_in_dim3A_7 = arith.constant 0.000000e+00 : f32
    %broadcast_in_dim3A_8 = vector.broadcast %broadcast_in_dim3A_7 : f32 to vector<16xf32>
    %swap3A_9 = arith.constant 0 : i32
    %swap3A_10 = arith.index_cast %swap3A_9 : i32 to index
    %swap3A_11 = arith.constant 16 : index
    %swap3A_12 = tpu.vector_load %arg9[%swap3A_10, %swap3A_11] {strides = array<i32>} : memref<16x64xf32, #tpu.memory_space<vmem>>, vector<1x16xf32>,
    %swap3A_13 = vector.shape_cast %swap3A_12 : vector<1x16xf32> to vector<16xf32>
    %swap3A_14 = vector.shape_cast %broadcast_in_dim3A_8 : vector<16xf32> to vector<1x16xf32>
    tpu.vector_store %arg9[%swap3A_10, %swap3A_11], %swap3A_14 {strides = array<i32>} : memref<16x64xf32, #tpu.memory_space<vmem>>, vector<1x16xf32>,
    %broadcast_in_dim3A_15 = arith.constant 0.000000e+00 : f32
    %broadcast_in_dim3A_16 = vector.broadcast %broadcast_in_dim3A_15 : f32 to vector<16xf32>
    %swap3A_17 = arith.constant 0 : i32
    %swap3A_18 = arith.index_cast %swap3A_17 : i32 to index
    %swap3A_19 = arith.constant 32 : index
    %swap3A_20 = tpu.vector_load %arg9[%swap3A_18, %swap3A_19] {strides = array<i32>} : memref<16x64xf32, #tpu.memory_space<vmem>>, vector<1x16xf32>,
    %swap3A_21 = vector.shape_cast %swap3A_20 : vector<1x16xf32> to vector<16xf32>
    %swap3A_22 = vector.shape_cast %broadcast_in_dim3A_16 : vector<16xf32> to vector<1x16xf32>
    tpu.vector_store %arg9[%swap3A_18, %swap3A_19], %swap3A_22 {strides = array<i32>} : memref<16x64xf32, #tpu.memory_space<vmem>>, vector<1x16xf32>,
    %broadcast_in_dim3A_23 = arith.constant 0.000000e+00 : f32
    %broadcast_in_dim3A_24 = vector.broadcast %broadcast_in_dim3A_23 : f32 to vector<16xf32>
    %swap3A_25 = arith.constant 0 : i32
    %swap3A_26 = arith.index_cast %swap3A_25 : i32 to index
    %swap3A_27 = arith.constant 48 : index
    %swap3A_28 = tpu.vector_load %arg9[%swap3A_26, %swap3A_27] {strides = array<i32>} : memref<16x64xf32, #tpu.memory_space<vmem>>, vector<1x16xf32>,
    %swap3A_29 = vector.shape_cast %swap3A_28 : vector<1x16xf32> to vector<16xf32>
    %swap3A_30 = vector.shape_cast %broadcast_in_dim3A_24 : vector<16xf32> to vector<1x16xf32>
    tpu.vector_store %arg9[%swap3A_26, %swap3A_27], %swap3A_30 {strides = array<i32>} : memref<16x64xf32, #tpu.memory_space<vmem>>, vector<1x16xf32>,
    %broadcast_in_dim3A_31 = arith.constant 0.000000e+00 : f32
    %broadcast_in_dim3A_32 = vector.broadcast %broadcast_in_dim3A_31 : f32 to vector<16xf32>
    %swap3A_33 = arith.constant 1 : i32
    %swap3A_34 = arith.index_cast %swap3A_33 : i32 to index
    %swap3A_35 = arith.constant 0 : index
    %swap3A_36 = tpu.vector_load %arg9[%swap3A_34, %swap3A_35] {strides = array<i32>} : memref<16x64xf32, #tpu.memory_space<vmem>>, vector<1x16xf32>,
    %swap3A_37 = vector.shape_cast %swap3A_36 : vector<1x16xf32> to vector<16xf32>
    %swap3A_38 = vector.shape_cast %broadcast_in_dim3A_32 : vector<16xf32> to vector<1x16xf32>
    tpu.vector_store %arg9[%swap3A_34, %swap3A_35], %swap3A_38 {strides = array<i32>} : memref<16x64xf32, #tpu.memory_space<vmem>>, vector<1x16xf32>,
    %broadcast_in_dim3A_39 = arith.constant 0.000000e+00 : f32
    %broadcast_in_dim3A_40 = vector.broadcast %broadcast_in_dim3A_39 : f32 to vector<16xf32>
    %swap3A_41 = arith.constant 1 : i32
    %swap3A_42 = arith.index_cast %swap3A_41 : i32 to index
    %swap3A_43 = arith.constant 16 : index
    %swap3A_44 = tpu.vector_load %arg9[%swap3A_42, %swap3A_43] {strides = array<i32>} : memref<16x64xf32, #tpu.memory_space<vmem>>, vector<1x16xf32>,
    %swap3A_45 = vector.shape_cast %swap3A_44 : vector<1x16xf32> to vector<16xf32>
    %swap3A_46 = vector.shape_cast %broadcast_in_dim3A_40 : vector<16xf32> to vector<1x16xf32>
    tpu.vector_store %arg9[%swap3A_42, %swap3A_43], %swap3A_46 {strides = array<i32>} : memref<16x64xf32, #tpu.memory_space<vmem>>, vector<1x16xf32>,
    %broadcast_in_dim3A_47 = arith.constant 0.000000e+00 : f32
    %broadcast_in_dim3A_48 = vector.broadcast %broadcast_in_dim3A_47 : f32 to vector<16xf32>
    %swap3A_49 = arith.constant 1 : i32
    %swap3A_50 = arith.index_cast %swap3A_49 : i32 to index
    %swap3A_51 = arith.constant 32 : index
    %swap3A_52 = tpu.vector_load %arg9[%swap3A_50, %swap3A_51] {strides = array<i32>} : memref<16x64xf32, #tpu.memory_space<vmem>>, vector<1x16xf32>,
    %swap3A_53 = vector.shape_cast %swap3A_52 : vector<1x16xf32> to vector<16xf32>
    %swap3A_54 = vector.shape_cast %broadcast_in_dim3A_48 : vector<16xf32> to vector<1x16xf32>
    tpu.vector_store %arg9[%swap3A_50, %swap3A_51], %swap3A_54 {strides = array<i32>} : memref<16x64xf32, #tpu.memory_space<vmem>>, vector<1x16xf32>,
    %broadcast_in_dim3A_55 = arith.constant 0.000000e+00 : f32
    %broadcast_in_dim3A_56 = vector.broadcast %broadcast_in_dim3A_55 : f32 to vector<16xf32>
    %swap3A_57 = arith.constant 1 : i32
    %swap3A_58 = arith.index_cast %swap3A_57 : i32 to index
    %swap3A_59 = arith.constant 48 : index
    %swap3A_60 = tpu.vector_load %arg9[%swap3A_58, %swap3A_59] {strides = array<i32>} : memref<16x64xf32, #tpu.memory_space<vmem>>, vector<1x16xf32>,
    %swap3A_61 = vector.shape_cast %swap3A_60 : vector<1x16xf32> to vector<16xf32>
    %swap3A_62 = vector.shape_cast %broadcast_in_dim3A_56 : vector<16xf32> to vector<1x16xf32>
    tpu.vector_store %arg9[%swap3A_58, %swap3A_59], %swap3A_62 {strides = array<i32>} : memref<16x64xf32, #tpu.memory_space<vmem>>, vector<1x16xf32>,
    %broadcast_in_dim3A_63 = arith.constant 0.000000e+00 : f32
    %broadcast_in_dim3A_64 = vector.broadcast %broadcast_in_dim3A_63 : f32 to vector<16xf32>
    %swap3A_65 = arith.constant 2 : i32
    %swap3A_66 = arith.index_cast %swap3A_65 : i32 to index
    %swap3A_67 = arith.constant 0 : index
    %swap3A_68 = tpu.vector_load %arg9[%swap3A_66, %swap3A_67] {strides = array<i32>} : memref<16x64xf32, #tpu.memory_space<vmem>>, vector<1x16xf32>,
    %swap3A_69 = vector.shape_cast %swap3A_68 : vector<1x16xf32> to vector<16xf32>
    %swap3A_70 = vector.shape_cast %broadcast_in_dim3A_64 : vector<16xf32> to vector<1x16xf32>
    tpu.vector_store %arg9[%swap3A_66, %swap3A_67], %swap3A_70 {strides = array<i32>} : memref<16x64xf32, #tpu.memory_space<vmem>>, vector<1x16xf32>,
    %broadcast_in_dim3A_71 = arith.constant 0.000000e+00 : f32
    %broadcast_in_dim3A_72 = vector.broadcast %broadcast_in_dim3A_71 : f32 to vector<16xf32>
    %swap3A_73 = arith.constant 2 : i32
    %swap3A_74 = arith.index_cast %swap3A_73 : i32 to index
    %swap3A_75 = arith.constant 16 : index
    %swap3A_76 = tpu.vector_load %arg9[%swap3A_74, %swap3A_75] {strides = array<i32>} : memref<16x64xf32, #tpu.memory_space<vmem>>, vector<1x16xf32>,
    %swap3A_77 = vector.shape_cast %swap3A_76 : vector<1x16xf32> to vector<16xf32>
    %swap3A_78 = vector.shape_cast %broadcast_in_dim3A_72 : vector<16xf32> to vector<1x16xf32>
    tpu.vector_store %arg9[%swap3A_74, %swap3A_75], %swap3A_78 {strides = array<i32>} : memref<16x64xf32, #tpu.memory_space<vmem>>, vector<1x16xf32>,
    %broadcast_in_dim3A_79 = arith.constant 0.000000e+00 : f32
    %broadcast_in_dim3A_80 = vector.broadcast %broadcast_in_dim3A_79 : f32 to vector<16xf32>
    %swap3A_81 = arith.constant 2 : i32
    %swap3A_82 = arith.index_cast %swap3A_81 : i32 to index
    %swap3A_83 = arith.constant 32 : index
    %swap3A_84 = tpu.vector_load %arg9[%swap3A_82, %swap3A_83] {strides = array<i32>} : memref<16x64xf32, #tpu.memory_space<vmem>>, vector<1x16xf32>,
    %swap3A_85 = vector.shape_cast %swap3A_84 : vector<1x16xf32> to vector<16xf32>
    %swap3A_86 = vector.shape_cast %broadcast_in_dim3A_80 : vector<16xf32> to vector<1x16xf32>
    tpu.vector_store %arg9[%swap3A_82, %swap3A_83], %swap3A_86 {strides = array<i32>} : memref<16x64xf32, #tpu.memory_space<vmem>>, vector<1x16xf32>,
    %broadcast_in_dim3A_87 = arith.constant 0.000000e+00 : f32
    %broadcast_in_dim3A_88 = vector.broadcast %broadcast_in_dim3A_87 : f32 to vector<16xf32>
    %swap3A_89 = arith.constant 2 : i32
    %swap3A_90 = arith.index_cast %swap3A_89 : i32 to index
    %swap3A_91 = arith.constant 48 : index
    %swap3A_92 = tpu.vector_load %arg9[%swap3A_90, %swap3A_91] {strides = array<i32>} : memref<16x64xf32, #tpu.memory_space<vmem>>, vector<1x16xf32>,
    %swap3A_93 = vector.shape_cast %swap3A_92 : vector<1x16xf32> to vector<16xf32>
    %swap3A_94 = vector.shape_cast %broadcast_in_dim3A_88 : vector<16xf32> to vector<1x16xf32>
    tpu.vector_store %arg9[%swap3A_90, %swap3A_91], %swap3A_94 {strides = array<i32>} : memref<16x64xf32, #tpu.memory_space<vmem>>, vector<1x16xf32>,
    %broadcast_in_dim3A_95 = arith.constant 0.000000e+00 : f32
    %broadcast_in_dim3A_96 = vector.broadcast %broadcast_in_dim3A_95 : f32 to vector<16xf32>
    %swap3A_97 = arith.constant 3 : i32
    %swap3A_98 = arith.index_cast %swap3A_97 : i32 to index
    %swap3A_99 = arith.constant 0 : index
    %swap3A_100 = tpu.vector_load %arg9[%swap3A_98, %swap3A_99] {strides = array<i32>} : memref<16x64xf32, #tpu.memory_space<vmem>>, vector<1x16xf32>,
    %swap3A_101 = vector.shape_cast %swap3A_100 : vector<1x16xf32> to vector<16xf32>
    %swap3A_102 = vector.shape_cast %broadcast_in_dim3A_96 : vector<16xf32> to vector<1x16xf32>
    tpu.vector_store %arg9[%swap3A_98, %swap3A_99], %swap3A_102 {strides = array<i32>} : memref<16x64xf32, #tpu.memory_space<vmem>>, vector<1x16xf32>,
    %broadcast_in_dim3A_103 = arith.constant 0.000000e+00 : f32
    %broadcast_in_dim3A_104 = vector.broadcast %broadcast_in_dim3A_103 : f32 to vector<16xf32>
    %swap3A_105 = arith.constant 3 : i32
    %swap3A_106 = arith.index_cast %swap3A_105 : i32 to index
    %swap3A_107 = arith.constant 16 : index
    %swap3A_108 = tpu.vector_load %arg9[%swap3A_106, %swap3A_107] {strides = array<i32>} : memref<16x64xf32, #tpu.memory_space<vmem>>, vector<1x16xf32>,
    %swap3A_109 = vector.shape_cast %swap3A_108 : vector<1x16xf32> to vector<16xf32>
    %swap3A_110 = vector.shape_cast %broadcast_in_dim3A_104 : vector<16xf32> to vector<1x16xf32>
    tpu.vector_store %arg9[%swap3A_106, %swap3A_107], %swap3A_110 {strides = array<i32>} : memref<16x64xf32, #tpu.memory_space<vmem>>, vector<1x16xf32>,
    %broadcast_in_dim3A_111 = arith.constant 0.000000e+00 : f32
    %broadcast_in_dim3A_112 = vector.broadcast %broadcast_in_dim3A_111 : f32 to vector<16xf32>
    %swap3A_113 = arith.constant 3 : i32
    %swap3A_114 = arith.index_cast %swap3A_113 : i32 to index
    %swap3A_115 = arith.constant 32 : index
    %swap3A_116 = tpu.vector_load %arg9[%swap3A_114, %swap3A_115] {strides = array<i32>} : memref<16x64xf32, #tpu.memory_space<vmem>>, vector<1x16xf32>,
    %swap3A_117 = vector.shape_cast %swap3A_116 : vector<1x16xf32> to vector<16xf32>
    %swap3A_118 = vector.shape_cast %broadcast_in_dim3A_112 : vector<16xf32> to vector<1x16xf32>
    tpu.vector_store %arg9[%swap3A_114, %swap3A_115], %swap3A_118 {strides = array<i32>} : memref<16x64xf32, #tpu.memory_space<vmem>>, vector<1x16xf32>,
    %broadcast_in_dim3A_119 = arith.constant 0.000000e+00 : f32
    %broadcast_in_dim3A_120 = vector.broadcast %broadcast_in_dim3A_119 : f32 to vector<16xf32>
    %swap3A_121 = arith.constant 3 : i32
    %swap3A_122 = arith.index_cast %swap3A_121 : i32 to index
    %swap3A_123 = arith.constant 48 : index
    %swap3A_124 = tpu.vector_load %arg9[%swap3A_122, %swap3A_123] {strides = array<i32>} : memref<16x64xf32, #tpu.memory_space<vmem>>, vector<1x16xf32>,
    %swap3A_125 = vector.shape_cast %swap3A_124 : vector<1x16xf32> to vector<16xf32>
    %swap3A_126 = vector.shape_cast %broadcast_in_dim3A_120 : vector<16xf32> to vector<1x16xf32>
    tpu.vector_store %arg9[%swap3A_122, %swap3A_123], %swap3A_126 {strides = array<i32>} : memref<16x64xf32, #tpu.memory_space<vmem>>, vector<1x16xf32>,
    %broadcast_in_dim3A_127 = arith.constant 0.000000e+00 : f32
    %broadcast_in_dim3A_128 = vector.broadcast %broadcast_in_dim3A_127 : f32 to vector<16xf32>
    %swap3A_129 = arith.constant 4 : i32
    %swap3A_130 = arith.index_cast %swap3A_129 : i32 to index
    %swap3A_131 = arith.constant 0 : index
    %swap3A_132 = tpu.vector_load %arg9[%swap3A_130, %swap3A_131] {strides = array<i32>} : memref<16x64xf32, #tpu.memory_space<vmem>>, vector<1x16xf32>,
    %swap3A_133 = vector.shape_cast %swap3A_132 : vector<1x16xf32> to vector<16xf32>
    %swap3A_134 = vector.shape_cast %broadcast_in_dim3A_128 : vector<16xf32> to vector<1x16xf32>
    tpu.vector_store %arg9[%swap3A_130, %swap3A_131], %swap3A_134 {strides = array<i32>} : memref<16x64xf32, #tpu.memory_space<vmem>>, vector<1x16xf32>,
    %broadcast_in_dim3A_135 = arith.constant 0.000000e+00 : f32
    %broadcast_in_dim3A_136 = vector.broadcast %broadcast_in_dim3A_135 : f32 to vector<16xf32>
    %swap3A_137 = arith.constant 4 : i32
    %swap3A_138 = arith.index_cast %swap3A_137 : i32 to index
    %swap3A_139 = arith.constant 16 : index
    %swap3A_140 = tpu.vector_load %arg9[%swap3A_138, %swap3A_139] {strides = array<i32>} : memref<16x64xf32, #tpu.memory_space<vmem>>, vector<1x16xf32>,
    %swap3A_141 = vector.shape_cast %swap3A_140 : vector<1x16xf32> to vector<16xf32>
    %swap3A_142 = vector.shape_cast %broadcast_in_dim3A_136 : vector<16xf32> to vector<1x16xf32>
    tpu.vector_store %arg9[%swap3A_138, %swap3A_139], %swap3A_142 {strides = array<i32>} : memref<16x64xf32, #tpu.memory_space<vmem>>, vector<1x16xf32>,
    %broadcast_in_dim3A_143 = arith.constant 0.000000e+00 : f32
    %broadcast_in_dim3A_144 = vector.broadcast %broadcast_in_dim3A_143 : f32 to vector<16xf32>
    %swap3A_145 = arith.constant 4 : i32
    %swap3A_146 = arith.index_cast %swap3A_145 : i32 to index
    %swap3A_147 = arith.constant 32 : index
    %swap3A_148 = tpu.vector_load %arg9[%swap3A_146, %swap3A_147] {strides = array<i32>} : memref<16x64xf32, #tpu.memory_space<vmem>>, vector<1x16xf32>,
    %swap3A_149 = vector.shape_cast %swap3A_148 : vector<1x16xf32> to vector<16xf32>
    %swap3A_150 = vector.shape_cast %broadcast_in_dim3A_144 : vector<16xf32> to vector<1x16xf32>
    tpu.vector_store %arg9[%swap3A_146, %swap3A_147], %swap3A_150 {strides = array<i32>} : memref<16x64xf32, #tpu.memory_space<vmem>>, vector<1x16xf32>,
    %broadcast_in_dim3A_151 = arith.constant 0.000000e+00 : f32
    %broadcast_in_dim3A_152 = vector.broadcast %broadcast_in_dim3A_151 : f32 to vector<16xf32>
    %swap3A_153 = arith.constant 4 : i32
    %swap3A_154 = arith.index_cast %swap3A_153 : i32 to index
    %swap3A_155 = arith.constant 48 : index
    %swap3A_156 = tpu.vector_load %arg9[%swap3A_154, %swap3A_155] {strides = array<i32>} : memref<16x64xf32, #tpu.memory_space<vmem>>, vector<1x16xf32>,
    %swap3A_157 = vector.shape_cast %swap3A_156 : vector<1x16xf32> to vector<16xf32>
    %swap3A_158 = vector.shape_cast %broadcast_in_dim3A_152 : vector<16xf32> to vector<1x16xf32>
    tpu.vector_store %arg9[%swap3A_154, %swap3A_155], %swap3A_158 {strides = array<i32>} : memref<16x64xf32, #tpu.memory_space<vmem>>, vector<1x16xf32>,
    %broadcast_in_dim3A_159 = arith.constant 0.000000e+00 : f32
    %broadcast_in_dim3A_160 = vector.broadcast %broadcast_in_dim3A_159 : f32 to vector<16xf32>
    %swap3A_161 = arith.constant 5 : i32
    %swap3A_162 = arith.index_cast %swap3A_161 : i32 to index
    %swap3A_163 = arith.constant 0 : index
    %swap3A_164 = tpu.vector_load %arg9[%swap3A_162, %swap3A_163] {strides = array<i32>} : memref<16x64xf32, #tpu.memory_space<vmem>>, vector<1x16xf32>,
    %swap3A_165 = vector.shape_cast %swap3A_164 : vector<1x16xf32> to vector<16xf32>
    %swap3A_166 = vector.shape_cast %broadcast_in_dim3A_160 : vector<16xf32> to vector<1x16xf32>
    tpu.vector_store %arg9[%swap3A_162, %swap3A_163], %swap3A_166 {strides = array<i32>} : memref<16x64xf32, #tpu.memory_space<vmem>>, vector<1x16xf32>,
    %broadcast_in_dim3A_167 = arith.constant 0.000000e+00 : f32
    %broadcast_in_dim3A_168 = vector.broadcast %broadcast_in_dim3A_167 : f32 to vector<16xf32>
    %swap3A_169 = arith.constant 5 : i32
    %swap3A_170 = arith.index_cast %swap3A_169 : i32 to index
    %swap3A_171 = arith.constant 16 : index
    %swap3A_172 = tpu.vector_load %arg9[%swap3A_170, %swap3A_171] {strides = array<i32>} : memref<16x64xf32, #tpu.memory_space<vmem>>, vector<1x16xf32>,
    %swap3A_173 = vector.shape_cast %swap3A_172 : vector<1x16xf32> to vector<16xf32>
    %swap3A_174 = vector.shape_cast %broadcast_in_dim3A_168 : vector<16xf32> to vector<1x16xf32>
    tpu.vector_store %arg9[%swap3A_170, %swap3A_171], %swap3A_174 {strides = array<i32>} : memref<16x64xf32, #tpu.memory_space<vmem>>, vector<1x16xf32>,
    %broadcast_in_dim3A_175 = arith.constant 0.000000e+00 : f32
    %broadcast_in_dim3A_176 = vector.broadcast %broadcast_in_dim3A_175 : f32 to vector<16xf32>
    %swap3A_177 = arith.constant 5 : i32
    %swap3A_178 = arith.index_cast %swap3A_177 : i32 to index
    %swap3A_179 = arith.constant 32 : index
    %swap3A_180 = tpu.vector_load %arg9[%swap3A_178, %swap3A_179] {strides = array<i32>} : memref<16x64xf32, #tpu.memory_space<vmem>>, vector<1x16xf32>,
    %swap3A_181 = vector.shape_cast %swap3A_180 : vector<1x16xf32> to vector<16xf32>
    %swap3A_182 = vector.shape_cast %broadcast_in_dim3A_176 : vector<16xf32> to vector<1x16xf32>
    tpu.vector_store %arg9[%swap3A_178, %swap3A_179], %swap3A_182 {strides = array<i32>} : memref<16x64xf32, #tpu.memory_space<vmem>>, vector<1x16xf32>,
    %broadcast_in_dim3A_183 = arith.constant 0.000000e+00 : f32
    %broadcast_in_dim3A_184 = vector.broadcast %broadcast_in_dim3A_183 : f32 to vector<16xf32>
    %swap3A_185 = arith.constant 5 : i32
    %swap3A_186 = arith.index_cast %swap3A_185 : i32 to index
    %swap3A_187 = arith.constant 48 : index
    %swap3A_188 = tpu.vector_load %arg9[%swap3A_186, %swap3A_187] {strides = array<i32>} : memref<16x64xf32, #tpu.memory_space<vmem>>, vector<1x16xf32>,
    %swap3A_189 = vector.shape_cast %swap3A_188 : vector<1x16xf32> to vector<16xf32>
    %swap3A_190 = vector.shape_cast %broadcast_in_dim3A_184 : vector<16xf32> to vector<1x16xf32>
    tpu.vector_store %arg9[%swap3A_186, %swap3A_187], %swap3A_190 {strides = array<i32>} : memref<16x64xf32, #tpu.memory_space<vmem>>, vector<1x16xf32>,
    %broadcast_in_dim3A_191 = arith.constant 0.000000e+00 : f32
    %broadcast_in_dim3A_192 = vector.broadcast %broadcast_in_dim3A_191 : f32 to vector<16xf32>
    %swap3A_193 = arith.constant 6 : i32
    %swap3A_194 = arith.index_cast %swap3A_193 : i32 to index
    %swap3A_195 = arith.constant 0 : index
    %swap3A_196 = tpu.vector_load %arg9[%swap3A_194, %swap3A_195] {strides = array<i32>} : memref<16x64xf32, #tpu.memory_space<vmem>>, vector<1x16xf32>,
    %swap3A_197 = vector.shape_cast %swap3A_196 : vector<1x16xf32> to vector<16xf32>
    %swap3A_198 = vector.shape_cast %broadcast_in_dim3A_192 : vector<16xf32> to vector<1x16xf32>
    tpu.vector_store %arg9[%swap3A_194, %swap3A_195], %swap3A_198 {strides = array<i32>} : memref<16x64xf32, #tpu.memory_space<vmem>>, vector<1x16xf32>,
    %broadcast_in_dim3A_199 = arith.constant 0.000000e+00 : f32
    %broadcast_in_dim3A_200 = vector.broadcast %broadcast_in_dim3A_199 : f32 to vector<16xf32>
    %swap3A_201 = arith.constant 6 : i32
    %swap3A_202 = arith.index_cast %swap3A_201 : i32 to index
    %swap3A_203 = arith.constant 16 : index
    %swap3A_204 = tpu.vector_load %arg9[%swap3A_202, %swap3A_203] {strides = array<i32>} : memref<16x64xf32, #tpu.memory_space<vmem>>, vector<1x16xf32>,
    %swap3A_205 = vector.shape_cast %swap3A_204 : vector<1x16xf32> to vector<16xf32>
    %swap3A_206 = vector.shape_cast %broadcast_in_dim3A_200 : vector<16xf32> to vector<1x16xf32>
    tpu.vector_store %arg9[%swap3A_202, %swap3A_203], %swap3A_206 {strides = array<i32>} : memref<16x64xf32, #tpu.memory_space<vmem>>, vector<1x16xf32>,
    %broadcast_in_dim3A_207 = arith.constant 0.000000e+00 : f32
    %broadcast_in_dim3A_208 = vector.broadcast %broadcast_in_dim3A_207 : f32 to vector<16xf32>
    %swap3A_209 = arith.constant 6 : i32
    %swap3A_210 = arith.index_cast %swap3A_209 : i32 to index
    %swap3A_211 = arith.constant 32 : index
    %swap3A_212 = tpu.vector_load %arg9[%swap3A_210, %swap3A_211] {strides = array<i32>} : memref<16x64xf32, #tpu.memory_space<vmem>>, vector<1x16xf32>,
    %swap3A_213 = vector.shape_cast %swap3A_212 : vector<1x16xf32> to vector<16xf32>
    %swap3A_214 = vector.shape_cast %broadcast_in_dim3A_208 : vector<16xf32> to vector<1x16xf32>
    tpu.vector_store %arg9[%swap3A_210, %swap3A_211], %swap3A_214 {strides = array<i32>} : memref<16x64xf32, #tpu.memory_space<vmem>>, vector<1x16xf32>,
    %broadcast_in_dim3A_215 = arith.constant 0.000000e+00 : f32
    %broadcast_in_dim3A_216 = vector.broadcast %broadcast_in_dim3A_215 : f32 to vector<16xf32>
    %swap3A_217 = arith.constant 6 : i32
    %swap3A_218 = arith.index_cast %swap3A_217 : i32 to index
    %swap3A_219 = arith.constant 48 : index
    %swap3A_220 = tpu.vector_load %arg9[%swap3A_218, %swap3A_219] {strides = array<i32>} : memref<16x64xf32, #tpu.memory_space<vmem>>, vector<1x16xf32>,
    %swap3A_221 = vector.shape_cast %swap3A_220 : vector<1x16xf32> to vector<16xf32>
    %swap3A_222 = vector.shape_cast %broadcast_in_dim3A_216 : vector<16xf32> to vector<1x16xf32>
    tpu.vector_store %arg9[%swap3A_218, %swap3A_219], %swap3A_222 {strides = array<i32>} : memref<16x64xf32, #tpu.memory_space<vmem>>, vector<1x16xf32>,
    %broadcast_in_dim3A_223 = arith.constant 0.000000e+00 : f32
    %broadcast_in_dim3A_224 = vector.broadcast %broadcast_in_dim3A_223 : f32 to vector<16xf32>
    %swap3A_225 = arith.constant 7 : i32
    %swap3A_226 = arith.index_cast %swap3A_225 : i32 to index
    %swap3A_227 = arith.constant 0 : index
    %swap3A_228 = tpu.vector_load %arg9[%swap3A_226, %swap3A_227] {strides = array<i32>} : memref<16x64xf32, #tpu.memory_space<vmem>>, vector<1x16xf32>,
    %swap3A_229 = vector.shape_cast %swap3A_228 : vector<1x16xf32> to vector<16xf32>
    %swap3A_230 = vector.shape_cast %broadcast_in_dim3A_224 : vector<16xf32> to vector<1x16xf32>
    tpu.vector_store %arg9[%swap3A_226, %swap3A_227], %swap3A_230 {strides = array<i32>} : memref<16x64xf32, #tpu.memory_space<vmem>>, vector<1x16xf32>,
    %broadcast_in_dim3A_231 = arith.constant 0.000000e+00 : f32
    %broadcast_in_dim3A_232 = vector.broadcast %broadcast_in_dim3A_231 : f32 to vector<16xf32>
    %swap3A_233 = arith.constant 7 : i32
    %swap3A_234 = arith.index_cast %swap3A_233 : i32 to index
    %swap3A_235 = arith.constant 16 : index
    %swap3A_236 = tpu.vector_load %arg9[%swap3A_234, %swap3A_235] {strides = array<i32>} : memref<16x64xf32, #tpu.memory_space<vmem>>, vector<1x16xf32>,
    %swap3A_237 = vector.shape_cast %swap3A_236 : vector<1x16xf32> to vector<16xf32>
    %swap3A_238 = vector.shape_cast %broadcast_in_dim3A_232 : vector<16xf32> to vector<1x16xf32>
    tpu.vector_store %arg9[%swap3A_234, %swap3A_235], %swap3A_238 {strides = array<i32>} : memref<16x64xf32, #tpu.memory_space<vmem>>, vector<1x16xf32>,
    %broadcast_in_dim3A_239 = arith.constant 0.000000e+00 : f32
    %broadcast_in_dim3A_240 = vector.broadcast %broadcast_in_dim3A_239 : f32 to vector<16xf32>
    %swap3A_241 = arith.constant 7 : i32
    %swap3A_242 = arith.index_cast %swap3A_241 : i32 to index
    %swap3A_243 = arith.constant 32 : index
    %swap3A_244 = tpu.vector_load %arg9[%swap3A_242, %swap3A_243] {strides = array<i32>} : memref<16x64xf32, #tpu.memory_space<vmem>>, vector<1x16xf32>,
    %swap3A_245 = vector.shape_cast %swap3A_244 : vector<1x16xf32> to vector<16xf32>
    %swap3A_246 = vector.shape_cast %broadcast_in_dim3A_240 : vector<16xf32> to vector<1x16xf32>
    tpu.vector_store %arg9[%swap3A_242, %swap3A_243], %swap3A_246 {strides = array<i32>} : memref<16x64xf32, #tpu.memory_space<vmem>>, vector<1x16xf32>,
    %broadcast_in_dim3A_247 = arith.constant 0.000000e+00 : f32
    %broadcast_in_dim3A_248 = vector.broadcast %broadcast_in_dim3A_247 : f32 to vector<16xf32>
    %swap3A_249 = arith.constant 7 : i32
    %swap3A_250 = arith.index_cast %swap3A_249 : i32 to index
    %swap3A_251 = arith.constant 48 : index
    %swap3A_252 = tpu.vector_load %arg9[%swap3A_250, %swap3A_251] {strides = array<i32>} : memref<16x64xf32, #tpu.memory_space<vmem>>, vector<1x16xf32>,
    %swap3A_253 = vector.shape_cast %swap3A_252 : vector<1x16xf32> to vector<16xf32>
    %swap3A_254 = vector.shape_cast %broadcast_in_dim3A_248 : vector<16xf32> to vector<1x16xf32>
    tpu.vector_store %arg9[%swap3A_250, %swap3A_251], %swap3A_254 {strides = array<i32>} : memref<16x64xf32, #tpu.memory_space<vmem>>, vector<1x16xf32>,
    %broadcast_in_dim3A_255 = arith.constant 0.000000e+00 : f32
    %broadcast_in_dim3A_256 = vector.broadcast %broadcast_in_dim3A_255 : f32 to vector<16xf32>
    %swap3A_257 = arith.constant 8 : i32
    %swap3A_258 = arith.index_cast %swap3A_257 : i32 to index
    %swap3A_259 = arith.constant 0 : index
    %swap3A_260 = tpu.vector_load %arg9[%swap3A_258, %swap3A_259] {strides = array<i32>} : memref<16x64xf32, #tpu.memory_space<vmem>>, vector<1x16xf32>,
    %swap3A_261 = vector.shape_cast %swap3A_260 : vector<1x16xf32> to vector<16xf32>
    %swap3A_262 = vector.shape_cast %broadcast_in_dim3A_256 : vector<16xf32> to vector<1x16xf32>
    tpu.vector_store %arg9[%swap3A_258, %swap3A_259], %swap3A_262 {strides = array<i32>} : memref<16x64xf32, #tpu.memory_space<vmem>>, vector<1x16xf32>,
    %broadcast_in_dim3A_263 = arith.constant 0.000000e+00 : f32
    %broadcast_in_dim3A_264 = vector.broadcast %broadcast_in_dim3A_263 : f32 to vector<16xf32>
    %swap3A_265 = arith.constant 8 : i32
    %swap3A_266 = arith.index_cast %swap3A_265 : i32 to index
    %swap3A_267 = arith.constant 16 : index
    %swap3A_268 = tpu.vector_load %arg9[%swap3A_266, %swap3A_267] {strides = array<i32>} : memref<16x64xf32, #tpu.memory_space<vmem>>, vector<1x16xf32>,
    %swap3A_269 = vector.shape_cast %swap3A_268 : vector<1x16xf32> to vector<16xf32>
    %swap3A_270 = vector.shape_cast %broadcast_in_dim3A_264 : vector<16xf32> to vector<1x16xf32>
    tpu.vector_store %arg9[%swap3A_266, %swap3A_267], %swap3A_270 {strides = array<i32>} : memref<16x64xf32, #tpu.memory_space<vmem>>, vector<1x16xf32>,
    %broadcast_in_dim3A_271 = arith.constant 0.000000e+00 : f32
    %broadcast_in_dim3A_272 = vector.broadcast %broadcast_in_dim3A_271 : f32 to vector<16xf32>
    %swap3A_273 = arith.constant 8 : i32
    %swap3A_274 = arith.index_cast %swap3A_273 : i32 to index
    %swap3A_275 = arith.constant 32 : index
    %swap3A_276 = tpu.vector_load %arg9[%swap3A_274, %swap3A_275] {strides = array<i32>} : memref<16x64xf32, #tpu.memory_space<vmem>>, vector<1x16xf32>,
    %swap3A_277 = vector.shape_cast %swap3A_276 : vector<1x16xf32> to vector<16xf32>
    %swap3A_278 = vector.shape_cast %broadcast_in_dim3A_272 : vector<16xf32> to vector<1x16xf32>
    tpu.vector_store %arg9[%swap3A_274, %swap3A_275], %swap3A_278 {strides = array<i32>} : memref<16x64xf32, #tpu.memory_space<vmem>>, vector<1x16xf32>,
    %broadcast_in_dim3A_279 = arith.constant 0.000000e+00 : f32
    %broadcast_in_dim3A_280 = vector.broadcast %broadcast_in_dim3A_279 : f32 to vector<16xf32>
    %swap3A_281 = arith.constant 8 : i32
    %swap3A_282 = arith.index_cast %swap3A_281 : i32 to index
    %swap3A_283 = arith.constant 48 : index
    %swap3A_284 = tpu.vector_load %arg9[%swap3A_282, %swap3A_283] {strides = array<i32>} : memref<16x64xf32, #tpu.memory_space<vmem>>, vector<1x16xf32>,
    %swap3A_285 = vector.shape_cast %swap3A_284 : vector<1x16xf32> to vector<16xf32>
    %swap3A_286 = vector.shape_cast %broadcast_in_dim3A_280 : vector<16xf32> to vector<1x16xf32>
    tpu.vector_store %arg9[%swap3A_282, %swap3A_283], %swap3A_286 {strides = array<i32>} : memref<16x64xf32, #tpu.memory_space<vmem>>, vector<1x16xf32>,
    %broadcast_in_dim3A_287 = arith.constant 0.000000e+00 : f32
    %broadcast_in_dim3A_288 = vector.broadcast %broadcast_in_dim3A_287 : f32 to vector<16xf32>
    %swap3A_289 = arith.constant 9 : i32
    %swap3A_290 = arith.index_cast %swap3A_289 : i32 to index
    %swap3A_291 = arith.constant 0 : index
    %swap3A_292 = tpu.vector_load %arg9[%swap3A_290, %swap3A_291] {strides = array<i32>} : memref<16x64xf32, #tpu.memory_space<vmem>>, vector<1x16xf32>,
    %swap3A_293 = vector.shape_cast %swap3A_292 : vector<1x16xf32> to vector<16xf32>
    %swap3A_294 = vector.shape_cast %broadcast_in_dim3A_288 : vector<16xf32> to vector<1x16xf32>
    tpu.vector_store %arg9[%swap3A_290, %swap3A_291], %swap3A_294 {strides = array<i32>} : memref<16x64xf32, #tpu.memory_space<vmem>>, vector<1x16xf32>,
    %broadcast_in_dim3A_295 = arith.constant 0.000000e+00 : f32
    %broadcast_in_dim3A_296 = vector.broadcast %broadcast_in_dim3A_295 : f32 to vector<16xf32>
    %swap3A_297 = arith.constant 9 : i32
    %swap3A_298 = arith.index_cast %swap3A_297 : i32 to index
    %swap3A_299 = arith.constant 16 : index
    %swap3A_300 = tpu.vector_load %arg9[%swap3A_298, %swap3A_299] {strides = array<i32>} : memref<16x64xf32, #tpu.memory_space<vmem>>, vector<1x16xf32>,
    %swap3A_301 = vector.shape_cast %swap3A_300 : vector<1x16xf32> to vector<16xf32>
    %swap3A_302 = vector.shape_cast %broadcast_in_dim3A_296 : vector<16xf32> to vector<1x16xf32>
    tpu.vector_store %arg9[%swap3A_298, %swap3A_299], %swap3A_302 {strides = array<i32>} : memref<16x64xf32, #tpu.memory_space<vmem>>, vector<1x16xf32>,
    %broadcast_in_dim3A_303 = arith.constant 0.000000e+00 : f32
    %broadcast_in_dim3A_304 = vector.broadcast %broadcast_in_dim3A_303 : f32 to vector<16xf32>
    %swap3A_305 = arith.constant 9 : i32
    %swap3A_306 = arith.index_cast %swap3A_305 : i32 to index
    %swap3A_307 = arith.constant 32 : index
    %swap3A_308 = tpu.vector_load %arg9[%swap3A_306, %swap3A_307] {strides = array<i32>} : memref<16x64xf32, #tpu.memory_space<vmem>>, vector<1x16xf32>,
    %swap3A_309 = vector.shape_cast %swap3A_308 : vector<1x16xf32> to vector<16xf32>
    %swap3A_310 = vector.shape_cast %broadcast_in_dim3A_304 : vector<16xf32> to vector<1x16xf32>
    tpu.vector_store %arg9[%swap3A_306, %swap3A_307], %swap3A_310 {strides = array<i32>} : memref<16x64xf32, #tpu.memory_space<vmem>>, vector<1x16xf32>,
    %broadcast_in_dim3A_311 = arith.constant 0.000000e+00 : f32
    %broadcast_in_dim3A_312 = vector.broadcast %broadcast_in_dim3A_311 : f32 to vector<16xf32>
    %swap3A_313 = arith.constant 9 : i32
    %swap3A_314 = arith.index_cast %swap3A_313 : i32 to index
    %swap3A_315 = arith.constant 48 : index
    %swap3A_316 = tpu.vector_load %arg9[%swap3A_314, %swap3A_315] {strides = array<i32>} : memref<16x64xf32, #tpu.memory_space<vmem>>, vector<1x16xf32>,
    %swap3A_317 = vector.shape_cast %swap3A_316 : vector<1x16xf32> to vector<16xf32>
    %swap3A_318 = vector.shape_cast %broadcast_in_dim3A_312 : vector<16xf32> to vector<1x16xf32>
    tpu.vector_store %arg9[%swap3A_314, %swap3A_315], %swap3A_318 {strides = array<i32>} : memref<16x64xf32, #tpu.memory_space<vmem>>, vector<1x16xf32>,
    %broadcast_in_dim3A_319 = arith.constant 0.000000e+00 : f32
    %broadcast_in_dim3A_320 = vector.broadcast %broadcast_in_dim3A_319 : f32 to vector<16xf32>
    %swap3A_321 = arith.constant 10 : i32
    %swap3A_322 = arith.index_cast %swap3A_321 : i32 to index
    %swap3A_323 = arith.constant 0 : index
    %swap3A_324 = tpu.vector_load %arg9[%swap3A_322, %swap3A_323] {strides = array<i32>} : memref<16x64xf32, #tpu.memory_space<vmem>>, vector<1x16xf32>,
    %swap3A_325 = vector.shape_cast %swap3A_324 : vector<1x16xf32> to vector<16xf32>
    %swap3A_326 = vector.shape_cast %broadcast_in_dim3A_320 : vector<16xf32> to vector<1x16xf32>
    tpu.vector_store %arg9[%swap3A_322, %swap3A_323], %swap3A_326 {strides = array<i32>} : memref<16x64xf32, #tpu.memory_space<vmem>>, vector<1x16xf32>,
    %broadcast_in_dim3A_327 = arith.constant 0.000000e+00 : f32
    %broadcast_in_dim3A_328 = vector.broadcast %broadcast_in_dim3A_327 : f32 to vector<16xf32>
    %swap3A_329 = arith.constant 10 : i32
    %swap3A_330 = arith.index_cast %swap3A_329 : i32 to index
    %swap3A_331 = arith.constant 16 : index
    %swap3A_332 = tpu.vector_load %arg9[%swap3A_330, %swap3A_331] {strides = array<i32>} : memref<16x64xf32, #tpu.memory_space<vmem>>, vector<1x16xf32>,
    %swap3A_333 = vector.shape_cast %swap3A_332 : vector<1x16xf32> to vector<16xf32>
    %swap3A_334 = vector.shape_cast %broadcast_in_dim3A_328 : vector<16xf32> to vector<1x16xf32>
    tpu.vector_store %arg9[%swap3A_330, %swap3A_331], %swap3A_334 {strides = array<i32>} : memref<16x64xf32, #tpu.memory_space<vmem>>, vector<1x16xf32>,
    %broadcast_in_dim3A_335 = arith.constant 0.000000e+00 : f32
    %broadcast_in_dim3A_336 = vector.broadcast %broadcast_in_dim3A_335 : f32 to vector<16xf32>
    %swap3A_337 = arith.constant 10 : i32
    %swap3A_338 = arith.index_cast %swap3A_337 : i32 to index
    %swap3A_339 = arith.constant 32 : index
    %swap3A_340 = tpu.vector_load %arg9[%swap3A_338, %swap3A_339] {strides = array<i32>} : memref<16x64xf32, #tpu.memory_space<vmem>>, vector<1x16xf32>,
    %swap3A_341 = vector.shape_cast %swap3A_340 : vector<1x16xf32> to vector<16xf32>
    %swap3A_342 = vector.shape_cast %broadcast_in_dim3A_336 : vector<16xf32> to vector<1x16xf32>
    tpu.vector_store %arg9[%swap3A_338, %swap3A_339], %swap3A_342 {strides = array<i32>} : memref<16x64xf32, #tpu.memory_space<vmem>>, vector<1x16xf32>,
    %broadcast_in_dim3A_343 = arith.constant 0.000000e+00 : f32
    %broadcast_in_dim3A_344 = vector.broadcast %broadcast_in_dim3A_343 : f32 to vector<16xf32>
    %swap3A_345 = arith.constant 10 : i32
    %swap3A_346 = arith.index_cast %swap3A_345 : i32 to index
    %swap3A_347 = arith.constant 48 : index
    %swap3A_348 = tpu.vector_load %arg9[%swap3A_346, %swap3A_347] {strides = array<i32>} : memref<16x64xf32, #tpu.memory_space<vmem>>, vector<1x16xf32>,
    %swap3A_349 = vector.shape_cast %swap3A_348 : vector<1x16xf32> to vector<16xf32>
    %swap3A_350 = vector.shape_cast %broadcast_in_dim3A_344 : vector<16xf32> to vector<1x16xf32>
    tpu.vector_store %arg9[%swap3A_346, %swap3A_347], %swap3A_350 {strides = array<i32>} : memref<16x64xf32, #tpu.memory_space<vmem>>, vector<1x16xf32>,
    %broadcast_in_dim3A_351 = arith.constant 0.000000e+00 : f32
    %broadcast_in_dim3A_352 = vector.broadcast %broadcast_in_dim3A_351 : f32 to vector<16xf32>
    %swap3A_353 = arith.constant 11 : i32
    %swap3A_354 = arith.index_cast %swap3A_353 : i32 to index
    %swap3A_355 = arith.constant 0 : index
    %swap3A_356 = tpu.vector_load %arg9[%swap3A_354, %swap3A_355] {strides = array<i32>} : memref<16x64xf32, #tpu.memory_space<vmem>>, vector<1x16xf32>,
    %swap3A_357 = vector.shape_cast %swap3A_356 : vector<1x16xf32> to vector<16xf32>
    %swap3A_358 = vector.shape_cast %broadcast_in_dim3A_352 : vector<16xf32> to vector<1x16xf32>
    tpu.vector_store %arg9[%swap3A_354, %swap3A_355], %swap3A_358 {strides = array<i32>} : memref<16x64xf32, #tpu.memory_space<vmem>>, vector<1x16xf32>,
    %broadcast_in_dim3A_359 = arith.constant 0.000000e+00 : f32
    %broadcast_in_dim3A_360 = vector.broadcast %broadcast_in_dim3A_359 : f32 to vector<16xf32>
    %swap3A_361 = arith.constant 11 : i32
    %swap3A_362 = arith.index_cast %swap3A_361 : i32 to index
    %swap3A_363 = arith.constant 16 : index
    %swap3A_364 = tpu.vector_load %arg9[%swap3A_362, %swap3A_363] {strides = array<i32>} : memref<16x64xf32, #tpu.memory_space<vmem>>, vector<1x16xf32>,
    %swap3A_365 = vector.shape_cast %swap3A_364 : vector<1x16xf32> to vector<16xf32>
    %swap3A_366 = vector.shape_cast %broadcast_in_dim3A_360 : vector<16xf32> to vector<1x16xf32>
    tpu.vector_store %arg9[%swap3A_362, %swap3A_363], %swap3A_366 {strides = array<i32>} : memref<16x64xf32, #tpu.memory_space<vmem>>, vector<1x16xf32>,
    %broadcast_in_dim3A_367 = arith.constant 0.000000e+00 : f32
    %broadcast_in_dim3A_368 = vector.broadcast %broadcast_in_dim3A_367 : f32 to vector<16xf32>
    %swap3A_369 = arith.constant 11 : i32
    %swap3A_370 = arith.index_cast %swap3A_369 : i32 to index
    %swap3A_371 = arith.constant 32 : index
    %swap3A_372 = tpu.vector_load %arg9[%swap3A_370, %swap3A_371] {strides = array<i32>} : memref<16x64xf32, #tpu.memory_space<vmem>>, vector<1x16xf32>,
    %swap3A_373 = vector.shape_cast %swap3A_372 : vector<1x16xf32> to vector<16xf32>
    %swap3A_374 = vector.shape_cast %broadcast_in_dim3A_368 : vector<16xf32> to vector<1x16xf32>
    tpu.vector_store %arg9[%swap3A_370, %swap3A_371], %swap3A_374 {strides = array<i32>} : memref<16x64xf32, #tpu.memory_space<vmem>>, vector<1x16xf32>,
    %broadcast_in_dim3A_375 = arith.constant 0.000000e+00 : f32
    %broadcast_in_dim3A_376 = vector.broadcast %broadcast_in_dim3A_375 : f32 to vector<16xf32>
    %swap3A_377 = arith.constant 11 : i32
    %swap3A_378 = arith.index_cast %swap3A_377 : i32 to index
    %swap3A_379 = arith.constant 48 : index
    %swap3A_380 = tpu.vector_load %arg9[%swap3A_378, %swap3A_379] {strides = array<i32>} : memref<16x64xf32, #tpu.memory_space<vmem>>, vector<1x16xf32>,
    %swap3A_381 = vector.shape_cast %swap3A_380 : vector<1x16xf32> to vector<16xf32>
    %swap3A_382 = vector.shape_cast %broadcast_in_dim3A_376 : vector<16xf32> to vector<1x16xf32>
    tpu.vector_store %arg9[%swap3A_378, %swap3A_379], %swap3A_382 {strides = array<i32>} : memref<16x64xf32, #tpu.memory_space<vmem>>, vector<1x16xf32>,
    %broadcast_in_dim3A_383 = arith.constant 0.000000e+00 : f32
    %broadcast_in_dim3A_384 = vector.broadcast %broadcast_in_dim3A_383 : f32 to vector<16xf32>
    %swap3A_385 = arith.constant 12 : i32
    %swap3A_386 = arith.index_cast %swap3A_385 : i32 to index
    %swap3A_387 = arith.constant 0 : index
    %swap3A_388 = tpu.vector_load %arg9[%swap3A_386, %swap3A_387] {strides = array<i32>} : memref<16x64xf32, #tpu.memory_space<vmem>>, vector<1x16xf32>,
    %swap3A_389 = vector.shape_cast %swap3A_388 : vector<1x16xf32> to vector<16xf32>
    %swap3A_390 = vector.shape_cast %broadcast_in_dim3A_384 : vector<16xf32> to vector<1x16xf32>
    tpu.vector_store %arg9[%swap3A_386, %swap3A_387], %swap3A_390 {strides = array<i32>} : memref<16x64xf32, #tpu.memory_space<vmem>>, vector<1x16xf32>,
    %broadcast_in_dim3A_391 = arith.constant 0.000000e+00 : f32
    %broadcast_in_dim3A_392 = vector.broadcast %broadcast_in_dim3A_391 : f32 to vector<16xf32>
    %swap3A_393 = arith.constant 12 : i32
    %swap3A_394 = arith.index_cast %swap3A_393 : i32 to index
    %swap3A_395 = arith.constant 16 : index
    %swap3A_396 = tpu.vector_load %arg9[%swap3A_394, %swap3A_395] {strides = array<i32>} : memref<16x64xf32, #tpu.memory_space<vmem>>, vector<1x16xf32>,
    %swap3A_397 = vector.shape_cast %swap3A_396 : vector<1x16xf32> to vector<16xf32>
    %swap3A_398 = vector.shape_cast %broadcast_in_dim3A_392 : vector<16xf32> to vector<1x16xf32>
    tpu.vector_store %arg9[%swap3A_394, %swap3A_395], %swap3A_398 {strides = array<i32>} : memref<16x64xf32, #tpu.memory_space<vmem>>, vector<1x16xf32>,
    %broadcast_in_dim3A_399 = arith.constant 0.000000e+00 : f32
    %broadcast_in_dim3A_400 = vector.broadcast %broadcast_in_dim3A_399 : f32 to vector<16xf32>
    %swap3A_401 = arith.constant 12 : i32
    %swap3A_402 = arith.index_cast %swap3A_401 : i32 to index
    %swap3A_403 = arith.constant 32 : index
    %swap3A_404 = tpu.vector_load %arg9[%swap3A_402, %swap3A_403] {strides = array<i32>} : memref<16x64xf32, #tpu.memory_space<vmem>>, vector<1x16xf32>,
    %swap3A_405 = vector.shape_cast %swap3A_404 : vector<1x16xf32> to vector<16xf32>
    %swap3A_406 = vector.shape_cast %broadcast_in_dim3A_400 : vector<16xf32> to vector<1x16xf32>
    tpu.vector_store %arg9[%swap3A_402, %swap3A_403], %swap3A_406 {strides = array<i32>} : memref<16x64xf32, #tpu.memory_space<vmem>>, vector<1x16xf32>,
    %broadcast_in_dim3A_407 = arith.constant 0.000000e+00 : f32
    %broadcast_in_dim3A_408 = vector.broadcast %broadcast_in_dim3A_407 : f32 to vector<16xf32>
    %swap3A_409 = arith.constant 12 : i32
    %swap3A_410 = arith.index_cast %swap3A_409 : i32 to index
    %swap3A_411 = arith.constant 48 : index
    %swap3A_412 = tpu.vector_load %arg9[%swap3A_410, %swap3A_411] {strides = array<i32>} : memref<16x64xf32, #tpu.memory_space<vmem>>, vector<1x16xf32>,
    %swap3A_413 = vector.shape_cast %swap3A_412 : vector<1x16xf32> to vector<16xf32>
    %swap3A_414 = vector.shape_cast %broadcast_in_dim3A_408 : vector<16xf32> to vector<1x16xf32>
    tpu.vector_store %arg9[%swap3A_410, %swap3A_411], %swap3A_414 {strides = array<i32>} : memref<16x64xf32, #tpu.memory_space<vmem>>, vector<1x16xf32>,
    %broadcast_in_dim3A_415 = arith.constant 0.000000e+00 : f32
    %broadcast_in_dim3A_416 = vector.broadcast %broadcast_in_dim3A_415 : f32 to vector<16xf32>
    %swap3A_417 = arith.constant 13 : i32
    %swap3A_418 = arith.index_cast %swap3A_417 : i32 to index
    %swap3A_419 = arith.constant 0 : index
    %swap3A_420 = tpu.vector_load %arg9[%swap3A_418, %swap3A_419] {strides = array<i32>} : memref<16x64xf32, #tpu.memory_space<vmem>>, vector<1x16xf32>,
    %swap3A_421 = vector.shape_cast %swap3A_420 : vector<1x16xf32> to vector<16xf32>
    %swap3A_422 = vector.shape_cast %broadcast_in_dim3A_416 : vector<16xf32> to vector<1x16xf32>
    tpu.vector_store %arg9[%swap3A_418, %swap3A_419], %swap3A_422 {strides = array<i32>} : memref<16x64xf32, #tpu.memory_space<vmem>>, vector<1x16xf32>,
    %broadcast_in_dim3A_423 = arith.constant 0.000000e+00 : f32
    %broadcast_in_dim3A_424 = vector.broadcast %broadcast_in_dim3A_423 : f32 to vector<16xf32>
    %swap3A_425 = arith.constant 13 : i32
    %swap3A_426 = arith.index_cast %swap3A_425 : i32 to index
    %swap3A_427 = arith.constant 16 : index
    %swap3A_428 = tpu.vector_load %arg9[%swap3A_426, %swap3A_427] {strides = array<i32>} : memref<16x64xf32, #tpu.memory_space<vmem>>, vector<1x16xf32>,
    %swap3A_429 = vector.shape_cast %swap3A_428 : vector<1x16xf32> to vector<16xf32>
    %swap3A_430 = vector.shape_cast %broadcast_in_dim3A_424 : vector<16xf32> to vector<1x16xf32>
    tpu.vector_store %arg9[%swap3A_426, %swap3A_427], %swap3A_430 {strides = array<i32>} : memref<16x64xf32, #tpu.memory_space<vmem>>, vector<1x16xf32>,
    %broadcast_in_dim3A_431 = arith.constant 0.000000e+00 : f32
    %broadcast_in_dim3A_432 = vector.broadcast %broadcast_in_dim3A_431 : f32 to vector<16xf32>
    %swap3A_433 = arith.constant 13 : i32
    %swap3A_434 = arith.index_cast %swap3A_433 : i32 to index
    %swap3A_435 = arith.constant 32 : index
    %swap3A_436 = tpu.vector_load %arg9[%swap3A_434, %swap3A_435] {strides = array<i32>} : memref<16x64xf32, #tpu.memory_space<vmem>>, vector<1x16xf32>,
    %swap3A_437 = vector.shape_cast %swap3A_436 : vector<1x16xf32> to vector<16xf32>
    %swap3A_438 = vector.shape_cast %broadcast_in_dim3A_432 : vector<16xf32> to vector<1x16xf32>
    tpu.vector_store %arg9[%swap3A_434, %swap3A_435], %swap3A_438 {strides = array<i32>} : memref<16x64xf32, #tpu.memory_space<vmem>>, vector<1x16xf32>,
    %broadcast_in_dim3A_439 = arith.constant 0.000000e+00 : f32
    %broadcast_in_dim3A_440 = vector.broadcast %broadcast_in_dim3A_439 : f32 to vector<16xf32>
    %swap3A_441 = arith.constant 13 : i32
    %swap3A_442 = arith.index_cast %swap3A_441 : i32 to index
    %swap3A_443 = arith.constant 48 : index
    %swap3A_444 = tpu.vector_load %arg9[%swap3A_442, %swap3A_443] {strides = array<i32>} : memref<16x64xf32, #tpu.memory_space<vmem>>, vector<1x16xf32>,
    %swap3A_445 = vector.shape_cast %swap3A_444 : vector<1x16xf32> to vector<16xf32>
    %swap3A_446 = vector.shape_cast %broadcast_in_dim3A_440 : vector<16xf32> to vector<1x16xf32>
    tpu.vector_store %arg9[%swap3A_442, %swap3A_443], %swap3A_446 {strides = array<i32>} : memref<16x64xf32, #tpu.memory_space<vmem>>, vector<1x16xf32>,
    %broadcast_in_dim3A_447 = arith.constant 0.000000e+00 : f32
    %broadcast_in_dim3A_448 = vector.broadcast %broadcast_in_dim3A_447 : f32 to vector<16xf32>
    %swap3A_449 = arith.constant 14 : i32
    %swap3A_450 = arith.index_cast %swap3A_449 : i32 to index
    %swap3A_451 = arith.constant 0 : index
    %swap3A_452 = tpu.vector_load %arg9[%swap3A_450, %swap3A_451] {strides = array<i32>} : memref<16x64xf32, #tpu.memory_space<vmem>>, vector<1x16xf32>,
    %swap3A_453 = vector.shape_cast %swap3A_452 : vector<1x16xf32> to vector<16xf32>
    %swap3A_454 = vector.shape_cast %broadcast_in_dim3A_448 : vector<16xf32> to vector<1x16xf32>
    tpu.vector_store %arg9[%swap3A_450, %swap3A_451], %swap3A_454 {strides = array<i32>} : memref<16x64xf32, #tpu.memory_space<vmem>>, vector<1x16xf32>,
    %broadcast_in_dim3A_455 = arith.constant 0.000000e+00 : f32
    %broadcast_in_dim3A_456 = vector.broadcast %broadcast_in_dim3A_455 : f32 to vector<16xf32>
    %swap3A_457 = arith.constant 14 : i32
    %swap3A_458 = arith.index_cast %swap3A_457 : i32 to index
    %swap3A_459 = arith.constant 16 : index
    %swap3A_460 = tpu.vector_load %arg9[%swap3A_458, %swap3A_459] {strides = array<i32>} : memref<16x64xf32, #tpu.memory_space<vmem>>, vector<1x16xf32>,
    %swap3A_461 = vector.shape_cast %swap3A_460 : vector<1x16xf32> to vector<16xf32>
    %swap3A_462 = vector.shape_cast %broadcast_in_dim3A_456 : vector<16xf32> to vector<1x16xf32>
    tpu.vector_store %arg9[%swap3A_458, %swap3A_459], %swap3A_462 {strides = array<i32>} : memref<16x64xf32, #tpu.memory_space<vmem>>, vector<1x16xf32>,
    %broadcast_in_dim3A_463 = arith.constant 0.000000e+00 : f32
    %broadcast_in_dim3A_464 = vector.broadcast %broadcast_in_dim3A_463 : f32 to vector<16xf32>
    %swap3A_465 = arith.constant 14 : i32
    %swap3A_466 = arith.index_cast %swap3A_465 : i32 to index
    %swap3A_467 = arith.constant 32 : index
    %swap3A_468 = tpu.vector_load %arg9[%swap3A_466, %swap3A_467] {strides = array<i32>} : memref<16x64xf32, #tpu.memory_space<vmem>>, vector<1x16xf32>,
    %swap3A_469 = vector.shape_cast %swap3A_468 : vector<1x16xf32> to vector<16xf32>
    %swap3A_470 = vector.shape_cast %broadcast_in_dim3A_464 : vector<16xf32> to vector<1x16xf32>
    tpu.vector_store %arg9[%swap3A_466, %swap3A_467], %swap3A_470 {strides = array<i32>} : memref<16x64xf32, #tpu.memory_space<vmem>>, vector<1x16xf32>,
    %broadcast_in_dim3A_471 = arith.constant 0.000000e+00 : f32
    %broadcast_in_dim3A_472 = vector.broadcast %broadcast_in_dim3A_471 : f32 to vector<16xf32>
    %swap3A_473 = arith.constant 14 : i32
    %swap3A_474 = arith.index_cast %swap3A_473 : i32 to index
    %swap3A_475 = arith.constant 48 : index
    %swap3A_476 = tpu.vector_load %arg9[%swap3A_474, %swap3A_475] {strides = array<i32>} : memref<16x64xf32, #tpu.memory_space<vmem>>, vector<1x16xf32>,
    %swap3A_477 = vector.shape_cast %swap3A_476 : vector<1x16xf32> to vector<16xf32>
    %swap3A_478 = vector.shape_cast %broadcast_in_dim3A_472 : vector<16xf32> to vector<1x16xf32>
    tpu.vector_store %arg9[%swap3A_474, %swap3A_475], %swap3A_478 {strides = array<i32>} : memref<16x64xf32, #tpu.memory_space<vmem>>, vector<1x16xf32>,
    %broadcast_in_dim3A_479 = arith.constant 0.000000e+00 : f32
    %broadcast_in_dim3A_480 = vector.broadcast %broadcast_in_dim3A_479 : f32 to vector<16xf32>
    %swap3A_481 = arith.constant 15 : i32
    %swap3A_482 = arith.index_cast %swap3A_481 : i32 to index
    %swap3A_483 = arith.constant 0 : index
    %swap3A_484 = tpu.vector_load %arg9[%swap3A_482, %swap3A_483] {strides = array<i32>} : memref<16x64xf32, #tpu.memory_space<vmem>>, vector<1x16xf32>,
    %swap3A_485 = vector.shape_cast %swap3A_484 : vector<1x16xf32> to vector<16xf32>
    %swap3A_486 = vector.shape_cast %broadcast_in_dim3A_480 : vector<16xf32> to vector<1x16xf32>
    tpu.vector_store %arg9[%swap3A_482, %swap3A_483], %swap3A_486 {strides = array<i32>} : memref<16x64xf32, #tpu.memory_space<vmem>>, vector<1x16xf32>,
    %broadcast_in_dim3A_487 = arith.constant 0.000000e+00 : f32
    %broadcast_in_dim3A_488 = vector.broadcast %broadcast_in_dim3A_487 : f32 to vector<16xf32>
    %swap3A_489 = arith.constant 15 : i32
    %swap3A_490 = arith.index_cast %swap3A_489 : i32 to index
    %swap3A_491 = arith.constant 16 : index
    %swap3A_492 = tpu.vector_load %arg9[%swap3A_490, %swap3A_491] {strides = array<i32>} : memref<16x64xf32, #tpu.memory_space<vmem>>, vector<1x16xf32>,
    %swap3A_493 = vector.shape_cast %swap3A_492 : vector<1x16xf32> to vector<16xf32>
    %swap3A_494 = vector.shape_cast %broadcast_in_dim3A_488 : vector<16xf32> to vector<1x16xf32>
    tpu.vector_store %arg9[%swap3A_490, %swap3A_491], %swap3A_494 {strides = array<i32>} : memref<16x64xf32, #tpu.memory_space<vmem>>, vector<1x16xf32>,
    %broadcast_in_dim3A_495 = arith.constant 0.000000e+00 : f32
    %broadcast_in_dim3A_496 = vector.broadcast %broadcast_in_dim3A_495 : f32 to vector<16xf32>
    %swap3A_497 = arith.constant 15 : i32
    %swap3A_498 = arith.index_cast %swap3A_497 : i32 to index
    %swap3A_499 = arith.constant 32 : index
    %swap3A_500 = tpu.vector_load %arg9[%swap3A_498, %swap3A_499] {strides = array<i32>} : memref<16x64xf32, #tpu.memory_space<vmem>>, vector<1x16xf32>,
    %swap3A_501 = vector.shape_cast %swap3A_500 : vector<1x16xf32> to vector<16xf32>
    %swap3A_502 = vector.shape_cast %broadcast_in_dim3A_496 : vector<16xf32> to vector<1x16xf32>
    tpu.vector_store %arg9[%swap3A_498, %swap3A_499], %swap3A_502 {strides = array<i32>} : memref<16x64xf32, #tpu.memory_space<vmem>>, vector<1x16xf32>,
    %broadcast_in_dim3A_503 = arith.constant 0.000000e+00 : f32
    %broadcast_in_dim3A_504 = vector.broadcast %broadcast_in_dim3A_503 : f32 to vector<16xf32>
    %swap3A_505 = arith.constant 15 : i32
    %swap3A_506 = arith.index_cast %swap3A_505 : i32 to index
    %swap3A_507 = arith.constant 48 : index
    %swap3A_508 = tpu.vector_load %arg9[%swap3A_506, %swap3A_507] {strides = array<i32>} : memref<16x64xf32, #tpu.memory_space<vmem>>, vector<1x16xf32>,
    %swap3A_509 = vector.shape_cast %swap3A_508 : vector<1x16xf32> to vector<16xf32>
    %swap3A_510 = vector.shape_cast %broadcast_in_dim3A_504 : vector<16xf32> to vector<1x16xf32>
    tpu.vector_store %arg9[%swap3A_506, %swap3A_507], %swap3A_510 {strides = array<i32>} : memref<16x64xf32, #tpu.memory_space<vmem>>, vector<1x16xf32>,
    %scan3A = arith.constant 0 : i32
    %scan3A_511 = arith.constant 0 : i32
    %scan3A_512 = arith.constant 40 : i32
    %scan3A_513 = arith.addi %scan3A_511, %scan3A_512 : i32
    %scan3A_514 = arith.constant 1 : i32
    scf.for %scan3A_529 = %scan3A_511 to %scan3A_513 step %scan3A_514  : i32 {
      %mul3A_530 = arith.constant 640 : i32
      %mul3A_531 = arith.muli %arg1, %mul3A_530 : i32
      %mul3A_532 = arith.constant 16 : i32
      %mul3A_533 = arith.muli %scan3A_529, %mul3A_532 : i32
      %add3A_534 = arith.addi %mul3A_531, %mul3A_533 : i32
      "tpu.region"() ({
        %run_scoped3A = tpu.sem_alloc : memref<!tpu.dma_semaphore, #tpu.memory_space<semaphore_mem>>
        %dma_start3A = arith.constant 0 : i32
        %dma_start3A_535 = tpu.memref_slice %arg10[%add3A_534, %dma_start3A] : memref<10240x64xf32, #tpu.memory_space<vmem_shared>> -> memref<16x64xf32, #tpu.memory_space<vmem_shared>>
        %dma_start3A_536 = arith.constant 0 : i32
        %dma_start3A_537 = tpu.memref_slice %arg10[%add3A_534, %dma_start3A_536] : memref<10240x64xf32, #tpu.memory_space<vmem_shared>> -> memref<16x64xf32, #tpu.memory_space<vmem_shared>>
        tpu.enqueue_dma source(%arg9 : memref<16x64xf32, #tpu.memory_space<vmem>>) target(%dma_start3A_537 : memref<16x64xf32, #tpu.memory_space<vmem_shared>>) target_semaphore(%run_scoped3A : memref<!tpu.dma_semaphore, #tpu.memory_space<semaphore_mem>>)
        %dma_wait3A = arith.constant 0 : i32
        %dma_wait3A_538 = tpu.memref_slice %arg10[%add3A_534, %dma_wait3A] : memref<10240x64xf32, #tpu.memory_space<vmem_shared>> -> memref<16x64xf32, #tpu.memory_space<vmem_shared>>
        %dma_wait3A_539 = arith.constant 0 : i32
        %dma_wait3A_540 = tpu.memref_slice %arg10[%add3A_534, %dma_wait3A_539] : memref<10240x64xf32, #tpu.memory_space<vmem_shared>> -> memref<16x64xf32, #tpu.memory_space<vmem_shared>>
        tpu.wait_dma2 semaphore(%run_scoped3A : memref<!tpu.dma_semaphore, #tpu.memory_space<semaphore_mem>>) src(%arg9 : memref<16x64xf32, #tpu.memory_space<vmem>>) dst(%dma_wait3A_540 : memref<16x64xf32, #tpu.memory_space<vmem_shared>>)
        tpu.yield
      }) : () -> ()
    }
    %scan3A_515 = arith.constant 40 : i32
    %barrier3A = arith.constant 0 : index
    tpu.barrier barrier_id(%barrier3A)
    %mul3A_516 = arith.constant 10112 : i32
    %mul3A_517 = arith.muli %add3A, %mul3A_516 : i32
    %scan3A_518 = arith.constant 0 : i32
    %scan3A_519 = arith.constant 0 : i32
    %scan3A_520 = arith.constant 79 : i32
    %scan3A_521 = arith.addi %scan3A_519, %scan3A_520 : i32
    %scan3A_522 = arith.constant 1 : i32
    scf.for %scan3A_529 = %scan3A_519 to %scan3A_521 step %scan3A_522  : i32 {
      %mul3A_530 = arith.constant 128 : i32
      %mul3A_531 = arith.muli %scan3A_529, %mul3A_530 : i32
      %add3A_532 = arith.addi %mul3A_517, %mul3A_531 : i32
      "tpu.region"() ({
        %run_scoped3A = tpu.sem_alloc : memref<!tpu.dma_semaphore, #tpu.memory_space<semaphore_mem>>
        %dma_start3A_537 = tpu.memref_slice %arg3[%add3A_532] : memref<323584xi32, #tpu.memory_space<hbm>> -> memref<128xi32, #tpu.memory_space<hbm>>
        %dma_start3A_538 = tpu.memref_slice %arg3[%add3A_532] : memref<323584xi32, #tpu.memory_space<hbm>> -> memref<128xi32, #tpu.memory_space<hbm>>
        tpu.enqueue_dma source(%dma_start3A_538 : memref<128xi32, #tpu.memory_space<hbm>>) target(%arg6 : memref<128xi32, #tpu.memory_space<vmem>>) target_semaphore(%run_scoped3A : memref<!tpu.dma_semaphore, #tpu.memory_space<semaphore_mem>>)
        %dma_wait3A_539 = tpu.memref_slice %arg3[%add3A_532] : memref<323584xi32, #tpu.memory_space<hbm>> -> memref<128xi32, #tpu.memory_space<hbm>>
        %dma_wait3A_540 = tpu.memref_slice %arg3[%add3A_532] : memref<323584xi32, #tpu.memory_space<hbm>> -> memref<128xi32, #tpu.memory_space<hbm>>
        tpu.wait_dma2 semaphore(%run_scoped3A : memref<!tpu.dma_semaphore, #tpu.memory_space<semaphore_mem>>) src(%dma_wait3A_540 : memref<128xi32, #tpu.memory_space<hbm>>) dst(%arg6 : memref<128xi32, #tpu.memory_space<vmem>>)
        tpu.yield
      }) : () -> ()
      "tpu.region"() ({
        %run_scoped3A = tpu.sem_alloc : memref<!tpu.dma_semaphore, #tpu.memory_space<semaphore_mem>>
        %dma_start3A_537 = tpu.memref_slice %arg4[%add3A_532] : memref<323584xi32, #tpu.memory_space<hbm>> -> memref<128xi32, #tpu.memory_space<hbm>>
        %dma_start3A_538 = tpu.memref_slice %arg4[%add3A_532] : memref<323584xi32, #tpu.memory_space<hbm>> -> memref<128xi32, #tpu.memory_space<hbm>>
        tpu.enqueue_dma source(%dma_start3A_538 : memref<128xi32, #tpu.memory_space<hbm>>) target(%arg7 : memref<128xi32, #tpu.memory_space<vmem>>) target_semaphore(%run_scoped3A : memref<!tpu.dma_semaphore, #tpu.memory_space<semaphore_mem>>)
        %dma_wait3A_539 = tpu.memref_slice %arg4[%add3A_532] : memref<323584xi32, #tpu.memory_space<hbm>> -> memref<128xi32, #tpu.memory_space<hbm>>
        %dma_wait3A_540 = tpu.memref_slice %arg4[%add3A_532] : memref<323584xi32, #tpu.memory_space<hbm>> -> memref<128xi32, #tpu.memory_space<hbm>>
        tpu.wait_dma2 semaphore(%run_scoped3A : memref<!tpu.dma_semaphore, #tpu.memory_space<semaphore_mem>>) src(%dma_wait3A_540 : memref<128xi32, #tpu.memory_space<hbm>>) dst(%arg7 : memref<128xi32, #tpu.memory_space<vmem>>)
        tpu.yield
      }) : () -> ()
      %dma_start3A = arith.constant 0 : i32
      %dma_start3A_533 = arith.constant 0 : i32
      %dma_start3A_534 = tpu.memref_slice %arg2[%dma_start3A, %dma_start3A_533] : memref<40000x64xf32, #tpu.memory_space<hbm>> -> memref<40000x64xf32, #tpu.memory_space<hbm>>
      tpu.enqueue_indirect_dma source(%dma_start3A_534 : memref<40000x64xf32, #tpu.memory_space<hbm>>) target(%arg8 : memref<128x64xf32, #tpu.memory_space<vmem>>) offsets(%arg6 : memref<128xi32, #tpu.memory_space<vmem>>) semaphore(%arg11 : memref<!tpu.dma_semaphore, #tpu.memory_space<semaphore_mem>>)
      %dma_wait3A = arith.constant 0 : i32
      %dma_wait3A_535 = arith.constant 0 : i32
      %dma_wait3A_536 = tpu.memref_slice %arg2[%dma_wait3A, %dma_wait3A_535] : memref<40000x64xf32, #tpu.memory_space<hbm>> -> memref<40000x64xf32, #tpu.memory_space<hbm>>
      tpu.wait_indirect_dma semaphore(%arg11 : memref<!tpu.dma_semaphore, #tpu.memory_space<semaphore_mem>>) src(%dma_wait3A_536 : memref<40000x64xf32, #tpu.memory_space<hbm>>) dst(%arg8 : memref<128x64xf32, #tpu.memory_space<vmem>>)
      "tpu.region"() ({
        %run_scoped3A = tpu.sem_alloc : memref<!tpu.dma_semaphore, #tpu.memory_space<semaphore_mem>>
        %dma_start3A_537 = arith.constant 0 : i32
        %dma_start3A_538 = arith.constant 0 : i32
        %dma_start3A_539 = tpu.memref_slice %arg10[%dma_start3A_537, %dma_start3A_538] : memref<10240x64xf32, #tpu.memory_space<vmem_shared>> -> memref<10240x64xf32, #tpu.memory_space<vmem_shared>>
        tpu.enqueue_indirect_dma source(%arg8 : memref<128x64xf32, #tpu.memory_space<vmem>>) target(%dma_start3A_539 : memref<10240x64xf32, #tpu.memory_space<vmem_shared>>) offsets(%arg7 : memref<128xi32, #tpu.memory_space<vmem>>) semaphore(%run_scoped3A : memref<!tpu.dma_semaphore, #tpu.memory_space<semaphore_mem>>) {add = true}
        %dma_wait3A_540 = arith.constant 0 : i32
        %dma_wait3A_541 = arith.constant 0 : i32
        %dma_wait3A_542 = tpu.memref_slice %arg10[%dma_wait3A_540, %dma_wait3A_541] : memref<10240x64xf32, #tpu.memory_space<vmem_shared>> -> memref<10240x64xf32, #tpu.memory_space<vmem_shared>>
        tpu.wait_indirect_dma semaphore(%run_scoped3A : memref<!tpu.dma_semaphore, #tpu.memory_space<semaphore_mem>>) src(%arg8 : memref<128x64xf32, #tpu.memory_space<vmem>>) dst(%dma_wait3A_542 : memref<10240x64xf32, #tpu.memory_space<vmem_shared>>)
        tpu.yield
      }) : () -> ()
    }
    %scan3A_523 = arith.constant 79 : i32
    %barrier3A_524 = arith.constant 0 : index
    tpu.barrier barrier_id(%barrier3A_524)
    %mul3A_525 = arith.constant 640 : i32
    %mul3A_526 = arith.muli %arg1, %mul3A_525 : i32
    %mul3A_527 = arith.constant 640 : i32
    %mul3A_528 = arith.muli %arg1, %mul3A_527 : i32
    "tpu.region"() ({
      %run_scoped3A = tpu.sem_alloc : memref<!tpu.dma_semaphore, #tpu.memory_space<semaphore_mem>>
      %dma_start3A = arith.constant 0 : i32
      %dma_start3A_529 = tpu.memref_slice %arg5[%arg0, %mul3A_528, %dma_start3A] : memref<2x10240x64xf32, #tpu.memory_space<hbm>> -> memref<1x640x64xf32, #tpu.memory_space<hbm>>
      %dma_start3A_530 = tpu.memref_squeeze %dma_start3A_529 : memref<1x640x64xf32, #tpu.memory_space<hbm>> -> memref<640x64xf32, #tpu.memory_space<hbm>>
      %dma_start3A_531 = arith.constant 0 : i32
      %dma_start3A_532 = tpu.memref_slice %arg10[%mul3A_526, %dma_start3A_531] : memref<10240x64xf32, #tpu.memory_space<vmem_shared>> -> memref<640x64xf32, #tpu.memory_space<vmem_shared>>
      tpu.enqueue_dma source(%dma_start3A_532 : memref<640x64xf32, #tpu.memory_space<vmem_shared>>) target(%dma_start3A_530 : memref<640x64xf32, #tpu.memory_space<hbm>>) target_semaphore(%run_scoped3A : memref<!tpu.dma_semaphore, #tpu.memory_space<semaphore_mem>>)
      %dma_wait3A = arith.constant 0 : i32
      %dma_wait3A_533 = tpu.memref_slice %arg5[%arg0, %mul3A_528, %dma_wait3A] : memref<2x10240x64xf32, #tpu.memory_space<hbm>> -> memref<1x640x64xf32, #tpu.memory_space<hbm>>
      %dma_wait3A_534 = tpu.memref_squeeze %dma_wait3A_533 : memref<1x640x64xf32, #tpu.memory_space<hbm>> -> memref<640x64xf32, #tpu.memory_space<hbm>>
      %dma_wait3A_535 = arith.constant 0 : i32
      %dma_wait3A_536 = tpu.memref_slice %arg10[%mul3A_526, %dma_wait3A_535] : memref<10240x64xf32, #tpu.memory_space<vmem_shared>> -> memref<640x64xf32, #tpu.memory_space<vmem_shared>>
      tpu.wait_dma2 semaphore(%run_scoped3A : memref<!tpu.dma_semaphore, #tpu.memory_space<semaphore_mem>>) src(%dma_wait3A_536 : memref<640x64xf32, #tpu.memory_space<vmem_shared>>) dst(%dma_wait3A_534 : memref<640x64xf32, #tpu.memory_space<hbm>>)
      tpu.yield
    }) : () -> ()
    return
  }
}

#map = affine_map<(d0, d1) -> (0, 0)>
#map1 = affine_map<(d0, d1) -> (0)>
#map2 = affine_map<(d0, d1) -> (0, 0, 0)>
module attributes {stable_mosaic.version = 14 : i64} {
  func.func @sc_agg(%arg0: i32, %arg1: i32, %arg2: memref<40000x64xf32, #tpu.memory_space<hbm>>, %arg3: memref<323584xi32, #tpu.memory_space<hbm>>, %arg4: memref<323584xi32, #tpu.memory_space<hbm>>, %arg5: memref<2x10240x64xf32, #tpu.memory_space<hbm>>, %arg6: memref<128xi32, #tpu.memory_space<vmem>>, %arg7: memref<128xi32, #tpu.memory_space<vmem>>, %arg8: memref<128x64xf32, #tpu.memory_space<vmem>>, %arg9: memref<16x64xf32, #tpu.memory_space<vmem>>, %arg10: memref<10240x64xf32, #tpu.memory_space<vmem_shared>>, %arg11: memref<!tpu.dma_semaphore, #tpu.memory_space<semaphore_mem>>) attributes {dimension_semantics = [#tpu.dimension_semantics<core_parallel>, #tpu.dimension_semantics<subcore_parallel>], iteration_bounds = array<i64: 2, 16>, scalar_prefetch = 0 : i64, scratch_operands = 6 : i64, tpu.core_type = #tpu.core_type<sc_vector_subcore>, window_params = [{transform_indices = #map}, {transform_indices = #map1}, {transform_indices = #map1}, {transform_indices = #map2}]} {
    %mul3A = arith.constant 2 : i32
    %mul3A_0 = arith.muli %arg1, %mul3A : i32
    %add3A = arith.addi %mul3A_0, %arg0 : i32
    %broadcast_in_dim3A = arith.constant 0.000000e+00 : f32
    %broadcast_in_dim3A_1 = vector.broadcast %broadcast_in_dim3A : f32 to vector<16xf32>
    %swap3A = arith.constant 0 : i32
    %swap3A_2 = arith.index_cast %swap3A : i32 to index
    %swap3A_3 = arith.constant 0 : index
    %swap3A_4 = tpu.vector_load %arg9[%swap3A_2, %swap3A_3] {strides = array<i32>} : memref<16x64xf32, #tpu.memory_space<vmem>>, vector<1x16xf32>,
    %swap3A_5 = vector.shape_cast %swap3A_4 : vector<1x16xf32> to vector<16xf32>
    %swap3A_6 = vector.shape_cast %broadcast_in_dim3A_1 : vector<16xf32> to vector<1x16xf32>
    tpu.vector_store %arg9[%swap3A_2, %swap3A_3], %swap3A_6 {strides = array<i32>} : memref<16x64xf32, #tpu.memory_space<vmem>>, vector<1x16xf32>,
    %broadcast_in_dim3A_7 = arith.constant 0.000000e+00 : f32
    %broadcast_in_dim3A_8 = vector.broadcast %broadcast_in_dim3A_7 : f32 to vector<16xf32>
    %swap3A_9 = arith.constant 0 : i32
    %swap3A_10 = arith.index_cast %swap3A_9 : i32 to index
    %swap3A_11 = arith.constant 16 : index
    %swap3A_12 = tpu.vector_load %arg9[%swap3A_10, %swap3A_11] {strides = array<i32>} : memref<16x64xf32, #tpu.memory_space<vmem>>, vector<1x16xf32>,
    %swap3A_13 = vector.shape_cast %swap3A_12 : vector<1x16xf32> to vector<16xf32>
    %swap3A_14 = vector.shape_cast %broadcast_in_dim3A_8 : vector<16xf32> to vector<1x16xf32>
    tpu.vector_store %arg9[%swap3A_10, %swap3A_11], %swap3A_14 {strides = array<i32>} : memref<16x64xf32, #tpu.memory_space<vmem>>, vector<1x16xf32>,
    %broadcast_in_dim3A_15 = arith.constant 0.000000e+00 : f32
    %broadcast_in_dim3A_16 = vector.broadcast %broadcast_in_dim3A_15 : f32 to vector<16xf32>
    %swap3A_17 = arith.constant 0 : i32
    %swap3A_18 = arith.index_cast %swap3A_17 : i32 to index
    %swap3A_19 = arith.constant 32 : index
    %swap3A_20 = tpu.vector_load %arg9[%swap3A_18, %swap3A_19] {strides = array<i32>} : memref<16x64xf32, #tpu.memory_space<vmem>>, vector<1x16xf32>,
    %swap3A_21 = vector.shape_cast %swap3A_20 : vector<1x16xf32> to vector<16xf32>
    %swap3A_22 = vector.shape_cast %broadcast_in_dim3A_16 : vector<16xf32> to vector<1x16xf32>
    tpu.vector_store %arg9[%swap3A_18, %swap3A_19], %swap3A_22 {strides = array<i32>} : memref<16x64xf32, #tpu.memory_space<vmem>>, vector<1x16xf32>,
    %broadcast_in_dim3A_23 = arith.constant 0.000000e+00 : f32
    %broadcast_in_dim3A_24 = vector.broadcast %broadcast_in_dim3A_23 : f32 to vector<16xf32>
    %swap3A_25 = arith.constant 0 : i32
    %swap3A_26 = arith.index_cast %swap3A_25 : i32 to index
    %swap3A_27 = arith.constant 48 : index
    %swap3A_28 = tpu.vector_load %arg9[%swap3A_26, %swap3A_27] {strides = array<i32>} : memref<16x64xf32, #tpu.memory_space<vmem>>, vector<1x16xf32>,
    %swap3A_29 = vector.shape_cast %swap3A_28 : vector<1x16xf32> to vector<16xf32>
    %swap3A_30 = vector.shape_cast %broadcast_in_dim3A_24 : vector<16xf32> to vector<1x16xf32>
    tpu.vector_store %arg9[%swap3A_26, %swap3A_27], %swap3A_30 {strides = array<i32>} : memref<16x64xf32, #tpu.memory_space<vmem>>, vector<1x16xf32>,
    %broadcast_in_dim3A_31 = arith.constant 0.000000e+00 : f32
    %broadcast_in_dim3A_32 = vector.broadcast %broadcast_in_dim3A_31 : f32 to vector<16xf32>
    %swap3A_33 = arith.constant 1 : i32
    %swap3A_34 = arith.index_cast %swap3A_33 : i32 to index
    %swap3A_35 = arith.constant 0 : index
    %swap3A_36 = tpu.vector_load %arg9[%swap3A_34, %swap3A_35] {strides = array<i32>} : memref<16x64xf32, #tpu.memory_space<vmem>>, vector<1x16xf32>,
    %swap3A_37 = vector.shape_cast %swap3A_36 : vector<1x16xf32> to vector<16xf32>
    %swap3A_38 = vector.shape_cast %broadcast_in_dim3A_32 : vector<16xf32> to vector<1x16xf32>
    tpu.vector_store %arg9[%swap3A_34, %swap3A_35], %swap3A_38 {strides = array<i32>} : memref<16x64xf32, #tpu.memory_space<vmem>>, vector<1x16xf32>,
    %broadcast_in_dim3A_39 = arith.constant 0.000000e+00 : f32
    %broadcast_in_dim3A_40 = vector.broadcast %broadcast_in_dim3A_39 : f32 to vector<16xf32>
    %swap3A_41 = arith.constant 1 : i32
    %swap3A_42 = arith.index_cast %swap3A_41 : i32 to index
    %swap3A_43 = arith.constant 16 : index
    %swap3A_44 = tpu.vector_load %arg9[%swap3A_42, %swap3A_43] {strides = array<i32>} : memref<16x64xf32, #tpu.memory_space<vmem>>, vector<1x16xf32>,
    %swap3A_45 = vector.shape_cast %swap3A_44 : vector<1x16xf32> to vector<16xf32>
    %swap3A_46 = vector.shape_cast %broadcast_in_dim3A_40 : vector<16xf32> to vector<1x16xf32>
    tpu.vector_store %arg9[%swap3A_42, %swap3A_43], %swap3A_46 {strides = array<i32>} : memref<16x64xf32, #tpu.memory_space<vmem>>, vector<1x16xf32>,
    %broadcast_in_dim3A_47 = arith.constant 0.000000e+00 : f32
    %broadcast_in_dim3A_48 = vector.broadcast %broadcast_in_dim3A_47 : f32 to vector<16xf32>
    %swap3A_49 = arith.constant 1 : i32
    %swap3A_50 = arith.index_cast %swap3A_49 : i32 to index
    %swap3A_51 = arith.constant 32 : index
    %swap3A_52 = tpu.vector_load %arg9[%swap3A_50, %swap3A_51] {strides = array<i32>} : memref<16x64xf32, #tpu.memory_space<vmem>>, vector<1x16xf32>,
    %swap3A_53 = vector.shape_cast %swap3A_52 : vector<1x16xf32> to vector<16xf32>
    %swap3A_54 = vector.shape_cast %broadcast_in_dim3A_48 : vector<16xf32> to vector<1x16xf32>
    tpu.vector_store %arg9[%swap3A_50, %swap3A_51], %swap3A_54 {strides = array<i32>} : memref<16x64xf32, #tpu.memory_space<vmem>>, vector<1x16xf32>,
    %broadcast_in_dim3A_55 = arith.constant 0.000000e+00 : f32
    %broadcast_in_dim3A_56 = vector.broadcast %broadcast_in_dim3A_55 : f32 to vector<16xf32>
    %swap3A_57 = arith.constant 1 : i32
    %swap3A_58 = arith.index_cast %swap3A_57 : i32 to index
    %swap3A_59 = arith.constant 48 : index
    %swap3A_60 = tpu.vector_load %arg9[%swap3A_58, %swap3A_59] {strides = array<i32>} : memref<16x64xf32, #tpu.memory_space<vmem>>, vector<1x16xf32>,
    %swap3A_61 = vector.shape_cast %swap3A_60 : vector<1x16xf32> to vector<16xf32>
    %swap3A_62 = vector.shape_cast %broadcast_in_dim3A_56 : vector<16xf32> to vector<1x16xf32>
    tpu.vector_store %arg9[%swap3A_58, %swap3A_59], %swap3A_62 {strides = array<i32>} : memref<16x64xf32, #tpu.memory_space<vmem>>, vector<1x16xf32>,
    %broadcast_in_dim3A_63 = arith.constant 0.000000e+00 : f32
    %broadcast_in_dim3A_64 = vector.broadcast %broadcast_in_dim3A_63 : f32 to vector<16xf32>
    %swap3A_65 = arith.constant 2 : i32
    %swap3A_66 = arith.index_cast %swap3A_65 : i32 to index
    %swap3A_67 = arith.constant 0 : index
    %swap3A_68 = tpu.vector_load %arg9[%swap3A_66, %swap3A_67] {strides = array<i32>} : memref<16x64xf32, #tpu.memory_space<vmem>>, vector<1x16xf32>,
    %swap3A_69 = vector.shape_cast %swap3A_68 : vector<1x16xf32> to vector<16xf32>
    %swap3A_70 = vector.shape_cast %broadcast_in_dim3A_64 : vector<16xf32> to vector<1x16xf32>
    tpu.vector_store %arg9[%swap3A_66, %swap3A_67], %swap3A_70 {strides = array<i32>} : memref<16x64xf32, #tpu.memory_space<vmem>>, vector<1x16xf32>,
    %broadcast_in_dim3A_71 = arith.constant 0.000000e+00 : f32
    %broadcast_in_dim3A_72 = vector.broadcast %broadcast_in_dim3A_71 : f32 to vector<16xf32>
    %swap3A_73 = arith.constant 2 : i32
    %swap3A_74 = arith.index_cast %swap3A_73 : i32 to index
    %swap3A_75 = arith.constant 16 : index
    %swap3A_76 = tpu.vector_load %arg9[%swap3A_74, %swap3A_75] {strides = array<i32>} : memref<16x64xf32, #tpu.memory_space<vmem>>, vector<1x16xf32>,
    %swap3A_77 = vector.shape_cast %swap3A_76 : vector<1x16xf32> to vector<16xf32>
    %swap3A_78 = vector.shape_cast %broadcast_in_dim3A_72 : vector<16xf32> to vector<1x16xf32>
    tpu.vector_store %arg9[%swap3A_74, %swap3A_75], %swap3A_78 {strides = array<i32>} : memref<16x64xf32, #tpu.memory_space<vmem>>, vector<1x16xf32>,
    %broadcast_in_dim3A_79 = arith.constant 0.000000e+00 : f32
    %broadcast_in_dim3A_80 = vector.broadcast %broadcast_in_dim3A_79 : f32 to vector<16xf32>
    %swap3A_81 = arith.constant 2 : i32
    %swap3A_82 = arith.index_cast %swap3A_81 : i32 to index
    %swap3A_83 = arith.constant 32 : index
    %swap3A_84 = tpu.vector_load %arg9[%swap3A_82, %swap3A_83] {strides = array<i32>} : memref<16x64xf32, #tpu.memory_space<vmem>>, vector<1x16xf32>,
    %swap3A_85 = vector.shape_cast %swap3A_84 : vector<1x16xf32> to vector<16xf32>
    %swap3A_86 = vector.shape_cast %broadcast_in_dim3A_80 : vector<16xf32> to vector<1x16xf32>
    tpu.vector_store %arg9[%swap3A_82, %swap3A_83], %swap3A_86 {strides = array<i32>} : memref<16x64xf32, #tpu.memory_space<vmem>>, vector<1x16xf32>,
    %broadcast_in_dim3A_87 = arith.constant 0.000000e+00 : f32
    %broadcast_in_dim3A_88 = vector.broadcast %broadcast_in_dim3A_87 : f32 to vector<16xf32>
    %swap3A_89 = arith.constant 2 : i32
    %swap3A_90 = arith.index_cast %swap3A_89 : i32 to index
    %swap3A_91 = arith.constant 48 : index
    %swap3A_92 = tpu.vector_load %arg9[%swap3A_90, %swap3A_91] {strides = array<i32>} : memref<16x64xf32, #tpu.memory_space<vmem>>, vector<1x16xf32>,
    %swap3A_93 = vector.shape_cast %swap3A_92 : vector<1x16xf32> to vector<16xf32>
    %swap3A_94 = vector.shape_cast %broadcast_in_dim3A_88 : vector<16xf32> to vector<1x16xf32>
    tpu.vector_store %arg9[%swap3A_90, %swap3A_91], %swap3A_94 {strides = array<i32>} : memref<16x64xf32, #tpu.memory_space<vmem>>, vector<1x16xf32>,
    %broadcast_in_dim3A_95 = arith.constant 0.000000e+00 : f32
    %broadcast_in_dim3A_96 = vector.broadcast %broadcast_in_dim3A_95 : f32 to vector<16xf32>
    %swap3A_97 = arith.constant 3 : i32
    %swap3A_98 = arith.index_cast %swap3A_97 : i32 to index
    %swap3A_99 = arith.constant 0 : index
    %swap3A_100 = tpu.vector_load %arg9[%swap3A_98, %swap3A_99] {strides = array<i32>} : memref<16x64xf32, #tpu.memory_space<vmem>>, vector<1x16xf32>,
    %swap3A_101 = vector.shape_cast %swap3A_100 : vector<1x16xf32> to vector<16xf32>
    %swap3A_102 = vector.shape_cast %broadcast_in_dim3A_96 : vector<16xf32> to vector<1x16xf32>
    tpu.vector_store %arg9[%swap3A_98, %swap3A_99], %swap3A_102 {strides = array<i32>} : memref<16x64xf32, #tpu.memory_space<vmem>>, vector<1x16xf32>,
    %broadcast_in_dim3A_103 = arith.constant 0.000000e+00 : f32
    %broadcast_in_dim3A_104 = vector.broadcast %broadcast_in_dim3A_103 : f32 to vector<16xf32>
    %swap3A_105 = arith.constant 3 : i32
    %swap3A_106 = arith.index_cast %swap3A_105 : i32 to index
    %swap3A_107 = arith.constant 16 : index
    %swap3A_108 = tpu.vector_load %arg9[%swap3A_106, %swap3A_107] {strides = array<i32>} : memref<16x64xf32, #tpu.memory_space<vmem>>, vector<1x16xf32>,
    %swap3A_109 = vector.shape_cast %swap3A_108 : vector<1x16xf32> to vector<16xf32>
    %swap3A_110 = vector.shape_cast %broadcast_in_dim3A_104 : vector<16xf32> to vector<1x16xf32>
    tpu.vector_store %arg9[%swap3A_106, %swap3A_107], %swap3A_110 {strides = array<i32>} : memref<16x64xf32, #tpu.memory_space<vmem>>, vector<1x16xf32>,
    %broadcast_in_dim3A_111 = arith.constant 0.000000e+00 : f32
    %broadcast_in_dim3A_112 = vector.broadcast %broadcast_in_dim3A_111 : f32 to vector<16xf32>
    %swap3A_113 = arith.constant 3 : i32
    %swap3A_114 = arith.index_cast %swap3A_113 : i32 to index
    %swap3A_115 = arith.constant 32 : index
    %swap3A_116 = tpu.vector_load %arg9[%swap3A_114, %swap3A_115] {strides = array<i32>} : memref<16x64xf32, #tpu.memory_space<vmem>>, vector<1x16xf32>,
    %swap3A_117 = vector.shape_cast %swap3A_116 : vector<1x16xf32> to vector<16xf32>
    %swap3A_118 = vector.shape_cast %broadcast_in_dim3A_112 : vector<16xf32> to vector<1x16xf32>
    tpu.vector_store %arg9[%swap3A_114, %swap3A_115], %swap3A_118 {strides = array<i32>} : memref<16x64xf32, #tpu.memory_space<vmem>>, vector<1x16xf32>,
    %broadcast_in_dim3A_119 = arith.constant 0.000000e+00 : f32
    %broadcast_in_dim3A_120 = vector.broadcast %broadcast_in_dim3A_119 : f32 to vector<16xf32>
    %swap3A_121 = arith.constant 3 : i32
    %swap3A_122 = arith.index_cast %swap3A_121 : i32 to index
    %swap3A_123 = arith.constant 48 : index
    %swap3A_124 = tpu.vector_load %arg9[%swap3A_122, %swap3A_123] {strides = array<i32>} : memref<16x64xf32, #tpu.memory_space<vmem>>, vector<1x16xf32>,
    %swap3A_125 = vector.shape_cast %swap3A_124 : vector<1x16xf32> to vector<16xf32>
    %swap3A_126 = vector.shape_cast %broadcast_in_dim3A_120 : vector<16xf32> to vector<1x16xf32>
    tpu.vector_store %arg9[%swap3A_122, %swap3A_123], %swap3A_126 {strides = array<i32>} : memref<16x64xf32, #tpu.memory_space<vmem>>, vector<1x16xf32>,
    %broadcast_in_dim3A_127 = arith.constant 0.000000e+00 : f32
    %broadcast_in_dim3A_128 = vector.broadcast %broadcast_in_dim3A_127 : f32 to vector<16xf32>
    %swap3A_129 = arith.constant 4 : i32
    %swap3A_130 = arith.index_cast %swap3A_129 : i32 to index
    %swap3A_131 = arith.constant 0 : index
    %swap3A_132 = tpu.vector_load %arg9[%swap3A_130, %swap3A_131] {strides = array<i32>} : memref<16x64xf32, #tpu.memory_space<vmem>>, vector<1x16xf32>,
    %swap3A_133 = vector.shape_cast %swap3A_132 : vector<1x16xf32> to vector<16xf32>
    %swap3A_134 = vector.shape_cast %broadcast_in_dim3A_128 : vector<16xf32> to vector<1x16xf32>
    tpu.vector_store %arg9[%swap3A_130, %swap3A_131], %swap3A_134 {strides = array<i32>} : memref<16x64xf32, #tpu.memory_space<vmem>>, vector<1x16xf32>,
    %broadcast_in_dim3A_135 = arith.constant 0.000000e+00 : f32
    %broadcast_in_dim3A_136 = vector.broadcast %broadcast_in_dim3A_135 : f32 to vector<16xf32>
    %swap3A_137 = arith.constant 4 : i32
    %swap3A_138 = arith.index_cast %swap3A_137 : i32 to index
    %swap3A_139 = arith.constant 16 : index
    %swap3A_140 = tpu.vector_load %arg9[%swap3A_138, %swap3A_139] {strides = array<i32>} : memref<16x64xf32, #tpu.memory_space<vmem>>, vector<1x16xf32>,
    %swap3A_141 = vector.shape_cast %swap3A_140 : vector<1x16xf32> to vector<16xf32>
    %swap3A_142 = vector.shape_cast %broadcast_in_dim3A_136 : vector<16xf32> to vector<1x16xf32>
    tpu.vector_store %arg9[%swap3A_138, %swap3A_139], %swap3A_142 {strides = array<i32>} : memref<16x64xf32, #tpu.memory_space<vmem>>, vector<1x16xf32>,
    %broadcast_in_dim3A_143 = arith.constant 0.000000e+00 : f32
    %broadcast_in_dim3A_144 = vector.broadcast %broadcast_in_dim3A_143 : f32 to vector<16xf32>
    %swap3A_145 = arith.constant 4 : i32
    %swap3A_146 = arith.index_cast %swap3A_145 : i32 to index
    %swap3A_147 = arith.constant 32 : index
    %swap3A_148 = tpu.vector_load %arg9[%swap3A_146, %swap3A_147] {strides = array<i32>} : memref<16x64xf32, #tpu.memory_space<vmem>>, vector<1x16xf32>,
    %swap3A_149 = vector.shape_cast %swap3A_148 : vector<1x16xf32> to vector<16xf32>
    %swap3A_150 = vector.shape_cast %broadcast_in_dim3A_144 : vector<16xf32> to vector<1x16xf32>
    tpu.vector_store %arg9[%swap3A_146, %swap3A_147], %swap3A_150 {strides = array<i32>} : memref<16x64xf32, #tpu.memory_space<vmem>>, vector<1x16xf32>,
    %broadcast_in_dim3A_151 = arith.constant 0.000000e+00 : f32
    %broadcast_in_dim3A_152 = vector.broadcast %broadcast_in_dim3A_151 : f32 to vector<16xf32>
    %swap3A_153 = arith.constant 4 : i32
    %swap3A_154 = arith.index_cast %swap3A_153 : i32 to index
    %swap3A_155 = arith.constant 48 : index
    %swap3A_156 = tpu.vector_load %arg9[%swap3A_154, %swap3A_155] {strides = array<i32>} : memref<16x64xf32, #tpu.memory_space<vmem>>, vector<1x16xf32>,
    %swap3A_157 = vector.shape_cast %swap3A_156 : vector<1x16xf32> to vector<16xf32>
    %swap3A_158 = vector.shape_cast %broadcast_in_dim3A_152 : vector<16xf32> to vector<1x16xf32>
    tpu.vector_store %arg9[%swap3A_154, %swap3A_155], %swap3A_158 {strides = array<i32>} : memref<16x64xf32, #tpu.memory_space<vmem>>, vector<1x16xf32>,
    %broadcast_in_dim3A_159 = arith.constant 0.000000e+00 : f32
    %broadcast_in_dim3A_160 = vector.broadcast %broadcast_in_dim3A_159 : f32 to vector<16xf32>
    %swap3A_161 = arith.constant 5 : i32
    %swap3A_162 = arith.index_cast %swap3A_161 : i32 to index
    %swap3A_163 = arith.constant 0 : index
    %swap3A_164 = tpu.vector_load %arg9[%swap3A_162, %swap3A_163] {strides = array<i32>} : memref<16x64xf32, #tpu.memory_space<vmem>>, vector<1x16xf32>,
    %swap3A_165 = vector.shape_cast %swap3A_164 : vector<1x16xf32> to vector<16xf32>
    %swap3A_166 = vector.shape_cast %broadcast_in_dim3A_160 : vector<16xf32> to vector<1x16xf32>
    tpu.vector_store %arg9[%swap3A_162, %swap3A_163], %swap3A_166 {strides = array<i32>} : memref<16x64xf32, #tpu.memory_space<vmem>>, vector<1x16xf32>,
    %broadcast_in_dim3A_167 = arith.constant 0.000000e+00 : f32
    %broadcast_in_dim3A_168 = vector.broadcast %broadcast_in_dim3A_167 : f32 to vector<16xf32>
    %swap3A_169 = arith.constant 5 : i32
    %swap3A_170 = arith.index_cast %swap3A_169 : i32 to index
    %swap3A_171 = arith.constant 16 : index
    %swap3A_172 = tpu.vector_load %arg9[%swap3A_170, %swap3A_171] {strides = array<i32>} : memref<16x64xf32, #tpu.memory_space<vmem>>, vector<1x16xf32>,
    %swap3A_173 = vector.shape_cast %swap3A_172 : vector<1x16xf32> to vector<16xf32>
    %swap3A_174 = vector.shape_cast %broadcast_in_dim3A_168 : vector<16xf32> to vector<1x16xf32>
    tpu.vector_store %arg9[%swap3A_170, %swap3A_171], %swap3A_174 {strides = array<i32>} : memref<16x64xf32, #tpu.memory_space<vmem>>, vector<1x16xf32>,
    %broadcast_in_dim3A_175 = arith.constant 0.000000e+00 : f32
    %broadcast_in_dim3A_176 = vector.broadcast %broadcast_in_dim3A_175 : f32 to vector<16xf32>
    %swap3A_177 = arith.constant 5 : i32
    %swap3A_178 = arith.index_cast %swap3A_177 : i32 to index
    %swap3A_179 = arith.constant 32 : index
    %swap3A_180 = tpu.vector_load %arg9[%swap3A_178, %swap3A_179] {strides = array<i32>} : memref<16x64xf32, #tpu.memory_space<vmem>>, vector<1x16xf32>,
    %swap3A_181 = vector.shape_cast %swap3A_180 : vector<1x16xf32> to vector<16xf32>
    %swap3A_182 = vector.shape_cast %broadcast_in_dim3A_176 : vector<16xf32> to vector<1x16xf32>
    tpu.vector_store %arg9[%swap3A_178, %swap3A_179], %swap3A_182 {strides = array<i32>} : memref<16x64xf32, #tpu.memory_space<vmem>>, vector<1x16xf32>,
    %broadcast_in_dim3A_183 = arith.constant 0.000000e+00 : f32
    %broadcast_in_dim3A_184 = vector.broadcast %broadcast_in_dim3A_183 : f32 to vector<16xf32>
    %swap3A_185 = arith.constant 5 : i32
    %swap3A_186 = arith.index_cast %swap3A_185 : i32 to index
    %swap3A_187 = arith.constant 48 : index
    %swap3A_188 = tpu.vector_load %arg9[%swap3A_186, %swap3A_187] {strides = array<i32>} : memref<16x64xf32, #tpu.memory_space<vmem>>, vector<1x16xf32>,
    %swap3A_189 = vector.shape_cast %swap3A_188 : vector<1x16xf32> to vector<16xf32>
    %swap3A_190 = vector.shape_cast %broadcast_in_dim3A_184 : vector<16xf32> to vector<1x16xf32>
    tpu.vector_store %arg9[%swap3A_186, %swap3A_187], %swap3A_190 {strides = array<i32>} : memref<16x64xf32, #tpu.memory_space<vmem>>, vector<1x16xf32>,
    %broadcast_in_dim3A_191 = arith.constant 0.000000e+00 : f32
    %broadcast_in_dim3A_192 = vector.broadcast %broadcast_in_dim3A_191 : f32 to vector<16xf32>
    %swap3A_193 = arith.constant 6 : i32
    %swap3A_194 = arith.index_cast %swap3A_193 : i32 to index
    %swap3A_195 = arith.constant 0 : index
    %swap3A_196 = tpu.vector_load %arg9[%swap3A_194, %swap3A_195] {strides = array<i32>} : memref<16x64xf32, #tpu.memory_space<vmem>>, vector<1x16xf32>,
    %swap3A_197 = vector.shape_cast %swap3A_196 : vector<1x16xf32> to vector<16xf32>
    %swap3A_198 = vector.shape_cast %broadcast_in_dim3A_192 : vector<16xf32> to vector<1x16xf32>
    tpu.vector_store %arg9[%swap3A_194, %swap3A_195], %swap3A_198 {strides = array<i32>} : memref<16x64xf32, #tpu.memory_space<vmem>>, vector<1x16xf32>,
    %broadcast_in_dim3A_199 = arith.constant 0.000000e+00 : f32
    %broadcast_in_dim3A_200 = vector.broadcast %broadcast_in_dim3A_199 : f32 to vector<16xf32>
    %swap3A_201 = arith.constant 6 : i32
    %swap3A_202 = arith.index_cast %swap3A_201 : i32 to index
    %swap3A_203 = arith.constant 16 : index
    %swap3A_204 = tpu.vector_load %arg9[%swap3A_202, %swap3A_203] {strides = array<i32>} : memref<16x64xf32, #tpu.memory_space<vmem>>, vector<1x16xf32>,
    %swap3A_205 = vector.shape_cast %swap3A_204 : vector<1x16xf32> to vector<16xf32>
    %swap3A_206 = vector.shape_cast %broadcast_in_dim3A_200 : vector<16xf32> to vector<1x16xf32>
    tpu.vector_store %arg9[%swap3A_202, %swap3A_203], %swap3A_206 {strides = array<i32>} : memref<16x64xf32, #tpu.memory_space<vmem>>, vector<1x16xf32>,
    %broadcast_in_dim3A_207 = arith.constant 0.000000e+00 : f32
    %broadcast_in_dim3A_208 = vector.broadcast %broadcast_in_dim3A_207 : f32 to vector<16xf32>
    %swap3A_209 = arith.constant 6 : i32
    %swap3A_210 = arith.index_cast %swap3A_209 : i32 to index
    %swap3A_211 = arith.constant 32 : index
    %swap3A_212 = tpu.vector_load %arg9[%swap3A_210, %swap3A_211] {strides = array<i32>} : memref<16x64xf32, #tpu.memory_space<vmem>>, vector<1x16xf32>,
    %swap3A_213 = vector.shape_cast %swap3A_212 : vector<1x16xf32> to vector<16xf32>
    %swap3A_214 = vector.shape_cast %broadcast_in_dim3A_208 : vector<16xf32> to vector<1x16xf32>
    tpu.vector_store %arg9[%swap3A_210, %swap3A_211], %swap3A_214 {strides = array<i32>} : memref<16x64xf32, #tpu.memory_space<vmem>>, vector<1x16xf32>,
    %broadcast_in_dim3A_215 = arith.constant 0.000000e+00 : f32
    %broadcast_in_dim3A_216 = vector.broadcast %broadcast_in_dim3A_215 : f32 to vector<16xf32>
    %swap3A_217 = arith.constant 6 : i32
    %swap3A_218 = arith.index_cast %swap3A_217 : i32 to index
    %swap3A_219 = arith.constant 48 : index
    %swap3A_220 = tpu.vector_load %arg9[%swap3A_218, %swap3A_219] {strides = array<i32>} : memref<16x64xf32, #tpu.memory_space<vmem>>, vector<1x16xf32>,
    %swap3A_221 = vector.shape_cast %swap3A_220 : vector<1x16xf32> to vector<16xf32>
    %swap3A_222 = vector.shape_cast %broadcast_in_dim3A_216 : vector<16xf32> to vector<1x16xf32>
    tpu.vector_store %arg9[%swap3A_218, %swap3A_219], %swap3A_222 {strides = array<i32>} : memref<16x64xf32, #tpu.memory_space<vmem>>, vector<1x16xf32>,
    %broadcast_in_dim3A_223 = arith.constant 0.000000e+00 : f32
    %broadcast_in_dim3A_224 = vector.broadcast %broadcast_in_dim3A_223 : f32 to vector<16xf32>
    %swap3A_225 = arith.constant 7 : i32
    %swap3A_226 = arith.index_cast %swap3A_225 : i32 to index
    %swap3A_227 = arith.constant 0 : index
    %swap3A_228 = tpu.vector_load %arg9[%swap3A_226, %swap3A_227] {strides = array<i32>} : memref<16x64xf32, #tpu.memory_space<vmem>>, vector<1x16xf32>,
    %swap3A_229 = vector.shape_cast %swap3A_228 : vector<1x16xf32> to vector<16xf32>
    %swap3A_230 = vector.shape_cast %broadcast_in_dim3A_224 : vector<16xf32> to vector<1x16xf32>
    tpu.vector_store %arg9[%swap3A_226, %swap3A_227], %swap3A_230 {strides = array<i32>} : memref<16x64xf32, #tpu.memory_space<vmem>>, vector<1x16xf32>,
    %broadcast_in_dim3A_231 = arith.constant 0.000000e+00 : f32
    %broadcast_in_dim3A_232 = vector.broadcast %broadcast_in_dim3A_231 : f32 to vector<16xf32>
    %swap3A_233 = arith.constant 7 : i32
    %swap3A_234 = arith.index_cast %swap3A_233 : i32 to index
    %swap3A_235 = arith.constant 16 : index
    %swap3A_236 = tpu.vector_load %arg9[%swap3A_234, %swap3A_235] {strides = array<i32>} : memref<16x64xf32, #tpu.memory_space<vmem>>, vector<1x16xf32>,
    %swap3A_237 = vector.shape_cast %swap3A_236 : vector<1x16xf32> to vector<16xf32>
    %swap3A_238 = vector.shape_cast %broadcast_in_dim3A_232 : vector<16xf32> to vector<1x16xf32>
    tpu.vector_store %arg9[%swap3A_234, %swap3A_235], %swap3A_238 {strides = array<i32>} : memref<16x64xf32, #tpu.memory_space<vmem>>, vector<1x16xf32>,
    %broadcast_in_dim3A_239 = arith.constant 0.000000e+00 : f32
    %broadcast_in_dim3A_240 = vector.broadcast %broadcast_in_dim3A_239 : f32 to vector<16xf32>
    %swap3A_241 = arith.constant 7 : i32
    %swap3A_242 = arith.index_cast %swap3A_241 : i32 to index
    %swap3A_243 = arith.constant 32 : index
    %swap3A_244 = tpu.vector_load %arg9[%swap3A_242, %swap3A_243] {strides = array<i32>} : memref<16x64xf32, #tpu.memory_space<vmem>>, vector<1x16xf32>,
    %swap3A_245 = vector.shape_cast %swap3A_244 : vector<1x16xf32> to vector<16xf32>
    %swap3A_246 = vector.shape_cast %broadcast_in_dim3A_240 : vector<16xf32> to vector<1x16xf32>
    tpu.vector_store %arg9[%swap3A_242, %swap3A_243], %swap3A_246 {strides = array<i32>} : memref<16x64xf32, #tpu.memory_space<vmem>>, vector<1x16xf32>,
    %broadcast_in_dim3A_247 = arith.constant 0.000000e+00 : f32
    %broadcast_in_dim3A_248 = vector.broadcast %broadcast_in_dim3A_247 : f32 to vector<16xf32>
    %swap3A_249 = arith.constant 7 : i32
    %swap3A_250 = arith.index_cast %swap3A_249 : i32 to index
    %swap3A_251 = arith.constant 48 : index
    %swap3A_252 = tpu.vector_load %arg9[%swap3A_250, %swap3A_251] {strides = array<i32>} : memref<16x64xf32, #tpu.memory_space<vmem>>, vector<1x16xf32>,
    %swap3A_253 = vector.shape_cast %swap3A_252 : vector<1x16xf32> to vector<16xf32>
    %swap3A_254 = vector.shape_cast %broadcast_in_dim3A_248 : vector<16xf32> to vector<1x16xf32>
    tpu.vector_store %arg9[%swap3A_250, %swap3A_251], %swap3A_254 {strides = array<i32>} : memref<16x64xf32, #tpu.memory_space<vmem>>, vector<1x16xf32>,
    %broadcast_in_dim3A_255 = arith.constant 0.000000e+00 : f32
    %broadcast_in_dim3A_256 = vector.broadcast %broadcast_in_dim3A_255 : f32 to vector<16xf32>
    %swap3A_257 = arith.constant 8 : i32
    %swap3A_258 = arith.index_cast %swap3A_257 : i32 to index
    %swap3A_259 = arith.constant 0 : index
    %swap3A_260 = tpu.vector_load %arg9[%swap3A_258, %swap3A_259] {strides = array<i32>} : memref<16x64xf32, #tpu.memory_space<vmem>>, vector<1x16xf32>,
    %swap3A_261 = vector.shape_cast %swap3A_260 : vector<1x16xf32> to vector<16xf32>
    %swap3A_262 = vector.shape_cast %broadcast_in_dim3A_256 : vector<16xf32> to vector<1x16xf32>
    tpu.vector_store %arg9[%swap3A_258, %swap3A_259], %swap3A_262 {strides = array<i32>} : memref<16x64xf32, #tpu.memory_space<vmem>>, vector<1x16xf32>,
    %broadcast_in_dim3A_263 = arith.constant 0.000000e+00 : f32
    %broadcast_in_dim3A_264 = vector.broadcast %broadcast_in_dim3A_263 : f32 to vector<16xf32>
    %swap3A_265 = arith.constant 8 : i32
    %swap3A_266 = arith.index_cast %swap3A_265 : i32 to index
    %swap3A_267 = arith.constant 16 : index
    %swap3A_268 = tpu.vector_load %arg9[%swap3A_266, %swap3A_267] {strides = array<i32>} : memref<16x64xf32, #tpu.memory_space<vmem>>, vector<1x16xf32>,
    %swap3A_269 = vector.shape_cast %swap3A_268 : vector<1x16xf32> to vector<16xf32>
    %swap3A_270 = vector.shape_cast %broadcast_in_dim3A_264 : vector<16xf32> to vector<1x16xf32>
    tpu.vector_store %arg9[%swap3A_266, %swap3A_267], %swap3A_270 {strides = array<i32>} : memref<16x64xf32, #tpu.memory_space<vmem>>, vector<1x16xf32>,
    %broadcast_in_dim3A_271 = arith.constant 0.000000e+00 : f32
    %broadcast_in_dim3A_272 = vector.broadcast %broadcast_in_dim3A_271 : f32 to vector<16xf32>
    %swap3A_273 = arith.constant 8 : i32
    %swap3A_274 = arith.index_cast %swap3A_273 : i32 to index
    %swap3A_275 = arith.constant 32 : index
    %swap3A_276 = tpu.vector_load %arg9[%swap3A_274, %swap3A_275] {strides = array<i32>} : memref<16x64xf32, #tpu.memory_space<vmem>>, vector<1x16xf32>,
    %swap3A_277 = vector.shape_cast %swap3A_276 : vector<1x16xf32> to vector<16xf32>
    %swap3A_278 = vector.shape_cast %broadcast_in_dim3A_272 : vector<16xf32> to vector<1x16xf32>
    tpu.vector_store %arg9[%swap3A_274, %swap3A_275], %swap3A_278 {strides = array<i32>} : memref<16x64xf32, #tpu.memory_space<vmem>>, vector<1x16xf32>,
    %broadcast_in_dim3A_279 = arith.constant 0.000000e+00 : f32
    %broadcast_in_dim3A_280 = vector.broadcast %broadcast_in_dim3A_279 : f32 to vector<16xf32>
    %swap3A_281 = arith.constant 8 : i32
    %swap3A_282 = arith.index_cast %swap3A_281 : i32 to index
    %swap3A_283 = arith.constant 48 : index
    %swap3A_284 = tpu.vector_load %arg9[%swap3A_282, %swap3A_283] {strides = array<i32>} : memref<16x64xf32, #tpu.memory_space<vmem>>, vector<1x16xf32>,
    %swap3A_285 = vector.shape_cast %swap3A_284 : vector<1x16xf32> to vector<16xf32>
    %swap3A_286 = vector.shape_cast %broadcast_in_dim3A_280 : vector<16xf32> to vector<1x16xf32>
    tpu.vector_store %arg9[%swap3A_282, %swap3A_283], %swap3A_286 {strides = array<i32>} : memref<16x64xf32, #tpu.memory_space<vmem>>, vector<1x16xf32>,
    %broadcast_in_dim3A_287 = arith.constant 0.000000e+00 : f32
    %broadcast_in_dim3A_288 = vector.broadcast %broadcast_in_dim3A_287 : f32 to vector<16xf32>
    %swap3A_289 = arith.constant 9 : i32
    %swap3A_290 = arith.index_cast %swap3A_289 : i32 to index
    %swap3A_291 = arith.constant 0 : index
    %swap3A_292 = tpu.vector_load %arg9[%swap3A_290, %swap3A_291] {strides = array<i32>} : memref<16x64xf32, #tpu.memory_space<vmem>>, vector<1x16xf32>,
    %swap3A_293 = vector.shape_cast %swap3A_292 : vector<1x16xf32> to vector<16xf32>
    %swap3A_294 = vector.shape_cast %broadcast_in_dim3A_288 : vector<16xf32> to vector<1x16xf32>
    tpu.vector_store %arg9[%swap3A_290, %swap3A_291], %swap3A_294 {strides = array<i32>} : memref<16x64xf32, #tpu.memory_space<vmem>>, vector<1x16xf32>,
    %broadcast_in_dim3A_295 = arith.constant 0.000000e+00 : f32
    %broadcast_in_dim3A_296 = vector.broadcast %broadcast_in_dim3A_295 : f32 to vector<16xf32>
    %swap3A_297 = arith.constant 9 : i32
    %swap3A_298 = arith.index_cast %swap3A_297 : i32 to index
    %swap3A_299 = arith.constant 16 : index
    %swap3A_300 = tpu.vector_load %arg9[%swap3A_298, %swap3A_299] {strides = array<i32>} : memref<16x64xf32, #tpu.memory_space<vmem>>, vector<1x16xf32>,
    %swap3A_301 = vector.shape_cast %swap3A_300 : vector<1x16xf32> to vector<16xf32>
    %swap3A_302 = vector.shape_cast %broadcast_in_dim3A_296 : vector<16xf32> to vector<1x16xf32>
    tpu.vector_store %arg9[%swap3A_298, %swap3A_299], %swap3A_302 {strides = array<i32>} : memref<16x64xf32, #tpu.memory_space<vmem>>, vector<1x16xf32>,
    %broadcast_in_dim3A_303 = arith.constant 0.000000e+00 : f32
    %broadcast_in_dim3A_304 = vector.broadcast %broadcast_in_dim3A_303 : f32 to vector<16xf32>
    %swap3A_305 = arith.constant 9 : i32
    %swap3A_306 = arith.index_cast %swap3A_305 : i32 to index
    %swap3A_307 = arith.constant 32 : index
    %swap3A_308 = tpu.vector_load %arg9[%swap3A_306, %swap3A_307] {strides = array<i32>} : memref<16x64xf32, #tpu.memory_space<vmem>>, vector<1x16xf32>,
    %swap3A_309 = vector.shape_cast %swap3A_308 : vector<1x16xf32> to vector<16xf32>
    %swap3A_310 = vector.shape_cast %broadcast_in_dim3A_304 : vector<16xf32> to vector<1x16xf32>
    tpu.vector_store %arg9[%swap3A_306, %swap3A_307], %swap3A_310 {strides = array<i32>} : memref<16x64xf32, #tpu.memory_space<vmem>>, vector<1x16xf32>,
    %broadcast_in_dim3A_311 = arith.constant 0.000000e+00 : f32
    %broadcast_in_dim3A_312 = vector.broadcast %broadcast_in_dim3A_311 : f32 to vector<16xf32>
    %swap3A_313 = arith.constant 9 : i32
    %swap3A_314 = arith.index_cast %swap3A_313 : i32 to index
    %swap3A_315 = arith.constant 48 : index
    %swap3A_316 = tpu.vector_load %arg9[%swap3A_314, %swap3A_315] {strides = array<i32>} : memref<16x64xf32, #tpu.memory_space<vmem>>, vector<1x16xf32>,
    %swap3A_317 = vector.shape_cast %swap3A_316 : vector<1x16xf32> to vector<16xf32>
    %swap3A_318 = vector.shape_cast %broadcast_in_dim3A_312 : vector<16xf32> to vector<1x16xf32>
    tpu.vector_store %arg9[%swap3A_314, %swap3A_315], %swap3A_318 {strides = array<i32>} : memref<16x64xf32, #tpu.memory_space<vmem>>, vector<1x16xf32>,
    %broadcast_in_dim3A_319 = arith.constant 0.000000e+00 : f32
    %broadcast_in_dim3A_320 = vector.broadcast %broadcast_in_dim3A_319 : f32 to vector<16xf32>
    %swap3A_321 = arith.constant 10 : i32
    %swap3A_322 = arith.index_cast %swap3A_321 : i32 to index
    %swap3A_323 = arith.constant 0 : index
    %swap3A_324 = tpu.vector_load %arg9[%swap3A_322, %swap3A_323] {strides = array<i32>} : memref<16x64xf32, #tpu.memory_space<vmem>>, vector<1x16xf32>,
    %swap3A_325 = vector.shape_cast %swap3A_324 : vector<1x16xf32> to vector<16xf32>
    %swap3A_326 = vector.shape_cast %broadcast_in_dim3A_320 : vector<16xf32> to vector<1x16xf32>
    tpu.vector_store %arg9[%swap3A_322, %swap3A_323], %swap3A_326 {strides = array<i32>} : memref<16x64xf32, #tpu.memory_space<vmem>>, vector<1x16xf32>,
    %broadcast_in_dim3A_327 = arith.constant 0.000000e+00 : f32
    %broadcast_in_dim3A_328 = vector.broadcast %broadcast_in_dim3A_327 : f32 to vector<16xf32>
    %swap3A_329 = arith.constant 10 : i32
    %swap3A_330 = arith.index_cast %swap3A_329 : i32 to index
    %swap3A_331 = arith.constant 16 : index
    %swap3A_332 = tpu.vector_load %arg9[%swap3A_330, %swap3A_331] {strides = array<i32>} : memref<16x64xf32, #tpu.memory_space<vmem>>, vector<1x16xf32>,
    %swap3A_333 = vector.shape_cast %swap3A_332 : vector<1x16xf32> to vector<16xf32>
    %swap3A_334 = vector.shape_cast %broadcast_in_dim3A_328 : vector<16xf32> to vector<1x16xf32>
    tpu.vector_store %arg9[%swap3A_330, %swap3A_331], %swap3A_334 {strides = array<i32>} : memref<16x64xf32, #tpu.memory_space<vmem>>, vector<1x16xf32>,
    %broadcast_in_dim3A_335 = arith.constant 0.000000e+00 : f32
    %broadcast_in_dim3A_336 = vector.broadcast %broadcast_in_dim3A_335 : f32 to vector<16xf32>
    %swap3A_337 = arith.constant 10 : i32
    %swap3A_338 = arith.index_cast %swap3A_337 : i32 to index
    %swap3A_339 = arith.constant 32 : index
    %swap3A_340 = tpu.vector_load %arg9[%swap3A_338, %swap3A_339] {strides = array<i32>} : memref<16x64xf32, #tpu.memory_space<vmem>>, vector<1x16xf32>,
    %swap3A_341 = vector.shape_cast %swap3A_340 : vector<1x16xf32> to vector<16xf32>
    %swap3A_342 = vector.shape_cast %broadcast_in_dim3A_336 : vector<16xf32> to vector<1x16xf32>
    tpu.vector_store %arg9[%swap3A_338, %swap3A_339], %swap3A_342 {strides = array<i32>} : memref<16x64xf32, #tpu.memory_space<vmem>>, vector<1x16xf32>,
    %broadcast_in_dim3A_343 = arith.constant 0.000000e+00 : f32
    %broadcast_in_dim3A_344 = vector.broadcast %broadcast_in_dim3A_343 : f32 to vector<16xf32>
    %swap3A_345 = arith.constant 10 : i32
    %swap3A_346 = arith.index_cast %swap3A_345 : i32 to index
    %swap3A_347 = arith.constant 48 : index
    %swap3A_348 = tpu.vector_load %arg9[%swap3A_346, %swap3A_347] {strides = array<i32>} : memref<16x64xf32, #tpu.memory_space<vmem>>, vector<1x16xf32>,
    %swap3A_349 = vector.shape_cast %swap3A_348 : vector<1x16xf32> to vector<16xf32>
    %swap3A_350 = vector.shape_cast %broadcast_in_dim3A_344 : vector<16xf32> to vector<1x16xf32>
    tpu.vector_store %arg9[%swap3A_346, %swap3A_347], %swap3A_350 {strides = array<i32>} : memref<16x64xf32, #tpu.memory_space<vmem>>, vector<1x16xf32>,
    %broadcast_in_dim3A_351 = arith.constant 0.000000e+00 : f32
    %broadcast_in_dim3A_352 = vector.broadcast %broadcast_in_dim3A_351 : f32 to vector<16xf32>
    %swap3A_353 = arith.constant 11 : i32
    %swap3A_354 = arith.index_cast %swap3A_353 : i32 to index
    %swap3A_355 = arith.constant 0 : index
    %swap3A_356 = tpu.vector_load %arg9[%swap3A_354, %swap3A_355] {strides = array<i32>} : memref<16x64xf32, #tpu.memory_space<vmem>>, vector<1x16xf32>,
    %swap3A_357 = vector.shape_cast %swap3A_356 : vector<1x16xf32> to vector<16xf32>
    %swap3A_358 = vector.shape_cast %broadcast_in_dim3A_352 : vector<16xf32> to vector<1x16xf32>
    tpu.vector_store %arg9[%swap3A_354, %swap3A_355], %swap3A_358 {strides = array<i32>} : memref<16x64xf32, #tpu.memory_space<vmem>>, vector<1x16xf32>,
    %broadcast_in_dim3A_359 = arith.constant 0.000000e+00 : f32
    %broadcast_in_dim3A_360 = vector.broadcast %broadcast_in_dim3A_359 : f32 to vector<16xf32>
    %swap3A_361 = arith.constant 11 : i32
    %swap3A_362 = arith.index_cast %swap3A_361 : i32 to index
    %swap3A_363 = arith.constant 16 : index
    %swap3A_364 = tpu.vector_load %arg9[%swap3A_362, %swap3A_363] {strides = array<i32>} : memref<16x64xf32, #tpu.memory_space<vmem>>, vector<1x16xf32>,
    %swap3A_365 = vector.shape_cast %swap3A_364 : vector<1x16xf32> to vector<16xf32>
    %swap3A_366 = vector.shape_cast %broadcast_in_dim3A_360 : vector<16xf32> to vector<1x16xf32>
    tpu.vector_store %arg9[%swap3A_362, %swap3A_363], %swap3A_366 {strides = array<i32>} : memref<16x64xf32, #tpu.memory_space<vmem>>, vector<1x16xf32>,
    %broadcast_in_dim3A_367 = arith.constant 0.000000e+00 : f32
    %broadcast_in_dim3A_368 = vector.broadcast %broadcast_in_dim3A_367 : f32 to vector<16xf32>
    %swap3A_369 = arith.constant 11 : i32
    %swap3A_370 = arith.index_cast %swap3A_369 : i32 to index
    %swap3A_371 = arith.constant 32 : index
    %swap3A_372 = tpu.vector_load %arg9[%swap3A_370, %swap3A_371] {strides = array<i32>} : memref<16x64xf32, #tpu.memory_space<vmem>>, vector<1x16xf32>,
    %swap3A_373 = vector.shape_cast %swap3A_372 : vector<1x16xf32> to vector<16xf32>
    %swap3A_374 = vector.shape_cast %broadcast_in_dim3A_368 : vector<16xf32> to vector<1x16xf32>
    tpu.vector_store %arg9[%swap3A_370, %swap3A_371], %swap3A_374 {strides = array<i32>} : memref<16x64xf32, #tpu.memory_space<vmem>>, vector<1x16xf32>,
    %broadcast_in_dim3A_375 = arith.constant 0.000000e+00 : f32
    %broadcast_in_dim3A_376 = vector.broadcast %broadcast_in_dim3A_375 : f32 to vector<16xf32>
    %swap3A_377 = arith.constant 11 : i32
    %swap3A_378 = arith.index_cast %swap3A_377 : i32 to index
    %swap3A_379 = arith.constant 48 : index
    %swap3A_380 = tpu.vector_load %arg9[%swap3A_378, %swap3A_379] {strides = array<i32>} : memref<16x64xf32, #tpu.memory_space<vmem>>, vector<1x16xf32>,
    %swap3A_381 = vector.shape_cast %swap3A_380 : vector<1x16xf32> to vector<16xf32>
    %swap3A_382 = vector.shape_cast %broadcast_in_dim3A_376 : vector<16xf32> to vector<1x16xf32>
    tpu.vector_store %arg9[%swap3A_378, %swap3A_379], %swap3A_382 {strides = array<i32>} : memref<16x64xf32, #tpu.memory_space<vmem>>, vector<1x16xf32>,
    %broadcast_in_dim3A_383 = arith.constant 0.000000e+00 : f32
    %broadcast_in_dim3A_384 = vector.broadcast %broadcast_in_dim3A_383 : f32 to vector<16xf32>
    %swap3A_385 = arith.constant 12 : i32
    %swap3A_386 = arith.index_cast %swap3A_385 : i32 to index
    %swap3A_387 = arith.constant 0 : index
    %swap3A_388 = tpu.vector_load %arg9[%swap3A_386, %swap3A_387] {strides = array<i32>} : memref<16x64xf32, #tpu.memory_space<vmem>>, vector<1x16xf32>,
    %swap3A_389 = vector.shape_cast %swap3A_388 : vector<1x16xf32> to vector<16xf32>
    %swap3A_390 = vector.shape_cast %broadcast_in_dim3A_384 : vector<16xf32> to vector<1x16xf32>
    tpu.vector_store %arg9[%swap3A_386, %swap3A_387], %swap3A_390 {strides = array<i32>} : memref<16x64xf32, #tpu.memory_space<vmem>>, vector<1x16xf32>,
    %broadcast_in_dim3A_391 = arith.constant 0.000000e+00 : f32
    %broadcast_in_dim3A_392 = vector.broadcast %broadcast_in_dim3A_391 : f32 to vector<16xf32>
    %swap3A_393 = arith.constant 12 : i32
    %swap3A_394 = arith.index_cast %swap3A_393 : i32 to index
    %swap3A_395 = arith.constant 16 : index
    %swap3A_396 = tpu.vector_load %arg9[%swap3A_394, %swap3A_395] {strides = array<i32>} : memref<16x64xf32, #tpu.memory_space<vmem>>, vector<1x16xf32>,
    %swap3A_397 = vector.shape_cast %swap3A_396 : vector<1x16xf32> to vector<16xf32>
    %swap3A_398 = vector.shape_cast %broadcast_in_dim3A_392 : vector<16xf32> to vector<1x16xf32>
    tpu.vector_store %arg9[%swap3A_394, %swap3A_395], %swap3A_398 {strides = array<i32>} : memref<16x64xf32, #tpu.memory_space<vmem>>, vector<1x16xf32>,
    %broadcast_in_dim3A_399 = arith.constant 0.000000e+00 : f32
    %broadcast_in_dim3A_400 = vector.broadcast %broadcast_in_dim3A_399 : f32 to vector<16xf32>
    %swap3A_401 = arith.constant 12 : i32
    %swap3A_402 = arith.index_cast %swap3A_401 : i32 to index
    %swap3A_403 = arith.constant 32 : index
    %swap3A_404 = tpu.vector_load %arg9[%swap3A_402, %swap3A_403] {strides = array<i32>} : memref<16x64xf32, #tpu.memory_space<vmem>>, vector<1x16xf32>,
    %swap3A_405 = vector.shape_cast %swap3A_404 : vector<1x16xf32> to vector<16xf32>
    %swap3A_406 = vector.shape_cast %broadcast_in_dim3A_400 : vector<16xf32> to vector<1x16xf32>
    tpu.vector_store %arg9[%swap3A_402, %swap3A_403], %swap3A_406 {strides = array<i32>} : memref<16x64xf32, #tpu.memory_space<vmem>>, vector<1x16xf32>,
    %broadcast_in_dim3A_407 = arith.constant 0.000000e+00 : f32
    %broadcast_in_dim3A_408 = vector.broadcast %broadcast_in_dim3A_407 : f32 to vector<16xf32>
    %swap3A_409 = arith.constant 12 : i32
    %swap3A_410 = arith.index_cast %swap3A_409 : i32 to index
    %swap3A_411 = arith.constant 48 : index
    %swap3A_412 = tpu.vector_load %arg9[%swap3A_410, %swap3A_411] {strides = array<i32>} : memref<16x64xf32, #tpu.memory_space<vmem>>, vector<1x16xf32>,
    %swap3A_413 = vector.shape_cast %swap3A_412 : vector<1x16xf32> to vector<16xf32>
    %swap3A_414 = vector.shape_cast %broadcast_in_dim3A_408 : vector<16xf32> to vector<1x16xf32>
    tpu.vector_store %arg9[%swap3A_410, %swap3A_411], %swap3A_414 {strides = array<i32>} : memref<16x64xf32, #tpu.memory_space<vmem>>, vector<1x16xf32>,
    %broadcast_in_dim3A_415 = arith.constant 0.000000e+00 : f32
    %broadcast_in_dim3A_416 = vector.broadcast %broadcast_in_dim3A_415 : f32 to vector<16xf32>
    %swap3A_417 = arith.constant 13 : i32
    %swap3A_418 = arith.index_cast %swap3A_417 : i32 to index
    %swap3A_419 = arith.constant 0 : index
    %swap3A_420 = tpu.vector_load %arg9[%swap3A_418, %swap3A_419] {strides = array<i32>} : memref<16x64xf32, #tpu.memory_space<vmem>>, vector<1x16xf32>,
    %swap3A_421 = vector.shape_cast %swap3A_420 : vector<1x16xf32> to vector<16xf32>
    %swap3A_422 = vector.shape_cast %broadcast_in_dim3A_416 : vector<16xf32> to vector<1x16xf32>
    tpu.vector_store %arg9[%swap3A_418, %swap3A_419], %swap3A_422 {strides = array<i32>} : memref<16x64xf32, #tpu.memory_space<vmem>>, vector<1x16xf32>,
    %broadcast_in_dim3A_423 = arith.constant 0.000000e+00 : f32
    %broadcast_in_dim3A_424 = vector.broadcast %broadcast_in_dim3A_423 : f32 to vector<16xf32>
    %swap3A_425 = arith.constant 13 : i32
    %swap3A_426 = arith.index_cast %swap3A_425 : i32 to index
    %swap3A_427 = arith.constant 16 : index
    %swap3A_428 = tpu.vector_load %arg9[%swap3A_426, %swap3A_427] {strides = array<i32>} : memref<16x64xf32, #tpu.memory_space<vmem>>, vector<1x16xf32>,
    %swap3A_429 = vector.shape_cast %swap3A_428 : vector<1x16xf32> to vector<16xf32>
    %swap3A_430 = vector.shape_cast %broadcast_in_dim3A_424 : vector<16xf32> to vector<1x16xf32>
    tpu.vector_store %arg9[%swap3A_426, %swap3A_427], %swap3A_430 {strides = array<i32>} : memref<16x64xf32, #tpu.memory_space<vmem>>, vector<1x16xf32>,
    %broadcast_in_dim3A_431 = arith.constant 0.000000e+00 : f32
    %broadcast_in_dim3A_432 = vector.broadcast %broadcast_in_dim3A_431 : f32 to vector<16xf32>
    %swap3A_433 = arith.constant 13 : i32
    %swap3A_434 = arith.index_cast %swap3A_433 : i32 to index
    %swap3A_435 = arith.constant 32 : index
    %swap3A_436 = tpu.vector_load %arg9[%swap3A_434, %swap3A_435] {strides = array<i32>} : memref<16x64xf32, #tpu.memory_space<vmem>>, vector<1x16xf32>,
    %swap3A_437 = vector.shape_cast %swap3A_436 : vector<1x16xf32> to vector<16xf32>
    %swap3A_438 = vector.shape_cast %broadcast_in_dim3A_432 : vector<16xf32> to vector<1x16xf32>
    tpu.vector_store %arg9[%swap3A_434, %swap3A_435], %swap3A_438 {strides = array<i32>} : memref<16x64xf32, #tpu.memory_space<vmem>>, vector<1x16xf32>,
    %broadcast_in_dim3A_439 = arith.constant 0.000000e+00 : f32
    %broadcast_in_dim3A_440 = vector.broadcast %broadcast_in_dim3A_439 : f32 to vector<16xf32>
    %swap3A_441 = arith.constant 13 : i32
    %swap3A_442 = arith.index_cast %swap3A_441 : i32 to index
    %swap3A_443 = arith.constant 48 : index
    %swap3A_444 = tpu.vector_load %arg9[%swap3A_442, %swap3A_443] {strides = array<i32>} : memref<16x64xf32, #tpu.memory_space<vmem>>, vector<1x16xf32>,
    %swap3A_445 = vector.shape_cast %swap3A_444 : vector<1x16xf32> to vector<16xf32>
    %swap3A_446 = vector.shape_cast %broadcast_in_dim3A_440 : vector<16xf32> to vector<1x16xf32>
    tpu.vector_store %arg9[%swap3A_442, %swap3A_443], %swap3A_446 {strides = array<i32>} : memref<16x64xf32, #tpu.memory_space<vmem>>, vector<1x16xf32>,
    %broadcast_in_dim3A_447 = arith.constant 0.000000e+00 : f32
    %broadcast_in_dim3A_448 = vector.broadcast %broadcast_in_dim3A_447 : f32 to vector<16xf32>
    %swap3A_449 = arith.constant 14 : i32
    %swap3A_450 = arith.index_cast %swap3A_449 : i32 to index
    %swap3A_451 = arith.constant 0 : index
    %swap3A_452 = tpu.vector_load %arg9[%swap3A_450, %swap3A_451] {strides = array<i32>} : memref<16x64xf32, #tpu.memory_space<vmem>>, vector<1x16xf32>,
    %swap3A_453 = vector.shape_cast %swap3A_452 : vector<1x16xf32> to vector<16xf32>
    %swap3A_454 = vector.shape_cast %broadcast_in_dim3A_448 : vector<16xf32> to vector<1x16xf32>
    tpu.vector_store %arg9[%swap3A_450, %swap3A_451], %swap3A_454 {strides = array<i32>} : memref<16x64xf32, #tpu.memory_space<vmem>>, vector<1x16xf32>,
    %broadcast_in_dim3A_455 = arith.constant 0.000000e+00 : f32
    %broadcast_in_dim3A_456 = vector.broadcast %broadcast_in_dim3A_455 : f32 to vector<16xf32>
    %swap3A_457 = arith.constant 14 : i32
    %swap3A_458 = arith.index_cast %swap3A_457 : i32 to index
    %swap3A_459 = arith.constant 16 : index
    %swap3A_460 = tpu.vector_load %arg9[%swap3A_458, %swap3A_459] {strides = array<i32>} : memref<16x64xf32, #tpu.memory_space<vmem>>, vector<1x16xf32>,
    %swap3A_461 = vector.shape_cast %swap3A_460 : vector<1x16xf32> to vector<16xf32>
    %swap3A_462 = vector.shape_cast %broadcast_in_dim3A_456 : vector<16xf32> to vector<1x16xf32>
    tpu.vector_store %arg9[%swap3A_458, %swap3A_459], %swap3A_462 {strides = array<i32>} : memref<16x64xf32, #tpu.memory_space<vmem>>, vector<1x16xf32>,
    %broadcast_in_dim3A_463 = arith.constant 0.000000e+00 : f32
    %broadcast_in_dim3A_464 = vector.broadcast %broadcast_in_dim3A_463 : f32 to vector<16xf32>
    %swap3A_465 = arith.constant 14 : i32
    %swap3A_466 = arith.index_cast %swap3A_465 : i32 to index
    %swap3A_467 = arith.constant 32 : index
    %swap3A_468 = tpu.vector_load %arg9[%swap3A_466, %swap3A_467] {strides = array<i32>} : memref<16x64xf32, #tpu.memory_space<vmem>>, vector<1x16xf32>,
    %swap3A_469 = vector.shape_cast %swap3A_468 : vector<1x16xf32> to vector<16xf32>
    %swap3A_470 = vector.shape_cast %broadcast_in_dim3A_464 : vector<16xf32> to vector<1x16xf32>
    tpu.vector_store %arg9[%swap3A_466, %swap3A_467], %swap3A_470 {strides = array<i32>} : memref<16x64xf32, #tpu.memory_space<vmem>>, vector<1x16xf32>,
    %broadcast_in_dim3A_471 = arith.constant 0.000000e+00 : f32
    %broadcast_in_dim3A_472 = vector.broadcast %broadcast_in_dim3A_471 : f32 to vector<16xf32>
    %swap3A_473 = arith.constant 14 : i32
    %swap3A_474 = arith.index_cast %swap3A_473 : i32 to index
    %swap3A_475 = arith.constant 48 : index
    %swap3A_476 = tpu.vector_load %arg9[%swap3A_474, %swap3A_475] {strides = array<i32>} : memref<16x64xf32, #tpu.memory_space<vmem>>, vector<1x16xf32>,
    %swap3A_477 = vector.shape_cast %swap3A_476 : vector<1x16xf32> to vector<16xf32>
    %swap3A_478 = vector.shape_cast %broadcast_in_dim3A_472 : vector<16xf32> to vector<1x16xf32>
    tpu.vector_store %arg9[%swap3A_474, %swap3A_475], %swap3A_478 {strides = array<i32>} : memref<16x64xf32, #tpu.memory_space<vmem>>, vector<1x16xf32>,
    %broadcast_in_dim3A_479 = arith.constant 0.000000e+00 : f32
    %broadcast_in_dim3A_480 = vector.broadcast %broadcast_in_dim3A_479 : f32 to vector<16xf32>
    %swap3A_481 = arith.constant 15 : i32
    %swap3A_482 = arith.index_cast %swap3A_481 : i32 to index
    %swap3A_483 = arith.constant 0 : index
    %swap3A_484 = tpu.vector_load %arg9[%swap3A_482, %swap3A_483] {strides = array<i32>} : memref<16x64xf32, #tpu.memory_space<vmem>>, vector<1x16xf32>,
    %swap3A_485 = vector.shape_cast %swap3A_484 : vector<1x16xf32> to vector<16xf32>
    %swap3A_486 = vector.shape_cast %broadcast_in_dim3A_480 : vector<16xf32> to vector<1x16xf32>
    tpu.vector_store %arg9[%swap3A_482, %swap3A_483], %swap3A_486 {strides = array<i32>} : memref<16x64xf32, #tpu.memory_space<vmem>>, vector<1x16xf32>,
    %broadcast_in_dim3A_487 = arith.constant 0.000000e+00 : f32
    %broadcast_in_dim3A_488 = vector.broadcast %broadcast_in_dim3A_487 : f32 to vector<16xf32>
    %swap3A_489 = arith.constant 15 : i32
    %swap3A_490 = arith.index_cast %swap3A_489 : i32 to index
    %swap3A_491 = arith.constant 16 : index
    %swap3A_492 = tpu.vector_load %arg9[%swap3A_490, %swap3A_491] {strides = array<i32>} : memref<16x64xf32, #tpu.memory_space<vmem>>, vector<1x16xf32>,
    %swap3A_493 = vector.shape_cast %swap3A_492 : vector<1x16xf32> to vector<16xf32>
    %swap3A_494 = vector.shape_cast %broadcast_in_dim3A_488 : vector<16xf32> to vector<1x16xf32>
    tpu.vector_store %arg9[%swap3A_490, %swap3A_491], %swap3A_494 {strides = array<i32>} : memref<16x64xf32, #tpu.memory_space<vmem>>, vector<1x16xf32>,
    %broadcast_in_dim3A_495 = arith.constant 0.000000e+00 : f32
    %broadcast_in_dim3A_496 = vector.broadcast %broadcast_in_dim3A_495 : f32 to vector<16xf32>
    %swap3A_497 = arith.constant 15 : i32
    %swap3A_498 = arith.index_cast %swap3A_497 : i32 to index
    %swap3A_499 = arith.constant 32 : index
    %swap3A_500 = tpu.vector_load %arg9[%swap3A_498, %swap3A_499] {strides = array<i32>} : memref<16x64xf32, #tpu.memory_space<vmem>>, vector<1x16xf32>,
    %swap3A_501 = vector.shape_cast %swap3A_500 : vector<1x16xf32> to vector<16xf32>
    %swap3A_502 = vector.shape_cast %broadcast_in_dim3A_496 : vector<16xf32> to vector<1x16xf32>
    tpu.vector_store %arg9[%swap3A_498, %swap3A_499], %swap3A_502 {strides = array<i32>} : memref<16x64xf32, #tpu.memory_space<vmem>>, vector<1x16xf32>,
    %broadcast_in_dim3A_503 = arith.constant 0.000000e+00 : f32
    %broadcast_in_dim3A_504 = vector.broadcast %broadcast_in_dim3A_503 : f32 to vector<16xf32>
    %swap3A_505 = arith.constant 15 : i32
    %swap3A_506 = arith.index_cast %swap3A_505 : i32 to index
    %swap3A_507 = arith.constant 48 : index
    %swap3A_508 = tpu.vector_load %arg9[%swap3A_506, %swap3A_507] {strides = array<i32>} : memref<16x64xf32, #tpu.memory_space<vmem>>, vector<1x16xf32>,
    %swap3A_509 = vector.shape_cast %swap3A_508 : vector<1x16xf32> to vector<16xf32>
    %swap3A_510 = vector.shape_cast %broadcast_in_dim3A_504 : vector<16xf32> to vector<1x16xf32>
    tpu.vector_store %arg9[%swap3A_506, %swap3A_507], %swap3A_510 {strides = array<i32>} : memref<16x64xf32, #tpu.memory_space<vmem>>, vector<1x16xf32>,
    %scan3A = arith.constant 0 : i32
    %scan3A_511 = arith.constant 0 : i32
    %scan3A_512 = arith.constant 40 : i32
    %scan3A_513 = arith.addi %scan3A_511, %scan3A_512 : i32
    %scan3A_514 = arith.constant 1 : i32
    scf.for %scan3A_529 = %scan3A_511 to %scan3A_513 step %scan3A_514  : i32 {
      %mul3A_530 = arith.constant 640 : i32
      %mul3A_531 = arith.muli %arg1, %mul3A_530 : i32
      %mul3A_532 = arith.constant 16 : i32
      %mul3A_533 = arith.muli %scan3A_529, %mul3A_532 : i32
      %add3A_534 = arith.addi %mul3A_531, %mul3A_533 : i32
      "tpu.region"() ({
        %run_scoped3A = tpu.sem_alloc : memref<!tpu.dma_semaphore, #tpu.memory_space<semaphore_mem>>
        %dma_start3A = arith.constant 0 : i32
        %dma_start3A_535 = tpu.memref_slice %arg10[%add3A_534, %dma_start3A] : memref<10240x64xf32, #tpu.memory_space<vmem_shared>> -> memref<16x64xf32, #tpu.memory_space<vmem_shared>>
        %dma_start3A_536 = arith.constant 0 : i32
        %dma_start3A_537 = tpu.memref_slice %arg10[%add3A_534, %dma_start3A_536] : memref<10240x64xf32, #tpu.memory_space<vmem_shared>> -> memref<16x64xf32, #tpu.memory_space<vmem_shared>>
        tpu.enqueue_dma source(%arg9 : memref<16x64xf32, #tpu.memory_space<vmem>>) target(%dma_start3A_537 : memref<16x64xf32, #tpu.memory_space<vmem_shared>>) target_semaphore(%run_scoped3A : memref<!tpu.dma_semaphore, #tpu.memory_space<semaphore_mem>>)
        %dma_wait3A = arith.constant 0 : i32
        %dma_wait3A_538 = tpu.memref_slice %arg10[%add3A_534, %dma_wait3A] : memref<10240x64xf32, #tpu.memory_space<vmem_shared>> -> memref<16x64xf32, #tpu.memory_space<vmem_shared>>
        %dma_wait3A_539 = arith.constant 0 : i32
        %dma_wait3A_540 = tpu.memref_slice %arg10[%add3A_534, %dma_wait3A_539] : memref<10240x64xf32, #tpu.memory_space<vmem_shared>> -> memref<16x64xf32, #tpu.memory_space<vmem_shared>>
        tpu.wait_dma2 semaphore(%run_scoped3A : memref<!tpu.dma_semaphore, #tpu.memory_space<semaphore_mem>>) src(%arg9 : memref<16x64xf32, #tpu.memory_space<vmem>>) dst(%dma_wait3A_540 : memref<16x64xf32, #tpu.memory_space<vmem_shared>>)
        tpu.yield
      }) : () -> ()
    }
    %scan3A_515 = arith.constant 40 : i32
    %barrier3A = arith.constant 0 : index
    tpu.barrier barrier_id(%barrier3A)
    %mul3A_516 = arith.constant 10112 : i32
    %mul3A_517 = arith.muli %add3A, %mul3A_516 : i32
    %scan3A_518 = arith.constant 0 : i32
    %scan3A_519 = arith.constant 0 : i32
    %scan3A_520 = arith.constant 79 : i32
    %scan3A_521 = arith.addi %scan3A_519, %scan3A_520 : i32
    %scan3A_522 = arith.constant 1 : i32
    scf.for %scan3A_529 = %scan3A_519 to %scan3A_521 step %scan3A_522  : i32 {
      %mul3A_530 = arith.constant 128 : i32
      %mul3A_531 = arith.muli %scan3A_529, %mul3A_530 : i32
      %add3A_532 = arith.addi %mul3A_517, %mul3A_531 : i32
      "tpu.region"() ({
        %run_scoped3A = tpu.sem_alloc : memref<!tpu.dma_semaphore, #tpu.memory_space<semaphore_mem>>
        %dma_start3A_537 = tpu.memref_slice %arg3[%add3A_532] : memref<323584xi32, #tpu.memory_space<hbm>> -> memref<128xi32, #tpu.memory_space<hbm>>
        %dma_start3A_538 = tpu.memref_slice %arg3[%add3A_532] : memref<323584xi32, #tpu.memory_space<hbm>> -> memref<128xi32, #tpu.memory_space<hbm>>
        tpu.enqueue_dma source(%dma_start3A_538 : memref<128xi32, #tpu.memory_space<hbm>>) target(%arg6 : memref<128xi32, #tpu.memory_space<vmem>>) target_semaphore(%run_scoped3A : memref<!tpu.dma_semaphore, #tpu.memory_space<semaphore_mem>>)
        %dma_wait3A_539 = tpu.memref_slice %arg3[%add3A_532] : memref<323584xi32, #tpu.memory_space<hbm>> -> memref<128xi32, #tpu.memory_space<hbm>>
        %dma_wait3A_540 = tpu.memref_slice %arg3[%add3A_532] : memref<323584xi32, #tpu.memory_space<hbm>> -> memref<128xi32, #tpu.memory_space<hbm>>
        tpu.wait_dma2 semaphore(%run_scoped3A : memref<!tpu.dma_semaphore, #tpu.memory_space<semaphore_mem>>) src(%dma_wait3A_540 : memref<128xi32, #tpu.memory_space<hbm>>) dst(%arg6 : memref<128xi32, #tpu.memory_space<vmem>>)
        tpu.yield
      }) : () -> ()
      "tpu.region"() ({
        %run_scoped3A = tpu.sem_alloc : memref<!tpu.dma_semaphore, #tpu.memory_space<semaphore_mem>>
        %dma_start3A_537 = tpu.memref_slice %arg4[%add3A_532] : memref<323584xi32, #tpu.memory_space<hbm>> -> memref<128xi32, #tpu.memory_space<hbm>>
        %dma_start3A_538 = tpu.memref_slice %arg4[%add3A_532] : memref<323584xi32, #tpu.memory_space<hbm>> -> memref<128xi32, #tpu.memory_space<hbm>>
        tpu.enqueue_dma source(%dma_start3A_538 : memref<128xi32, #tpu.memory_space<hbm>>) target(%arg7 : memref<128xi32, #tpu.memory_space<vmem>>) target_semaphore(%run_scoped3A : memref<!tpu.dma_semaphore, #tpu.memory_space<semaphore_mem>>)
        %dma_wait3A_539 = tpu.memref_slice %arg4[%add3A_532] : memref<323584xi32, #tpu.memory_space<hbm>> -> memref<128xi32, #tpu.memory_space<hbm>>
        %dma_wait3A_540 = tpu.memref_slice %arg4[%add3A_532] : memref<323584xi32, #tpu.memory_space<hbm>> -> memref<128xi32, #tpu.memory_space<hbm>>
        tpu.wait_dma2 semaphore(%run_scoped3A : memref<!tpu.dma_semaphore, #tpu.memory_space<semaphore_mem>>) src(%dma_wait3A_540 : memref<128xi32, #tpu.memory_space<hbm>>) dst(%arg7 : memref<128xi32, #tpu.memory_space<vmem>>)
        tpu.yield
      }) : () -> ()
      %dma_start3A = arith.constant 0 : i32
      %dma_start3A_533 = arith.constant 0 : i32
      %dma_start3A_534 = tpu.memref_slice %arg2[%dma_start3A, %dma_start3A_533] : memref<40000x64xf32, #tpu.memory_space<hbm>> -> memref<40000x64xf32, #tpu.memory_space<hbm>>
      tpu.enqueue_indirect_dma source(%dma_start3A_534 : memref<40000x64xf32, #tpu.memory_space<hbm>>) target(%arg8 : memref<128x64xf32, #tpu.memory_space<vmem>>) offsets(%arg6 : memref<128xi32, #tpu.memory_space<vmem>>) semaphore(%arg11 : memref<!tpu.dma_semaphore, #tpu.memory_space<semaphore_mem>>)
      %dma_wait3A = arith.constant 0 : i32
      %dma_wait3A_535 = arith.constant 0 : i32
      %dma_wait3A_536 = tpu.memref_slice %arg2[%dma_wait3A, %dma_wait3A_535] : memref<40000x64xf32, #tpu.memory_space<hbm>> -> memref<40000x64xf32, #tpu.memory_space<hbm>>
      tpu.wait_indirect_dma semaphore(%arg11 : memref<!tpu.dma_semaphore, #tpu.memory_space<semaphore_mem>>) src(%dma_wait3A_536 : memref<40000x64xf32, #tpu.memory_space<hbm>>) dst(%arg8 : memref<128x64xf32, #tpu.memory_space<vmem>>)
      "tpu.region"() ({
        %run_scoped3A = tpu.sem_alloc : memref<!tpu.dma_semaphore, #tpu.memory_space<semaphore_mem>>
        %dma_start3A_537 = arith.constant 0 : i32
        %dma_start3A_538 = arith.constant 0 : i32
        %dma_start3A_539 = tpu.memref_slice %arg10[%dma_start3A_537, %dma_start3A_538] : memref<10240x64xf32, #tpu.memory_space<vmem_shared>> -> memref<10240x64xf32, #tpu.memory_space<vmem_shared>>
        tpu.enqueue_indirect_dma source(%arg8 : memref<128x64xf32, #tpu.memory_space<vmem>>) target(%dma_start3A_539 : memref<10240x64xf32, #tpu.memory_space<vmem_shared>>) offsets(%arg7 : memref<128xi32, #tpu.memory_space<vmem>>) semaphore(%run_scoped3A : memref<!tpu.dma_semaphore, #tpu.memory_space<semaphore_mem>>) {add = true}
        %dma_wait3A_540 = arith.constant 0 : i32
        %dma_wait3A_541 = arith.constant 0 : i32
        %dma_wait3A_542 = tpu.memref_slice %arg10[%dma_wait3A_540, %dma_wait3A_541] : memref<10240x64xf32, #tpu.memory_space<vmem_shared>> -> memref<10240x64xf32, #tpu.memory_space<vmem_shared>>
        tpu.wait_indirect_dma semaphore(%run_scoped3A : memref<!tpu.dma_semaphore, #tpu.memory_space<semaphore_mem>>) src(%arg8 : memref<128x64xf32, #tpu.memory_space<vmem>>) dst(%dma_wait3A_542 : memref<10240x64xf32, #tpu.memory_space<vmem_shared>>)
        tpu.yield
      }) : () -> ()
    }
    %scan3A_523 = arith.constant 79 : i32
    %barrier3A_524 = arith.constant 0 : index
    tpu.barrier barrier_id(%barrier3A_524)
    %mul3A_525 = arith.constant 640 : i32
    %mul3A_526 = arith.muli %arg1, %mul3A_525 : i32
    %mul3A_527 = arith.constant 640 : i32
    %mul3A_528 = arith.muli %arg1, %mul3A_527 : i32
    "tpu.region"() ({
      %run_scoped3A = tpu.sem_alloc : memref<!tpu.dma_semaphore, #tpu.memory_space<semaphore_mem>>
      %dma_start3A = arith.constant 0 : i32
      %dma_start3A_529 = tpu.memref_slice %arg5[%arg0, %mul3A_528, %dma_start3A] : memref<2x10240x64xf32, #tpu.memory_space<hbm>> -> memref<1x640x64xf32, #tpu.memory_space<hbm>>
      %dma_start3A_530 = tpu.memref_squeeze %dma_start3A_529 : memref<1x640x64xf32, #tpu.memory_space<hbm>> -> memref<640x64xf32, #tpu.memory_space<hbm>>
      %dma_start3A_531 = arith.constant 0 : i32
      %dma_start3A_532 = tpu.memref_slice %arg10[%mul3A_526, %dma_start3A_531] : memref<10240x64xf32, #tpu.memory_space<vmem_shared>> -> memref<640x64xf32, #tpu.memory_space<vmem_shared>>
      tpu.enqueue_dma source(%dma_start3A_532 : memref<640x64xf32, #tpu.memory_space<vmem_shared>>) target(%dma_start3A_530 : memref<640x64xf32, #tpu.memory_space<hbm>>) target_semaphore(%run_scoped3A : memref<!tpu.dma_semaphore, #tpu.memory_space<semaphore_mem>>)
      %dma_wait3A = arith.constant 0 : i32
      %dma_wait3A_533 = tpu.memref_slice %arg5[%arg0, %mul3A_528, %dma_wait3A] : memref<2x10240x64xf32, #tpu.memory_space<hbm>> -> memref<1x640x64xf32, #tpu.memory_space<hbm>>
      %dma_wait3A_534 = tpu.memref_squeeze %dma_wait3A_533 : memref<1x640x64xf32, #tpu.memory_space<hbm>> -> memref<640x64xf32, #tpu.memory_space<hbm>>
      %dma_wait3A_535 = arith.constant 0 : i32
      %dma_wait3A_536 = tpu.memref_slice %arg10[%mul3A_526, %dma_wait3A_535] : memref<10240x64xf32, #tpu.memory_space<vmem_shared>> -> memref<640x64xf32, #tpu.memory_space<vmem_shared>>
      tpu.wait_dma2 semaphore(%run_scoped3A : memref<!tpu.dma_semaphore, #tpu.memory_space<semaphore_mem>>) src(%dma_wait3A_536 : memref<640x64xf32, #tpu.memory_space<vmem_shared>>) dst(%dma_wait3A_534 : memref<640x64xf32, #tpu.memory_space<hbm>>)
      tpu.yield
    }) : () -> ()
    return
  }
}

#map = affine_map<(d0, d1) -> (0, 0)>
#map1 = affine_map<(d0, d1) -> (0)>
#map2 = affine_map<(d0, d1) -> (0, 0, 0)>
module attributes {stable_mosaic.version = 14 : i64} {
  func.func @sc_agg(%arg0: i32, %arg1: i32, %arg2: memref<40000x64xf32, #tpu.memory_space<hbm>>, %arg3: memref<323584xi32, #tpu.memory_space<hbm>>, %arg4: memref<323584xi32, #tpu.memory_space<hbm>>, %arg5: memref<2x10240x64xf32, #tpu.memory_space<hbm>>, %arg6: memref<128xi32, #tpu.memory_space<vmem>>, %arg7: memref<128xi32, #tpu.memory_space<vmem>>, %arg8: memref<128x64xf32, #tpu.memory_space<vmem>>, %arg9: memref<16x64xf32, #tpu.memory_space<vmem>>, %arg10: memref<10240x64xf32, #tpu.memory_space<vmem_shared>>, %arg11: memref<!tpu.dma_semaphore, #tpu.memory_space<semaphore_mem>>) attributes {dimension_semantics = [#tpu.dimension_semantics<core_parallel>, #tpu.dimension_semantics<subcore_parallel>], iteration_bounds = array<i64: 2, 16>, scalar_prefetch = 0 : i64, scratch_operands = 6 : i64, tpu.core_type = #tpu.core_type<sc_vector_subcore>, window_params = [{transform_indices = #map}, {transform_indices = #map1}, {transform_indices = #map1}, {transform_indices = #map2}]} {
    %mul3A = arith.constant 2 : i32
    %mul3A_0 = arith.muli %arg1, %mul3A : i32
    %add3A = arith.addi %mul3A_0, %arg0 : i32
    %broadcast_in_dim3A = arith.constant 0.000000e+00 : f32
    %broadcast_in_dim3A_1 = vector.broadcast %broadcast_in_dim3A : f32 to vector<16xf32>
    %swap3A = arith.constant 0 : i32
    %swap3A_2 = arith.index_cast %swap3A : i32 to index
    %swap3A_3 = arith.constant 0 : index
    %swap3A_4 = tpu.vector_load %arg9[%swap3A_2, %swap3A_3] {strides = array<i32>} : memref<16x64xf32, #tpu.memory_space<vmem>>, vector<1x16xf32>,
    %swap3A_5 = vector.shape_cast %swap3A_4 : vector<1x16xf32> to vector<16xf32>
    %swap3A_6 = vector.shape_cast %broadcast_in_dim3A_1 : vector<16xf32> to vector<1x16xf32>
    tpu.vector_store %arg9[%swap3A_2, %swap3A_3], %swap3A_6 {strides = array<i32>} : memref<16x64xf32, #tpu.memory_space<vmem>>, vector<1x16xf32>,
    %broadcast_in_dim3A_7 = arith.constant 0.000000e+00 : f32
    %broadcast_in_dim3A_8 = vector.broadcast %broadcast_in_dim3A_7 : f32 to vector<16xf32>
    %swap3A_9 = arith.constant 0 : i32
    %swap3A_10 = arith.index_cast %swap3A_9 : i32 to index
    %swap3A_11 = arith.constant 16 : index
    %swap3A_12 = tpu.vector_load %arg9[%swap3A_10, %swap3A_11] {strides = array<i32>} : memref<16x64xf32, #tpu.memory_space<vmem>>, vector<1x16xf32>,
    %swap3A_13 = vector.shape_cast %swap3A_12 : vector<1x16xf32> to vector<16xf32>
    %swap3A_14 = vector.shape_cast %broadcast_in_dim3A_8 : vector<16xf32> to vector<1x16xf32>
    tpu.vector_store %arg9[%swap3A_10, %swap3A_11], %swap3A_14 {strides = array<i32>} : memref<16x64xf32, #tpu.memory_space<vmem>>, vector<1x16xf32>,
    %broadcast_in_dim3A_15 = arith.constant 0.000000e+00 : f32
    %broadcast_in_dim3A_16 = vector.broadcast %broadcast_in_dim3A_15 : f32 to vector<16xf32>
    %swap3A_17 = arith.constant 0 : i32
    %swap3A_18 = arith.index_cast %swap3A_17 : i32 to index
    %swap3A_19 = arith.constant 32 : index
    %swap3A_20 = tpu.vector_load %arg9[%swap3A_18, %swap3A_19] {strides = array<i32>} : memref<16x64xf32, #tpu.memory_space<vmem>>, vector<1x16xf32>,
    %swap3A_21 = vector.shape_cast %swap3A_20 : vector<1x16xf32> to vector<16xf32>
    %swap3A_22 = vector.shape_cast %broadcast_in_dim3A_16 : vector<16xf32> to vector<1x16xf32>
    tpu.vector_store %arg9[%swap3A_18, %swap3A_19], %swap3A_22 {strides = array<i32>} : memref<16x64xf32, #tpu.memory_space<vmem>>, vector<1x16xf32>,
    %broadcast_in_dim3A_23 = arith.constant 0.000000e+00 : f32
    %broadcast_in_dim3A_24 = vector.broadcast %broadcast_in_dim3A_23 : f32 to vector<16xf32>
    %swap3A_25 = arith.constant 0 : i32
    %swap3A_26 = arith.index_cast %swap3A_25 : i32 to index
    %swap3A_27 = arith.constant 48 : index
    %swap3A_28 = tpu.vector_load %arg9[%swap3A_26, %swap3A_27] {strides = array<i32>} : memref<16x64xf32, #tpu.memory_space<vmem>>, vector<1x16xf32>,
    %swap3A_29 = vector.shape_cast %swap3A_28 : vector<1x16xf32> to vector<16xf32>
    %swap3A_30 = vector.shape_cast %broadcast_in_dim3A_24 : vector<16xf32> to vector<1x16xf32>
    tpu.vector_store %arg9[%swap3A_26, %swap3A_27], %swap3A_30 {strides = array<i32>} : memref<16x64xf32, #tpu.memory_space<vmem>>, vector<1x16xf32>,
    %broadcast_in_dim3A_31 = arith.constant 0.000000e+00 : f32
    %broadcast_in_dim3A_32 = vector.broadcast %broadcast_in_dim3A_31 : f32 to vector<16xf32>
    %swap3A_33 = arith.constant 1 : i32
    %swap3A_34 = arith.index_cast %swap3A_33 : i32 to index
    %swap3A_35 = arith.constant 0 : index
    %swap3A_36 = tpu.vector_load %arg9[%swap3A_34, %swap3A_35] {strides = array<i32>} : memref<16x64xf32, #tpu.memory_space<vmem>>, vector<1x16xf32>,
    %swap3A_37 = vector.shape_cast %swap3A_36 : vector<1x16xf32> to vector<16xf32>
    %swap3A_38 = vector.shape_cast %broadcast_in_dim3A_32 : vector<16xf32> to vector<1x16xf32>
    tpu.vector_store %arg9[%swap3A_34, %swap3A_35], %swap3A_38 {strides = array<i32>} : memref<16x64xf32, #tpu.memory_space<vmem>>, vector<1x16xf32>,
    %broadcast_in_dim3A_39 = arith.constant 0.000000e+00 : f32
    %broadcast_in_dim3A_40 = vector.broadcast %broadcast_in_dim3A_39 : f32 to vector<16xf32>
    %swap3A_41 = arith.constant 1 : i32
    %swap3A_42 = arith.index_cast %swap3A_41 : i32 to index
    %swap3A_43 = arith.constant 16 : index
    %swap3A_44 = tpu.vector_load %arg9[%swap3A_42, %swap3A_43] {strides = array<i32>} : memref<16x64xf32, #tpu.memory_space<vmem>>, vector<1x16xf32>,
    %swap3A_45 = vector.shape_cast %swap3A_44 : vector<1x16xf32> to vector<16xf32>
    %swap3A_46 = vector.shape_cast %broadcast_in_dim3A_40 : vector<16xf32> to vector<1x16xf32>
    tpu.vector_store %arg9[%swap3A_42, %swap3A_43], %swap3A_46 {strides = array<i32>} : memref<16x64xf32, #tpu.memory_space<vmem>>, vector<1x16xf32>,
    %broadcast_in_dim3A_47 = arith.constant 0.000000e+00 : f32
    %broadcast_in_dim3A_48 = vector.broadcast %broadcast_in_dim3A_47 : f32 to vector<16xf32>
    %swap3A_49 = arith.constant 1 : i32
    %swap3A_50 = arith.index_cast %swap3A_49 : i32 to index
    %swap3A_51 = arith.constant 32 : index
    %swap3A_52 = tpu.vector_load %arg9[%swap3A_50, %swap3A_51] {strides = array<i32>} : memref<16x64xf32, #tpu.memory_space<vmem>>, vector<1x16xf32>,
    %swap3A_53 = vector.shape_cast %swap3A_52 : vector<1x16xf32> to vector<16xf32>
    %swap3A_54 = vector.shape_cast %broadcast_in_dim3A_48 : vector<16xf32> to vector<1x16xf32>
    tpu.vector_store %arg9[%swap3A_50, %swap3A_51], %swap3A_54 {strides = array<i32>} : memref<16x64xf32, #tpu.memory_space<vmem>>, vector<1x16xf32>,
    %broadcast_in_dim3A_55 = arith.constant 0.000000e+00 : f32
    %broadcast_in_dim3A_56 = vector.broadcast %broadcast_in_dim3A_55 : f32 to vector<16xf32>
    %swap3A_57 = arith.constant 1 : i32
    %swap3A_58 = arith.index_cast %swap3A_57 : i32 to index
    %swap3A_59 = arith.constant 48 : index
    %swap3A_60 = tpu.vector_load %arg9[%swap3A_58, %swap3A_59] {strides = array<i32>} : memref<16x64xf32, #tpu.memory_space<vmem>>, vector<1x16xf32>,
    %swap3A_61 = vector.shape_cast %swap3A_60 : vector<1x16xf32> to vector<16xf32>
    %swap3A_62 = vector.shape_cast %broadcast_in_dim3A_56 : vector<16xf32> to vector<1x16xf32>
    tpu.vector_store %arg9[%swap3A_58, %swap3A_59], %swap3A_62 {strides = array<i32>} : memref<16x64xf32, #tpu.memory_space<vmem>>, vector<1x16xf32>,
    %broadcast_in_dim3A_63 = arith.constant 0.000000e+00 : f32
    %broadcast_in_dim3A_64 = vector.broadcast %broadcast_in_dim3A_63 : f32 to vector<16xf32>
    %swap3A_65 = arith.constant 2 : i32
    %swap3A_66 = arith.index_cast %swap3A_65 : i32 to index
    %swap3A_67 = arith.constant 0 : index
    %swap3A_68 = tpu.vector_load %arg9[%swap3A_66, %swap3A_67] {strides = array<i32>} : memref<16x64xf32, #tpu.memory_space<vmem>>, vector<1x16xf32>,
    %swap3A_69 = vector.shape_cast %swap3A_68 : vector<1x16xf32> to vector<16xf32>
    %swap3A_70 = vector.shape_cast %broadcast_in_dim3A_64 : vector<16xf32> to vector<1x16xf32>
    tpu.vector_store %arg9[%swap3A_66, %swap3A_67], %swap3A_70 {strides = array<i32>} : memref<16x64xf32, #tpu.memory_space<vmem>>, vector<1x16xf32>,
    %broadcast_in_dim3A_71 = arith.constant 0.000000e+00 : f32
    %broadcast_in_dim3A_72 = vector.broadcast %broadcast_in_dim3A_71 : f32 to vector<16xf32>
    %swap3A_73 = arith.constant 2 : i32
    %swap3A_74 = arith.index_cast %swap3A_73 : i32 to index
    %swap3A_75 = arith.constant 16 : index
    %swap3A_76 = tpu.vector_load %arg9[%swap3A_74, %swap3A_75] {strides = array<i32>} : memref<16x64xf32, #tpu.memory_space<vmem>>, vector<1x16xf32>,
    %swap3A_77 = vector.shape_cast %swap3A_76 : vector<1x16xf32> to vector<16xf32>
    %swap3A_78 = vector.shape_cast %broadcast_in_dim3A_72 : vector<16xf32> to vector<1x16xf32>
    tpu.vector_store %arg9[%swap3A_74, %swap3A_75], %swap3A_78 {strides = array<i32>} : memref<16x64xf32, #tpu.memory_space<vmem>>, vector<1x16xf32>,
    %broadcast_in_dim3A_79 = arith.constant 0.000000e+00 : f32
    %broadcast_in_dim3A_80 = vector.broadcast %broadcast_in_dim3A_79 : f32 to vector<16xf32>
    %swap3A_81 = arith.constant 2 : i32
    %swap3A_82 = arith.index_cast %swap3A_81 : i32 to index
    %swap3A_83 = arith.constant 32 : index
    %swap3A_84 = tpu.vector_load %arg9[%swap3A_82, %swap3A_83] {strides = array<i32>} : memref<16x64xf32, #tpu.memory_space<vmem>>, vector<1x16xf32>,
    %swap3A_85 = vector.shape_cast %swap3A_84 : vector<1x16xf32> to vector<16xf32>
    %swap3A_86 = vector.shape_cast %broadcast_in_dim3A_80 : vector<16xf32> to vector<1x16xf32>
    tpu.vector_store %arg9[%swap3A_82, %swap3A_83], %swap3A_86 {strides = array<i32>} : memref<16x64xf32, #tpu.memory_space<vmem>>, vector<1x16xf32>,
    %broadcast_in_dim3A_87 = arith.constant 0.000000e+00 : f32
    %broadcast_in_dim3A_88 = vector.broadcast %broadcast_in_dim3A_87 : f32 to vector<16xf32>
    %swap3A_89 = arith.constant 2 : i32
    %swap3A_90 = arith.index_cast %swap3A_89 : i32 to index
    %swap3A_91 = arith.constant 48 : index
    %swap3A_92 = tpu.vector_load %arg9[%swap3A_90, %swap3A_91] {strides = array<i32>} : memref<16x64xf32, #tpu.memory_space<vmem>>, vector<1x16xf32>,
    %swap3A_93 = vector.shape_cast %swap3A_92 : vector<1x16xf32> to vector<16xf32>
    %swap3A_94 = vector.shape_cast %broadcast_in_dim3A_88 : vector<16xf32> to vector<1x16xf32>
    tpu.vector_store %arg9[%swap3A_90, %swap3A_91], %swap3A_94 {strides = array<i32>} : memref<16x64xf32, #tpu.memory_space<vmem>>, vector<1x16xf32>,
    %broadcast_in_dim3A_95 = arith.constant 0.000000e+00 : f32
    %broadcast_in_dim3A_96 = vector.broadcast %broadcast_in_dim3A_95 : f32 to vector<16xf32>
    %swap3A_97 = arith.constant 3 : i32
    %swap3A_98 = arith.index_cast %swap3A_97 : i32 to index
    %swap3A_99 = arith.constant 0 : index
    %swap3A_100 = tpu.vector_load %arg9[%swap3A_98, %swap3A_99] {strides = array<i32>} : memref<16x64xf32, #tpu.memory_space<vmem>>, vector<1x16xf32>,
    %swap3A_101 = vector.shape_cast %swap3A_100 : vector<1x16xf32> to vector<16xf32>
    %swap3A_102 = vector.shape_cast %broadcast_in_dim3A_96 : vector<16xf32> to vector<1x16xf32>
    tpu.vector_store %arg9[%swap3A_98, %swap3A_99], %swap3A_102 {strides = array<i32>} : memref<16x64xf32, #tpu.memory_space<vmem>>, vector<1x16xf32>,
    %broadcast_in_dim3A_103 = arith.constant 0.000000e+00 : f32
    %broadcast_in_dim3A_104 = vector.broadcast %broadcast_in_dim3A_103 : f32 to vector<16xf32>
    %swap3A_105 = arith.constant 3 : i32
    %swap3A_106 = arith.index_cast %swap3A_105 : i32 to index
    %swap3A_107 = arith.constant 16 : index
    %swap3A_108 = tpu.vector_load %arg9[%swap3A_106, %swap3A_107] {strides = array<i32>} : memref<16x64xf32, #tpu.memory_space<vmem>>, vector<1x16xf32>,
    %swap3A_109 = vector.shape_cast %swap3A_108 : vector<1x16xf32> to vector<16xf32>
    %swap3A_110 = vector.shape_cast %broadcast_in_dim3A_104 : vector<16xf32> to vector<1x16xf32>
    tpu.vector_store %arg9[%swap3A_106, %swap3A_107], %swap3A_110 {strides = array<i32>} : memref<16x64xf32, #tpu.memory_space<vmem>>, vector<1x16xf32>,
    %broadcast_in_dim3A_111 = arith.constant 0.000000e+00 : f32
    %broadcast_in_dim3A_112 = vector.broadcast %broadcast_in_dim3A_111 : f32 to vector<16xf32>
    %swap3A_113 = arith.constant 3 : i32
    %swap3A_114 = arith.index_cast %swap3A_113 : i32 to index
    %swap3A_115 = arith.constant 32 : index
    %swap3A_116 = tpu.vector_load %arg9[%swap3A_114, %swap3A_115] {strides = array<i32>} : memref<16x64xf32, #tpu.memory_space<vmem>>, vector<1x16xf32>,
    %swap3A_117 = vector.shape_cast %swap3A_116 : vector<1x16xf32> to vector<16xf32>
    %swap3A_118 = vector.shape_cast %broadcast_in_dim3A_112 : vector<16xf32> to vector<1x16xf32>
    tpu.vector_store %arg9[%swap3A_114, %swap3A_115], %swap3A_118 {strides = array<i32>} : memref<16x64xf32, #tpu.memory_space<vmem>>, vector<1x16xf32>,
    %broadcast_in_dim3A_119 = arith.constant 0.000000e+00 : f32
    %broadcast_in_dim3A_120 = vector.broadcast %broadcast_in_dim3A_119 : f32 to vector<16xf32>
    %swap3A_121 = arith.constant 3 : i32
    %swap3A_122 = arith.index_cast %swap3A_121 : i32 to index
    %swap3A_123 = arith.constant 48 : index
    %swap3A_124 = tpu.vector_load %arg9[%swap3A_122, %swap3A_123] {strides = array<i32>} : memref<16x64xf32, #tpu.memory_space<vmem>>, vector<1x16xf32>,
    %swap3A_125 = vector.shape_cast %swap3A_124 : vector<1x16xf32> to vector<16xf32>
    %swap3A_126 = vector.shape_cast %broadcast_in_dim3A_120 : vector<16xf32> to vector<1x16xf32>
    tpu.vector_store %arg9[%swap3A_122, %swap3A_123], %swap3A_126 {strides = array<i32>} : memref<16x64xf32, #tpu.memory_space<vmem>>, vector<1x16xf32>,
    %broadcast_in_dim3A_127 = arith.constant 0.000000e+00 : f32
    %broadcast_in_dim3A_128 = vector.broadcast %broadcast_in_dim3A_127 : f32 to vector<16xf32>
    %swap3A_129 = arith.constant 4 : i32
    %swap3A_130 = arith.index_cast %swap3A_129 : i32 to index
    %swap3A_131 = arith.constant 0 : index
    %swap3A_132 = tpu.vector_load %arg9[%swap3A_130, %swap3A_131] {strides = array<i32>} : memref<16x64xf32, #tpu.memory_space<vmem>>, vector<1x16xf32>,
    %swap3A_133 = vector.shape_cast %swap3A_132 : vector<1x16xf32> to vector<16xf32>
    %swap3A_134 = vector.shape_cast %broadcast_in_dim3A_128 : vector<16xf32> to vector<1x16xf32>
    tpu.vector_store %arg9[%swap3A_130, %swap3A_131], %swap3A_134 {strides = array<i32>} : memref<16x64xf32, #tpu.memory_space<vmem>>, vector<1x16xf32>,
    %broadcast_in_dim3A_135 = arith.constant 0.000000e+00 : f32
    %broadcast_in_dim3A_136 = vector.broadcast %broadcast_in_dim3A_135 : f32 to vector<16xf32>
    %swap3A_137 = arith.constant 4 : i32
    %swap3A_138 = arith.index_cast %swap3A_137 : i32 to index
    %swap3A_139 = arith.constant 16 : index
    %swap3A_140 = tpu.vector_load %arg9[%swap3A_138, %swap3A_139] {strides = array<i32>} : memref<16x64xf32, #tpu.memory_space<vmem>>, vector<1x16xf32>,
    %swap3A_141 = vector.shape_cast %swap3A_140 : vector<1x16xf32> to vector<16xf32>
    %swap3A_142 = vector.shape_cast %broadcast_in_dim3A_136 : vector<16xf32> to vector<1x16xf32>
    tpu.vector_store %arg9[%swap3A_138, %swap3A_139], %swap3A_142 {strides = array<i32>} : memref<16x64xf32, #tpu.memory_space<vmem>>, vector<1x16xf32>,
    %broadcast_in_dim3A_143 = arith.constant 0.000000e+00 : f32
    %broadcast_in_dim3A_144 = vector.broadcast %broadcast_in_dim3A_143 : f32 to vector<16xf32>
    %swap3A_145 = arith.constant 4 : i32
    %swap3A_146 = arith.index_cast %swap3A_145 : i32 to index
    %swap3A_147 = arith.constant 32 : index
    %swap3A_148 = tpu.vector_load %arg9[%swap3A_146, %swap3A_147] {strides = array<i32>} : memref<16x64xf32, #tpu.memory_space<vmem>>, vector<1x16xf32>,
    %swap3A_149 = vector.shape_cast %swap3A_148 : vector<1x16xf32> to vector<16xf32>
    %swap3A_150 = vector.shape_cast %broadcast_in_dim3A_144 : vector<16xf32> to vector<1x16xf32>
    tpu.vector_store %arg9[%swap3A_146, %swap3A_147], %swap3A_150 {strides = array<i32>} : memref<16x64xf32, #tpu.memory_space<vmem>>, vector<1x16xf32>,
    %broadcast_in_dim3A_151 = arith.constant 0.000000e+00 : f32
    %broadcast_in_dim3A_152 = vector.broadcast %broadcast_in_dim3A_151 : f32 to vector<16xf32>
    %swap3A_153 = arith.constant 4 : i32
    %swap3A_154 = arith.index_cast %swap3A_153 : i32 to index
    %swap3A_155 = arith.constant 48 : index
    %swap3A_156 = tpu.vector_load %arg9[%swap3A_154, %swap3A_155] {strides = array<i32>} : memref<16x64xf32, #tpu.memory_space<vmem>>, vector<1x16xf32>,
    %swap3A_157 = vector.shape_cast %swap3A_156 : vector<1x16xf32> to vector<16xf32>
    %swap3A_158 = vector.shape_cast %broadcast_in_dim3A_152 : vector<16xf32> to vector<1x16xf32>
    tpu.vector_store %arg9[%swap3A_154, %swap3A_155], %swap3A_158 {strides = array<i32>} : memref<16x64xf32, #tpu.memory_space<vmem>>, vector<1x16xf32>,
    %broadcast_in_dim3A_159 = arith.constant 0.000000e+00 : f32
    %broadcast_in_dim3A_160 = vector.broadcast %broadcast_in_dim3A_159 : f32 to vector<16xf32>
    %swap3A_161 = arith.constant 5 : i32
    %swap3A_162 = arith.index_cast %swap3A_161 : i32 to index
    %swap3A_163 = arith.constant 0 : index
    %swap3A_164 = tpu.vector_load %arg9[%swap3A_162, %swap3A_163] {strides = array<i32>} : memref<16x64xf32, #tpu.memory_space<vmem>>, vector<1x16xf32>,
    %swap3A_165 = vector.shape_cast %swap3A_164 : vector<1x16xf32> to vector<16xf32>
    %swap3A_166 = vector.shape_cast %broadcast_in_dim3A_160 : vector<16xf32> to vector<1x16xf32>
    tpu.vector_store %arg9[%swap3A_162, %swap3A_163], %swap3A_166 {strides = array<i32>} : memref<16x64xf32, #tpu.memory_space<vmem>>, vector<1x16xf32>,
    %broadcast_in_dim3A_167 = arith.constant 0.000000e+00 : f32
    %broadcast_in_dim3A_168 = vector.broadcast %broadcast_in_dim3A_167 : f32 to vector<16xf32>
    %swap3A_169 = arith.constant 5 : i32
    %swap3A_170 = arith.index_cast %swap3A_169 : i32 to index
    %swap3A_171 = arith.constant 16 : index
    %swap3A_172 = tpu.vector_load %arg9[%swap3A_170, %swap3A_171] {strides = array<i32>} : memref<16x64xf32, #tpu.memory_space<vmem>>, vector<1x16xf32>,
    %swap3A_173 = vector.shape_cast %swap3A_172 : vector<1x16xf32> to vector<16xf32>
    %swap3A_174 = vector.shape_cast %broadcast_in_dim3A_168 : vector<16xf32> to vector<1x16xf32>
    tpu.vector_store %arg9[%swap3A_170, %swap3A_171], %swap3A_174 {strides = array<i32>} : memref<16x64xf32, #tpu.memory_space<vmem>>, vector<1x16xf32>,
    %broadcast_in_dim3A_175 = arith.constant 0.000000e+00 : f32
    %broadcast_in_dim3A_176 = vector.broadcast %broadcast_in_dim3A_175 : f32 to vector<16xf32>
    %swap3A_177 = arith.constant 5 : i32
    %swap3A_178 = arith.index_cast %swap3A_177 : i32 to index
    %swap3A_179 = arith.constant 32 : index
    %swap3A_180 = tpu.vector_load %arg9[%swap3A_178, %swap3A_179] {strides = array<i32>} : memref<16x64xf32, #tpu.memory_space<vmem>>, vector<1x16xf32>,
    %swap3A_181 = vector.shape_cast %swap3A_180 : vector<1x16xf32> to vector<16xf32>
    %swap3A_182 = vector.shape_cast %broadcast_in_dim3A_176 : vector<16xf32> to vector<1x16xf32>
    tpu.vector_store %arg9[%swap3A_178, %swap3A_179], %swap3A_182 {strides = array<i32>} : memref<16x64xf32, #tpu.memory_space<vmem>>, vector<1x16xf32>,
    %broadcast_in_dim3A_183 = arith.constant 0.000000e+00 : f32
    %broadcast_in_dim3A_184 = vector.broadcast %broadcast_in_dim3A_183 : f32 to vector<16xf32>
    %swap3A_185 = arith.constant 5 : i32
    %swap3A_186 = arith.index_cast %swap3A_185 : i32 to index
    %swap3A_187 = arith.constant 48 : index
    %swap3A_188 = tpu.vector_load %arg9[%swap3A_186, %swap3A_187] {strides = array<i32>} : memref<16x64xf32, #tpu.memory_space<vmem>>, vector<1x16xf32>,
    %swap3A_189 = vector.shape_cast %swap3A_188 : vector<1x16xf32> to vector<16xf32>
    %swap3A_190 = vector.shape_cast %broadcast_in_dim3A_184 : vector<16xf32> to vector<1x16xf32>
    tpu.vector_store %arg9[%swap3A_186, %swap3A_187], %swap3A_190 {strides = array<i32>} : memref<16x64xf32, #tpu.memory_space<vmem>>, vector<1x16xf32>,
    %broadcast_in_dim3A_191 = arith.constant 0.000000e+00 : f32
    %broadcast_in_dim3A_192 = vector.broadcast %broadcast_in_dim3A_191 : f32 to vector<16xf32>
    %swap3A_193 = arith.constant 6 : i32
    %swap3A_194 = arith.index_cast %swap3A_193 : i32 to index
    %swap3A_195 = arith.constant 0 : index
    %swap3A_196 = tpu.vector_load %arg9[%swap3A_194, %swap3A_195] {strides = array<i32>} : memref<16x64xf32, #tpu.memory_space<vmem>>, vector<1x16xf32>,
    %swap3A_197 = vector.shape_cast %swap3A_196 : vector<1x16xf32> to vector<16xf32>
    %swap3A_198 = vector.shape_cast %broadcast_in_dim3A_192 : vector<16xf32> to vector<1x16xf32>
    tpu.vector_store %arg9[%swap3A_194, %swap3A_195], %swap3A_198 {strides = array<i32>} : memref<16x64xf32, #tpu.memory_space<vmem>>, vector<1x16xf32>,
    %broadcast_in_dim3A_199 = arith.constant 0.000000e+00 : f32
    %broadcast_in_dim3A_200 = vector.broadcast %broadcast_in_dim3A_199 : f32 to vector<16xf32>
    %swap3A_201 = arith.constant 6 : i32
    %swap3A_202 = arith.index_cast %swap3A_201 : i32 to index
    %swap3A_203 = arith.constant 16 : index
    %swap3A_204 = tpu.vector_load %arg9[%swap3A_202, %swap3A_203] {strides = array<i32>} : memref<16x64xf32, #tpu.memory_space<vmem>>, vector<1x16xf32>,
    %swap3A_205 = vector.shape_cast %swap3A_204 : vector<1x16xf32> to vector<16xf32>
    %swap3A_206 = vector.shape_cast %broadcast_in_dim3A_200 : vector<16xf32> to vector<1x16xf32>
    tpu.vector_store %arg9[%swap3A_202, %swap3A_203], %swap3A_206 {strides = array<i32>} : memref<16x64xf32, #tpu.memory_space<vmem>>, vector<1x16xf32>,
    %broadcast_in_dim3A_207 = arith.constant 0.000000e+00 : f32
    %broadcast_in_dim3A_208 = vector.broadcast %broadcast_in_dim3A_207 : f32 to vector<16xf32>
    %swap3A_209 = arith.constant 6 : i32
    %swap3A_210 = arith.index_cast %swap3A_209 : i32 to index
    %swap3A_211 = arith.constant 32 : index
    %swap3A_212 = tpu.vector_load %arg9[%swap3A_210, %swap3A_211] {strides = array<i32>} : memref<16x64xf32, #tpu.memory_space<vmem>>, vector<1x16xf32>,
    %swap3A_213 = vector.shape_cast %swap3A_212 : vector<1x16xf32> to vector<16xf32>
    %swap3A_214 = vector.shape_cast %broadcast_in_dim3A_208 : vector<16xf32> to vector<1x16xf32>
    tpu.vector_store %arg9[%swap3A_210, %swap3A_211], %swap3A_214 {strides = array<i32>} : memref<16x64xf32, #tpu.memory_space<vmem>>, vector<1x16xf32>,
    %broadcast_in_dim3A_215 = arith.constant 0.000000e+00 : f32
    %broadcast_in_dim3A_216 = vector.broadcast %broadcast_in_dim3A_215 : f32 to vector<16xf32>
    %swap3A_217 = arith.constant 6 : i32
    %swap3A_218 = arith.index_cast %swap3A_217 : i32 to index
    %swap3A_219 = arith.constant 48 : index
    %swap3A_220 = tpu.vector_load %arg9[%swap3A_218, %swap3A_219] {strides = array<i32>} : memref<16x64xf32, #tpu.memory_space<vmem>>, vector<1x16xf32>,
    %swap3A_221 = vector.shape_cast %swap3A_220 : vector<1x16xf32> to vector<16xf32>
    %swap3A_222 = vector.shape_cast %broadcast_in_dim3A_216 : vector<16xf32> to vector<1x16xf32>
    tpu.vector_store %arg9[%swap3A_218, %swap3A_219], %swap3A_222 {strides = array<i32>} : memref<16x64xf32, #tpu.memory_space<vmem>>, vector<1x16xf32>,
    %broadcast_in_dim3A_223 = arith.constant 0.000000e+00 : f32
    %broadcast_in_dim3A_224 = vector.broadcast %broadcast_in_dim3A_223 : f32 to vector<16xf32>
    %swap3A_225 = arith.constant 7 : i32
    %swap3A_226 = arith.index_cast %swap3A_225 : i32 to index
    %swap3A_227 = arith.constant 0 : index
    %swap3A_228 = tpu.vector_load %arg9[%swap3A_226, %swap3A_227] {strides = array<i32>} : memref<16x64xf32, #tpu.memory_space<vmem>>, vector<1x16xf32>,
    %swap3A_229 = vector.shape_cast %swap3A_228 : vector<1x16xf32> to vector<16xf32>
    %swap3A_230 = vector.shape_cast %broadcast_in_dim3A_224 : vector<16xf32> to vector<1x16xf32>
    tpu.vector_store %arg9[%swap3A_226, %swap3A_227], %swap3A_230 {strides = array<i32>} : memref<16x64xf32, #tpu.memory_space<vmem>>, vector<1x16xf32>,
    %broadcast_in_dim3A_231 = arith.constant 0.000000e+00 : f32
    %broadcast_in_dim3A_232 = vector.broadcast %broadcast_in_dim3A_231 : f32 to vector<16xf32>
    %swap3A_233 = arith.constant 7 : i32
    %swap3A_234 = arith.index_cast %swap3A_233 : i32 to index
    %swap3A_235 = arith.constant 16 : index
    %swap3A_236 = tpu.vector_load %arg9[%swap3A_234, %swap3A_235] {strides = array<i32>} : memref<16x64xf32, #tpu.memory_space<vmem>>, vector<1x16xf32>,
    %swap3A_237 = vector.shape_cast %swap3A_236 : vector<1x16xf32> to vector<16xf32>
    %swap3A_238 = vector.shape_cast %broadcast_in_dim3A_232 : vector<16xf32> to vector<1x16xf32>
    tpu.vector_store %arg9[%swap3A_234, %swap3A_235], %swap3A_238 {strides = array<i32>} : memref<16x64xf32, #tpu.memory_space<vmem>>, vector<1x16xf32>,
    %broadcast_in_dim3A_239 = arith.constant 0.000000e+00 : f32
    %broadcast_in_dim3A_240 = vector.broadcast %broadcast_in_dim3A_239 : f32 to vector<16xf32>
    %swap3A_241 = arith.constant 7 : i32
    %swap3A_242 = arith.index_cast %swap3A_241 : i32 to index
    %swap3A_243 = arith.constant 32 : index
    %swap3A_244 = tpu.vector_load %arg9[%swap3A_242, %swap3A_243] {strides = array<i32>} : memref<16x64xf32, #tpu.memory_space<vmem>>, vector<1x16xf32>,
    %swap3A_245 = vector.shape_cast %swap3A_244 : vector<1x16xf32> to vector<16xf32>
    %swap3A_246 = vector.shape_cast %broadcast_in_dim3A_240 : vector<16xf32> to vector<1x16xf32>
    tpu.vector_store %arg9[%swap3A_242, %swap3A_243], %swap3A_246 {strides = array<i32>} : memref<16x64xf32, #tpu.memory_space<vmem>>, vector<1x16xf32>,
    %broadcast_in_dim3A_247 = arith.constant 0.000000e+00 : f32
    %broadcast_in_dim3A_248 = vector.broadcast %broadcast_in_dim3A_247 : f32 to vector<16xf32>
    %swap3A_249 = arith.constant 7 : i32
    %swap3A_250 = arith.index_cast %swap3A_249 : i32 to index
    %swap3A_251 = arith.constant 48 : index
    %swap3A_252 = tpu.vector_load %arg9[%swap3A_250, %swap3A_251] {strides = array<i32>} : memref<16x64xf32, #tpu.memory_space<vmem>>, vector<1x16xf32>,
    %swap3A_253 = vector.shape_cast %swap3A_252 : vector<1x16xf32> to vector<16xf32>
    %swap3A_254 = vector.shape_cast %broadcast_in_dim3A_248 : vector<16xf32> to vector<1x16xf32>
    tpu.vector_store %arg9[%swap3A_250, %swap3A_251], %swap3A_254 {strides = array<i32>} : memref<16x64xf32, #tpu.memory_space<vmem>>, vector<1x16xf32>,
    %broadcast_in_dim3A_255 = arith.constant 0.000000e+00 : f32
    %broadcast_in_dim3A_256 = vector.broadcast %broadcast_in_dim3A_255 : f32 to vector<16xf32>
    %swap3A_257 = arith.constant 8 : i32
    %swap3A_258 = arith.index_cast %swap3A_257 : i32 to index
    %swap3A_259 = arith.constant 0 : index
    %swap3A_260 = tpu.vector_load %arg9[%swap3A_258, %swap3A_259] {strides = array<i32>} : memref<16x64xf32, #tpu.memory_space<vmem>>, vector<1x16xf32>,
    %swap3A_261 = vector.shape_cast %swap3A_260 : vector<1x16xf32> to vector<16xf32>
    %swap3A_262 = vector.shape_cast %broadcast_in_dim3A_256 : vector<16xf32> to vector<1x16xf32>
    tpu.vector_store %arg9[%swap3A_258, %swap3A_259], %swap3A_262 {strides = array<i32>} : memref<16x64xf32, #tpu.memory_space<vmem>>, vector<1x16xf32>,
    %broadcast_in_dim3A_263 = arith.constant 0.000000e+00 : f32
    %broadcast_in_dim3A_264 = vector.broadcast %broadcast_in_dim3A_263 : f32 to vector<16xf32>
    %swap3A_265 = arith.constant 8 : i32
    %swap3A_266 = arith.index_cast %swap3A_265 : i32 to index
    %swap3A_267 = arith.constant 16 : index
    %swap3A_268 = tpu.vector_load %arg9[%swap3A_266, %swap3A_267] {strides = array<i32>} : memref<16x64xf32, #tpu.memory_space<vmem>>, vector<1x16xf32>,
    %swap3A_269 = vector.shape_cast %swap3A_268 : vector<1x16xf32> to vector<16xf32>
    %swap3A_270 = vector.shape_cast %broadcast_in_dim3A_264 : vector<16xf32> to vector<1x16xf32>
    tpu.vector_store %arg9[%swap3A_266, %swap3A_267], %swap3A_270 {strides = array<i32>} : memref<16x64xf32, #tpu.memory_space<vmem>>, vector<1x16xf32>,
    %broadcast_in_dim3A_271 = arith.constant 0.000000e+00 : f32
    %broadcast_in_dim3A_272 = vector.broadcast %broadcast_in_dim3A_271 : f32 to vector<16xf32>
    %swap3A_273 = arith.constant 8 : i32
    %swap3A_274 = arith.index_cast %swap3A_273 : i32 to index
    %swap3A_275 = arith.constant 32 : index
    %swap3A_276 = tpu.vector_load %arg9[%swap3A_274, %swap3A_275] {strides = array<i32>} : memref<16x64xf32, #tpu.memory_space<vmem>>, vector<1x16xf32>,
    %swap3A_277 = vector.shape_cast %swap3A_276 : vector<1x16xf32> to vector<16xf32>
    %swap3A_278 = vector.shape_cast %broadcast_in_dim3A_272 : vector<16xf32> to vector<1x16xf32>
    tpu.vector_store %arg9[%swap3A_274, %swap3A_275], %swap3A_278 {strides = array<i32>} : memref<16x64xf32, #tpu.memory_space<vmem>>, vector<1x16xf32>,
    %broadcast_in_dim3A_279 = arith.constant 0.000000e+00 : f32
    %broadcast_in_dim3A_280 = vector.broadcast %broadcast_in_dim3A_279 : f32 to vector<16xf32>
    %swap3A_281 = arith.constant 8 : i32
    %swap3A_282 = arith.index_cast %swap3A_281 : i32 to index
    %swap3A_283 = arith.constant 48 : index
    %swap3A_284 = tpu.vector_load %arg9[%swap3A_282, %swap3A_283] {strides = array<i32>} : memref<16x64xf32, #tpu.memory_space<vmem>>, vector<1x16xf32>,
    %swap3A_285 = vector.shape_cast %swap3A_284 : vector<1x16xf32> to vector<16xf32>
    %swap3A_286 = vector.shape_cast %broadcast_in_dim3A_280 : vector<16xf32> to vector<1x16xf32>
    tpu.vector_store %arg9[%swap3A_282, %swap3A_283], %swap3A_286 {strides = array<i32>} : memref<16x64xf32, #tpu.memory_space<vmem>>, vector<1x16xf32>,
    %broadcast_in_dim3A_287 = arith.constant 0.000000e+00 : f32
    %broadcast_in_dim3A_288 = vector.broadcast %broadcast_in_dim3A_287 : f32 to vector<16xf32>
    %swap3A_289 = arith.constant 9 : i32
    %swap3A_290 = arith.index_cast %swap3A_289 : i32 to index
    %swap3A_291 = arith.constant 0 : index
    %swap3A_292 = tpu.vector_load %arg9[%swap3A_290, %swap3A_291] {strides = array<i32>} : memref<16x64xf32, #tpu.memory_space<vmem>>, vector<1x16xf32>,
    %swap3A_293 = vector.shape_cast %swap3A_292 : vector<1x16xf32> to vector<16xf32>
    %swap3A_294 = vector.shape_cast %broadcast_in_dim3A_288 : vector<16xf32> to vector<1x16xf32>
    tpu.vector_store %arg9[%swap3A_290, %swap3A_291], %swap3A_294 {strides = array<i32>} : memref<16x64xf32, #tpu.memory_space<vmem>>, vector<1x16xf32>,
    %broadcast_in_dim3A_295 = arith.constant 0.000000e+00 : f32
    %broadcast_in_dim3A_296 = vector.broadcast %broadcast_in_dim3A_295 : f32 to vector<16xf32>
    %swap3A_297 = arith.constant 9 : i32
    %swap3A_298 = arith.index_cast %swap3A_297 : i32 to index
    %swap3A_299 = arith.constant 16 : index
    %swap3A_300 = tpu.vector_load %arg9[%swap3A_298, %swap3A_299] {strides = array<i32>} : memref<16x64xf32, #tpu.memory_space<vmem>>, vector<1x16xf32>,
    %swap3A_301 = vector.shape_cast %swap3A_300 : vector<1x16xf32> to vector<16xf32>
    %swap3A_302 = vector.shape_cast %broadcast_in_dim3A_296 : vector<16xf32> to vector<1x16xf32>
    tpu.vector_store %arg9[%swap3A_298, %swap3A_299], %swap3A_302 {strides = array<i32>} : memref<16x64xf32, #tpu.memory_space<vmem>>, vector<1x16xf32>,
    %broadcast_in_dim3A_303 = arith.constant 0.000000e+00 : f32
    %broadcast_in_dim3A_304 = vector.broadcast %broadcast_in_dim3A_303 : f32 to vector<16xf32>
    %swap3A_305 = arith.constant 9 : i32
    %swap3A_306 = arith.index_cast %swap3A_305 : i32 to index
    %swap3A_307 = arith.constant 32 : index
    %swap3A_308 = tpu.vector_load %arg9[%swap3A_306, %swap3A_307] {strides = array<i32>} : memref<16x64xf32, #tpu.memory_space<vmem>>, vector<1x16xf32>,
    %swap3A_309 = vector.shape_cast %swap3A_308 : vector<1x16xf32> to vector<16xf32>
    %swap3A_310 = vector.shape_cast %broadcast_in_dim3A_304 : vector<16xf32> to vector<1x16xf32>
    tpu.vector_store %arg9[%swap3A_306, %swap3A_307], %swap3A_310 {strides = array<i32>} : memref<16x64xf32, #tpu.memory_space<vmem>>, vector<1x16xf32>,
    %broadcast_in_dim3A_311 = arith.constant 0.000000e+00 : f32
    %broadcast_in_dim3A_312 = vector.broadcast %broadcast_in_dim3A_311 : f32 to vector<16xf32>
    %swap3A_313 = arith.constant 9 : i32
    %swap3A_314 = arith.index_cast %swap3A_313 : i32 to index
    %swap3A_315 = arith.constant 48 : index
    %swap3A_316 = tpu.vector_load %arg9[%swap3A_314, %swap3A_315] {strides = array<i32>} : memref<16x64xf32, #tpu.memory_space<vmem>>, vector<1x16xf32>,
    %swap3A_317 = vector.shape_cast %swap3A_316 : vector<1x16xf32> to vector<16xf32>
    %swap3A_318 = vector.shape_cast %broadcast_in_dim3A_312 : vector<16xf32> to vector<1x16xf32>
    tpu.vector_store %arg9[%swap3A_314, %swap3A_315], %swap3A_318 {strides = array<i32>} : memref<16x64xf32, #tpu.memory_space<vmem>>, vector<1x16xf32>,
    %broadcast_in_dim3A_319 = arith.constant 0.000000e+00 : f32
    %broadcast_in_dim3A_320 = vector.broadcast %broadcast_in_dim3A_319 : f32 to vector<16xf32>
    %swap3A_321 = arith.constant 10 : i32
    %swap3A_322 = arith.index_cast %swap3A_321 : i32 to index
    %swap3A_323 = arith.constant 0 : index
    %swap3A_324 = tpu.vector_load %arg9[%swap3A_322, %swap3A_323] {strides = array<i32>} : memref<16x64xf32, #tpu.memory_space<vmem>>, vector<1x16xf32>,
    %swap3A_325 = vector.shape_cast %swap3A_324 : vector<1x16xf32> to vector<16xf32>
    %swap3A_326 = vector.shape_cast %broadcast_in_dim3A_320 : vector<16xf32> to vector<1x16xf32>
    tpu.vector_store %arg9[%swap3A_322, %swap3A_323], %swap3A_326 {strides = array<i32>} : memref<16x64xf32, #tpu.memory_space<vmem>>, vector<1x16xf32>,
    %broadcast_in_dim3A_327 = arith.constant 0.000000e+00 : f32
    %broadcast_in_dim3A_328 = vector.broadcast %broadcast_in_dim3A_327 : f32 to vector<16xf32>
    %swap3A_329 = arith.constant 10 : i32
    %swap3A_330 = arith.index_cast %swap3A_329 : i32 to index
    %swap3A_331 = arith.constant 16 : index
    %swap3A_332 = tpu.vector_load %arg9[%swap3A_330, %swap3A_331] {strides = array<i32>} : memref<16x64xf32, #tpu.memory_space<vmem>>, vector<1x16xf32>,
    %swap3A_333 = vector.shape_cast %swap3A_332 : vector<1x16xf32> to vector<16xf32>
    %swap3A_334 = vector.shape_cast %broadcast_in_dim3A_328 : vector<16xf32> to vector<1x16xf32>
    tpu.vector_store %arg9[%swap3A_330, %swap3A_331], %swap3A_334 {strides = array<i32>} : memref<16x64xf32, #tpu.memory_space<vmem>>, vector<1x16xf32>,
    %broadcast_in_dim3A_335 = arith.constant 0.000000e+00 : f32
    %broadcast_in_dim3A_336 = vector.broadcast %broadcast_in_dim3A_335 : f32 to vector<16xf32>
    %swap3A_337 = arith.constant 10 : i32
    %swap3A_338 = arith.index_cast %swap3A_337 : i32 to index
    %swap3A_339 = arith.constant 32 : index
    %swap3A_340 = tpu.vector_load %arg9[%swap3A_338, %swap3A_339] {strides = array<i32>} : memref<16x64xf32, #tpu.memory_space<vmem>>, vector<1x16xf32>,
    %swap3A_341 = vector.shape_cast %swap3A_340 : vector<1x16xf32> to vector<16xf32>
    %swap3A_342 = vector.shape_cast %broadcast_in_dim3A_336 : vector<16xf32> to vector<1x16xf32>
    tpu.vector_store %arg9[%swap3A_338, %swap3A_339], %swap3A_342 {strides = array<i32>} : memref<16x64xf32, #tpu.memory_space<vmem>>, vector<1x16xf32>,
    %broadcast_in_dim3A_343 = arith.constant 0.000000e+00 : f32
    %broadcast_in_dim3A_344 = vector.broadcast %broadcast_in_dim3A_343 : f32 to vector<16xf32>
    %swap3A_345 = arith.constant 10 : i32
    %swap3A_346 = arith.index_cast %swap3A_345 : i32 to index
    %swap3A_347 = arith.constant 48 : index
    %swap3A_348 = tpu.vector_load %arg9[%swap3A_346, %swap3A_347] {strides = array<i32>} : memref<16x64xf32, #tpu.memory_space<vmem>>, vector<1x16xf32>,
    %swap3A_349 = vector.shape_cast %swap3A_348 : vector<1x16xf32> to vector<16xf32>
    %swap3A_350 = vector.shape_cast %broadcast_in_dim3A_344 : vector<16xf32> to vector<1x16xf32>
    tpu.vector_store %arg9[%swap3A_346, %swap3A_347], %swap3A_350 {strides = array<i32>} : memref<16x64xf32, #tpu.memory_space<vmem>>, vector<1x16xf32>,
    %broadcast_in_dim3A_351 = arith.constant 0.000000e+00 : f32
    %broadcast_in_dim3A_352 = vector.broadcast %broadcast_in_dim3A_351 : f32 to vector<16xf32>
    %swap3A_353 = arith.constant 11 : i32
    %swap3A_354 = arith.index_cast %swap3A_353 : i32 to index
    %swap3A_355 = arith.constant 0 : index
    %swap3A_356 = tpu.vector_load %arg9[%swap3A_354, %swap3A_355] {strides = array<i32>} : memref<16x64xf32, #tpu.memory_space<vmem>>, vector<1x16xf32>,
    %swap3A_357 = vector.shape_cast %swap3A_356 : vector<1x16xf32> to vector<16xf32>
    %swap3A_358 = vector.shape_cast %broadcast_in_dim3A_352 : vector<16xf32> to vector<1x16xf32>
    tpu.vector_store %arg9[%swap3A_354, %swap3A_355], %swap3A_358 {strides = array<i32>} : memref<16x64xf32, #tpu.memory_space<vmem>>, vector<1x16xf32>,
    %broadcast_in_dim3A_359 = arith.constant 0.000000e+00 : f32
    %broadcast_in_dim3A_360 = vector.broadcast %broadcast_in_dim3A_359 : f32 to vector<16xf32>
    %swap3A_361 = arith.constant 11 : i32
    %swap3A_362 = arith.index_cast %swap3A_361 : i32 to index
    %swap3A_363 = arith.constant 16 : index
    %swap3A_364 = tpu.vector_load %arg9[%swap3A_362, %swap3A_363] {strides = array<i32>} : memref<16x64xf32, #tpu.memory_space<vmem>>, vector<1x16xf32>,
    %swap3A_365 = vector.shape_cast %swap3A_364 : vector<1x16xf32> to vector<16xf32>
    %swap3A_366 = vector.shape_cast %broadcast_in_dim3A_360 : vector<16xf32> to vector<1x16xf32>
    tpu.vector_store %arg9[%swap3A_362, %swap3A_363], %swap3A_366 {strides = array<i32>} : memref<16x64xf32, #tpu.memory_space<vmem>>, vector<1x16xf32>,
    %broadcast_in_dim3A_367 = arith.constant 0.000000e+00 : f32
    %broadcast_in_dim3A_368 = vector.broadcast %broadcast_in_dim3A_367 : f32 to vector<16xf32>
    %swap3A_369 = arith.constant 11 : i32
    %swap3A_370 = arith.index_cast %swap3A_369 : i32 to index
    %swap3A_371 = arith.constant 32 : index
    %swap3A_372 = tpu.vector_load %arg9[%swap3A_370, %swap3A_371] {strides = array<i32>} : memref<16x64xf32, #tpu.memory_space<vmem>>, vector<1x16xf32>,
    %swap3A_373 = vector.shape_cast %swap3A_372 : vector<1x16xf32> to vector<16xf32>
    %swap3A_374 = vector.shape_cast %broadcast_in_dim3A_368 : vector<16xf32> to vector<1x16xf32>
    tpu.vector_store %arg9[%swap3A_370, %swap3A_371], %swap3A_374 {strides = array<i32>} : memref<16x64xf32, #tpu.memory_space<vmem>>, vector<1x16xf32>,
    %broadcast_in_dim3A_375 = arith.constant 0.000000e+00 : f32
    %broadcast_in_dim3A_376 = vector.broadcast %broadcast_in_dim3A_375 : f32 to vector<16xf32>
    %swap3A_377 = arith.constant 11 : i32
    %swap3A_378 = arith.index_cast %swap3A_377 : i32 to index
    %swap3A_379 = arith.constant 48 : index
    %swap3A_380 = tpu.vector_load %arg9[%swap3A_378, %swap3A_379] {strides = array<i32>} : memref<16x64xf32, #tpu.memory_space<vmem>>, vector<1x16xf32>,
    %swap3A_381 = vector.shape_cast %swap3A_380 : vector<1x16xf32> to vector<16xf32>
    %swap3A_382 = vector.shape_cast %broadcast_in_dim3A_376 : vector<16xf32> to vector<1x16xf32>
    tpu.vector_store %arg9[%swap3A_378, %swap3A_379], %swap3A_382 {strides = array<i32>} : memref<16x64xf32, #tpu.memory_space<vmem>>, vector<1x16xf32>,
    %broadcast_in_dim3A_383 = arith.constant 0.000000e+00 : f32
    %broadcast_in_dim3A_384 = vector.broadcast %broadcast_in_dim3A_383 : f32 to vector<16xf32>
    %swap3A_385 = arith.constant 12 : i32
    %swap3A_386 = arith.index_cast %swap3A_385 : i32 to index
    %swap3A_387 = arith.constant 0 : index
    %swap3A_388 = tpu.vector_load %arg9[%swap3A_386, %swap3A_387] {strides = array<i32>} : memref<16x64xf32, #tpu.memory_space<vmem>>, vector<1x16xf32>,
    %swap3A_389 = vector.shape_cast %swap3A_388 : vector<1x16xf32> to vector<16xf32>
    %swap3A_390 = vector.shape_cast %broadcast_in_dim3A_384 : vector<16xf32> to vector<1x16xf32>
    tpu.vector_store %arg9[%swap3A_386, %swap3A_387], %swap3A_390 {strides = array<i32>} : memref<16x64xf32, #tpu.memory_space<vmem>>, vector<1x16xf32>,
    %broadcast_in_dim3A_391 = arith.constant 0.000000e+00 : f32
    %broadcast_in_dim3A_392 = vector.broadcast %broadcast_in_dim3A_391 : f32 to vector<16xf32>
    %swap3A_393 = arith.constant 12 : i32
    %swap3A_394 = arith.index_cast %swap3A_393 : i32 to index
    %swap3A_395 = arith.constant 16 : index
    %swap3A_396 = tpu.vector_load %arg9[%swap3A_394, %swap3A_395] {strides = array<i32>} : memref<16x64xf32, #tpu.memory_space<vmem>>, vector<1x16xf32>,
    %swap3A_397 = vector.shape_cast %swap3A_396 : vector<1x16xf32> to vector<16xf32>
    %swap3A_398 = vector.shape_cast %broadcast_in_dim3A_392 : vector<16xf32> to vector<1x16xf32>
    tpu.vector_store %arg9[%swap3A_394, %swap3A_395], %swap3A_398 {strides = array<i32>} : memref<16x64xf32, #tpu.memory_space<vmem>>, vector<1x16xf32>,
    %broadcast_in_dim3A_399 = arith.constant 0.000000e+00 : f32
    %broadcast_in_dim3A_400 = vector.broadcast %broadcast_in_dim3A_399 : f32 to vector<16xf32>
    %swap3A_401 = arith.constant 12 : i32
    %swap3A_402 = arith.index_cast %swap3A_401 : i32 to index
    %swap3A_403 = arith.constant 32 : index
    %swap3A_404 = tpu.vector_load %arg9[%swap3A_402, %swap3A_403] {strides = array<i32>} : memref<16x64xf32, #tpu.memory_space<vmem>>, vector<1x16xf32>,
    %swap3A_405 = vector.shape_cast %swap3A_404 : vector<1x16xf32> to vector<16xf32>
    %swap3A_406 = vector.shape_cast %broadcast_in_dim3A_400 : vector<16xf32> to vector<1x16xf32>
    tpu.vector_store %arg9[%swap3A_402, %swap3A_403], %swap3A_406 {strides = array<i32>} : memref<16x64xf32, #tpu.memory_space<vmem>>, vector<1x16xf32>,
    %broadcast_in_dim3A_407 = arith.constant 0.000000e+00 : f32
    %broadcast_in_dim3A_408 = vector.broadcast %broadcast_in_dim3A_407 : f32 to vector<16xf32>
    %swap3A_409 = arith.constant 12 : i32
    %swap3A_410 = arith.index_cast %swap3A_409 : i32 to index
    %swap3A_411 = arith.constant 48 : index
    %swap3A_412 = tpu.vector_load %arg9[%swap3A_410, %swap3A_411] {strides = array<i32>} : memref<16x64xf32, #tpu.memory_space<vmem>>, vector<1x16xf32>,
    %swap3A_413 = vector.shape_cast %swap3A_412 : vector<1x16xf32> to vector<16xf32>
    %swap3A_414 = vector.shape_cast %broadcast_in_dim3A_408 : vector<16xf32> to vector<1x16xf32>
    tpu.vector_store %arg9[%swap3A_410, %swap3A_411], %swap3A_414 {strides = array<i32>} : memref<16x64xf32, #tpu.memory_space<vmem>>, vector<1x16xf32>,
    %broadcast_in_dim3A_415 = arith.constant 0.000000e+00 : f32
    %broadcast_in_dim3A_416 = vector.broadcast %broadcast_in_dim3A_415 : f32 to vector<16xf32>
    %swap3A_417 = arith.constant 13 : i32
    %swap3A_418 = arith.index_cast %swap3A_417 : i32 to index
    %swap3A_419 = arith.constant 0 : index
    %swap3A_420 = tpu.vector_load %arg9[%swap3A_418, %swap3A_419] {strides = array<i32>} : memref<16x64xf32, #tpu.memory_space<vmem>>, vector<1x16xf32>,
    %swap3A_421 = vector.shape_cast %swap3A_420 : vector<1x16xf32> to vector<16xf32>
    %swap3A_422 = vector.shape_cast %broadcast_in_dim3A_416 : vector<16xf32> to vector<1x16xf32>
    tpu.vector_store %arg9[%swap3A_418, %swap3A_419], %swap3A_422 {strides = array<i32>} : memref<16x64xf32, #tpu.memory_space<vmem>>, vector<1x16xf32>,
    %broadcast_in_dim3A_423 = arith.constant 0.000000e+00 : f32
    %broadcast_in_dim3A_424 = vector.broadcast %broadcast_in_dim3A_423 : f32 to vector<16xf32>
    %swap3A_425 = arith.constant 13 : i32
    %swap3A_426 = arith.index_cast %swap3A_425 : i32 to index
    %swap3A_427 = arith.constant 16 : index
    %swap3A_428 = tpu.vector_load %arg9[%swap3A_426, %swap3A_427] {strides = array<i32>} : memref<16x64xf32, #tpu.memory_space<vmem>>, vector<1x16xf32>,
    %swap3A_429 = vector.shape_cast %swap3A_428 : vector<1x16xf32> to vector<16xf32>
    %swap3A_430 = vector.shape_cast %broadcast_in_dim3A_424 : vector<16xf32> to vector<1x16xf32>
    tpu.vector_store %arg9[%swap3A_426, %swap3A_427], %swap3A_430 {strides = array<i32>} : memref<16x64xf32, #tpu.memory_space<vmem>>, vector<1x16xf32>,
    %broadcast_in_dim3A_431 = arith.constant 0.000000e+00 : f32
    %broadcast_in_dim3A_432 = vector.broadcast %broadcast_in_dim3A_431 : f32 to vector<16xf32>
    %swap3A_433 = arith.constant 13 : i32
    %swap3A_434 = arith.index_cast %swap3A_433 : i32 to index
    %swap3A_435 = arith.constant 32 : index
    %swap3A_436 = tpu.vector_load %arg9[%swap3A_434, %swap3A_435] {strides = array<i32>} : memref<16x64xf32, #tpu.memory_space<vmem>>, vector<1x16xf32>,
    %swap3A_437 = vector.shape_cast %swap3A_436 : vector<1x16xf32> to vector<16xf32>
    %swap3A_438 = vector.shape_cast %broadcast_in_dim3A_432 : vector<16xf32> to vector<1x16xf32>
    tpu.vector_store %arg9[%swap3A_434, %swap3A_435], %swap3A_438 {strides = array<i32>} : memref<16x64xf32, #tpu.memory_space<vmem>>, vector<1x16xf32>,
    %broadcast_in_dim3A_439 = arith.constant 0.000000e+00 : f32
    %broadcast_in_dim3A_440 = vector.broadcast %broadcast_in_dim3A_439 : f32 to vector<16xf32>
    %swap3A_441 = arith.constant 13 : i32
    %swap3A_442 = arith.index_cast %swap3A_441 : i32 to index
    %swap3A_443 = arith.constant 48 : index
    %swap3A_444 = tpu.vector_load %arg9[%swap3A_442, %swap3A_443] {strides = array<i32>} : memref<16x64xf32, #tpu.memory_space<vmem>>, vector<1x16xf32>,
    %swap3A_445 = vector.shape_cast %swap3A_444 : vector<1x16xf32> to vector<16xf32>
    %swap3A_446 = vector.shape_cast %broadcast_in_dim3A_440 : vector<16xf32> to vector<1x16xf32>
    tpu.vector_store %arg9[%swap3A_442, %swap3A_443], %swap3A_446 {strides = array<i32>} : memref<16x64xf32, #tpu.memory_space<vmem>>, vector<1x16xf32>,
    %broadcast_in_dim3A_447 = arith.constant 0.000000e+00 : f32
    %broadcast_in_dim3A_448 = vector.broadcast %broadcast_in_dim3A_447 : f32 to vector<16xf32>
    %swap3A_449 = arith.constant 14 : i32
    %swap3A_450 = arith.index_cast %swap3A_449 : i32 to index
    %swap3A_451 = arith.constant 0 : index
    %swap3A_452 = tpu.vector_load %arg9[%swap3A_450, %swap3A_451] {strides = array<i32>} : memref<16x64xf32, #tpu.memory_space<vmem>>, vector<1x16xf32>,
    %swap3A_453 = vector.shape_cast %swap3A_452 : vector<1x16xf32> to vector<16xf32>
    %swap3A_454 = vector.shape_cast %broadcast_in_dim3A_448 : vector<16xf32> to vector<1x16xf32>
    tpu.vector_store %arg9[%swap3A_450, %swap3A_451], %swap3A_454 {strides = array<i32>} : memref<16x64xf32, #tpu.memory_space<vmem>>, vector<1x16xf32>,
    %broadcast_in_dim3A_455 = arith.constant 0.000000e+00 : f32
    %broadcast_in_dim3A_456 = vector.broadcast %broadcast_in_dim3A_455 : f32 to vector<16xf32>
    %swap3A_457 = arith.constant 14 : i32
    %swap3A_458 = arith.index_cast %swap3A_457 : i32 to index
    %swap3A_459 = arith.constant 16 : index
    %swap3A_460 = tpu.vector_load %arg9[%swap3A_458, %swap3A_459] {strides = array<i32>} : memref<16x64xf32, #tpu.memory_space<vmem>>, vector<1x16xf32>,
    %swap3A_461 = vector.shape_cast %swap3A_460 : vector<1x16xf32> to vector<16xf32>
    %swap3A_462 = vector.shape_cast %broadcast_in_dim3A_456 : vector<16xf32> to vector<1x16xf32>
    tpu.vector_store %arg9[%swap3A_458, %swap3A_459], %swap3A_462 {strides = array<i32>} : memref<16x64xf32, #tpu.memory_space<vmem>>, vector<1x16xf32>,
    %broadcast_in_dim3A_463 = arith.constant 0.000000e+00 : f32
    %broadcast_in_dim3A_464 = vector.broadcast %broadcast_in_dim3A_463 : f32 to vector<16xf32>
    %swap3A_465 = arith.constant 14 : i32
    %swap3A_466 = arith.index_cast %swap3A_465 : i32 to index
    %swap3A_467 = arith.constant 32 : index
    %swap3A_468 = tpu.vector_load %arg9[%swap3A_466, %swap3A_467] {strides = array<i32>} : memref<16x64xf32, #tpu.memory_space<vmem>>, vector<1x16xf32>,
    %swap3A_469 = vector.shape_cast %swap3A_468 : vector<1x16xf32> to vector<16xf32>
    %swap3A_470 = vector.shape_cast %broadcast_in_dim3A_464 : vector<16xf32> to vector<1x16xf32>
    tpu.vector_store %arg9[%swap3A_466, %swap3A_467], %swap3A_470 {strides = array<i32>} : memref<16x64xf32, #tpu.memory_space<vmem>>, vector<1x16xf32>,
    %broadcast_in_dim3A_471 = arith.constant 0.000000e+00 : f32
    %broadcast_in_dim3A_472 = vector.broadcast %broadcast_in_dim3A_471 : f32 to vector<16xf32>
    %swap3A_473 = arith.constant 14 : i32
    %swap3A_474 = arith.index_cast %swap3A_473 : i32 to index
    %swap3A_475 = arith.constant 48 : index
    %swap3A_476 = tpu.vector_load %arg9[%swap3A_474, %swap3A_475] {strides = array<i32>} : memref<16x64xf32, #tpu.memory_space<vmem>>, vector<1x16xf32>,
    %swap3A_477 = vector.shape_cast %swap3A_476 : vector<1x16xf32> to vector<16xf32>
    %swap3A_478 = vector.shape_cast %broadcast_in_dim3A_472 : vector<16xf32> to vector<1x16xf32>
    tpu.vector_store %arg9[%swap3A_474, %swap3A_475], %swap3A_478 {strides = array<i32>} : memref<16x64xf32, #tpu.memory_space<vmem>>, vector<1x16xf32>,
    %broadcast_in_dim3A_479 = arith.constant 0.000000e+00 : f32
    %broadcast_in_dim3A_480 = vector.broadcast %broadcast_in_dim3A_479 : f32 to vector<16xf32>
    %swap3A_481 = arith.constant 15 : i32
    %swap3A_482 = arith.index_cast %swap3A_481 : i32 to index
    %swap3A_483 = arith.constant 0 : index
    %swap3A_484 = tpu.vector_load %arg9[%swap3A_482, %swap3A_483] {strides = array<i32>} : memref<16x64xf32, #tpu.memory_space<vmem>>, vector<1x16xf32>,
    %swap3A_485 = vector.shape_cast %swap3A_484 : vector<1x16xf32> to vector<16xf32>
    %swap3A_486 = vector.shape_cast %broadcast_in_dim3A_480 : vector<16xf32> to vector<1x16xf32>
    tpu.vector_store %arg9[%swap3A_482, %swap3A_483], %swap3A_486 {strides = array<i32>} : memref<16x64xf32, #tpu.memory_space<vmem>>, vector<1x16xf32>,
    %broadcast_in_dim3A_487 = arith.constant 0.000000e+00 : f32
    %broadcast_in_dim3A_488 = vector.broadcast %broadcast_in_dim3A_487 : f32 to vector<16xf32>
    %swap3A_489 = arith.constant 15 : i32
    %swap3A_490 = arith.index_cast %swap3A_489 : i32 to index
    %swap3A_491 = arith.constant 16 : index
    %swap3A_492 = tpu.vector_load %arg9[%swap3A_490, %swap3A_491] {strides = array<i32>} : memref<16x64xf32, #tpu.memory_space<vmem>>, vector<1x16xf32>,
    %swap3A_493 = vector.shape_cast %swap3A_492 : vector<1x16xf32> to vector<16xf32>
    %swap3A_494 = vector.shape_cast %broadcast_in_dim3A_488 : vector<16xf32> to vector<1x16xf32>
    tpu.vector_store %arg9[%swap3A_490, %swap3A_491], %swap3A_494 {strides = array<i32>} : memref<16x64xf32, #tpu.memory_space<vmem>>, vector<1x16xf32>,
    %broadcast_in_dim3A_495 = arith.constant 0.000000e+00 : f32
    %broadcast_in_dim3A_496 = vector.broadcast %broadcast_in_dim3A_495 : f32 to vector<16xf32>
    %swap3A_497 = arith.constant 15 : i32
    %swap3A_498 = arith.index_cast %swap3A_497 : i32 to index
    %swap3A_499 = arith.constant 32 : index
    %swap3A_500 = tpu.vector_load %arg9[%swap3A_498, %swap3A_499] {strides = array<i32>} : memref<16x64xf32, #tpu.memory_space<vmem>>, vector<1x16xf32>,
    %swap3A_501 = vector.shape_cast %swap3A_500 : vector<1x16xf32> to vector<16xf32>
    %swap3A_502 = vector.shape_cast %broadcast_in_dim3A_496 : vector<16xf32> to vector<1x16xf32>
    tpu.vector_store %arg9[%swap3A_498, %swap3A_499], %swap3A_502 {strides = array<i32>} : memref<16x64xf32, #tpu.memory_space<vmem>>, vector<1x16xf32>,
    %broadcast_in_dim3A_503 = arith.constant 0.000000e+00 : f32
    %broadcast_in_dim3A_504 = vector.broadcast %broadcast_in_dim3A_503 : f32 to vector<16xf32>
    %swap3A_505 = arith.constant 15 : i32
    %swap3A_506 = arith.index_cast %swap3A_505 : i32 to index
    %swap3A_507 = arith.constant 48 : index
    %swap3A_508 = tpu.vector_load %arg9[%swap3A_506, %swap3A_507] {strides = array<i32>} : memref<16x64xf32, #tpu.memory_space<vmem>>, vector<1x16xf32>,
    %swap3A_509 = vector.shape_cast %swap3A_508 : vector<1x16xf32> to vector<16xf32>
    %swap3A_510 = vector.shape_cast %broadcast_in_dim3A_504 : vector<16xf32> to vector<1x16xf32>
    tpu.vector_store %arg9[%swap3A_506, %swap3A_507], %swap3A_510 {strides = array<i32>} : memref<16x64xf32, #tpu.memory_space<vmem>>, vector<1x16xf32>,
    %scan3A = arith.constant 0 : i32
    %scan3A_511 = arith.constant 0 : i32
    %scan3A_512 = arith.constant 40 : i32
    %scan3A_513 = arith.addi %scan3A_511, %scan3A_512 : i32
    %scan3A_514 = arith.constant 1 : i32
    scf.for %scan3A_529 = %scan3A_511 to %scan3A_513 step %scan3A_514  : i32 {
      %mul3A_530 = arith.constant 640 : i32
      %mul3A_531 = arith.muli %arg1, %mul3A_530 : i32
      %mul3A_532 = arith.constant 16 : i32
      %mul3A_533 = arith.muli %scan3A_529, %mul3A_532 : i32
      %add3A_534 = arith.addi %mul3A_531, %mul3A_533 : i32
      "tpu.region"() ({
        %run_scoped3A = tpu.sem_alloc : memref<!tpu.dma_semaphore, #tpu.memory_space<semaphore_mem>>
        %dma_start3A = arith.constant 0 : i32
        %dma_start3A_535 = tpu.memref_slice %arg10[%add3A_534, %dma_start3A] : memref<10240x64xf32, #tpu.memory_space<vmem_shared>> -> memref<16x64xf32, #tpu.memory_space<vmem_shared>>
        %dma_start3A_536 = arith.constant 0 : i32
        %dma_start3A_537 = tpu.memref_slice %arg10[%add3A_534, %dma_start3A_536] : memref<10240x64xf32, #tpu.memory_space<vmem_shared>> -> memref<16x64xf32, #tpu.memory_space<vmem_shared>>
        tpu.enqueue_dma source(%arg9 : memref<16x64xf32, #tpu.memory_space<vmem>>) target(%dma_start3A_537 : memref<16x64xf32, #tpu.memory_space<vmem_shared>>) target_semaphore(%run_scoped3A : memref<!tpu.dma_semaphore, #tpu.memory_space<semaphore_mem>>)
        %dma_wait3A = arith.constant 0 : i32
        %dma_wait3A_538 = tpu.memref_slice %arg10[%add3A_534, %dma_wait3A] : memref<10240x64xf32, #tpu.memory_space<vmem_shared>> -> memref<16x64xf32, #tpu.memory_space<vmem_shared>>
        %dma_wait3A_539 = arith.constant 0 : i32
        %dma_wait3A_540 = tpu.memref_slice %arg10[%add3A_534, %dma_wait3A_539] : memref<10240x64xf32, #tpu.memory_space<vmem_shared>> -> memref<16x64xf32, #tpu.memory_space<vmem_shared>>
        tpu.wait_dma2 semaphore(%run_scoped3A : memref<!tpu.dma_semaphore, #tpu.memory_space<semaphore_mem>>) src(%arg9 : memref<16x64xf32, #tpu.memory_space<vmem>>) dst(%dma_wait3A_540 : memref<16x64xf32, #tpu.memory_space<vmem_shared>>)
        tpu.yield
      }) : () -> ()
    }
    %scan3A_515 = arith.constant 40 : i32
    %barrier3A = arith.constant 0 : index
    tpu.barrier barrier_id(%barrier3A)
    %mul3A_516 = arith.constant 10112 : i32
    %mul3A_517 = arith.muli %add3A, %mul3A_516 : i32
    %scan3A_518 = arith.constant 0 : i32
    %scan3A_519 = arith.constant 0 : i32
    %scan3A_520 = arith.constant 79 : i32
    %scan3A_521 = arith.addi %scan3A_519, %scan3A_520 : i32
    %scan3A_522 = arith.constant 1 : i32
    scf.for %scan3A_529 = %scan3A_519 to %scan3A_521 step %scan3A_522  : i32 {
      %mul3A_530 = arith.constant 128 : i32
      %mul3A_531 = arith.muli %scan3A_529, %mul3A_530 : i32
      %add3A_532 = arith.addi %mul3A_517, %mul3A_531 : i32
      "tpu.region"() ({
        %run_scoped3A = tpu.sem_alloc : memref<!tpu.dma_semaphore, #tpu.memory_space<semaphore_mem>>
        %dma_start3A_537 = tpu.memref_slice %arg3[%add3A_532] : memref<323584xi32, #tpu.memory_space<hbm>> -> memref<128xi32, #tpu.memory_space<hbm>>
        %dma_start3A_538 = tpu.memref_slice %arg3[%add3A_532] : memref<323584xi32, #tpu.memory_space<hbm>> -> memref<128xi32, #tpu.memory_space<hbm>>
        tpu.enqueue_dma source(%dma_start3A_538 : memref<128xi32, #tpu.memory_space<hbm>>) target(%arg6 : memref<128xi32, #tpu.memory_space<vmem>>) target_semaphore(%run_scoped3A : memref<!tpu.dma_semaphore, #tpu.memory_space<semaphore_mem>>)
        %dma_wait3A_539 = tpu.memref_slice %arg3[%add3A_532] : memref<323584xi32, #tpu.memory_space<hbm>> -> memref<128xi32, #tpu.memory_space<hbm>>
        %dma_wait3A_540 = tpu.memref_slice %arg3[%add3A_532] : memref<323584xi32, #tpu.memory_space<hbm>> -> memref<128xi32, #tpu.memory_space<hbm>>
        tpu.wait_dma2 semaphore(%run_scoped3A : memref<!tpu.dma_semaphore, #tpu.memory_space<semaphore_mem>>) src(%dma_wait3A_540 : memref<128xi32, #tpu.memory_space<hbm>>) dst(%arg6 : memref<128xi32, #tpu.memory_space<vmem>>)
        tpu.yield
      }) : () -> ()
      "tpu.region"() ({
        %run_scoped3A = tpu.sem_alloc : memref<!tpu.dma_semaphore, #tpu.memory_space<semaphore_mem>>
        %dma_start3A_537 = tpu.memref_slice %arg4[%add3A_532] : memref<323584xi32, #tpu.memory_space<hbm>> -> memref<128xi32, #tpu.memory_space<hbm>>
        %dma_start3A_538 = tpu.memref_slice %arg4[%add3A_532] : memref<323584xi32, #tpu.memory_space<hbm>> -> memref<128xi32, #tpu.memory_space<hbm>>
        tpu.enqueue_dma source(%dma_start3A_538 : memref<128xi32, #tpu.memory_space<hbm>>) target(%arg7 : memref<128xi32, #tpu.memory_space<vmem>>) target_semaphore(%run_scoped3A : memref<!tpu.dma_semaphore, #tpu.memory_space<semaphore_mem>>)
        %dma_wait3A_539 = tpu.memref_slice %arg4[%add3A_532] : memref<323584xi32, #tpu.memory_space<hbm>> -> memref<128xi32, #tpu.memory_space<hbm>>
        %dma_wait3A_540 = tpu.memref_slice %arg4[%add3A_532] : memref<323584xi32, #tpu.memory_space<hbm>> -> memref<128xi32, #tpu.memory_space<hbm>>
        tpu.wait_dma2 semaphore(%run_scoped3A : memref<!tpu.dma_semaphore, #tpu.memory_space<semaphore_mem>>) src(%dma_wait3A_540 : memref<128xi32, #tpu.memory_space<hbm>>) dst(%arg7 : memref<128xi32, #tpu.memory_space<vmem>>)
        tpu.yield
      }) : () -> ()
      %dma_start3A = arith.constant 0 : i32
      %dma_start3A_533 = arith.constant 0 : i32
      %dma_start3A_534 = tpu.memref_slice %arg2[%dma_start3A, %dma_start3A_533] : memref<40000x64xf32, #tpu.memory_space<hbm>> -> memref<40000x64xf32, #tpu.memory_space<hbm>>
      tpu.enqueue_indirect_dma source(%dma_start3A_534 : memref<40000x64xf32, #tpu.memory_space<hbm>>) target(%arg8 : memref<128x64xf32, #tpu.memory_space<vmem>>) offsets(%arg6 : memref<128xi32, #tpu.memory_space<vmem>>) semaphore(%arg11 : memref<!tpu.dma_semaphore, #tpu.memory_space<semaphore_mem>>)
      %dma_wait3A = arith.constant 0 : i32
      %dma_wait3A_535 = arith.constant 0 : i32
      %dma_wait3A_536 = tpu.memref_slice %arg2[%dma_wait3A, %dma_wait3A_535] : memref<40000x64xf32, #tpu.memory_space<hbm>> -> memref<40000x64xf32, #tpu.memory_space<hbm>>
      tpu.wait_indirect_dma semaphore(%arg11 : memref<!tpu.dma_semaphore, #tpu.memory_space<semaphore_mem>>) src(%dma_wait3A_536 : memref<40000x64xf32, #tpu.memory_space<hbm>>) dst(%arg8 : memref<128x64xf32, #tpu.memory_space<vmem>>)
      "tpu.region"() ({
        %run_scoped3A = tpu.sem_alloc : memref<!tpu.dma_semaphore, #tpu.memory_space<semaphore_mem>>
        %dma_start3A_537 = arith.constant 0 : i32
        %dma_start3A_538 = arith.constant 0 : i32
        %dma_start3A_539 = tpu.memref_slice %arg10[%dma_start3A_537, %dma_start3A_538] : memref<10240x64xf32, #tpu.memory_space<vmem_shared>> -> memref<10240x64xf32, #tpu.memory_space<vmem_shared>>
        tpu.enqueue_indirect_dma source(%arg8 : memref<128x64xf32, #tpu.memory_space<vmem>>) target(%dma_start3A_539 : memref<10240x64xf32, #tpu.memory_space<vmem_shared>>) offsets(%arg7 : memref<128xi32, #tpu.memory_space<vmem>>) semaphore(%run_scoped3A : memref<!tpu.dma_semaphore, #tpu.memory_space<semaphore_mem>>) {add = true}
        %dma_wait3A_540 = arith.constant 0 : i32
        %dma_wait3A_541 = arith.constant 0 : i32
        %dma_wait3A_542 = tpu.memref_slice %arg10[%dma_wait3A_540, %dma_wait3A_541] : memref<10240x64xf32, #tpu.memory_space<vmem_shared>> -> memref<10240x64xf32, #tpu.memory_space<vmem_shared>>
        tpu.wait_indirect_dma semaphore(%run_scoped3A : memref<!tpu.dma_semaphore, #tpu.memory_space<semaphore_mem>>) src(%arg8 : memref<128x64xf32, #tpu.memory_space<vmem>>) dst(%dma_wait3A_542 : memref<10240x64xf32, #tpu.memory_space<vmem_shared>>)
        tpu.yield
      }) : () -> ()
    }
    %scan3A_523 = arith.constant 79 : i32
    %barrier3A_524 = arith.constant 0 : index
    tpu.barrier barrier_id(%barrier3A_524)
    %mul3A_525 = arith.constant 640 : i32
    %mul3A_526 = arith.muli %arg1, %mul3A_525 : i32
    %mul3A_527 = arith.constant 640 : i32
    %mul3A_528 = arith.muli %arg1, %mul3A_527 : i32
    "tpu.region"() ({
      %run_scoped3A = tpu.sem_alloc : memref<!tpu.dma_semaphore, #tpu.memory_space<semaphore_mem>>
      %dma_start3A = arith.constant 0 : i32
      %dma_start3A_529 = tpu.memref_slice %arg5[%arg0, %mul3A_528, %dma_start3A] : memref<2x10240x64xf32, #tpu.memory_space<hbm>> -> memref<1x640x64xf32, #tpu.memory_space<hbm>>
      %dma_start3A_530 = tpu.memref_squeeze %dma_start3A_529 : memref<1x640x64xf32, #tpu.memory_space<hbm>> -> memref<640x64xf32, #tpu.memory_space<hbm>>
      %dma_start3A_531 = arith.constant 0 : i32
      %dma_start3A_532 = tpu.memref_slice %arg10[%mul3A_526, %dma_start3A_531] : memref<10240x64xf32, #tpu.memory_space<vmem_shared>> -> memref<640x64xf32, #tpu.memory_space<vmem_shared>>
      tpu.enqueue_dma source(%dma_start3A_532 : memref<640x64xf32, #tpu.memory_space<vmem_shared>>) target(%dma_start3A_530 : memref<640x64xf32, #tpu.memory_space<hbm>>) target_semaphore(%run_scoped3A : memref<!tpu.dma_semaphore, #tpu.memory_space<semaphore_mem>>)
      %dma_wait3A = arith.constant 0 : i32
      %dma_wait3A_533 = tpu.memref_slice %arg5[%arg0, %mul3A_528, %dma_wait3A] : memref<2x10240x64xf32, #tpu.memory_space<hbm>> -> memref<1x640x64xf32, #tpu.memory_space<hbm>>
      %dma_wait3A_534 = tpu.memref_squeeze %dma_wait3A_533 : memref<1x640x64xf32, #tpu.memory_space<hbm>> -> memref<640x64xf32, #tpu.memory_space<hbm>>
      %dma_wait3A_535 = arith.constant 0 : i32
      %dma_wait3A_536 = tpu.memref_slice %arg10[%mul3A_526, %dma_wait3A_535] : memref<10240x64xf32, #tpu.memory_space<vmem_shared>> -> memref<640x64xf32, #tpu.memory_space<vmem_shared>>
      tpu.wait_dma2 semaphore(%run_scoped3A : memref<!tpu.dma_semaphore, #tpu.memory_space<semaphore_mem>>) src(%dma_wait3A_536 : memref<640x64xf32, #tpu.memory_space<vmem_shared>>) dst(%dma_wait3A_534 : memref<640x64xf32, #tpu.memory_space<hbm>>)
      tpu.yield
    }) : () -> ()
    return
  }
}

module attributes {stable_mosaic.version = 14 : i64} {
  func.func @_hinit_body(%arg0: i32, %arg1: memref<2000x128xf32, #tpu.memory_space<vmem>>, %arg2: memref<128x64xf32, #tpu.memory_space<vmem>>, %arg3: memref<1x64xf32, #tpu.memory_space<vmem>>, %arg4: memref<2000x64xf32, #tpu.memory_space<vmem>>) attributes {dimension_semantics = [#tpu.dimension_semantics<arbitrary>], iteration_bounds = array<i64: 5>, scalar_prefetch = 0 : i64, scratch_operands = 0 : i64, tpu.core_type = #tpu.core_type<tc>, window_params = [{transform_indices = @transform_0, window_bounds = array<i64: 2000, 128>}, {pipeline_mode = #tpu.pipeline_mode<synchronous>, transform_indices = @transform_1, window_bounds = array<i64: 128, 64>}, {pipeline_mode = #tpu.pipeline_mode<synchronous>, transform_indices = @transform_2, window_bounds = array<i64: 1, 64>}, {transform_indices = @transform_3, window_bounds = array<i64: 2000, 64>}]} {
    %get3A = arith.constant 0 : index
    %get3A_0 = arith.constant 0 : index
    %get3A_1 = vector.load %arg1[%get3A, %get3A_0] : memref<2000x128xf32, #tpu.memory_space<vmem>>, vector<2000x128xf32>
    %get3A_2 = arith.constant 0 : index
    %get3A_3 = arith.constant 0 : index
    %get3A_4 = vector.load %arg2[%get3A_2, %get3A_3] : memref<128x64xf32, #tpu.memory_space<vmem>>, vector<128x64xf32>
    %dot_general3A = arith.constant dense<0.000000e+00> : vector<2000x64xf32>
    %dot_general3A_5 = tpu.matmul %get3A_1, %get3A_4, %dot_general3A {dimension_numbers = #tpu.dot_dimension_numbers<[1], [0], [0], [1], [0, 0, 1, 1], [], []>, precision = #tpu.contract_precision<fp32>, transpose_lhs_hint = false} : vector<2000x128xf32>, vector<128x64xf32>, vector<2000x64xf32> -> vector<2000x64xf32>
    %get3A_6 = arith.constant 0 : index
    %get3A_7 = arith.constant 0 : index
    %get3A_8 = vector.load %arg3[%get3A_6, %get3A_7] : memref<1x64xf32, #tpu.memory_space<vmem>>, vector<1x64xf32>
    %add3A = vector.broadcast %get3A_8 : vector<1x64xf32> to vector<2000x64xf32>
    %add3A_9 = arith.addf %dot_general3A_5, %add3A : vector<2000x64xf32>
    %swap3A = arith.constant 0 : index
    %swap3A_10 = arith.constant 0 : index
    %swap3A_11 = vector.load %arg4[%swap3A, %swap3A_10] : memref<2000x64xf32, #tpu.memory_space<vmem>>, vector<2000x64xf32>
    tpu.vector_store %arg4[%swap3A, %swap3A_10], %add3A_9 {strides = array<i32>} : memref<2000x64xf32, #tpu.memory_space<vmem>>, vector<2000x64xf32>,
    return
  }
  func.func @transform_0(%arg0: i32) -> (i32, i32) {
    %c0_i32 = arith.constant 0 : i32
    %c0_i32_0 = arith.constant 0 : i32
    return %arg0, %c0_i32 : i32, i32
  }
  func.func @transform_1(%arg0: i32) -> (i32, i32) {
    %c0_i32 = arith.constant 0 : i32
    %c0_i32_0 = arith.constant 0 : i32
    %c0_i32_1 = arith.constant 0 : i32
    return %c0_i32, %c0_i32_0 : i32, i32
  }
  func.func @transform_2(%arg0: i32) -> (i32, i32) {
    %c0_i32 = arith.constant 0 : i32
    %c0_i32_0 = arith.constant 0 : i32
    %c0_i32_1 = arith.constant 0 : i32
    return %c0_i32, %c0_i32_0 : i32, i32
  }
  func.func @transform_3(%arg0: i32) -> (i32, i32) {
    %c0_i32 = arith.constant 0 : i32
    %c0_i32_0 = arith.constant 0 : i32
    return %arg0, %c0_i32 : i32, i32
  }
}

module attributes {stable_mosaic.version = 14 : i64} {
  func.func @_mtable_body(%arg0: i32, %arg1: i32, %arg2: memref<2000x64xf32, #tpu.memory_space<vmem>>, %arg3: memref<1x64x64xf32, #tpu.memory_space<vmem>>, %arg4: memref<4x1xf32, #tpu.memory_space<smem>>, %arg5: memref<1x2000x64xf32, #tpu.memory_space<vmem>>) attributes {dimension_semantics = [#tpu.dimension_semantics<arbitrary>, #tpu.dimension_semantics<arbitrary>], iteration_bounds = array<i64: 4, 5>, scalar_prefetch = 0 : i64, scratch_operands = 0 : i64, tpu.core_type = #tpu.core_type<tc>, window_params = [{transform_indices = @transform_0, window_bounds = array<i64: 2000, 64>}, {transform_indices = @transform_1, window_bounds = array<i64: 1, 64, 64>}, {transform_indices = @transform_2, window_bounds = array<i64: 4, 1>}, {transform_indices = @transform_3, window_bounds = array<i64: 1, 2000, 64>}]} {
    %get3A = arith.constant 0 : index
    %get3A_0 = arith.constant 0 : index
    %get3A_1 = vector.load %arg2[%get3A, %get3A_0] : memref<2000x64xf32, #tpu.memory_space<vmem>>, vector<2000x64xf32>
    %get3A_2 = arith.constant 0 : index
    %get3A_3 = arith.constant 0 : index
    %get3A_4 = arith.constant 0 : index
    %get3A_5 = vector.load %arg3[%get3A_2, %get3A_3, %get3A_4] : memref<1x64x64xf32, #tpu.memory_space<vmem>>, vector<1x64x64xf32>
    %get3A_6 = vector.shape_cast %get3A_5 : vector<1x64x64xf32> to vector<64x64xf32>
    %dot_general3A = arith.constant dense<0.000000e+00> : vector<2000x64xf32>
    %dot_general3A_7 = tpu.matmul %get3A_1, %get3A_6, %dot_general3A {dimension_numbers = #tpu.dot_dimension_numbers<[1], [0], [0], [1], [0, 0, 1, 1], [], []>, precision = #tpu.contract_precision<fp32>, transpose_lhs_hint = false} : vector<2000x64xf32>, vector<64x64xf32>, vector<2000x64xf32> -> vector<2000x64xf32>
    %get3A_8 = arith.index_cast %arg0 : i32 to index
    %get3A_9 = arith.constant 0 : index
    %get3A_10 = memref.load %arg4[%get3A_8, %get3A_9] : memref<4x1xf32, #tpu.memory_space<smem>>
    %add3A = vector.broadcast %get3A_10 : f32 to vector<2000x64xf32>
    %add3A_11 = arith.addf %dot_general3A_7, %add3A : vector<2000x64xf32>
    %max3A = arith.constant 0.000000e+00 : f32
    %max3A_12 = vector.broadcast %max3A : f32 to vector<2000x64xf32>
    %max3A_13 = arith.maximumf %add3A_11, %max3A_12 : vector<2000x64xf32>
    %swap3A = arith.constant 0 : index
    %swap3A_14 = arith.constant 0 : index
    %swap3A_15 = arith.constant 0 : index
    %swap3A_16 = vector.load %arg5[%swap3A, %swap3A_14, %swap3A_15] : memref<1x2000x64xf32, #tpu.memory_space<vmem>>, vector<1x2000x64xf32>
    %swap3A_17 = vector.shape_cast %swap3A_16 : vector<1x2000x64xf32> to vector<2000x64xf32>
    %swap3A_18 = vector.shape_cast %max3A_13 : vector<2000x64xf32> to vector<1x2000x64xf32>
    tpu.vector_store %arg5[%swap3A, %swap3A_14, %swap3A_15], %swap3A_18 {strides = array<i32>} : memref<1x2000x64xf32, #tpu.memory_space<vmem>>, vector<1x2000x64xf32>,
    return
  }
  func.func @transform_0(%arg0: i32, %arg1: i32) -> (i32, i32) {
    %c0_i32 = arith.constant 0 : i32
    %c0_i32_0 = arith.constant 0 : i32
    return %arg1, %c0_i32 : i32, i32
  }
  func.func @transform_1(%arg0: i32, %arg1: i32) -> (i32, i32, i32) {
    %c0_i32 = arith.constant 0 : i32
    %c0_i32_0 = arith.constant 0 : i32
    %c0_i32_1 = arith.constant 0 : i32
    return %arg0, %c0_i32, %c0_i32_0 : i32, i32, i32
  }
  func.func @transform_2(%arg0: i32, %arg1: i32) -> (i32, i32) {
    %c0_i32 = arith.constant 0 : i32
    %c0_i32_0 = arith.constant 0 : i32
    %c0_i32_1 = arith.constant 0 : i32
    return %c0_i32, %c0_i32_0 : i32, i32
  }
  func.func @transform_3(%arg0: i32, %arg1: i32) -> (i32, i32, i32) {
    %c0_i32 = arith.constant 0 : i32
    %c0_i32_0 = arith.constant 0 : i32
    return %arg0, %arg1, %c0_i32 : i32, i32, i32
  }
}

module attributes {stable_mosaic.version = 14 : i64} {
  func.func @_gru_body(%arg0: i32, %arg1: memref<2x2000x64xf32, #tpu.memory_space<vmem>>, %arg2: memref<2000x64xf32, #tpu.memory_space<vmem>>, %arg3: memref<64x64xf32, #tpu.memory_space<vmem>>, %arg4: memref<64x64xf32, #tpu.memory_space<vmem>>, %arg5: memref<64x64xf32, #tpu.memory_space<vmem>>, %arg6: memref<64x64xf32, #tpu.memory_space<vmem>>, %arg7: memref<64x64xf32, #tpu.memory_space<vmem>>, %arg8: memref<64x64xf32, #tpu.memory_space<vmem>>, %arg9: memref<1x64xf32, #tpu.memory_space<vmem>>, %arg10: memref<1x64xf32, #tpu.memory_space<vmem>>, %arg11: memref<1x64xf32, #tpu.memory_space<vmem>>, %arg12: memref<1x64xf32, #tpu.memory_space<vmem>>, %arg13: memref<2000x64xf32, #tpu.memory_space<vmem>>) attributes {dimension_semantics = [#tpu.dimension_semantics<arbitrary>], iteration_bounds = array<i64: 5>, scalar_prefetch = 0 : i64, scratch_operands = 0 : i64, tpu.core_type = #tpu.core_type<tc>, window_params = [{transform_indices = @transform_0, window_bounds = array<i64: 2, 2000, 64>}, {transform_indices = @transform_1, window_bounds = array<i64: 2000, 64>}, {pipeline_mode = #tpu.pipeline_mode<synchronous>, transform_indices = @transform_2, window_bounds = array<i64: 64, 64>}, {pipeline_mode = #tpu.pipeline_mode<synchronous>, transform_indices = @transform_3, window_bounds = array<i64: 64, 64>}, {pipeline_mode = #tpu.pipeline_mode<synchronous>, transform_indices = @transform_4, window_bounds = array<i64: 64, 64>}, {pipeline_mode = #tpu.pipeline_mode<synchronous>, transform_indices = @transform_5, window_bounds = array<i64: 64, 64>}, {pipeline_mode = #tpu.pipeline_mode<synchronous>, transform_indices = @transform_6, window_bounds = array<i64: 64, 64>}, {pipeline_mode = #tpu.pipeline_mode<synchronous>, transform_indices = @transform_7, window_bounds = array<i64: 64, 64>}, {pipeline_mode = #tpu.pipeline_mode<synchronous>, transform_indices = @transform_8, window_bounds = array<i64: 1, 64>}, {pipeline_mode = #tpu.pipeline_mode<synchronous>, transform_indices = @transform_9, window_bounds = array<i64: 1, 64>}, {pipeline_mode = #tpu.pipeline_mode<synchronous>, transform_indices = @transform_10, window_bounds = array<i64: 1, 64>}, {pipeline_mode = #tpu.pipeline_mode<synchronous>, transform_indices = @transform_11, window_bounds = array<i64: 1, 64>}, {transform_indices = @transform_12, window_bounds = array<i64: 2000, 64>}]} {
    %get3A = arith.constant 0 : index
    %get3A_0 = arith.constant 0 : index
    %get3A_1 = arith.constant 0 : index
    %get3A_2 = vector.load %arg1[%get3A, %get3A_0, %get3A_1] : memref<2x2000x64xf32, #tpu.memory_space<vmem>>, vector<1x2000x64xf32>
    %get3A_3 = vector.shape_cast %get3A_2 : vector<1x2000x64xf32> to vector<2000x64xf32>
    %get3A_4 = arith.constant 1 : index
    %get3A_5 = arith.constant 0 : index
    %get3A_6 = arith.constant 0 : index
    %get3A_7 = vector.load %arg1[%get3A_4, %get3A_5, %get3A_6] : memref<2x2000x64xf32, #tpu.memory_space<vmem>>, vector<1x2000x64xf32>
    %get3A_8 = vector.shape_cast %get3A_7 : vector<1x2000x64xf32> to vector<2000x64xf32>
    %add3A = arith.addf %get3A_3, %get3A_8 : vector<2000x64xf32>
    %get3A_9 = arith.constant 0 : index
    %get3A_10 = arith.constant 0 : index
    %get3A_11 = vector.load %arg2[%get3A_9, %get3A_10] : memref<2000x64xf32, #tpu.memory_space<vmem>>, vector<2000x64xf32>
    %get3A_12 = arith.constant 0 : index
    %get3A_13 = arith.constant 0 : index
    %get3A_14 = vector.load %arg3[%get3A_12, %get3A_13] : memref<64x64xf32, #tpu.memory_space<vmem>>, vector<64x64xf32>
    %dot_general3A = arith.constant dense<0.000000e+00> : vector<2000x64xf32>
    %dot_general3A_15 = tpu.matmul %add3A, %get3A_14, %dot_general3A {dimension_numbers = #tpu.dot_dimension_numbers<[1], [0], [0], [1], [0, 0, 1, 1], [], []>, precision = #tpu.contract_precision<fp32>, transpose_lhs_hint = false} : vector<2000x64xf32>, vector<64x64xf32>, vector<2000x64xf32> -> vector<2000x64xf32>
    %get3A_16 = arith.constant 0 : index
    %get3A_17 = arith.constant 0 : index
    %get3A_18 = vector.load %arg6[%get3A_16, %get3A_17] : memref<64x64xf32, #tpu.memory_space<vmem>>, vector<64x64xf32>
    %dot_general3A_19 = arith.constant dense<0.000000e+00> : vector<2000x64xf32>
    %dot_general3A_20 = tpu.matmul %get3A_11, %get3A_18, %dot_general3A_19 {dimension_numbers = #tpu.dot_dimension_numbers<[1], [0], [0], [1], [0, 0, 1, 1], [], []>, precision = #tpu.contract_precision<fp32>, transpose_lhs_hint = false} : vector<2000x64xf32>, vector<64x64xf32>, vector<2000x64xf32> -> vector<2000x64xf32>
    %add3A_21 = arith.addf %dot_general3A_15, %dot_general3A_20 : vector<2000x64xf32>
    %get3A_22 = arith.constant 0 : index
    %get3A_23 = arith.constant 0 : index
    %get3A_24 = vector.load %arg9[%get3A_22, %get3A_23] : memref<1x64xf32, #tpu.memory_space<vmem>>, vector<1x64xf32>
    %add3A_25 = vector.broadcast %get3A_24 : vector<1x64xf32> to vector<2000x64xf32>
    %add3A_26 = arith.addf %add3A_21, %add3A_25 : vector<2000x64xf32>
    %logistic3A = arith.negf %add3A_26 : vector<2000x64xf32>
    %logistic3A_27 = math.exp %logistic3A : vector<2000x64xf32>
    %logistic3A_28 = arith.constant 1.000000e+00 : f32
    %logistic3A_29 = vector.broadcast %logistic3A_28 : f32 to vector<2000x64xf32>
    %logistic3A_30 = arith.addf %logistic3A_29, %logistic3A_27 : vector<2000x64xf32>
    %logistic3A_31 = arith.divf %logistic3A_29, %logistic3A_30 : vector<2000x64xf32>
    %get3A_32 = arith.constant 0 : index
    %get3A_33 = arith.constant 0 : index
    %get3A_34 = vector.load %arg4[%get3A_32, %get3A_33] : memref<64x64xf32, #tpu.memory_space<vmem>>, vector<64x64xf32>
    %dot_general3A_35 = arith.constant dense<0.000000e+00> : vector<2000x64xf32>
    %dot_general3A_36 = tpu.matmul %add3A, %get3A_34, %dot_general3A_35 {dimension_numbers = #tpu.dot_dimension_numbers<[1], [0], [0], [1], [0, 0, 1, 1], [], []>, precision = #tpu.contract_precision<fp32>, transpose_lhs_hint = false} : vector<2000x64xf32>, vector<64x64xf32>, vector<2000x64xf32> -> vector<2000x64xf32>
    %get3A_37 = arith.constant 0 : index
    %get3A_38 = arith.constant 0 : index
    %get3A_39 = vector.load %arg7[%get3A_37, %get3A_38] : memref<64x64xf32, #tpu.memory_space<vmem>>, vector<64x64xf32>
    %dot_general3A_40 = arith.constant dense<0.000000e+00> : vector<2000x64xf32>
    %dot_general3A_41 = tpu.matmul %get3A_11, %get3A_39, %dot_general3A_40 {dimension_numbers = #tpu.dot_dimension_numbers<[1], [0], [0], [1], [0, 0, 1, 1], [], []>, precision = #tpu.contract_precision<fp32>, transpose_lhs_hint = false} : vector<2000x64xf32>, vector<64x64xf32>, vector<2000x64xf32> -> vector<2000x64xf32>
    %add3A_42 = arith.addf %dot_general3A_36, %dot_general3A_41 : vector<2000x64xf32>
    %get3A_43 = arith.constant 0 : index
    %get3A_44 = arith.constant 0 : index
    %get3A_45 = vector.load %arg10[%get3A_43, %get3A_44] : memref<1x64xf32, #tpu.memory_space<vmem>>, vector<1x64xf32>
    %add3A_46 = vector.broadcast %get3A_45 : vector<1x64xf32> to vector<2000x64xf32>
    %add3A_47 = arith.addf %add3A_42, %add3A_46 : vector<2000x64xf32>
    %logistic3A_48 = arith.negf %add3A_47 : vector<2000x64xf32>
    %logistic3A_49 = math.exp %logistic3A_48 : vector<2000x64xf32>
    %logistic3A_50 = arith.constant 1.000000e+00 : f32
    %logistic3A_51 = vector.broadcast %logistic3A_50 : f32 to vector<2000x64xf32>
    %logistic3A_52 = arith.addf %logistic3A_51, %logistic3A_49 : vector<2000x64xf32>
    %logistic3A_53 = arith.divf %logistic3A_51, %logistic3A_52 : vector<2000x64xf32>
    %get3A_54 = arith.constant 0 : index
    %get3A_55 = arith.constant 0 : index
    %get3A_56 = vector.load %arg5[%get3A_54, %get3A_55] : memref<64x64xf32, #tpu.memory_space<vmem>>, vector<64x64xf32>
    %dot_general3A_57 = arith.constant dense<0.000000e+00> : vector<2000x64xf32>
    %dot_general3A_58 = tpu.matmul %add3A, %get3A_56, %dot_general3A_57 {dimension_numbers = #tpu.dot_dimension_numbers<[1], [0], [0], [1], [0, 0, 1, 1], [], []>, precision = #tpu.contract_precision<fp32>, transpose_lhs_hint = false} : vector<2000x64xf32>, vector<64x64xf32>, vector<2000x64xf32> -> vector<2000x64xf32>
    %get3A_59 = arith.constant 0 : index
    %get3A_60 = arith.constant 0 : index
    %get3A_61 = vector.load %arg11[%get3A_59, %get3A_60] : memref<1x64xf32, #tpu.memory_space<vmem>>, vector<1x64xf32>
    %add3A_62 = vector.broadcast %get3A_61 : vector<1x64xf32> to vector<2000x64xf32>
    %add3A_63 = arith.addf %dot_general3A_58, %add3A_62 : vector<2000x64xf32>
    %get3A_64 = arith.constant 0 : index
    %get3A_65 = arith.constant 0 : index
    %get3A_66 = vector.load %arg8[%get3A_64, %get3A_65] : memref<64x64xf32, #tpu.memory_space<vmem>>, vector<64x64xf32>
    %dot_general3A_67 = arith.constant dense<0.000000e+00> : vector<2000x64xf32>
    %dot_general3A_68 = tpu.matmul %get3A_11, %get3A_66, %dot_general3A_67 {dimension_numbers = #tpu.dot_dimension_numbers<[1], [0], [0], [1], [0, 0, 1, 1], [], []>, precision = #tpu.contract_precision<fp32>, transpose_lhs_hint = false} : vector<2000x64xf32>, vector<64x64xf32>, vector<2000x64xf32> -> vector<2000x64xf32>
    %get3A_69 = arith.constant 0 : index
    %get3A_70 = arith.constant 0 : index
    %get3A_71 = vector.load %arg12[%get3A_69, %get3A_70] : memref<1x64xf32, #tpu.memory_space<vmem>>, vector<1x64xf32>
    %add3A_72 = vector.broadcast %get3A_71 : vector<1x64xf32> to vector<2000x64xf32>
    %add3A_73 = arith.addf %dot_general3A_68, %add3A_72 : vector<2000x64xf32>
    %mul3A = arith.mulf %logistic3A_31, %add3A_73 : vector<2000x64xf32>
    %add3A_74 = arith.addf %add3A_63, %mul3A : vector<2000x64xf32>
    %tanh3A = math.tanh %add3A_74 : vector<2000x64xf32>
    %sub3A = arith.constant 1.000000e+00 : f32
    %sub3A_75 = vector.broadcast %sub3A : f32 to vector<2000x64xf32>
    %sub3A_76 = arith.subf %sub3A_75, %logistic3A_53 : vector<2000x64xf32>
    %mul3A_77 = arith.mulf %sub3A_76, %tanh3A : vector<2000x64xf32>
    %mul3A_78 = arith.mulf %logistic3A_53, %get3A_11 : vector<2000x64xf32>
    %add3A_79 = arith.addf %mul3A_77, %mul3A_78 : vector<2000x64xf32>
    %swap3A = arith.constant 0 : index
    %swap3A_80 = arith.constant 0 : index
    %swap3A_81 = vector.load %arg13[%swap3A, %swap3A_80] : memref<2000x64xf32, #tpu.memory_space<vmem>>, vector<2000x64xf32>
    tpu.vector_store %arg13[%swap3A, %swap3A_80], %add3A_79 {strides = array<i32>} : memref<2000x64xf32, #tpu.memory_space<vmem>>, vector<2000x64xf32>,
    return
  }
  func.func @transform_0(%arg0: i32) -> (i32, i32, i32) {
    %c0_i32 = arith.constant 0 : i32
    %c0_i32_0 = arith.constant 0 : i32
    %c0_i32_1 = arith.constant 0 : i32
    return %c0_i32, %arg0, %c0_i32_0 : i32, i32, i32
  }
  func.func @transform_1(%arg0: i32) -> (i32, i32) {
    %c0_i32 = arith.constant 0 : i32
    %c0_i32_0 = arith.constant 0 : i32
    return %arg0, %c0_i32 : i32, i32
  }
  func.func @transform_2(%arg0: i32) -> (i32, i32) {
    %c0_i32 = arith.constant 0 : i32
    %c0_i32_0 = arith.constant 0 : i32
    %c0_i32_1 = arith.constant 0 : i32
    return %c0_i32, %c0_i32_0 : i32, i32
  }
  func.func @transform_3(%arg0: i32) -> (i32, i32) {
    %c0_i32 = arith.constant 0 : i32
    %c0_i32_0 = arith.constant 0 : i32
    %c0_i32_1 = arith.constant 0 : i32
    return %c0_i32, %c0_i32_0 : i32, i32
  }
  func.func @transform_4(%arg0: i32) -> (i32, i32) {
    %c0_i32 = arith.constant 0 : i32
    %c0_i32_0 = arith.constant 0 : i32
    %c0_i32_1 = arith.constant 0 : i32
    return %c0_i32, %c0_i32_0 : i32, i32
  }
  func.func @transform_5(%arg0: i32) -> (i32, i32) {
    %c0_i32 = arith.constant 0 : i32
    %c0_i32_0 = arith.constant 0 : i32
    %c0_i32_1 = arith.constant 0 : i32
    return %c0_i32, %c0_i32_0 : i32, i32
  }
  func.func @transform_6(%arg0: i32) -> (i32, i32) {
    %c0_i32 = arith.constant 0 : i32
    %c0_i32_0 = arith.constant 0 : i32
    %c0_i32_1 = arith.constant 0 : i32
    return %c0_i32, %c0_i32_0 : i32, i32
  }
  func.func @transform_7(%arg0: i32) -> (i32, i32) {
    %c0_i32 = arith.constant 0 : i32
    %c0_i32_0 = arith.constant 0 : i32
    %c0_i32_1 = arith.constant 0 : i32
    return %c0_i32, %c0_i32_0 : i32, i32
  }
  func.func @transform_8(%arg0: i32) -> (i32, i32) {
    %c0_i32 = arith.constant 0 : i32
    %c0_i32_0 = arith.constant 0 : i32
    %c0_i32_1 = arith.constant 0 : i32
    return %c0_i32, %c0_i32_0 : i32, i32
  }
  func.func @transform_9(%arg0: i32) -> (i32, i32) {
    %c0_i32 = arith.constant 0 : i32
    %c0_i32_0 = arith.constant 0 : i32
    %c0_i32_1 = arith.constant 0 : i32
    return %c0_i32, %c0_i32_0 : i32, i32
  }
  func.func @transform_10(%arg0: i32) -> (i32, i32) {
    %c0_i32 = arith.constant 0 : i32
    %c0_i32_0 = arith.constant 0 : i32
    %c0_i32_1 = arith.constant 0 : i32
    return %c0_i32, %c0_i32_0 : i32, i32
  }
  func.func @transform_11(%arg0: i32) -> (i32, i32) {
    %c0_i32 = arith.constant 0 : i32
    %c0_i32_0 = arith.constant 0 : i32
    %c0_i32_1 = arith.constant 0 : i32
    return %c0_i32, %c0_i32_0 : i32, i32
  }
  func.func @transform_12(%arg0: i32) -> (i32, i32) {
    %c0_i32 = arith.constant 0 : i32
    %c0_i32_0 = arith.constant 0 : i32
    return %arg0, %c0_i32 : i32, i32
  }
}

module attributes {stable_mosaic.version = 14 : i64} {
  func.func @_final_body(%arg0: i32, %arg1: memref<2000x64xf32, #tpu.memory_space<vmem>>, %arg2: memref<2000x64xf32, #tpu.memory_space<vmem>>, %arg3: memref<64x64xf32, #tpu.memory_space<vmem>>, %arg4: memref<64x64xf32, #tpu.memory_space<vmem>>, %arg5: memref<1x64xf32, #tpu.memory_space<vmem>>, %arg6: memref<64x64xf32, #tpu.memory_space<vmem>>, %arg7: memref<1x64xf32, #tpu.memory_space<vmem>>, %arg8: memref<2000x64xf32, #tpu.memory_space<vmem>>) attributes {dimension_semantics = [#tpu.dimension_semantics<arbitrary>], iteration_bounds = array<i64: 5>, scalar_prefetch = 0 : i64, scratch_operands = 0 : i64, tpu.core_type = #tpu.core_type<tc>, window_params = [{transform_indices = @transform_0, window_bounds = array<i64: 2000, 64>}, {transform_indices = @transform_1, window_bounds = array<i64: 2000, 64>}, {pipeline_mode = #tpu.pipeline_mode<synchronous>, transform_indices = @transform_2, window_bounds = array<i64: 64, 64>}, {pipeline_mode = #tpu.pipeline_mode<synchronous>, transform_indices = @transform_3, window_bounds = array<i64: 64, 64>}, {pipeline_mode = #tpu.pipeline_mode<synchronous>, transform_indices = @transform_4, window_bounds = array<i64: 1, 64>}, {pipeline_mode = #tpu.pipeline_mode<synchronous>, transform_indices = @transform_5, window_bounds = array<i64: 64, 64>}, {pipeline_mode = #tpu.pipeline_mode<synchronous>, transform_indices = @transform_6, window_bounds = array<i64: 1, 64>}, {transform_indices = @transform_7, window_bounds = array<i64: 2000, 64>}]} {
    %get3A = arith.constant 0 : index
    %get3A_0 = arith.constant 0 : index
    %get3A_1 = vector.load %arg1[%get3A, %get3A_0] : memref<2000x64xf32, #tpu.memory_space<vmem>>, vector<2000x64xf32>
    %get3A_2 = arith.constant 0 : index
    %get3A_3 = arith.constant 0 : index
    %get3A_4 = vector.load %arg3[%get3A_2, %get3A_3] : memref<64x64xf32, #tpu.memory_space<vmem>>, vector<64x64xf32>
    %dot_general3A = arith.constant dense<0.000000e+00> : vector<2000x64xf32>
    %dot_general3A_5 = tpu.matmul %get3A_1, %get3A_4, %dot_general3A {dimension_numbers = #tpu.dot_dimension_numbers<[1], [0], [0], [1], [0, 0, 1, 1], [], []>, precision = #tpu.contract_precision<fp32>, transpose_lhs_hint = false} : vector<2000x64xf32>, vector<64x64xf32>, vector<2000x64xf32> -> vector<2000x64xf32>
    %get3A_6 = arith.constant 0 : index
    %get3A_7 = arith.constant 0 : index
    %get3A_8 = vector.load %arg2[%get3A_6, %get3A_7] : memref<2000x64xf32, #tpu.memory_space<vmem>>, vector<2000x64xf32>
    %get3A_9 = arith.constant 0 : index
    %get3A_10 = arith.constant 0 : index
    %get3A_11 = vector.load %arg4[%get3A_9, %get3A_10] : memref<64x64xf32, #tpu.memory_space<vmem>>, vector<64x64xf32>
    %dot_general3A_12 = arith.constant dense<0.000000e+00> : vector<2000x64xf32>
    %dot_general3A_13 = tpu.matmul %get3A_8, %get3A_11, %dot_general3A_12 {dimension_numbers = #tpu.dot_dimension_numbers<[1], [0], [0], [1], [0, 0, 1, 1], [], []>, precision = #tpu.contract_precision<fp32>, transpose_lhs_hint = false} : vector<2000x64xf32>, vector<64x64xf32>, vector<2000x64xf32> -> vector<2000x64xf32>
    %add3A = arith.addf %dot_general3A_5, %dot_general3A_13 : vector<2000x64xf32>
    %get3A_14 = arith.constant 0 : index
    %get3A_15 = arith.constant 0 : index
    %get3A_16 = vector.load %arg5[%get3A_14, %get3A_15] : memref<1x64xf32, #tpu.memory_space<vmem>>, vector<1x64xf32>
    %add3A_17 = vector.broadcast %get3A_16 : vector<1x64xf32> to vector<2000x64xf32>
    %add3A_18 = arith.addf %add3A, %add3A_17 : vector<2000x64xf32>
    %max3A = arith.constant 0.000000e+00 : f32
    %max3A_19 = vector.broadcast %max3A : f32 to vector<2000x64xf32>
    %max3A_20 = arith.maximumf %add3A_18, %max3A_19 : vector<2000x64xf32>
    %get3A_21 = arith.constant 0 : index
    %get3A_22 = arith.constant 0 : index
    %get3A_23 = vector.load %arg6[%get3A_21, %get3A_22] : memref<64x64xf32, #tpu.memory_space<vmem>>, vector<64x64xf32>
    %dot_general3A_24 = arith.constant dense<0.000000e+00> : vector<2000x64xf32>
    %dot_general3A_25 = tpu.matmul %max3A_20, %get3A_23, %dot_general3A_24 {dimension_numbers = #tpu.dot_dimension_numbers<[1], [0], [0], [1], [0, 0, 1, 1], [], []>, precision = #tpu.contract_precision<fp32>, transpose_lhs_hint = false} : vector<2000x64xf32>, vector<64x64xf32>, vector<2000x64xf32> -> vector<2000x64xf32>
    %get3A_26 = arith.constant 0 : index
    %get3A_27 = arith.constant 0 : index
    %get3A_28 = vector.load %arg7[%get3A_26, %get3A_27] : memref<1x64xf32, #tpu.memory_space<vmem>>, vector<1x64xf32>
    %add3A_29 = vector.broadcast %get3A_28 : vector<1x64xf32> to vector<2000x64xf32>
    %add3A_30 = arith.addf %dot_general3A_25, %add3A_29 : vector<2000x64xf32>
    %tanh3A = math.tanh %add3A_30 : vector<2000x64xf32>
    %swap3A = arith.constant 0 : index
    %swap3A_31 = arith.constant 0 : index
    %swap3A_32 = vector.load %arg8[%swap3A, %swap3A_31] : memref<2000x64xf32, #tpu.memory_space<vmem>>, vector<2000x64xf32>
    tpu.vector_store %arg8[%swap3A, %swap3A_31], %tanh3A {strides = array<i32>} : memref<2000x64xf32, #tpu.memory_space<vmem>>, vector<2000x64xf32>,
    return
  }
  func.func @transform_0(%arg0: i32) -> (i32, i32) {
    %c0_i32 = arith.constant 0 : i32
    %c0_i32_0 = arith.constant 0 : i32
    return %arg0, %c0_i32 : i32, i32
  }
  func.func @transform_1(%arg0: i32) -> (i32, i32) {
    %c0_i32 = arith.constant 0 : i32
    %c0_i32_0 = arith.constant 0 : i32
    return %arg0, %c0_i32 : i32, i32
  }
  func.func @transform_2(%arg0: i32) -> (i32, i32) {
    %c0_i32 = arith.constant 0 : i32
    %c0_i32_0 = arith.constant 0 : i32
    %c0_i32_1 = arith.constant 0 : i32
    return %c0_i32, %c0_i32_0 : i32, i32
  }
  func.func @transform_3(%arg0: i32) -> (i32, i32) {
    %c0_i32 = arith.constant 0 : i32
    %c0_i32_0 = arith.constant 0 : i32
    %c0_i32_1 = arith.constant 0 : i32
    return %c0_i32, %c0_i32_0 : i32, i32
  }
  func.func @transform_4(%arg0: i32) -> (i32, i32) {
    %c0_i32 = arith.constant 0 : i32
    %c0_i32_0 = arith.constant 0 : i32
    %c0_i32_1 = arith.constant 0 : i32
    return %c0_i32, %c0_i32_0 : i32, i32
  }
  func.func @transform_5(%arg0: i32) -> (i32, i32) {
    %c0_i32 = arith.constant 0 : i32
    %c0_i32_0 = arith.constant 0 : i32
    %c0_i32_1 = arith.constant 0 : i32
    return %c0_i32, %c0_i32_0 : i32, i32
  }
  func.func @transform_6(%arg0: i32) -> (i32, i32) {
    %c0_i32 = arith.constant 0 : i32
    %c0_i32_0 = arith.constant 0 : i32
    %c0_i32_1 = arith.constant 0 : i32
    return %c0_i32, %c0_i32_0 : i32, i32
  }
  func.func @transform_7(%arg0: i32) -> (i32, i32) {
    %c0_i32 = arith.constant 0 : i32
    %c0_i32_0 = arith.constant 0 : i32
    return %arg0, %c0_i32 : i32, i32
  }
}

</mosaic_0001>

<sc_bundles>
// kernel: kernel.16.cloned.1.call-start
scs
__scs_entry_jumppad:
0x0: {  	(pc) =	sbr.rel $0x88, $3  }
0x1: {  	(tag) =	ssettag $0x0;
	lr =	simm.s32 $0x1  }
0x2: {  	[smem:$0x3F92] =	sst lr;
	_ =	strace $0xD0000000  }
0x3: {  	_ = 	snop  }
0x4: {  	_ = 	snop  }
0x5: {  	_ = 	snop  }
0x6: {  	_ = 	snop  }
0x7: {  	_ = 	snop  }
__scs_overlays_trampoline_lowered:
0x8: {  	[smem:$0x3FA1] =	sst s0  }
0x9: {  	[smem:$0x3FA2] =	sst s1  }
0xa: {  	[smem:$0x3FA3] =	sst s2  }
0xb: {  	[smem:$0x3FA4] =	sst s3  }
0xc: {  	[smem:$0x3FA5] =	sst s4  }
0xd: {  	[smem:$0x3FA6] =	sst s5  }
0xe: {  	[smem:$0x3FA7] =	sst s6  }
0xf: {  	[smem:$0x3FA8] =	sst s7  }
0x10: {  	[smem:$0x3FA9] =	sst s8  }
0x11: {  	[smem:$0x3FAA] =	sst s9;
	s0 =	simm.s32 @!p0 $0x0  }
0x12: {  	s1 =	sld [smem:$0x3F90];
	s0 =	simm.s32 @p0 $0x1  }
0x13: {  	[smem:$0x3FAB] =	sst s0;
	s0 =	simm.s32 @!p1 $0x0  }
0x14: {  	s2 =	sld [smem:$0x3F8F];
	s0 =	simm.s32 @p1 $0x1  }
0x15: {  	[smem:$0x3FAC] =	sst s0;
	s0 =	simm.s32 @!p2 $0x0  }
0x16: {  	s3 =	sld [smem:$0x3FDB];
	s0 =	simm.s32 @p2 $0x1  }
0x17: {  	s4 =	simm.s32 $0x1BF5;
	[smem:$0x3FAE] =	sst s0  }
0x18: {  	s0 =	sld [smem:$0x3F91];
	_ =	swait.ge [sflag:s4], $0x0  }
0x19: {  	s7 =	sld [smem:$0x3F92]  }
0x1a: {  	s8 =	sadd.s32 $0xFFFFE003, lr  }
0x1b: {  	s9 =	sadd.s32 $0xFFFFFEF7, lr;
	s5 =	simm.s32 $0xFFFFFFFF;
	p2 =	slt.u32 s8, $0xFFFFF086  }
0x1c: {  	p1 =	slt.u32 s9, $0xF7A;
	s5 =	simm.s32 @!p2 $0x0  }
0x1d: {  	s5 =	simm.s32 @p1 $0x1;
	p0 =	seq.s32 s7, s2  }
0x1e: {  	s7 =	smul.u32 @!p0 $0xF7A, s2;
	p2 =	seq.s32 @!p0 s5, $0x0  }
0x1f: {  	s9 =	smul.u32 $0xF7A, s1;
	s8 =	simm.s32 @!p0 $0x1BF5;
	p2 =	por !p2, p0  }
0x20: {  	[sflag:s8] =	ssyncset.s32 @!p0 $0xFFFFF086;
	s6 =	sadd.s32 @!p0 s3, s7;
	s7 =	simm.s32 @!p0 $0x108  }
0x21: {  	s3 =	sadd.s32 s3, s9;
	s6 =	sadd.s32 @!p0 $0x88, s6;
	s7 =	simm.s32 @p2 $0x1082  }
0x22: {  	[simem:s7], [sflag:s8] =	dma.local @!p0 [hbm:s6], $0xF7A  }
0x23: {  	s9 =	sor.u32 $0xD0000000, s2;
	s6 =	simm.s32 $0x108;
	_ =	swait.ge @!p0 [sflag:s8], $0x0  }
0x24: {  	s3 =	sadd.s32 $0x88, s3;
	s6 =	simm.s32 @!p1 $0x1082;
	[sflag:s4] =	ssyncset.s32 $0xFFFFF086  }
0x25: {  	[simem:s6], [sflag:s4] =	dma.local [hbm:s3], $0xF7A  }
0x26: {  	[smem:$0x3F92] =	sst s1;
	(tag) =	ssettag s2;
	_ =	strace s9  }
0x27: {  	s1 =	sld [smem:$0x3FA2]  }
0x28: {  	s2 =	sld [smem:$0x3FA3]  }
0x29: {  	s4 =	sld [smem:$0x3FA5]  }
0x2a: {  	p0 =	seq.s32 s5, $0x0;
	s5 =	sld [smem:$0x3FA6]  }
0x2b: {  	s6 =	sld [smem:$0x3FA7]  }
0x2c: {  	s7 =	sld [smem:$0x3FA8]  }
0x2d: {  	s3 =	simm.s32 $0x108;
	s8 =	sld [smem:$0x3FA9]  }
0x2e: {  	s3 =	simm.s32 @!p0 $0x1082;
	s9 =	sld [smem:$0x3FAA]  }
0x2f: {  	lr =	sadd.s32 s0, s3;
	s0 =	sld [smem:$0x3FA1]  }
0x30: {  	s3 =	sld [smem:$0x3FA4]  }
0x31: {  	[smem:$0x3FAD] =	sst s10  }
0x32: {  	s10 =	sld [smem:$0x3FAB];
	_ =	sdelay $0x3  }
0x33: {  	p0 =	seq.s32 s10, $0x1;
	s10 =	sld [smem:$0x3FAD];
	_ =	sdelay $0x3  }
0x34: {  	[smem:$0x3FAD] =	sst s10  }
0x35: {  	s10 =	sld [smem:$0x3FAC];
	_ =	sdelay $0x3  }
0x36: {  	p1 =	seq.s32 s10, $0x1;
	s10 =	sld [smem:$0x3FAD];
	_ =	sdelay $0x3  }
0x37: {  	[smem:$0x3FAD] =	sst s10  }
0x38: {  	s10 =	sld [smem:$0x3FAE]  }
0x39: {  	_ = 	snop;
	(pc) =	sbr.ind lr, $3  }
0x3a: {  	_ = 	snop  }
0x3b: {  	_ = 	snop  }
0x3c: {  	p2 =	seq.s32 s10, $0x1;
	s10 =	sld [smem:$0x3FAD]  }
0x3d: {  	_ =	shalt  }
0x3e: {  	_ =	shalt  }
0x3f: {  	_ =	shalt  }
0x40: {  	_ =	shalt  }
0x41: {  	_ =	shalt  }
0x42: {  	_ =	shalt  }
0x43: {  	_ =	shalt  }
0x44: {  	_ =	shalt  }
0x45: {  	_ =	shalt  }
0x46: {  	_ =	shalt  }
0x47: {  	_ =	shalt  }
0x48: {  	_ =	shalt  }
0x49: {  	_ =	shalt  }
0x4a: {  	_ =	shalt  }
0x4b: {  	_ =	shalt  }
0x4c: {  	_ =	shalt  }
0x4d: {  	_ =	shalt  }
0x4e: {  	_ =	shalt  }
0x4f: {  	_ =	shalt  }
0x50: {  	_ =	shalt  }
0x51: {  	_ =	shalt  }
0x52: {  	_ =	shalt  }
0x53: {  	_ =	shalt  }
0x54: {  	_ =	shalt  }
0x55: {  	_ =	shalt  }
0x56: {  	_ =	shalt  }
0x57: {  	_ =	shalt  }
0x58: {  	_ =	shalt  }
0x59: {  	_ =	shalt  }
0x5a: {  	_ =	shalt  }
0x5b: {  	_ =	shalt  }
0x5c: {  	_ =	shalt  }
0x5d: {  	_ =	shalt  }
0x5e: {  	_ =	shalt  }
0x5f: {  	_ =	shalt  }
0x60: {  	_ =	shalt  }
0x61: {  	_ =	shalt  }
0x62: {  	_ =	shalt  }
0x63: {  	_ =	shalt  }
0x64: {  	_ =	shalt  }
0x65: {  	_ =	shalt  }
0x66: {  	_ =	shalt  }
0x67: {  	_ =	shalt  }
0x68: {  	_ =	shalt  }
0x69: {  	_ =	shalt  }
0x6a: {  	_ =	shalt  }
0x6b: {  	_ =	shalt  }
0x6c: {  	_ =	shalt  }
0x6d: {  	_ =	shalt  }
0x6e: {  	_ =	shalt  }
0x6f: {  	_ =	shalt  }
0x70: {  	_ =	shalt  }
0x71: {  	_ =	shalt  }
0x72: {  	_ =	shalt  }
0x73: {  	_ =	shalt  }
0x74: {  	_ =	shalt  }
0x75: {  	_ =	shalt  }
0x76: {  	_ =	shalt  }
0x77: {  	_ =	shalt  }
0x78: {  	_ =	shalt  }
0x79: {  	_ =	shalt  }
0x7a: {  	_ =	shalt  }
0x7b: {  	_ =	shalt  }
0x7c: {  	_ =	shalt  }
0x7d: {  	_ =	shalt  }
0x7e: {  	_ =	shalt  }
0x7f: {  	_ =	shalt  }
0x80: {  	_ =	shalt  }
0x81: {  	_ =	shalt  }
0x82: {  	_ =	shalt  }
0x83: {  	_ =	shalt  }
0x84: {  	_ =	shalt  }
0x85: {  	_ =	shalt  }
0x86: {  	_ =	shalt  }
0x87: {  	_ =	shalt  }
.Lfunc_end0:
.L_simem_size_0:
called_computation_lowered:
.L_overlay_start_0:
0x88: {  	s2 =	sld [smem:$0x3FD9]  }
0x89: {  	s3 =	sld [smem:$0x3FFE];
	_ =	sdelay $0x1  }
0x8a: {  	s1 =	srdreg.scid  }
0x8b: {  	s0 =	sand.u32 $0x1, s1  }
0x8c: {  	s17 =	sshll.u32 s0, $0xA;
	s2 =	sadd.s32 s3, s2  }
0x8d: {  	s2 =	sadd.s32 s2, s17  }
0x8e: {  	[smem:$0x3FB9] =	sst s2  }
0x8f: {  	_ = 	snop  }
0x90: {  	s2 =	sld [smem:$0x3FD0];
	(tm) =	ssettm $0x1  }
0x91: {  	s18 =	sld [smem:$0x3FFB];
	_ =	sdelay $0x3  }
0x92: {  	_ =	strace s18  }
0x93: {  	s3 =	sld [smem:$0x3FFC];
	_ =	sdelay $0x3  }
0x94: {  	_ =	strace s3  }
0x95: {  	s3 =	sld [smem:$0x3FFD];
	_ =	sdelay $0x3  }
0x96: {  	_ =	strace s3  }
0x97: {  	_ =	strace $0x8FFFFFFF  }
0x98: {  	s19 =	sld [smem:$0x3FDB];
	_ =	sdelay $0x1  }
0x99: {  	s4 =	simm.s32 $_scs_section_size  }
0x9a: {  	s5 =	simm.s32 $_size__tile_overlayer_lowered;
	s6 =	simm.s32 $_tile_overlayer_lowered  }
0x9b: {  	s22 =	simm.s32 $0x1BFF;
	s21 =	sshll.u32 s6, $0x1;
	s3 =	sadd.s32 s4, s19  }
0x9c: {  	s7 =	simm.s32 $0x0;
	s20 =	sshll.u32 s5, $0x1;
	s5 =	sadd.s32 s21, s3  }
0x9d: {  	[timem:s7], [sflag:s22] =	dma.local [hbm:s5], s20  }
0x9e: {  	_ =	swait.ge [sflag:s22], s20  }
0x9f: {  	s4 =	ssub.s32 $0x0, s20;
	[sflag:s22] =	ssyncset.done $0x0  }
0xa0: {  	[sflag:s22] =	ssyncadd.s32 s4;
	_ =	sdelay $0x1  }
0xa1: {  	s23 =	simm.s32 $0x1B8B  }
0xa2: {  	_ =	swait.ge [sflag:s23], $0x1  }
0xa3: {  	[sflag:s23] =	ssyncset.done $0x0  }
0xa4: {  	s25 =	simm.s32 $0x1B8E;
	s24 =	sld [smem:$0x3FFE];
	[sflag:s23] =	ssyncadd.s32 $0xFFFFFFFF  }
0xa5: {  	s26 =	simm.s32 $execute0_lowered;
	[smem:$0x3FD2] =	sst s25  }
0xa6: {  	s5 =	sshll.u32 s26, $0x1;
	_ =	strace $0x80000046;
	[dreg:$0x1] =	wrdreg $0xFFFFFFFF  }
0xa7: {  	s28 =	simm.s32 $_size_execute0_lowered;
	s3 =	sadd.s32 s3, s5;
	[dreg:$0x0] =	wrdreg $0x0  }
0xa8: {  	s5 =	sshll.u32 s28, $0x1;
	[dreg:$0x2] =	wrdreg s3  }
0xa9: {  	[dreg:$0x3] =	wrdreg s5  }
0xaa: {  	[dreg:$0x4] =	wrdreg $0xC0  }
0xab: {  	_ =	task [dreg:s7], $0x5FFFF  }
0xac: {  	[dreg:$0x1] =	wrdreg $0xFFFFFFFF  }
0xad: {  	[dreg:$0x0] =	wrdreg $0x60  }
0xae: {  	[dreg:$0x2] =	wrdreg s24  }
0xaf: {  	[dreg:$0x3] =	wrdreg s2  }
0xb0: {  	[dreg:$0x4] =	wrdreg $0x25000  }
0xb1: {  	[dreg:$0x5] =	wrdreg $0x9  }
0xb2: {  	_ =	task.clear_ibuf [dreg:s7], $0x6FFFF;
	_ =	strace $0x90000046  }
0xb3: {  	s29 =	simm.s32 $0x9;
	_ =	strace $0x80000048  }
0xb4: {  	_ =	swait.ge [sflag:s29], $0x1  }
0xb5: {  	[sflag:s29] =	ssyncadd.s32 $0xFFFFFFFF  }
0xb6: {  	_ =	strace $0x90000048  }
0xb7: {  	_ =	sfence  }
0xb8: {  	s30 =	sld [smem:$0x0];
	_ =	sdelay $0x2  }
0xb9: {  	s31 =	sshll.u32 s1, $0xD;
	s1 =	sshrl.u32 s1, $0x2  }
0xba: {  	s3 =	sand.u32 $0x4000, s31;
	s1 =	sadd.s32 s1, s30  }
0xbb: {  	s0 =	sor.u32 s3, s0;
	s1 =	sshll.u32 s1, $0x11  }
0xbc: {  	s0 =	sor.u32 s1, s0  }
0xbd: {  	s0 =	sadd.s32 $0x8F2B, s0  }
0xbe: {  	[sflag:s0] =	ssyncadd.remote.s32 $0x1  }
0xbf: {  	_ =	sfence.sel $0xFFFF  }
0xc0: {  	[dreg:$0x0] =	wrdreg $0xFFFFFFFF;
	(pc) =	sbr.abs _section_cstart, $3  }
0xc1: {  	[dreg:$0x1] =	wrdreg $0xFFFFFFFF  }
0xc2: {  	_ =	task.clear_ibuf [dreg:s7], $0x2FFFF;
	_ =	strace $0x9FFFFFFF  }
0xc3: {  	(tm) =	ssettm $0x7FFFFFFF  }
tec
execute0_lowered:
.L_overlay_start_1:
0x0: {  	(tag) =	ssettag $0x1  }
0x1: {  	s5 =	rddreg [dreg:$0x0]  }
0x2: {  	s1 =	srdreg.scid;
	s0 =	stileid.u32  }
0x3: {  	s9 =	rddreg [dreg:$0x1];
	s4 =	smul.u32 $0x4F00, s0  }
0x4: {  	s2 =	rddreg [dreg:$0x2];
	s3 =	simm.s32 $0x0;
	s10 =	smul.u32 $0xA000, s0  }
0x5: {  	s14 =	simm.s32 $0x1;
	s6 =	sand.u32 $0x1, s1;
	s30 =	smul.u32 $0x28000, s0  }
0x6: {  	s17 =	simm.s32 $0x0;
	s1 =	rddreg [dreg:$0x3];
	s7 =	smul.u32 $0x2780, s6  }
0x7: {  	[smem:$0x7FF] =	sst s3;
	s15 =	sshll.u32 s0, $0x6;
	s8 =	smul.u32 $0xA0000, s6  }
0x8: {  	_ =	strace $0x80000047;
	s6 =	ssub.s32 $0x2, s6;
	s15 =	sor.u32 $0x1C02, s15  }
0x9: {  	s13 =	sshrl.u32 s6, $0x1;
	s31 =	sshrl.u32 s30, $0x2;
	s16 =	sadd.s32 s10, s2  }
0xa: {  	s7 =	sadd.s32 s7, s4;
	s4 =	sadd.s32 $0x9D400, s5;
	s29 =	sadd.s32 s10, s8  }
0xb: {  	s13 =	ssub.s32 s6, s13;
	s10 =	simm.s32 $0x2100;
	s11 =	sshrl.u32 s7, $0x3  }
0xc: {  	s16 =	sshrl.u32 s16, $0x3;
	s7 =	sshrl.u32 s29, $0x3;
	s12 =	sadd.s32 s11, s5  }
0xd: {  	s7 =	sadd.s32 s7, s5;
	s5 =	sadd.s32 s31, s2;
	s9 =	sadd.s32 s11, s9  }
0xe: {  	s11 =	simm.s32 $0x2;
	s6 =	sadd.s32 $0xAE00, s7;
	s7 =	smax.u32 s13, $0x1  }
0xf: {  	v0 =	vimm.f32 $0.0e+00;
	s8 =	sadd.s32 $0x1000, s12;
	s12 =	simm.s32 $0x80;
	s13 =	simm.s32 $0x100  }
.LBB2_1:
0x10: {  	[tilespmem:$0x2100] =	vst v0  }
0x11: {  	[tilespmem:$0x2110] =	vst v0  }
0x12: {  	[tilespmem:$0x2120] =	vst v0  }
0x13: {  	[tilespmem:$0x2130] =	vst v0  }
0x14: {  	[tilespmem:$0x2140] =	vst v0  }
0x15: {  	[tilespmem:$0x2150] =	vst v0  }
0x16: {  	[tilespmem:$0x2160] =	vst v0  }
0x17: {  	[tilespmem:$0x2170] =	vst v0  }
0x18: {  	[tilespmem:$0x2180] =	vst v0  }
0x19: {  	[tilespmem:$0x2190] =	vst v0  }
0x1a: {  	[tilespmem:$0x21A0] =	vst v0  }
0x1b: {  	[tilespmem:$0x21B0] =	vst v0  }
0x1c: {  	[tilespmem:$0x21C0] =	vst v0  }
0x1d: {  	[tilespmem:$0x21D0] =	vst v0  }
0x1e: {  	[tilespmem:$0x21E0] =	vst v0  }
0x1f: {  	[tilespmem:$0x21F0] =	vst v0  }
0x20: {  	[tilespmem:$0x2200] =	vst v0  }
0x21: {  	[tilespmem:$0x2210] =	vst v0  }
0x22: {  	[tilespmem:$0x2220] =	vst v0  }
0x23: {  	[tilespmem:$0x2230] =	vst v0  }
0x24: {  	[tilespmem:$0x2240] =	vst v0  }
0x25: {  	[tilespmem:$0x2250] =	vst v0  }
0x26: {  	[tilespmem:$0x2260] =	vst v0  }
0x27: {  	[tilespmem:$0x2270] =	vst v0  }
0x28: {  	[tilespmem:$0x2280] =	vst v0  }
0x29: {  	[tilespmem:$0x2290] =	vst v0  }
0x2a: {  	[tilespmem:$0x22A0] =	vst v0  }
0x2b: {  	[tilespmem:$0x22B0] =	vst v0  }
0x2c: {  	[tilespmem:$0x22C0] =	vst v0  }
0x2d: {  	[tilespmem:$0x22D0] =	vst v0  }
0x2e: {  	[tilespmem:$0x22E0] =	vst v0  }
0x2f: {  	[tilespmem:$0x22F0] =	vst v0  }
0x30: {  	[tilespmem:$0x2300] =	vst v0  }
0x31: {  	[tilespmem:$0x2310] =	vst v0  }
0x32: {  	[tilespmem:$0x2320] =	vst v0  }
0x33: {  	[tilespmem:$0x2330] =	vst v0  }
0x34: {  	[tilespmem:$0x2340] =	vst v0  }
0x35: {  	[tilespmem:$0x2350] =	vst v0  }
0x36: {  	[tilespmem:$0x2360] =	vst v0  }
0x37: {  	[tilespmem:$0x2370] =	vst v0  }
0x38: {  	[tilespmem:$0x2380] =	vst v0  }
0x39: {  	[tilespmem:$0x2390] =	vst v0  }
0x3a: {  	[tilespmem:$0x23A0] =	vst v0  }
0x3b: {  	[tilespmem:$0x23B0] =	vst v0  }
0x3c: {  	[tilespmem:$0x23C0] =	vst v0  }
0x3d: {  	[tilespmem:$0x23D0] =	vst v0  }
0x3e: {  	[tilespmem:$0x23E0] =	vst v0  }
0x3f: {  	[tilespmem:$0x23F0] =	vst v0  }
0x40: {  	[tilespmem:$0x2400] =	vst v0  }
0x41: {  	[tilespmem:$0x2410] =	vst v0  }
0x42: {  	[tilespmem:$0x2420] =	vst v0  }
0x43: {  	[tilespmem:$0x2430] =	vst v0  }
0x44: {  	[tilespmem:$0x2440] =	vst v0  }
0x45: {  	[tilespmem:$0x2450] =	vst v0  }
0x46: {  	[tilespmem:$0x2460] =	vst v0  }
0x47: {  	[tilespmem:$0x2470] =	vst v0  }
0x48: {  	[tilespmem:$0x2480] =	vst v0  }
0x49: {  	[tilespmem:$0x2490] =	vst v0  }
0x4a: {  	[tilespmem:$0x24A0] =	vst v0  }
0x4b: {  	[tilespmem:$0x24B0] =	vst v0  }
0x4c: {  	[tilespmem:$0x24C0] =	vst v0  }
0x4d: {  	[tilespmem:$0x24D0] =	vst v0  }
0x4e: {  	[tilespmem:$0x24E0] =	vst v0  }
0x4f: {  	[tilespmem:$0x24F0] =	vst v0;
	s18 =	sadd.s32 $0x0, s5  }
0x50: {  	[spmem:s18] =	stream.linear.scatter [tilespmem:s10], [sflag:$0x2], $0x400, $0x38;
	[tilespmem:$0xC500] =	vst v63  }
0x51: {  	s18 =	simm.s32 $0x1000;
	_ =	swait.ge [sflag:s11], $0x400  }
.LBB2_2:
0x52: {  	s19 =	sshra.s32 s18, $0x2;
	[sflag:s11] =	ssyncset.done $0x0;
	p0 =	sne.s32 s18, $0x27000  }
.Ltmp0:
0x53: {  	s19 =	sadd.s32 s19, s5;
	[sflag:s11] =	ssyncadd.s32 $0xFFFFFC00;
	(pc) =	sbr.rel @p0 .LBB2_2-.Ltmp0, $3  }
0x54: {  	[spmem:s19] =	stream.linear.scatter [tilespmem:s10], [sflag:$0x2], $0x400, $0x38;
	[tilespmem:$0xC500] =	vst v63  }
0x55: {  	s18 =	sadd.s32 $0x1000, s18;
	_ =	sdelay $0x1  }
0x56: {  	_ =	swait.ge [sflag:s11], $0x400  }
0x57: {  	[sflag:s11] =	ssyncset.done $0x0  }
0x58: {  	[sflag:s11] =	ssyncadd.s32 $0xFFFFFC00  }
0x59: {  	s18 =	sadd.s32 $0x0, s9;
	[bflag:$0x0] =	sbarrier.arrive $0xFFFF  }
0x5a: {  	[tilespmem:s3], [sflag:$0x2] =	stream.linear.gather [hbm4b:s18+s3], $0x80, $0x38;
	[tilespmem:$0xC500] =	vst v63  }
0x5b: {  	_ =	swait.ge [sflag:s11], $0x80  }
0x5c: {  	[sflag:s11] =	ssyncset.done $0x0  }
0x5d: {  	s31 =	sadd.s32 $0x0, s8;
	[sflag:s11] =	ssyncadd.s32 $0xFFFFFF80  }
0x5e: {  	[tilespmem:s12], [sflag:$0x2] =	stream.linear.gather [hbm4b:s31+s3], $0x80, $0x38;
	[tilespmem:$0xC500] =	vst v63  }
0x5f: {  	_ =	swait.ge [sflag:s11], $0x80  }
0x60: {  	[sflag:s11] =	ssyncset.done $0x0  }
0x61: {  	[sflag:s11] =	ssyncadd.s32 $0xFFFFFF80  }
0x62: {  	[tilespmem:s13], [sflag:$0x1] =	stream.indirect.gather [hbm4b:s4+s12], $0x40, s3, s12, $0xb8;
	[tilespmem:$0xC500] =	vst v63  }
0x63: {  	_ =	swait.ge [sflag:s14], $0x2000  }
0x64: {  	[sflag:s14] =	ssyncset.done $0x0  }
0x65: {  	[sflag:s14] =	ssyncadd.s32 $0xFFFFE000  }
0x66: {  	[spmem:s2] =	stream.indirect.scatter.add.f32 [tilespmem:s13], [sflag:$0x2], $0x40, s12, s12, $0xb8;
	[tilespmem:$0xC500] =	vst v63  }
0x67: {  	_ =	swait.ge [sflag:s11], $0x2000  }
0x68: {  	s19 =	simm.s32 $0x20;
	s18 =	simm.s32 $0x10;
	[sflag:s11] =	ssyncset.done $0x0  }
.LBB2_4:
0x69: {  	s20 =	sadd.s32 s18, s9  }
0x6a: {  	[sflag:s11] =	ssyncadd.s32 $0xFFFFE000;
	s21 =	smov.u32 s19;
	s22 =	sadd.s32 $0x10, s19  }
0x6b: {  	[tilespmem:s3], [sflag:$0x2] =	stream.linear.gather [hbm4b:s20+s3], $0x80, $0x38;
	[tilespmem:$0xC500] =	vst v63  }
0x6c: {  	p0 =	sne.s32 s19, $0x4E0;
	_ =	swait.ge [sflag:s11], $0x80  }
0x6d: {  	[sflag:s11] =	ssyncset.done $0x0  }
0x6e: {  	s19 =	sadd.s32 s18, s8;
	s18 =	smov.u32 s21;
	[sflag:s11] =	ssyncadd.s32 $0xFFFFFF80  }
0x6f: {  	[tilespmem:s12], [sflag:$0x2] =	stream.linear.gather [hbm4b:s19+s3], $0x80, $0x38;
	[tilespmem:$0xC500] =	vst v63  }
0x70: {  	_ =	swait.ge [sflag:s11], $0x80  }
0x71: {  	[sflag:s11] =	ssyncset.done $0x0  }
0x72: {  	[sflag:s11] =	ssyncadd.s32 $0xFFFFFF80  }
0x73: {  	[tilespmem:s13], [sflag:$0x1] =	stream.indirect.gather [hbm4b:s4+s12], $0x40, s3, s12, $0xb8;
	[tilespmem:$0xC500] =	vst v63  }
0x74: {  	_ =	swait.ge [sflag:s14], $0x2000  }
.Ltmp1:
0x75: {  	[sflag:s14] =	ssyncset.done $0x0;
	(pc) =	sbr.rel @p0 .LBB2_4-.Ltmp1, $4  }
0x76: {  	[sflag:s14] =	ssyncadd.s32 $0xFFFFE000  }
0x77: {  	[spmem:s2] =	stream.indirect.scatter.add.f32 [tilespmem:s13], [sflag:$0x2], $0x40, s12, s12, $0xb8;
	[tilespmem:$0xC500] =	vst v63  }
0x78: {  	_ =	swait.ge [sflag:s11], $0x2000  }
0x79: {  	s19 =	smov.u32 s22;
	[sflag:s11] =	ssyncset.done $0x0  }
0x7a: {  	s19 =	sadd.s32 s18, s9;
	[sflag:s11] =	ssyncadd.s32 $0xFFFFE000  }
0x7b: {  	[tilespmem:s3], [sflag:$0x2] =	stream.linear.gather [hbm4b:s19+s3], $0x80, $0x38;
	[tilespmem:$0xC500] =	vst v63  }
0x7c: {  	_ =	swait.ge [sflag:s11], $0x80  }
0x7d: {  	[sflag:s11] =	ssyncset.done $0x0  }
0x7e: {  	s31 =	sadd.s32 s18, s8;
	[sflag:s11] =	ssyncadd.s32 $0xFFFFFF80  }
0x7f: {  	[tilespmem:s12], [sflag:$0x2] =	stream.linear.gather [hbm4b:s31+s3], $0x80, $0x38;
	[tilespmem:$0xC500] =	vst v63  }
0x80: {  	_ =	swait.ge [sflag:s11], $0x80  }
0x81: {  	[sflag:s11] =	ssyncset.done $0x0  }
0x82: {  	[sflag:s11] =	ssyncadd.s32 $0xFFFFFF80  }
0x83: {  	[tilespmem:s13], [sflag:$0x1] =	stream.indirect.gather [hbm4b:s4+s12], $0x40, s3, s12, $0xb8;
	[tilespmem:$0xC500] =	vst v63  }
0x84: {  	_ =	swait.ge [sflag:s14], $0x2000  }
0x85: {  	[sflag:s14] =	ssyncset.done $0x0  }
0x86: {  	[sflag:s14] =	ssyncadd.s32 $0xFFFFE000  }
0x87: {  	[spmem:s2] =	stream.indirect.scatter.add.f32 [tilespmem:s13], [sflag:$0x2], $0x40, s12, s12, $0xb8;
	[tilespmem:$0xC500] =	vst v63  }
0x88: {  	_ =	swait.ge [sflag:s11], $0x2000  }
0x89: {  	s17 =	sadd.s32 $0x1, s17;
	[sflag:s11] =	ssyncset.done $0x0  }
0x8a: {  	p0 =	sne.s32 s17, s7;
	[sflag:s11] =	ssyncadd.s32 $0xFFFFE000  }
.Ltmp2:
0x8b: {  	[bflag:$0x0] =	sbarrier.arrive $0xFFFF;
	(pc) =	sbr.rel @p0 .LBB2_1-.Ltmp2, $4  }
0x8c: {  	[hbm:s6], [sflag:s15] =	dma.local [spmem:s16], $0x1400  }
0x8d: {  	_ =	swait.ge [sflag:s11], $0x1400  }
0x8e: {  	[sflag:s11] =	ssyncset.done $0x0  }
0x8f: {  	[sflag:s11] =	ssyncadd.s32 $0xFFFFEC00  }
0x90: {  	_ =	sfence.sel $0x180000  }
0x91: {  	[bflag:$0x0] =	sbarrier.arrive $0xFFFF  }
0x92: {  	p0 =	sne.s32 s0, $0x0;
	_ =	strace $0x90000047  }
0x93: {  	s0 =	sadd.s32 @!p0 $0x100000, s1;
	[bflag:$0x2] =	sbarrier.arrive $0xFFFF  }
0x94: {  	[sflag:s0] =	ssyncadd.tile.s32 @!p0 $0x1;
	_ =	shalt  }
.Lfunc_end2:
_tile_overlayer_lowered:
.L_overlay_start_2:
0x95: {  	(tag) =	ssettag $0x2  }
0x96: {  	s0 =	rddreg [dreg:$0x0];
	s2 =	stileid.u32  }
0x97: {  	s1 =	rddreg [dreg:$0x1];
	p0 =	sne.s32 s2, $0x0  }
0x98: {  	s3 =	rddreg [dreg:$0x2];
	[bflag:$0x3] =	sbarrier.arrive $0xFFFF;
	s2 =	simm.s32 @!p0 $0x1C02  }
0x99: {  	[timem:s3], [sflag:s2] =	dma.local @!p0 [hbm:s0], s1  }
0x9a: {  	s0 =	simm.s32 @!p0 $0x2  }
0x9b: {  	_ =	swait.ge @!p0 [sflag:s0], s1  }
0x9c: {  	s1 =	ssub.s32 @!p0 $0x0, s1;
	[sflag:s0] =	ssyncset.done @!p0 $0x0  }
0x9d: {  	[sflag:s0] =	ssyncadd.s32 @!p0 s1  }
0x9e: {  	[bflag:$0x3] =	sbarrier.arrive $0xFFFF  }
0x9f: {  	_ =	shalt  }

// kernel: kernel.19.cloned.1.call-start
scs
__scs_entry_jumppad:
0x0: {  	(pc) =	sbr.rel $0x88, $3  }
0x1: {  	(tag) =	ssettag $0x0;
	lr =	simm.s32 $0x1  }
0x2: {  	[smem:$0x3F92] =	sst lr;
	_ =	strace $0xD0000000  }
0x3: {  	_ = 	snop  }
0x4: {  	_ = 	snop  }
0x5: {  	_ = 	snop  }
0x6: {  	_ = 	snop  }
0x7: {  	_ = 	snop  }
__scs_overlays_trampoline_lowered:
0x8: {  	[smem:$0x3FA1] =	sst s0  }
0x9: {  	[smem:$0x3FA2] =	sst s1  }
0xa: {  	[smem:$0x3FA3] =	sst s2  }
0xb: {  	[smem:$0x3FA4] =	sst s3  }
0xc: {  	[smem:$0x3FA5] =	sst s4  }
0xd: {  	[smem:$0x3FA6] =	sst s5  }
0xe: {  	[smem:$0x3FA7] =	sst s6  }
0xf: {  	[smem:$0x3FA8] =	sst s7  }
0x10: {  	[smem:$0x3FA9] =	sst s8  }
0x11: {  	[smem:$0x3FAA] =	sst s9;
	s0 =	simm.s32 @!p0 $0x0  }
0x12: {  	s1 =	sld [smem:$0x3F90];
	s0 =	simm.s32 @p0 $0x1  }
0x13: {  	[smem:$0x3FAB] =	sst s0;
	s0 =	simm.s32 @!p1 $0x0  }
0x14: {  	s2 =	sld [smem:$0x3F8F];
	s0 =	simm.s32 @p1 $0x1  }
0x15: {  	[smem:$0x3FAC] =	sst s0;
	s0 =	simm.s32 @!p2 $0x0  }
0x16: {  	s3 =	sld [smem:$0x3FDB];
	s0 =	simm.s32 @p2 $0x1  }
0x17: {  	s4 =	simm.s32 $0x1BF5;
	[smem:$0x3FAE] =	sst s0  }
0x18: {  	s0 =	sld [smem:$0x3F91];
	_ =	swait.ge [sflag:s4], $0x0  }
0x19: {  	s7 =	sld [smem:$0x3F92]  }
0x1a: {  	s8 =	sadd.s32 $0xFFFFE003, lr  }
0x1b: {  	s9 =	sadd.s32 $0xFFFFFEF7, lr;
	s5 =	simm.s32 $0xFFFFFFFF;
	p2 =	slt.u32 s8, $0xFFFFF086  }
0x1c: {  	p1 =	slt.u32 s9, $0xF7A;
	s5 =	simm.s32 @!p2 $0x0  }
0x1d: {  	s5 =	simm.s32 @p1 $0x1;
	p0 =	seq.s32 s7, s2  }
0x1e: {  	s7 =	smul.u32 @!p0 $0xF7A, s2;
	p2 =	seq.s32 @!p0 s5, $0x0  }
0x1f: {  	s9 =	smul.u32 $0xF7A, s1;
	s8 =	simm.s32 @!p0 $0x1BF5;
	p2 =	por !p2, p0  }
0x20: {  	[sflag:s8] =	ssyncset.s32 @!p0 $0xFFFFF086;
	s6 =	sadd.s32 @!p0 s3, s7;
	s7 =	simm.s32 @!p0 $0x108  }
0x21: {  	s3 =	sadd.s32 s3, s9;
	s6 =	sadd.s32 @!p0 $0x88, s6;
	s7 =	simm.s32 @p2 $0x1082  }
0x22: {  	[simem:s7], [sflag:s8] =	dma.local @!p0 [hbm:s6], $0xF7A  }
0x23: {  	s9 =	sor.u32 $0xD0000000, s2;
	s6 =	simm.s32 $0x108;
	_ =	swait.ge @!p0 [sflag:s8], $0x0  }
0x24: {  	s3 =	sadd.s32 $0x88, s3;
	s6 =	simm.s32 @!p1 $0x1082;
	[sflag:s4] =	ssyncset.s32 $0xFFFFF086  }
0x25: {  	[simem:s6], [sflag:s4] =	dma.local [hbm:s3], $0xF7A  }
0x26: {  	[smem:$0x3F92] =	sst s1;
	(tag) =	ssettag s2;
	_ =	strace s9  }
0x27: {  	s1 =	sld [smem:$0x3FA2]  }
0x28: {  	s2 =	sld [smem:$0x3FA3]  }
0x29: {  	s4 =	sld [smem:$0x3FA5]  }
0x2a: {  	p0 =	seq.s32 s5, $0x0;
	s5 =	sld [smem:$0x3FA6]  }
0x2b: {  	s6 =	sld [smem:$0x3FA7]  }
0x2c: {  	s7 =	sld [smem:$0x3FA8]  }
0x2d: {  	s3 =	simm.s32 $0x108;
	s8 =	sld [smem:$0x3FA9]  }
0x2e: {  	s3 =	simm.s32 @!p0 $0x1082;
	s9 =	sld [smem:$0x3FAA]  }
0x2f: {  	lr =	sadd.s32 s0, s3;
	s0 =	sld [smem:$0x3FA1]  }
0x30: {  	s3 =	sld [smem:$0x3FA4]  }
0x31: {  	[smem:$0x3FAD] =	sst s10  }
0x32: {  	s10 =	sld [smem:$0x3FAB];
	_ =	sdelay $0x3  }
0x33: {  	p0 =	seq.s32 s10, $0x1;
	s10 =	sld [smem:$0x3FAD];
	_ =	sdelay $0x3  }
0x34: {  	[smem:$0x3FAD] =	sst s10  }
0x35: {  	s10 =	sld [smem:$0x3FAC];
	_ =	sdelay $0x3  }
0x36: {  	p1 =	seq.s32 s10, $0x1;
	s10 =	sld [smem:$0x3FAD];
	_ =	sdelay $0x3  }
0x37: {  	[smem:$0x3FAD] =	sst s10  }
0x38: {  	s10 =	sld [smem:$0x3FAE]  }
0x39: {  	_ = 	snop;
	(pc) =	sbr.ind lr, $3  }
0x3a: {  	_ = 	snop  }
0x3b: {  	_ = 	snop  }
0x3c: {  	p2 =	seq.s32 s10, $0x1;
	s10 =	sld [smem:$0x3FAD]  }
0x3d: {  	_ =	shalt  }
0x3e: {  	_ =	shalt  }
0x3f: {  	_ =	shalt  }
0x40: {  	_ =	shalt  }
0x41: {  	_ =	shalt  }
0x42: {  	_ =	shalt  }
0x43: {  	_ =	shalt  }
0x44: {  	_ =	shalt  }
0x45: {  	_ =	shalt  }
0x46: {  	_ =	shalt  }
0x47: {  	_ =	shalt  }
0x48: {  	_ =	shalt  }
0x49: {  	_ =	shalt  }
0x4a: {  	_ =	shalt  }
0x4b: {  	_ =	shalt  }
0x4c: {  	_ =	shalt  }
0x4d: {  	_ =	shalt  }
0x4e: {  	_ =	shalt  }
0x4f: {  	_ =	shalt  }
0x50: {  	_ =	shalt  }
0x51: {  	_ =	shalt  }
0x52: {  	_ =	shalt  }
0x53: {  	_ =	shalt  }
0x54: {  	_ =	shalt  }
0x55: {  	_ =	shalt  }
0x56: {  	_ =	shalt  }
0x57: {  	_ =	shalt  }
0x58: {  	_ =	shalt  }
0x59: {  	_ =	shalt  }
0x5a: {  	_ =	shalt  }
0x5b: {  	_ =	shalt  }
0x5c: {  	_ =	shalt  }
0x5d: {  	_ =	shalt  }
0x5e: {  	_ =	shalt  }
0x5f: {  	_ =	shalt  }
0x60: {  	_ =	shalt  }
0x61: {  	_ =	shalt  }
0x62: {  	_ =	shalt  }
0x63: {  	_ =	shalt  }
0x64: {  	_ =	shalt  }
0x65: {  	_ =	shalt  }
0x66: {  	_ =	shalt  }
0x67: {  	_ =	shalt  }
0x68: {  	_ =	shalt  }
0x69: {  	_ =	shalt  }
0x6a: {  	_ =	shalt  }
0x6b: {  	_ =	shalt  }
0x6c: {  	_ =	shalt  }
0x6d: {  	_ =	shalt  }
0x6e: {  	_ =	shalt  }
0x6f: {  	_ =	shalt  }
0x70: {  	_ =	shalt  }
0x71: {  	_ =	shalt  }
0x72: {  	_ =	shalt  }
0x73: {  	_ =	shalt  }
0x74: {  	_ =	shalt  }
0x75: {  	_ =	shalt  }
0x76: {  	_ =	shalt  }
0x77: {  	_ =	shalt  }
0x78: {  	_ =	shalt  }
0x79: {  	_ =	shalt  }
0x7a: {  	_ =	shalt  }
0x7b: {  	_ =	shalt  }
0x7c: {  	_ =	shalt  }
0x7d: {  	_ =	shalt  }
0x7e: {  	_ =	shalt  }
0x7f: {  	_ =	shalt  }
0x80: {  	_ =	shalt  }
0x81: {  	_ =	shalt  }
0x82: {  	_ =	shalt  }
0x83: {  	_ =	shalt  }
0x84: {  	_ =	shalt  }
0x85: {  	_ =	shalt  }
0x86: {  	_ =	shalt  }
0x87: {  	_ =	shalt  }
.Lfunc_end0:
.L_simem_size_0:
called_computation.1_lowered:
.L_overlay_start_0:
0x88: {  	s2 =	sld [smem:$0x3FD9]  }
0x89: {  	s3 =	sld [smem:$0x3FFE];
	_ =	sdelay $0x1  }
0x8a: {  	s1 =	srdreg.scid  }
0x8b: {  	s0 =	sand.u32 $0x1, s1  }
0x8c: {  	s17 =	sshll.u32 s0, $0xA;
	s2 =	sadd.s32 s3, s2  }
0x8d: {  	s2 =	sadd.s32 s2, s17  }
0x8e: {  	[smem:$0x3FB9] =	sst s2  }
0x8f: {  	_ = 	snop  }
0x90: {  	s2 =	sld [smem:$0x3FD0];
	(tm) =	ssettm $0x1  }
0x91: {  	s18 =	sld [smem:$0x3FFB];
	_ =	sdelay $0x3  }
0x92: {  	_ =	strace s18  }
0x93: {  	s3 =	sld [smem:$0x3FFC];
	_ =	sdelay $0x3  }
0x94: {  	_ =	strace s3  }
0x95: {  	s3 =	sld [smem:$0x3FFD];
	_ =	sdelay $0x3  }
0x96: {  	_ =	strace s3  }
0x97: {  	_ =	strace $0x8FFFFFFF  }
0x98: {  	s19 =	sld [smem:$0x3FDB];
	_ =	sdelay $0x1  }
0x99: {  	s4 =	simm.s32 $_scs_section_size  }
0x9a: {  	s5 =	simm.s32 $_size__tile_overlayer_lowered;
	s6 =	simm.s32 $_tile_overlayer_lowered  }
0x9b: {  	s22 =	simm.s32 $0x1BFF;
	s21 =	sshll.u32 s6, $0x1;
	s3 =	sadd.s32 s4, s19  }
0x9c: {  	s7 =	simm.s32 $0x0;
	s20 =	sshll.u32 s5, $0x1;
	s5 =	sadd.s32 s21, s3  }
0x9d: {  	[timem:s7], [sflag:s22] =	dma.local [hbm:s5], s20  }
0x9e: {  	_ =	swait.ge [sflag:s22], s20  }
0x9f: {  	s4 =	ssub.s32 $0x0, s20;
	[sflag:s22] =	ssyncset.done $0x0  }
0xa0: {  	[sflag:s22] =	ssyncadd.s32 s4;
	_ =	sdelay $0x1  }
0xa1: {  	s23 =	simm.s32 $0x1B8B  }
0xa2: {  	_ =	swait.ge [sflag:s23], $0x1  }
0xa3: {  	[sflag:s23] =	ssyncset.done $0x0  }
0xa4: {  	s25 =	simm.s32 $0x1B8E;
	s24 =	sld [smem:$0x3FFE];
	[sflag:s23] =	ssyncadd.s32 $0xFFFFFFFF  }
0xa5: {  	s26 =	simm.s32 $execute0_lowered;
	[smem:$0x3FD2] =	sst s25  }
0xa6: {  	s5 =	sshll.u32 s26, $0x1;
	_ =	strace $0x80000049;
	[dreg:$0x1] =	wrdreg $0xFFFFFFFF  }
0xa7: {  	s28 =	simm.s32 $_size_execute0_lowered;
	s3 =	sadd.s32 s3, s5;
	[dreg:$0x0] =	wrdreg $0x0  }
0xa8: {  	s5 =	sshll.u32 s28, $0x1;
	[dreg:$0x2] =	wrdreg s3  }
0xa9: {  	[dreg:$0x3] =	wrdreg s5  }
0xaa: {  	[dreg:$0x4] =	wrdreg $0xC0  }
0xab: {  	_ =	task [dreg:s7], $0x5FFFF  }
0xac: {  	[dreg:$0x1] =	wrdreg $0xFFFFFFFF  }
0xad: {  	[dreg:$0x0] =	wrdreg $0x60  }
0xae: {  	[dreg:$0x2] =	wrdreg s24  }
0xaf: {  	[dreg:$0x3] =	wrdreg s2  }
0xb0: {  	[dreg:$0x4] =	wrdreg $0x25000  }
0xb1: {  	[dreg:$0x5] =	wrdreg $0x9  }
0xb2: {  	_ =	task.clear_ibuf [dreg:s7], $0x6FFFF;
	_ =	strace $0x90000049  }
0xb3: {  	s29 =	simm.s32 $0x9;
	_ =	strace $0x8000004B  }
0xb4: {  	_ =	swait.ge [sflag:s29], $0x1  }
0xb5: {  	[sflag:s29] =	ssyncadd.s32 $0xFFFFFFFF  }
0xb6: {  	_ =	strace $0x9000004B  }
0xb7: {  	_ =	sfence  }
0xb8: {  	s30 =	sld [smem:$0x0];
	_ =	sdelay $0x2  }
0xb9: {  	s31 =	sshll.u32 s1, $0xD;
	s1 =	sshrl.u32 s1, $0x2  }
0xba: {  	s3 =	sand.u32 $0x4000, s31;
	s1 =	sadd.s32 s1, s30  }
0xbb: {  	s0 =	sor.u32 s3, s0;
	s1 =	sshll.u32 s1, $0x11  }
0xbc: {  	s0 =	sor.u32 s1, s0  }
0xbd: {  	s0 =	sadd.s32 $0x8F2B, s0  }
0xbe: {  	[sflag:s0] =	ssyncadd.remote.s32 $0x1  }
0xbf: {  	_ =	sfence.sel $0xFFFF  }
0xc0: {  	[dreg:$0x0] =	wrdreg $0xFFFFFFFF;
	(pc) =	sbr.abs _section_cstart, $3  }
0xc1: {  	[dreg:$0x1] =	wrdreg $0xFFFFFFFF  }
0xc2: {  	_ =	task.clear_ibuf [dreg:s7], $0x2FFFF;
	_ =	strace $0x9FFFFFFF  }
0xc3: {  	(tm) =	ssettm $0x7FFFFFFF  }
tec
execute0_lowered:
.L_overlay_start_1:
0x0: {  	(tag) =	ssettag $0x1  }
0x1: {  	s5 =	rddreg [dreg:$0x0]  }
0x2: {  	s1 =	srdreg.scid;
	s0 =	stileid.u32  }
0x3: {  	s9 =	rddreg [dreg:$0x1];
	s4 =	smul.u32 $0x4F00, s0  }
0x4: {  	s2 =	rddreg [dreg:$0x2];
	s3 =	simm.s32 $0x0;
	s10 =	smul.u32 $0xA000, s0  }
0x5: {  	s14 =	simm.s32 $0x1;
	s6 =	sand.u32 $0x1, s1;
	s30 =	smul.u32 $0x28000, s0  }
0x6: {  	s17 =	simm.s32 $0x0;
	s1 =	rddreg [dreg:$0x3];
	s7 =	smul.u32 $0x2780, s6  }
0x7: {  	[smem:$0x7FF] =	sst s3;
	s15 =	sshll.u32 s0, $0x6;
	s8 =	smul.u32 $0xA0000, s6  }
0x8: {  	_ =	strace $0x8000004A;
	s6 =	ssub.s32 $0x2, s6;
	s15 =	sor.u32 $0x1C02, s15  }
0x9: {  	s13 =	sshrl.u32 s6, $0x1;
	s31 =	sshrl.u32 s30, $0x2;
	s16 =	sadd.s32 s10, s2  }
0xa: {  	s7 =	sadd.s32 s7, s4;
	s4 =	sadd.s32 $0xA7200, s5;
	s29 =	sadd.s32 s10, s8  }
0xb: {  	s13 =	ssub.s32 s6, s13;
	s10 =	simm.s32 $0x2100;
	s11 =	sshrl.u32 s7, $0x3  }
0xc: {  	s16 =	sshrl.u32 s16, $0x3;
	s7 =	sshrl.u32 s29, $0x3;
	s12 =	sadd.s32 s11, s5  }
0xd: {  	s7 =	sadd.s32 s7, s5;
	s5 =	sadd.s32 s31, s2;
	s9 =	sadd.s32 s11, s9  }
0xe: {  	s11 =	simm.s32 $0x2;
	s6 =	sadd.s32 $0xAE00, s7;
	s7 =	smax.u32 s13, $0x1  }
0xf: {  	v0 =	vimm.f32 $0.0e+00;
	s8 =	sadd.s32 $0x1000, s12;
	s12 =	simm.s32 $0x80;
	s13 =	simm.s32 $0x100  }
.LBB2_1:
0x10: {  	[tilespmem:$0x2100] =	vst v0  }
0x11: {  	[tilespmem:$0x2110] =	vst v0  }
0x12: {  	[tilespmem:$0x2120] =	vst v0  }
0x13: {  	[tilespmem:$0x2130] =	vst v0  }
0x14: {  	[tilespmem:$0x2140] =	vst v0  }
0x15: {  	[tilespmem:$0x2150] =	vst v0  }
0x16: {  	[tilespmem:$0x2160] =	vst v0  }
0x17: {  	[tilespmem:$0x2170] =	vst v0  }
0x18: {  	[tilespmem:$0x2180] =	vst v0  }
0x19: {  	[tilespmem:$0x2190] =	vst v0  }
0x1a: {  	[tilespmem:$0x21A0] =	vst v0  }
0x1b: {  	[tilespmem:$0x21B0] =	vst v0  }
0x1c: {  	[tilespmem:$0x21C0] =	vst v0  }
0x1d: {  	[tilespmem:$0x21D0] =	vst v0  }
0x1e: {  	[tilespmem:$0x21E0] =	vst v0  }
0x1f: {  	[tilespmem:$0x21F0] =	vst v0  }
0x20: {  	[tilespmem:$0x2200] =	vst v0  }
0x21: {  	[tilespmem:$0x2210] =	vst v0  }
0x22: {  	[tilespmem:$0x2220] =	vst v0  }
0x23: {  	[tilespmem:$0x2230] =	vst v0  }
0x24: {  	[tilespmem:$0x2240] =	vst v0  }
0x25: {  	[tilespmem:$0x2250] =	vst v0  }
0x26: {  	[tilespmem:$0x2260] =	vst v0  }
0x27: {  	[tilespmem:$0x2270] =	vst v0  }
0x28: {  	[tilespmem:$0x2280] =	vst v0  }
0x29: {  	[tilespmem:$0x2290] =	vst v0  }
0x2a: {  	[tilespmem:$0x22A0] =	vst v0  }
0x2b: {  	[tilespmem:$0x22B0] =	vst v0  }
0x2c: {  	[tilespmem:$0x22C0] =	vst v0  }
0x2d: {  	[tilespmem:$0x22D0] =	vst v0  }
0x2e: {  	[tilespmem:$0x22E0] =	vst v0  }
0x2f: {  	[tilespmem:$0x22F0] =	vst v0  }
0x30: {  	[tilespmem:$0x2300] =	vst v0  }
0x31: {  	[tilespmem:$0x2310] =	vst v0  }
0x32: {  	[tilespmem:$0x2320] =	vst v0  }
0x33: {  	[tilespmem:$0x2330] =	vst v0  }
0x34: {  	[tilespmem:$0x2340] =	vst v0  }
0x35: {  	[tilespmem:$0x2350] =	vst v0  }
0x36: {  	[tilespmem:$0x2360] =	vst v0  }
0x37: {  	[tilespmem:$0x2370] =	vst v0  }
0x38: {  	[tilespmem:$0x2380] =	vst v0  }
0x39: {  	[tilespmem:$0x2390] =	vst v0  }
0x3a: {  	[tilespmem:$0x23A0] =	vst v0  }
0x3b: {  	[tilespmem:$0x23B0] =	vst v0  }
0x3c: {  	[tilespmem:$0x23C0] =	vst v0  }
0x3d: {  	[tilespmem:$0x23D0] =	vst v0  }
0x3e: {  	[tilespmem:$0x23E0] =	vst v0  }
0x3f: {  	[tilespmem:$0x23F0] =	vst v0  }
0x40: {  	[tilespmem:$0x2400] =	vst v0  }
0x41: {  	[tilespmem:$0x2410] =	vst v0  }
0x42: {  	[tilespmem:$0x2420] =	vst v0  }
0x43: {  	[tilespmem:$0x2430] =	vst v0  }
0x44: {  	[tilespmem:$0x2440] =	vst v0  }
0x45: {  	[tilespmem:$0x2450] =	vst v0  }
0x46: {  	[tilespmem:$0x2460] =	vst v0  }
0x47: {  	[tilespmem:$0x2470] =	vst v0  }
0x48: {  	[tilespmem:$0x2480] =	vst v0  }
0x49: {  	[tilespmem:$0x2490] =	vst v0  }
0x4a: {  	[tilespmem:$0x24A0] =	vst v0  }
0x4b: {  	[tilespmem:$0x24B0] =	vst v0  }
0x4c: {  	[tilespmem:$0x24C0] =	vst v0  }
0x4d: {  	[tilespmem:$0x24D0] =	vst v0  }
0x4e: {  	[tilespmem:$0x24E0] =	vst v0  }
0x4f: {  	[tilespmem:$0x24F0] =	vst v0;
	s18 =	sadd.s32 $0x0, s5  }
0x50: {  	[spmem:s18] =	stream.linear.scatter [tilespmem:s10], [sflag:$0x2], $0x400, $0x38;
	[tilespmem:$0xC500] =	vst v63  }
0x51: {  	s18 =	simm.s32 $0x1000;
	_ =	swait.ge [sflag:s11], $0x400  }
.LBB2_2:
0x52: {  	s19 =	sshra.s32 s18, $0x2;
	[sflag:s11] =	ssyncset.done $0x0;
	p0 =	sne.s32 s18, $0x27000  }
.Ltmp0:
0x53: {  	s19 =	sadd.s32 s19, s5;
	[sflag:s11] =	ssyncadd.s32 $0xFFFFFC00;
	(pc) =	sbr.rel @p0 .LBB2_2-.Ltmp0, $3  }
0x54: {  	[spmem:s19] =	stream.linear.scatter [tilespmem:s10], [sflag:$0x2], $0x400, $0x38;
	[tilespmem:$0xC500] =	vst v63  }
0x55: {  	s18 =	sadd.s32 $0x1000, s18;
	_ =	sdelay $0x1  }
0x56: {  	_ =	swait.ge [sflag:s11], $0x400  }
0x57: {  	[sflag:s11] =	ssyncset.done $0x0  }
0x58: {  	[sflag:s11] =	ssyncadd.s32 $0xFFFFFC00  }
0x59: {  	s18 =	sadd.s32 $0x0, s9;
	[bflag:$0x0] =	sbarrier.arrive $0xFFFF  }
0x5a: {  	[tilespmem:s3], [sflag:$0x2] =	stream.linear.gather [hbm4b:s18+s3], $0x80, $0x38;
	[tilespmem:$0xC500] =	vst v63  }
0x5b: {  	_ =	swait.ge [sflag:s11], $0x80  }
0x5c: {  	[sflag:s11] =	ssyncset.done $0x0  }
0x5d: {  	s31 =	sadd.s32 $0x0, s8;
	[sflag:s11] =	ssyncadd.s32 $0xFFFFFF80  }
0x5e: {  	[tilespmem:s12], [sflag:$0x2] =	stream.linear.gather [hbm4b:s31+s3], $0x80, $0x38;
	[tilespmem:$0xC500] =	vst v63  }
0x5f: {  	_ =	swait.ge [sflag:s11], $0x80  }
0x60: {  	[sflag:s11] =	ssyncset.done $0x0  }
0x61: {  	[sflag:s11] =	ssyncadd.s32 $0xFFFFFF80  }
0x62: {  	[tilespmem:s13], [sflag:$0x1] =	stream.indirect.gather [hbm4b:s4+s12], $0x40, s3, s12, $0xb8;
	[tilespmem:$0xC500] =	vst v63  }
0x63: {  	_ =	swait.ge [sflag:s14], $0x2000  }
0x64: {  	[sflag:s14] =	ssyncset.done $0x0  }
0x65: {  	[sflag:s14] =	ssyncadd.s32 $0xFFFFE000  }
0x66: {  	[spmem:s2] =	stream.indirect.scatter.add.f32 [tilespmem:s13], [sflag:$0x2], $0x40, s12, s12, $0xb8;
	[tilespmem:$0xC500] =	vst v63  }
0x67: {  	_ =	swait.ge [sflag:s11], $0x2000  }
0x68: {  	s19 =	simm.s32 $0x20;
	s18 =	simm.s32 $0x10;
	[sflag:s11] =	ssyncset.done $0x0  }
.LBB2_4:
0x69: {  	s20 =	sadd.s32 s18, s9  }
0x6a: {  	[sflag:s11] =	ssyncadd.s32 $0xFFFFE000;
	s21 =	smov.u32 s19;
	s22 =	sadd.s32 $0x10, s19  }
0x6b: {  	[tilespmem:s3], [sflag:$0x2] =	stream.linear.gather [hbm4b:s20+s3], $0x80, $0x38;
	[tilespmem:$0xC500] =	vst v63  }
0x6c: {  	p0 =	sne.s32 s19, $0x4E0;
	_ =	swait.ge [sflag:s11], $0x80  }
0x6d: {  	[sflag:s11] =	ssyncset.done $0x0  }
0x6e: {  	s19 =	sadd.s32 s18, s8;
	s18 =	smov.u32 s21;
	[sflag:s11] =	ssyncadd.s32 $0xFFFFFF80  }
0x6f: {  	[tilespmem:s12], [sflag:$0x2] =	stream.linear.gather [hbm4b:s19+s3], $0x80, $0x38;
	[tilespmem:$0xC500] =	vst v63  }
0x70: {  	_ =	swait.ge [sflag:s11], $0x80  }
0x71: {  	[sflag:s11] =	ssyncset.done $0x0  }
0x72: {  	[sflag:s11] =	ssyncadd.s32 $0xFFFFFF80  }
0x73: {  	[tilespmem:s13], [sflag:$0x1] =	stream.indirect.gather [hbm4b:s4+s12], $0x40, s3, s12, $0xb8;
	[tilespmem:$0xC500] =	vst v63  }
0x74: {  	_ =	swait.ge [sflag:s14], $0x2000  }
.Ltmp1:
0x75: {  	[sflag:s14] =	ssyncset.done $0x0;
	(pc) =	sbr.rel @p0 .LBB2_4-.Ltmp1, $4  }
0x76: {  	[sflag:s14] =	ssyncadd.s32 $0xFFFFE000  }
0x77: {  	[spmem:s2] =	stream.indirect.scatter.add.f32 [tilespmem:s13], [sflag:$0x2], $0x40, s12, s12, $0xb8;
	[tilespmem:$0xC500] =	vst v63  }
0x78: {  	_ =	swait.ge [sflag:s11], $0x2000  }
0x79: {  	s19 =	smov.u32 s22;
	[sflag:s11] =	ssyncset.done $0x0  }
0x7a: {  	s19 =	sadd.s32 s18, s9;
	[sflag:s11] =	ssyncadd.s32 $0xFFFFE000  }
0x7b: {  	[tilespmem:s3], [sflag:$0x2] =	stream.linear.gather [hbm4b:s19+s3], $0x80, $0x38;
	[tilespmem:$0xC500] =	vst v63  }
0x7c: {  	_ =	swait.ge [sflag:s11], $0x80  }
0x7d: {  	[sflag:s11] =	ssyncset.done $0x0  }
0x7e: {  	s31 =	sadd.s32 s18, s8;
	[sflag:s11] =	ssyncadd.s32 $0xFFFFFF80  }
0x7f: {  	[tilespmem:s12], [sflag:$0x2] =	stream.linear.gather [hbm4b:s31+s3], $0x80, $0x38;
	[tilespmem:$0xC500] =	vst v63  }
0x80: {  	_ =	swait.ge [sflag:s11], $0x80  }
0x81: {  	[sflag:s11] =	ssyncset.done $0x0  }
0x82: {  	[sflag:s11] =	ssyncadd.s32 $0xFFFFFF80  }
0x83: {  	[tilespmem:s13], [sflag:$0x1] =	stream.indirect.gather [hbm4b:s4+s12], $0x40, s3, s12, $0xb8;
	[tilespmem:$0xC500] =	vst v63  }
0x84: {  	_ =	swait.ge [sflag:s14], $0x2000  }
0x85: {  	[sflag:s14] =	ssyncset.done $0x0  }
0x86: {  	[sflag:s14] =	ssyncadd.s32 $0xFFFFE000  }
0x87: {  	[spmem:s2] =	stream.indirect.scatter.add.f32 [tilespmem:s13], [sflag:$0x2], $0x40, s12, s12, $0xb8;
	[tilespmem:$0xC500] =	vst v63  }
0x88: {  	_ =	swait.ge [sflag:s11], $0x2000  }
0x89: {  	s17 =	sadd.s32 $0x1, s17;
	[sflag:s11] =	ssyncset.done $0x0  }
0x8a: {  	p0 =	sne.s32 s17, s7;
	[sflag:s11] =	ssyncadd.s32 $0xFFFFE000  }
.Ltmp2:
0x8b: {  	[bflag:$0x0] =	sbarrier.arrive $0xFFFF;
	(pc) =	sbr.rel @p0 .LBB2_1-.Ltmp2, $4  }
0x8c: {  	[hbm:s6], [sflag:s15] =	dma.local [spmem:s16], $0x1400  }
0x8d: {  	_ =	swait.ge [sflag:s11], $0x1400  }
0x8e: {  	[sflag:s11] =	ssyncset.done $0x0  }
0x8f: {  	[sflag:s11] =	ssyncadd.s32 $0xFFFFEC00  }
0x90: {  	_ =	sfence.sel $0x180000  }
0x91: {  	[bflag:$0x0] =	sbarrier.arrive $0xFFFF  }
0x92: {  	p0 =	sne.s32 s0, $0x0;
	_ =	strace $0x9000004A  }
0x93: {  	s0 =	sadd.s32 @!p0 $0x100000, s1;
	[bflag:$0x2] =	sbarrier.arrive $0xFFFF  }
0x94: {  	[sflag:s0] =	ssyncadd.tile.s32 @!p0 $0x1;
	_ =	shalt  }
.Lfunc_end2:
_tile_overlayer_lowered:
.L_overlay_start_2:
0x95: {  	(tag) =	ssettag $0x2  }
0x96: {  	s0 =	rddreg [dreg:$0x0];
	s2 =	stileid.u32  }
0x97: {  	s1 =	rddreg [dreg:$0x1];
	p0 =	sne.s32 s2, $0x0  }
0x98: {  	s3 =	rddreg [dreg:$0x2];
	[bflag:$0x3] =	sbarrier.arrive $0xFFFF;
	s2 =	simm.s32 @!p0 $0x1C02  }
0x99: {  	[timem:s3], [sflag:s2] =	dma.local @!p0 [hbm:s0], s1  }
0x9a: {  	s0 =	simm.s32 @!p0 $0x2  }
0x9b: {  	_ =	swait.ge @!p0 [sflag:s0], s1  }
0x9c: {  	s1 =	ssub.s32 @!p0 $0x0, s1;
	[sflag:s0] =	ssyncset.done @!p0 $0x0  }
0x9d: {  	[sflag:s0] =	ssyncadd.s32 @!p0 s1  }
0x9e: {  	[bflag:$0x3] =	sbarrier.arrive $0xFFFF  }
0x9f: {  	_ =	shalt  }

// kernel: kernel.22.cloned.1.call-start
scs
__scs_entry_jumppad:
0x0: {  	(pc) =	sbr.rel $0x88, $3  }
0x1: {  	(tag) =	ssettag $0x0;
	lr =	simm.s32 $0x1  }
0x2: {  	[smem:$0x3F92] =	sst lr;
	_ =	strace $0xD0000000  }
0x3: {  	_ = 	snop  }
0x4: {  	_ = 	snop  }
0x5: {  	_ = 	snop  }
0x6: {  	_ = 	snop  }
0x7: {  	_ = 	snop  }
__scs_overlays_trampoline_lowered:
0x8: {  	[smem:$0x3FA1] =	sst s0  }
0x9: {  	[smem:$0x3FA2] =	sst s1  }
0xa: {  	[smem:$0x3FA3] =	sst s2  }
0xb: {  	[smem:$0x3FA4] =	sst s3  }
0xc: {  	[smem:$0x3FA5] =	sst s4  }
0xd: {  	[smem:$0x3FA6] =	sst s5  }
0xe: {  	[smem:$0x3FA7] =	sst s6  }
0xf: {  	[smem:$0x3FA8] =	sst s7  }
0x10: {  	[smem:$0x3FA9] =	sst s8  }
0x11: {  	[smem:$0x3FAA] =	sst s9;
	s0 =	simm.s32 @!p0 $0x0  }
0x12: {  	s1 =	sld [smem:$0x3F90];
	s0 =	simm.s32 @p0 $0x1  }
0x13: {  	[smem:$0x3FAB] =	sst s0;
	s0 =	simm.s32 @!p1 $0x0  }
0x14: {  	s2 =	sld [smem:$0x3F8F];
	s0 =	simm.s32 @p1 $0x1  }
0x15: {  	[smem:$0x3FAC] =	sst s0;
	s0 =	simm.s32 @!p2 $0x0  }
0x16: {  	s3 =	sld [smem:$0x3FDB];
	s0 =	simm.s32 @p2 $0x1  }
0x17: {  	s4 =	simm.s32 $0x1BF5;
	[smem:$0x3FAE] =	sst s0  }
0x18: {  	s0 =	sld [smem:$0x3F91];
	_ =	swait.ge [sflag:s4], $0x0  }
0x19: {  	s7 =	sld [smem:$0x3F92]  }
0x1a: {  	s8 =	sadd.s32 $0xFFFFE003, lr  }
0x1b: {  	s9 =	sadd.s32 $0xFFFFFEF7, lr;
	s5 =	simm.s32 $0xFFFFFFFF;
	p2 =	slt.u32 s8, $0xFFFFF086  }
0x1c: {  	p1 =	slt.u32 s9, $0xF7A;
	s5 =	simm.s32 @!p2 $0x0  }
0x1d: {  	s5 =	simm.s32 @p1 $0x1;
	p0 =	seq.s32 s7, s2  }
0x1e: {  	s7 =	smul.u32 @!p0 $0xF7A, s2;
	p2 =	seq.s32 @!p0 s5, $0x0  }
0x1f: {  	s9 =	smul.u32 $0xF7A, s1;
	s8 =	simm.s32 @!p0 $0x1BF5;
	p2 =	por !p2, p0  }
0x20: {  	[sflag:s8] =	ssyncset.s32 @!p0 $0xFFFFF086;
	s6 =	sadd.s32 @!p0 s3, s7;
	s7 =	simm.s32 @!p0 $0x108  }
0x21: {  	s3 =	sadd.s32 s3, s9;
	s6 =	sadd.s32 @!p0 $0x88, s6;
	s7 =	simm.s32 @p2 $0x1082  }
0x22: {  	[simem:s7], [sflag:s8] =	dma.local @!p0 [hbm:s6], $0xF7A  }
0x23: {  	s9 =	sor.u32 $0xD0000000, s2;
	s6 =	simm.s32 $0x108;
	_ =	swait.ge @!p0 [sflag:s8], $0x0  }
0x24: {  	s3 =	sadd.s32 $0x88, s3;
	s6 =	simm.s32 @!p1 $0x1082;
	[sflag:s4] =	ssyncset.s32 $0xFFFFF086  }
0x25: {  	[simem:s6], [sflag:s4] =	dma.local [hbm:s3], $0xF7A  }
0x26: {  	[smem:$0x3F92] =	sst s1;
	(tag) =	ssettag s2;
	_ =	strace s9  }
0x27: {  	s1 =	sld [smem:$0x3FA2]  }
0x28: {  	s2 =	sld [smem:$0x3FA3]  }
0x29: {  	s4 =	sld [smem:$0x3FA5]  }
0x2a: {  	p0 =	seq.s32 s5, $0x0;
	s5 =	sld [smem:$0x3FA6]  }
0x2b: {  	s6 =	sld [smem:$0x3FA7]  }
0x2c: {  	s7 =	sld [smem:$0x3FA8]  }
0x2d: {  	s3 =	simm.s32 $0x108;
	s8 =	sld [smem:$0x3FA9]  }
0x2e: {  	s3 =	simm.s32 @!p0 $0x1082;
	s9 =	sld [smem:$0x3FAA]  }
0x2f: {  	lr =	sadd.s32 s0, s3;
	s0 =	sld [smem:$0x3FA1]  }
0x30: {  	s3 =	sld [smem:$0x3FA4]  }
0x31: {  	[smem:$0x3FAD] =	sst s10  }
0x32: {  	s10 =	sld [smem:$0x3FAB];
	_ =	sdelay $0x3  }
0x33: {  	p0 =	seq.s32 s10, $0x1;
	s10 =	sld [smem:$0x3FAD];
	_ =	sdelay $0x3  }
0x34: {  	[smem:$0x3FAD] =	sst s10  }
0x35: {  	s10 =	sld [smem:$0x3FAC];
	_ =	sdelay $0x3  }
0x36: {  	p1 =	seq.s32 s10, $0x1;
	s10 =	sld [smem:$0x3FAD];
	_ =	sdelay $0x3  }
0x37: {  	[smem:$0x3FAD] =	sst s10  }
0x38: {  	s10 =	sld [smem:$0x3FAE]  }
0x39: {  	_ = 	snop;
	(pc) =	sbr.ind lr, $3  }
0x3a: {  	_ = 	snop  }
0x3b: {  	_ = 	snop  }
0x3c: {  	p2 =	seq.s32 s10, $0x1;
	s10 =	sld [smem:$0x3FAD]  }
0x3d: {  	_ =	shalt  }
0x3e: {  	_ =	shalt  }
0x3f: {  	_ =	shalt  }
0x40: {  	_ =	shalt  }
0x41: {  	_ =	shalt  }
0x42: {  	_ =	shalt  }
0x43: {  	_ =	shalt  }
0x44: {  	_ =	shalt  }
0x45: {  	_ =	shalt  }
0x46: {  	_ =	shalt  }
0x47: {  	_ =	shalt  }
0x48: {  	_ =	shalt  }
0x49: {  	_ =	shalt  }
0x4a: {  	_ =	shalt  }
0x4b: {  	_ =	shalt  }
0x4c: {  	_ =	shalt  }
0x4d: {  	_ =	shalt  }
0x4e: {  	_ =	shalt  }
0x4f: {  	_ =	shalt  }
0x50: {  	_ =	shalt  }
0x51: {  	_ =	shalt  }
0x52: {  	_ =	shalt  }
0x53: {  	_ =	shalt  }
0x54: {  	_ =	shalt  }
0x55: {  	_ =	shalt  }
0x56: {  	_ =	shalt  }
0x57: {  	_ =	shalt  }
0x58: {  	_ =	shalt  }
0x59: {  	_ =	shalt  }
0x5a: {  	_ =	shalt  }
0x5b: {  	_ =	shalt  }
0x5c: {  	_ =	shalt  }
0x5d: {  	_ =	shalt  }
0x5e: {  	_ =	shalt  }
0x5f: {  	_ =	shalt  }
0x60: {  	_ =	shalt  }
0x61: {  	_ =	shalt  }
0x62: {  	_ =	shalt  }
0x63: {  	_ =	shalt  }
0x64: {  	_ =	shalt  }
0x65: {  	_ =	shalt  }
0x66: {  	_ =	shalt  }
0x67: {  	_ =	shalt  }
0x68: {  	_ =	shalt  }
0x69: {  	_ =	shalt  }
0x6a: {  	_ =	shalt  }
0x6b: {  	_ =	shalt  }
0x6c: {  	_ =	shalt  }
0x6d: {  	_ =	shalt  }
0x6e: {  	_ =	shalt  }
0x6f: {  	_ =	shalt  }
0x70: {  	_ =	shalt  }
0x71: {  	_ =	shalt  }
0x72: {  	_ =	shalt  }
0x73: {  	_ =	shalt  }
0x74: {  	_ =	shalt  }
0x75: {  	_ =	shalt  }
0x76: {  	_ =	shalt  }
0x77: {  	_ =	shalt  }
0x78: {  	_ =	shalt  }
0x79: {  	_ =	shalt  }
0x7a: {  	_ =	shalt  }
0x7b: {  	_ =	shalt  }
0x7c: {  	_ =	shalt  }
0x7d: {  	_ =	shalt  }
0x7e: {  	_ =	shalt  }
0x7f: {  	_ =	shalt  }
0x80: {  	_ =	shalt  }
0x81: {  	_ =	shalt  }
0x82: {  	_ =	shalt  }
0x83: {  	_ =	shalt  }
0x84: {  	_ =	shalt  }
0x85: {  	_ =	shalt  }
0x86: {  	_ =	shalt  }
0x87: {  	_ =	shalt  }
.Lfunc_end0:
.L_simem_size_0:
called_computation.2_lowered:
.L_overlay_start_0:
0x88: {  	s2 =	sld [smem:$0x3FD9]  }
0x89: {  	s3 =	sld [smem:$0x3FFE];
	_ =	sdelay $0x1  }
0x8a: {  	s1 =	srdreg.scid  }
0x8b: {  	s0 =	sand.u32 $0x1, s1  }
0x8c: {  	s17 =	sshll.u32 s0, $0xA;
	s2 =	sadd.s32 s3, s2  }
0x8d: {  	s2 =	sadd.s32 s2, s17  }
0x8e: {  	[smem:$0x3FB9] =	sst s2  }
0x8f: {  	_ = 	snop  }
0x90: {  	s2 =	sld [smem:$0x3FD0];
	(tm) =	ssettm $0x1  }
0x91: {  	s18 =	sld [smem:$0x3FFB];
	_ =	sdelay $0x3  }
0x92: {  	_ =	strace s18  }
0x93: {  	s3 =	sld [smem:$0x3FFC];
	_ =	sdelay $0x3  }
0x94: {  	_ =	strace s3  }
0x95: {  	s3 =	sld [smem:$0x3FFD];
	_ =	sdelay $0x3  }
0x96: {  	_ =	strace s3  }
0x97: {  	_ =	strace $0x8FFFFFFF  }
0x98: {  	s19 =	sld [smem:$0x3FDB];
	_ =	sdelay $0x1  }
0x99: {  	s4 =	simm.s32 $_scs_section_size  }
0x9a: {  	s5 =	simm.s32 $_size__tile_overlayer_lowered;
	s6 =	simm.s32 $_tile_overlayer_lowered  }
0x9b: {  	s22 =	simm.s32 $0x1BFF;
	s21 =	sshll.u32 s6, $0x1;
	s3 =	sadd.s32 s4, s19  }
0x9c: {  	s7 =	simm.s32 $0x0;
	s20 =	sshll.u32 s5, $0x1;
	s5 =	sadd.s32 s21, s3  }
0x9d: {  	[timem:s7], [sflag:s22] =	dma.local [hbm:s5], s20  }
0x9e: {  	_ =	swait.ge [sflag:s22], s20  }
0x9f: {  	s4 =	ssub.s32 $0x0, s20;
	[sflag:s22] =	ssyncset.done $0x0  }
0xa0: {  	[sflag:s22] =	ssyncadd.s32 s4;
	_ =	sdelay $0x1  }
0xa1: {  	s23 =	simm.s32 $0x1B8B  }
0xa2: {  	_ =	swait.ge [sflag:s23], $0x1  }
0xa3: {  	[sflag:s23] =	ssyncset.done $0x0  }
0xa4: {  	s25 =	simm.s32 $0x1B8E;
	s24 =	sld [smem:$0x3FFE];
	[sflag:s23] =	ssyncadd.s32 $0xFFFFFFFF  }
0xa5: {  	s26 =	simm.s32 $execute0_lowered;
	[smem:$0x3FD2] =	sst s25  }
0xa6: {  	s5 =	sshll.u32 s26, $0x1;
	_ =	strace $0x8000004C;
	[dreg:$0x1] =	wrdreg $0xFFFFFFFF  }
0xa7: {  	s28 =	simm.s32 $_size_execute0_lowered;
	s3 =	sadd.s32 s3, s5;
	[dreg:$0x0] =	wrdreg $0x0  }
0xa8: {  	s5 =	sshll.u32 s28, $0x1;
	[dreg:$0x2] =	wrdreg s3  }
0xa9: {  	[dreg:$0x3] =	wrdreg s5  }
0xaa: {  	[dreg:$0x4] =	wrdreg $0xC0  }
0xab: {  	_ =	task [dreg:s7], $0x5FFFF  }
0xac: {  	[dreg:$0x1] =	wrdreg $0xFFFFFFFF  }
0xad: {  	[dreg:$0x0] =	wrdreg $0x60  }
0xae: {  	[dreg:$0x2] =	wrdreg s24  }
0xaf: {  	[dreg:$0x3] =	wrdreg s2  }
0xb0: {  	[dreg:$0x4] =	wrdreg $0x25000  }
0xb1: {  	[dreg:$0x5] =	wrdreg $0x9  }
0xb2: {  	_ =	task.clear_ibuf [dreg:s7], $0x6FFFF;
	_ =	strace $0x9000004C  }
0xb3: {  	s29 =	simm.s32 $0x9;
	_ =	strace $0x8000004E  }
0xb4: {  	_ =	swait.ge [sflag:s29], $0x1  }
0xb5: {  	[sflag:s29] =	ssyncadd.s32 $0xFFFFFFFF  }
0xb6: {  	_ =	strace $0x9000004E  }
0xb7: {  	_ =	sfence  }
0xb8: {  	s30 =	sld [smem:$0x0];
	_ =	sdelay $0x2  }
0xb9: {  	s31 =	sshll.u32 s1, $0xD;
	s1 =	sshrl.u32 s1, $0x2  }
0xba: {  	s3 =	sand.u32 $0x4000, s31;
	s1 =	sadd.s32 s1, s30  }
0xbb: {  	s0 =	sor.u32 s3, s0;
	s1 =	sshll.u32 s1, $0x11  }
0xbc: {  	s0 =	sor.u32 s1, s0  }
0xbd: {  	s0 =	sadd.s32 $0x8F2B, s0  }
0xbe: {  	[sflag:s0] =	ssyncadd.remote.s32 $0x1  }
0xbf: {  	_ =	sfence.sel $0xFFFF  }
0xc0: {  	[dreg:$0x0] =	wrdreg $0xFFFFFFFF;
	(pc) =	sbr.abs _section_cstart, $3  }
0xc1: {  	[dreg:$0x1] =	wrdreg $0xFFFFFFFF  }
0xc2: {  	_ =	task.clear_ibuf [dreg:s7], $0x2FFFF;
	_ =	strace $0x9FFFFFFF  }
0xc3: {  	(tm) =	ssettm $0x7FFFFFFF  }
tec
execute0_lowered:
.L_overlay_start_1:
0x0: {  	(tag) =	ssettag $0x1  }
0x1: {  	s5 =	rddreg [dreg:$0x0]  }
0x2: {  	s1 =	srdreg.scid;
	s0 =	stileid.u32  }
0x3: {  	s9 =	rddreg [dreg:$0x1];
	s4 =	smul.u32 $0x4F00, s0  }
0x4: {  	s2 =	rddreg [dreg:$0x2];
	s3 =	simm.s32 $0x0;
	s10 =	smul.u32 $0xA000, s0  }
0x5: {  	s14 =	simm.s32 $0x1;
	s6 =	sand.u32 $0x1, s1;
	s30 =	smul.u32 $0x28000, s0  }
0x6: {  	s17 =	simm.s32 $0x0;
	s1 =	rddreg [dreg:$0x3];
	s7 =	smul.u32 $0x2780, s6  }
0x7: {  	[smem:$0x7FF] =	sst s3;
	s15 =	sshll.u32 s0, $0x6;
	s8 =	smul.u32 $0xA0000, s6  }
0x8: {  	_ =	strace $0x8000004D;
	s6 =	ssub.s32 $0x2, s6;
	s15 =	sor.u32 $0x1C02, s15  }
0x9: {  	s13 =	sshrl.u32 s6, $0x1;
	s31 =	sshrl.u32 s30, $0x2;
	s16 =	sadd.s32 s10, s2  }
0xa: {  	s7 =	sadd.s32 s7, s4;
	s4 =	sadd.s32 $0xA7200, s5;
	s29 =	sadd.s32 s10, s8  }
0xb: {  	s13 =	ssub.s32 s6, s13;
	s10 =	simm.s32 $0x2100;
	s11 =	sshrl.u32 s7, $0x3  }
0xc: {  	s16 =	sshrl.u32 s16, $0x3;
	s7 =	sshrl.u32 s29, $0x3;
	s12 =	sadd.s32 s11, s5  }
0xd: {  	s7 =	sadd.s32 s7, s5;
	s5 =	sadd.s32 s31, s2;
	s9 =	sadd.s32 s11, s9  }
0xe: {  	s11 =	simm.s32 $0x2;
	s6 =	sadd.s32 $0xAE00, s7;
	s7 =	smax.u32 s13, $0x1  }
0xf: {  	v0 =	vimm.f32 $0.0e+00;
	s8 =	sadd.s32 $0x1000, s12;
	s12 =	simm.s32 $0x80;
	s13 =	simm.s32 $0x100  }
.LBB2_1:
0x10: {  	[tilespmem:$0x2100] =	vst v0  }
0x11: {  	[tilespmem:$0x2110] =	vst v0  }
0x12: {  	[tilespmem:$0x2120] =	vst v0  }
0x13: {  	[tilespmem:$0x2130] =	vst v0  }
0x14: {  	[tilespmem:$0x2140] =	vst v0  }
0x15: {  	[tilespmem:$0x2150] =	vst v0  }
0x16: {  	[tilespmem:$0x2160] =	vst v0  }
0x17: {  	[tilespmem:$0x2170] =	vst v0  }
0x18: {  	[tilespmem:$0x2180] =	vst v0  }
0x19: {  	[tilespmem:$0x2190] =	vst v0  }
0x1a: {  	[tilespmem:$0x21A0] =	vst v0  }
0x1b: {  	[tilespmem:$0x21B0] =	vst v0  }
0x1c: {  	[tilespmem:$0x21C0] =	vst v0  }
0x1d: {  	[tilespmem:$0x21D0] =	vst v0  }
0x1e: {  	[tilespmem:$0x21E0] =	vst v0  }
0x1f: {  	[tilespmem:$0x21F0] =	vst v0  }
0x20: {  	[tilespmem:$0x2200] =	vst v0  }
0x21: {  	[tilespmem:$0x2210] =	vst v0  }
0x22: {  	[tilespmem:$0x2220] =	vst v0  }
0x23: {  	[tilespmem:$0x2230] =	vst v0  }
0x24: {  	[tilespmem:$0x2240] =	vst v0  }
0x25: {  	[tilespmem:$0x2250] =	vst v0  }
0x26: {  	[tilespmem:$0x2260] =	vst v0  }
0x27: {  	[tilespmem:$0x2270] =	vst v0  }
0x28: {  	[tilespmem:$0x2280] =	vst v0  }
0x29: {  	[tilespmem:$0x2290] =	vst v0  }
0x2a: {  	[tilespmem:$0x22A0] =	vst v0  }
0x2b: {  	[tilespmem:$0x22B0] =	vst v0  }
0x2c: {  	[tilespmem:$0x22C0] =	vst v0  }
0x2d: {  	[tilespmem:$0x22D0] =	vst v0  }
0x2e: {  	[tilespmem:$0x22E0] =	vst v0  }
0x2f: {  	[tilespmem:$0x22F0] =	vst v0  }
0x30: {  	[tilespmem:$0x2300] =	vst v0  }
0x31: {  	[tilespmem:$0x2310] =	vst v0  }
0x32: {  	[tilespmem:$0x2320] =	vst v0  }
0x33: {  	[tilespmem:$0x2330] =	vst v0  }
0x34: {  	[tilespmem:$0x2340] =	vst v0  }
0x35: {  	[tilespmem:$0x2350] =	vst v0  }
0x36: {  	[tilespmem:$0x2360] =	vst v0  }
0x37: {  	[tilespmem:$0x2370] =	vst v0  }
0x38: {  	[tilespmem:$0x2380] =	vst v0  }
0x39: {  	[tilespmem:$0x2390] =	vst v0  }
0x3a: {  	[tilespmem:$0x23A0] =	vst v0  }
0x3b: {  	[tilespmem:$0x23B0] =	vst v0  }
0x3c: {  	[tilespmem:$0x23C0] =	vst v0  }
0x3d: {  	[tilespmem:$0x23D0] =	vst v0  }
0x3e: {  	[tilespmem:$0x23E0] =	vst v0  }
0x3f: {  	[tilespmem:$0x23F0] =	vst v0  }
0x40: {  	[tilespmem:$0x2400] =	vst v0  }
0x41: {  	[tilespmem:$0x2410] =	vst v0  }
0x42: {  	[tilespmem:$0x2420] =	vst v0  }
0x43: {  	[tilespmem:$0x2430] =	vst v0  }
0x44: {  	[tilespmem:$0x2440] =	vst v0  }
0x45: {  	[tilespmem:$0x2450] =	vst v0  }
0x46: {  	[tilespmem:$0x2460] =	vst v0  }
0x47: {  	[tilespmem:$0x2470] =	vst v0  }
0x48: {  	[tilespmem:$0x2480] =	vst v0  }
0x49: {  	[tilespmem:$0x2490] =	vst v0  }
0x4a: {  	[tilespmem:$0x24A0] =	vst v0  }
0x4b: {  	[tilespmem:$0x24B0] =	vst v0  }
0x4c: {  	[tilespmem:$0x24C0] =	vst v0  }
0x4d: {  	[tilespmem:$0x24D0] =	vst v0  }
0x4e: {  	[tilespmem:$0x24E0] =	vst v0  }
0x4f: {  	[tilespmem:$0x24F0] =	vst v0;
	s18 =	sadd.s32 $0x0, s5  }
0x50: {  	[spmem:s18] =	stream.linear.scatter [tilespmem:s10], [sflag:$0x2], $0x400, $0x38;
	[tilespmem:$0xC500] =	vst v63  }
0x51: {  	s18 =	simm.s32 $0x1000;
	_ =	swait.ge [sflag:s11], $0x400  }
.LBB2_2:
0x52: {  	s19 =	sshra.s32 s18, $0x2;
	[sflag:s11] =	ssyncset.done $0x0;
	p0 =	sne.s32 s18, $0x27000  }
.Ltmp0:
0x53: {  	s19 =	sadd.s32 s19, s5;
	[sflag:s11] =	ssyncadd.s32 $0xFFFFFC00;
	(pc) =	sbr.rel @p0 .LBB2_2-.Ltmp0, $3  }
0x54: {  	[spmem:s19] =	stream.linear.scatter [tilespmem:s10], [sflag:$0x2], $0x400, $0x38;
	[tilespmem:$0xC500] =	vst v63  }
0x55: {  	s18 =	sadd.s32 $0x1000, s18;
	_ =	sdelay $0x1  }
0x56: {  	_ =	swait.ge [sflag:s11], $0x400  }
0x57: {  	[sflag:s11] =	ssyncset.done $0x0  }
0x58: {  	[sflag:s11] =	ssyncadd.s32 $0xFFFFFC00  }
0x59: {  	s18 =	sadd.s32 $0x0, s9;
	[bflag:$0x0] =	sbarrier.arrive $0xFFFF  }
0x5a: {  	[tilespmem:s3], [sflag:$0x2] =	stream.linear.gather [hbm4b:s18+s3], $0x80, $0x38;
	[tilespmem:$0xC500] =	vst v63  }
0x5b: {  	_ =	swait.ge [sflag:s11], $0x80  }
0x5c: {  	[sflag:s11] =	ssyncset.done $0x0  }
0x5d: {  	s31 =	sadd.s32 $0x0, s8;
	[sflag:s11] =	ssyncadd.s32 $0xFFFFFF80  }
0x5e: {  	[tilespmem:s12], [sflag:$0x2] =	stream.linear.gather [hbm4b:s31+s3], $0x80, $0x38;
	[tilespmem:$0xC500] =	vst v63  }
0x5f: {  	_ =	swait.ge [sflag:s11], $0x80  }
0x60: {  	[sflag:s11] =	ssyncset.done $0x0  }
0x61: {  	[sflag:s11] =	ssyncadd.s32 $0xFFFFFF80  }
0x62: {  	[tilespmem:s13], [sflag:$0x1] =	stream.indirect.gather [hbm4b:s4+s12], $0x40, s3, s12, $0xb8;
	[tilespmem:$0xC500] =	vst v63  }
0x63: {  	_ =	swait.ge [sflag:s14], $0x2000  }
0x64: {  	[sflag:s14] =	ssyncset.done $0x0  }
0x65: {  	[sflag:s14] =	ssyncadd.s32 $0xFFFFE000  }
0x66: {  	[spmem:s2] =	stream.indirect.scatter.add.f32 [tilespmem:s13], [sflag:$0x2], $0x40, s12, s12, $0xb8;
	[tilespmem:$0xC500] =	vst v63  }
0x67: {  	_ =	swait.ge [sflag:s11], $0x2000  }
0x68: {  	s19 =	simm.s32 $0x20;
	s18 =	simm.s32 $0x10;
	[sflag:s11] =	ssyncset.done $0x0  }
.LBB2_4:
0x69: {  	s20 =	sadd.s32 s18, s9  }
0x6a: {  	[sflag:s11] =	ssyncadd.s32 $0xFFFFE000;
	s21 =	smov.u32 s19;
	s22 =	sadd.s32 $0x10, s19  }
0x6b: {  	[tilespmem:s3], [sflag:$0x2] =	stream.linear.gather [hbm4b:s20+s3], $0x80, $0x38;
	[tilespmem:$0xC500] =	vst v63  }
0x6c: {  	p0 =	sne.s32 s19, $0x4E0;
	_ =	swait.ge [sflag:s11], $0x80  }
0x6d: {  	[sflag:s11] =	ssyncset.done $0x0  }
0x6e: {  	s19 =	sadd.s32 s18, s8;
	s18 =	smov.u32 s21;
	[sflag:s11] =	ssyncadd.s32 $0xFFFFFF80  }
0x6f: {  	[tilespmem:s12], [sflag:$0x2] =	stream.linear.gather [hbm4b:s19+s3], $0x80, $0x38;
	[tilespmem:$0xC500] =	vst v63  }
0x70: {  	_ =	swait.ge [sflag:s11], $0x80  }
0x71: {  	[sflag:s11] =	ssyncset.done $0x0  }
0x72: {  	[sflag:s11] =	ssyncadd.s32 $0xFFFFFF80  }
0x73: {  	[tilespmem:s13], [sflag:$0x1] =	stream.indirect.gather [hbm4b:s4+s12], $0x40, s3, s12, $0xb8;
	[tilespmem:$0xC500] =	vst v63  }
0x74: {  	_ =	swait.ge [sflag:s14], $0x2000  }
.Ltmp1:
0x75: {  	[sflag:s14] =	ssyncset.done $0x0;
	(pc) =	sbr.rel @p0 .LBB2_4-.Ltmp1, $4  }
0x76: {  	[sflag:s14] =	ssyncadd.s32 $0xFFFFE000  }
0x77: {  	[spmem:s2] =	stream.indirect.scatter.add.f32 [tilespmem:s13], [sflag:$0x2], $0x40, s12, s12, $0xb8;
	[tilespmem:$0xC500] =	vst v63  }
0x78: {  	_ =	swait.ge [sflag:s11], $0x2000  }
0x79: {  	s19 =	smov.u32 s22;
	[sflag:s11] =	ssyncset.done $0x0  }
0x7a: {  	s19 =	sadd.s32 s18, s9;
	[sflag:s11] =	ssyncadd.s32 $0xFFFFE000  }
0x7b: {  	[tilespmem:s3], [sflag:$0x2] =	stream.linear.gather [hbm4b:s19+s3], $0x80, $0x38;
	[tilespmem:$0xC500] =	vst v63  }
0x7c: {  	_ =	swait.ge [sflag:s11], $0x80  }
0x7d: {  	[sflag:s11] =	ssyncset.done $0x0  }
0x7e: {  	s31 =	sadd.s32 s18, s8;
	[sflag:s11] =	ssyncadd.s32 $0xFFFFFF80  }
0x7f: {  	[tilespmem:s12], [sflag:$0x2] =	stream.linear.gather [hbm4b:s31+s3], $0x80, $0x38;
	[tilespmem:$0xC500] =	vst v63  }
0x80: {  	_ =	swait.ge [sflag:s11], $0x80  }
0x81: {  	[sflag:s11] =	ssyncset.done $0x0  }
0x82: {  	[sflag:s11] =	ssyncadd.s32 $0xFFFFFF80  }
0x83: {  	[tilespmem:s13], [sflag:$0x1] =	stream.indirect.gather [hbm4b:s4+s12], $0x40, s3, s12, $0xb8;
	[tilespmem:$0xC500] =	vst v63  }
0x84: {  	_ =	swait.ge [sflag:s14], $0x2000  }
0x85: {  	[sflag:s14] =	ssyncset.done $0x0  }
0x86: {  	[sflag:s14] =	ssyncadd.s32 $0xFFFFE000  }
0x87: {  	[spmem:s2] =	stream.indirect.scatter.add.f32 [tilespmem:s13], [sflag:$0x2], $0x40, s12, s12, $0xb8;
	[tilespmem:$0xC500] =	vst v63  }
0x88: {  	_ =	swait.ge [sflag:s11], $0x2000  }
0x89: {  	s17 =	sadd.s32 $0x1, s17;
	[sflag:s11] =	ssyncset.done $0x0  }
0x8a: {  	p0 =	sne.s32 s17, s7;
	[sflag:s11] =	ssyncadd.s32 $0xFFFFE000  }
.Ltmp2:
0x8b: {  	[bflag:$0x0] =	sbarrier.arrive $0xFFFF;
	(pc) =	sbr.rel @p0 .LBB2_1-.Ltmp2, $4  }
0x8c: {  	[hbm:s6], [sflag:s15] =	dma.local [spmem:s16], $0x1400  }
0x8d: {  	_ =	swait.ge [sflag:s11], $0x1400  }
0x8e: {  	[sflag:s11] =	ssyncset.done $0x0  }
0x8f: {  	[sflag:s11] =	ssyncadd.s32 $0xFFFFEC00  }
0x90: {  	_ =	sfence.sel $0x180000  }
0x91: {  	[bflag:$0x0] =	sbarrier.arrive $0xFFFF  }
0x92: {  	p0 =	sne.s32 s0, $0x0;
	_ =	strace $0x9000004D  }
0x93: {  	s0 =	sadd.s32 @!p0 $0x100000, s1;
	[bflag:$0x2] =	sbarrier.arrive $0xFFFF  }
0x94: {  	[sflag:s0] =	ssyncadd.tile.s32 @!p0 $0x1;
	_ =	shalt  }
.Lfunc_end2:
_tile_overlayer_lowered:
.L_overlay_start_2:
0x95: {  	(tag) =	ssettag $0x2  }
0x96: {  	s0 =	rddreg [dreg:$0x0];
	s2 =	stileid.u32  }
0x97: {  	s1 =	rddreg [dreg:$0x1];
	p0 =	sne.s32 s2, $0x0  }
0x98: {  	s3 =	rddreg [dreg:$0x2];
	[bflag:$0x3] =	sbarrier.arrive $0xFFFF;
	s2 =	simm.s32 @!p0 $0x1C02  }
0x99: {  	[timem:s3], [sflag:s2] =	dma.local @!p0 [hbm:s0], s1  }
0x9a: {  	s0 =	simm.s32 @!p0 $0x2  }
0x9b: {  	_ =	swait.ge @!p0 [sflag:s0], s1  }
0x9c: {  	s1 =	ssub.s32 @!p0 $0x0, s1;
	[sflag:s0] =	ssyncset.done @!p0 $0x0  }
0x9d: {  	[sflag:s0] =	ssyncadd.s32 @!p0 s1  }
0x9e: {  	[bflag:$0x3] =	sbarrier.arrive $0xFFFF  }
0x9f: {  	_ =	shalt  }

// kernel: kernel.25.cloned.1.call-start
scs
__scs_entry_jumppad:
0x0: {  	(pc) =	sbr.rel $0x88, $3  }
0x1: {  	(tag) =	ssettag $0x0;
	lr =	simm.s32 $0x1  }
0x2: {  	[smem:$0x3F92] =	sst lr;
	_ =	strace $0xD0000000  }
0x3: {  	_ = 	snop  }
0x4: {  	_ = 	snop  }
0x5: {  	_ = 	snop  }
0x6: {  	_ = 	snop  }
0x7: {  	_ = 	snop  }
__scs_overlays_trampoline_lowered:
0x8: {  	[smem:$0x3FA1] =	sst s0  }
0x9: {  	[smem:$0x3FA2] =	sst s1  }
0xa: {  	[smem:$0x3FA3] =	sst s2  }
0xb: {  	[smem:$0x3FA4] =	sst s3  }
0xc: {  	[smem:$0x3FA5] =	sst s4  }
0xd: {  	[smem:$0x3FA6] =	sst s5  }
0xe: {  	[smem:$0x3FA7] =	sst s6  }
0xf: {  	[smem:$0x3FA8] =	sst s7  }
0x10: {  	[smem:$0x3FA9] =	sst s8  }
0x11: {  	[smem:$0x3FAA] =	sst s9;
	s0 =	simm.s32 @!p0 $0x0  }
0x12: {  	s1 =	sld [smem:$0x3F90];
	s0 =	simm.s32 @p0 $0x1  }
0x13: {  	[smem:$0x3FAB] =	sst s0;
	s0 =	simm.s32 @!p1 $0x0  }
0x14: {  	s2 =	sld [smem:$0x3F8F];
	s0 =	simm.s32 @p1 $0x1  }
0x15: {  	[smem:$0x3FAC] =	sst s0;
	s0 =	simm.s32 @!p2 $0x0  }
0x16: {  	s3 =	sld [smem:$0x3FDB];
	s0 =	simm.s32 @p2 $0x1  }
0x17: {  	s4 =	simm.s32 $0x1BF5;
	[smem:$0x3FAE] =	sst s0  }
0x18: {  	s0 =	sld [smem:$0x3F91];
	_ =	swait.ge [sflag:s4], $0x0  }
0x19: {  	s7 =	sld [smem:$0x3F92]  }
0x1a: {  	s8 =	sadd.s32 $0xFFFFE003, lr  }
0x1b: {  	s9 =	sadd.s32 $0xFFFFFEF7, lr;
	s5 =	simm.s32 $0xFFFFFFFF;
	p2 =	slt.u32 s8, $0xFFFFF086  }
0x1c: {  	p1 =	slt.u32 s9, $0xF7A;
	s5 =	simm.s32 @!p2 $0x0  }
0x1d: {  	s5 =	simm.s32 @p1 $0x1;
	p0 =	seq.s32 s7, s2  }
0x1e: {  	s7 =	smul.u32 @!p0 $0xF7A, s2;
	p2 =	seq.s32 @!p0 s5, $0x0  }
0x1f: {  	s9 =	smul.u32 $0xF7A, s1;
	s8 =	simm.s32 @!p0 $0x1BF5;
	p2 =	por !p2, p0  }
0x20: {  	[sflag:s8] =	ssyncset.s32 @!p0 $0xFFFFF086;
	s6 =	sadd.s32 @!p0 s3, s7;
	s7 =	simm.s32 @!p0 $0x108  }
0x21: {  	s3 =	sadd.s32 s3, s9;
	s6 =	sadd.s32 @!p0 $0x88, s6;
	s7 =	simm.s32 @p2 $0x1082  }
0x22: {  	[simem:s7], [sflag:s8] =	dma.local @!p0 [hbm:s6], $0xF7A  }
0x23: {  	s9 =	sor.u32 $0xD0000000, s2;
	s6 =	simm.s32 $0x108;
	_ =	swait.ge @!p0 [sflag:s8], $0x0  }
0x24: {  	s3 =	sadd.s32 $0x88, s3;
	s6 =	simm.s32 @!p1 $0x1082;
	[sflag:s4] =	ssyncset.s32 $0xFFFFF086  }
0x25: {  	[simem:s6], [sflag:s4] =	dma.local [hbm:s3], $0xF7A  }
0x26: {  	[smem:$0x3F92] =	sst s1;
	(tag) =	ssettag s2;
	_ =	strace s9  }
0x27: {  	s1 =	sld [smem:$0x3FA2]  }
0x28: {  	s2 =	sld [smem:$0x3FA3]  }
0x29: {  	s4 =	sld [smem:$0x3FA5]  }
0x2a: {  	p0 =	seq.s32 s5, $0x0;
	s5 =	sld [smem:$0x3FA6]  }
0x2b: {  	s6 =	sld [smem:$0x3FA7]  }
0x2c: {  	s7 =	sld [smem:$0x3FA8]  }
0x2d: {  	s3 =	simm.s32 $0x108;
	s8 =	sld [smem:$0x3FA9]  }
0x2e: {  	s3 =	simm.s32 @!p0 $0x1082;
	s9 =	sld [smem:$0x3FAA]  }
0x2f: {  	lr =	sadd.s32 s0, s3;
	s0 =	sld [smem:$0x3FA1]  }
0x30: {  	s3 =	sld [smem:$0x3FA4]  }
0x31: {  	[smem:$0x3FAD] =	sst s10  }
0x32: {  	s10 =	sld [smem:$0x3FAB];
	_ =	sdelay $0x3  }
0x33: {  	p0 =	seq.s32 s10, $0x1;
	s10 =	sld [smem:$0x3FAD];
	_ =	sdelay $0x3  }
0x34: {  	[smem:$0x3FAD] =	sst s10  }
0x35: {  	s10 =	sld [smem:$0x3FAC];
	_ =	sdelay $0x3  }
0x36: {  	p1 =	seq.s32 s10, $0x1;
	s10 =	sld [smem:$0x3FAD];
	_ =	sdelay $0x3  }
0x37: {  	[smem:$0x3FAD] =	sst s10  }
0x38: {  	s10 =	sld [smem:$0x3FAE]  }
0x39: {  	_ = 	snop;
	(pc) =	sbr.ind lr, $3  }
0x3a: {  	_ = 	snop  }
0x3b: {  	_ = 	snop  }
0x3c: {  	p2 =	seq.s32 s10, $0x1;
	s10 =	sld [smem:$0x3FAD]  }
0x3d: {  	_ =	shalt  }
0x3e: {  	_ =	shalt  }
0x3f: {  	_ =	shalt  }
0x40: {  	_ =	shalt  }
0x41: {  	_ =	shalt  }
0x42: {  	_ =	shalt  }
0x43: {  	_ =	shalt  }
0x44: {  	_ =	shalt  }
0x45: {  	_ =	shalt  }
0x46: {  	_ =	shalt  }
0x47: {  	_ =	shalt  }
0x48: {  	_ =	shalt  }
0x49: {  	_ =	shalt  }
0x4a: {  	_ =	shalt  }
0x4b: {  	_ =	shalt  }
0x4c: {  	_ =	shalt  }
0x4d: {  	_ =	shalt  }
0x4e: {  	_ =	shalt  }
0x4f: {  	_ =	shalt  }
0x50: {  	_ =	shalt  }
0x51: {  	_ =	shalt  }
0x52: {  	_ =	shalt  }
0x53: {  	_ =	shalt  }
0x54: {  	_ =	shalt  }
0x55: {  	_ =	shalt  }
0x56: {  	_ =	shalt  }
0x57: {  	_ =	shalt  }
0x58: {  	_ =	shalt  }
0x59: {  	_ =	shalt  }
0x5a: {  	_ =	shalt  }
0x5b: {  	_ =	shalt  }
0x5c: {  	_ =	shalt  }
0x5d: {  	_ =	shalt  }
0x5e: {  	_ =	shalt  }
0x5f: {  	_ =	shalt  }
0x60: {  	_ =	shalt  }
0x61: {  	_ =	shalt  }
0x62: {  	_ =	shalt  }
0x63: {  	_ =	shalt  }
0x64: {  	_ =	shalt  }
0x65: {  	_ =	shalt  }
0x66: {  	_ =	shalt  }
0x67: {  	_ =	shalt  }
0x68: {  	_ =	shalt  }
0x69: {  	_ =	shalt  }
0x6a: {  	_ =	shalt  }
0x6b: {  	_ =	shalt  }
0x6c: {  	_ =	shalt  }
0x6d: {  	_ =	shalt  }
0x6e: {  	_ =	shalt  }
0x6f: {  	_ =	shalt  }
0x70: {  	_ =	shalt  }
0x71: {  	_ =	shalt  }
0x72: {  	_ =	shalt  }
0x73: {  	_ =	shalt  }
0x74: {  	_ =	shalt  }
0x75: {  	_ =	shalt  }
0x76: {  	_ =	shalt  }
0x77: {  	_ =	shalt  }
0x78: {  	_ =	shalt  }
0x79: {  	_ =	shalt  }
0x7a: {  	_ =	shalt  }
0x7b: {  	_ =	shalt  }
0x7c: {  	_ =	shalt  }
0x7d: {  	_ =	shalt  }
0x7e: {  	_ =	shalt  }
0x7f: {  	_ =	shalt  }
0x80: {  	_ =	shalt  }
0x81: {  	_ =	shalt  }
0x82: {  	_ =	shalt  }
0x83: {  	_ =	shalt  }
0x84: {  	_ =	shalt  }
0x85: {  	_ =	shalt  }
0x86: {  	_ =	shalt  }
0x87: {  	_ =	shalt  }
.Lfunc_end0:
.L_simem_size_0:
called_computation.3_lowered:
.L_overlay_start_0:
0x88: {  	s2 =	sld [smem:$0x3FD9]  }
0x89: {  	s3 =	sld [smem:$0x3FFE];
	_ =	sdelay $0x1  }
0x8a: {  	s1 =	srdreg.scid  }
0x8b: {  	s0 =	sand.u32 $0x1, s1  }
0x8c: {  	s17 =	sshll.u32 s0, $0xA;
	s2 =	sadd.s32 s3, s2  }
0x8d: {  	s2 =	sadd.s32 s2, s17  }
0x8e: {  	[smem:$0x3FB9] =	sst s2  }
0x8f: {  	_ = 	snop  }
0x90: {  	s2 =	sld [smem:$0x3FD0];
	(tm) =	ssettm $0x1  }
0x91: {  	s18 =	sld [smem:$0x3FFB];
	_ =	sdelay $0x3  }
0x92: {  	_ =	strace s18  }
0x93: {  	s3 =	sld [smem:$0x3FFC];
	_ =	sdelay $0x3  }
0x94: {  	_ =	strace s3  }
0x95: {  	s3 =	sld [smem:$0x3FFD];
	_ =	sdelay $0x3  }
0x96: {  	_ =	strace s3  }
0x97: {  	_ =	strace $0x8FFFFFFF  }
0x98: {  	s19 =	sld [smem:$0x3FDB];
	_ =	sdelay $0x1  }
0x99: {  	s4 =	simm.s32 $_scs_section_size  }
0x9a: {  	s5 =	simm.s32 $_size__tile_overlayer_lowered;
	s6 =	simm.s32 $_tile_overlayer_lowered  }
0x9b: {  	s22 =	simm.s32 $0x1BFF;
	s21 =	sshll.u32 s6, $0x1;
	s3 =	sadd.s32 s4, s19  }
0x9c: {  	s7 =	simm.s32 $0x0;
	s20 =	sshll.u32 s5, $0x1;
	s5 =	sadd.s32 s21, s3  }
0x9d: {  	[timem:s7], [sflag:s22] =	dma.local [hbm:s5], s20  }
0x9e: {  	_ =	swait.ge [sflag:s22], s20  }
0x9f: {  	s4 =	ssub.s32 $0x0, s20;
	[sflag:s22] =	ssyncset.done $0x0  }
0xa0: {  	[sflag:s22] =	ssyncadd.s32 s4;
	_ =	sdelay $0x1  }
0xa1: {  	s23 =	simm.s32 $0x1B8B  }
0xa2: {  	_ =	swait.ge [sflag:s23], $0x1  }
0xa3: {  	[sflag:s23] =	ssyncset.done $0x0  }
0xa4: {  	s25 =	simm.s32 $0x1B8E;
	s24 =	sld [smem:$0x3FFE];
	[sflag:s23] =	ssyncadd.s32 $0xFFFFFFFF  }
0xa5: {  	s26 =	simm.s32 $execute0_lowered;
	[smem:$0x3FD2] =	sst s25  }
0xa6: {  	s5 =	sshll.u32 s26, $0x1;
	_ =	strace $0x8000004F;
	[dreg:$0x1] =	wrdreg $0xFFFFFFFF  }
0xa7: {  	s28 =	simm.s32 $_size_execute0_lowered;
	s3 =	sadd.s32 s3, s5;
	[dreg:$0x0] =	wrdreg $0x0  }
0xa8: {  	s5 =	sshll.u32 s28, $0x1;
	[dreg:$0x2] =	wrdreg s3  }
0xa9: {  	[dreg:$0x3] =	wrdreg s5  }
0xaa: {  	[dreg:$0x4] =	wrdreg $0xC0  }
0xab: {  	_ =	task [dreg:s7], $0x5FFFF  }
0xac: {  	[dreg:$0x1] =	wrdreg $0xFFFFFFFF  }
0xad: {  	[dreg:$0x0] =	wrdreg $0x60  }
0xae: {  	[dreg:$0x2] =	wrdreg s24  }
0xaf: {  	[dreg:$0x3] =	wrdreg s2  }
0xb0: {  	[dreg:$0x4] =	wrdreg $0x25000  }
0xb1: {  	[dreg:$0x5] =	wrdreg $0x9  }
0xb2: {  	_ =	task.clear_ibuf [dreg:s7], $0x6FFFF;
	_ =	strace $0x9000004F  }
0xb3: {  	s29 =	simm.s32 $0x9;
	_ =	strace $0x80000051  }
0xb4: {  	_ =	swait.ge [sflag:s29], $0x1  }
0xb5: {  	[sflag:s29] =	ssyncadd.s32 $0xFFFFFFFF  }
0xb6: {  	_ =	strace $0x90000051  }
0xb7: {  	_ =	sfence  }
0xb8: {  	s30 =	sld [smem:$0x0];
	_ =	sdelay $0x2  }
0xb9: {  	s31 =	sshll.u32 s1, $0xD;
	s1 =	sshrl.u32 s1, $0x2  }
0xba: {  	s3 =	sand.u32 $0x4000, s31;
	s1 =	sadd.s32 s1, s30  }
0xbb: {  	s0 =	sor.u32 s3, s0;
	s1 =	sshll.u32 s1, $0x11  }
0xbc: {  	s0 =	sor.u32 s1, s0  }
0xbd: {  	s0 =	sadd.s32 $0x8F2B, s0  }
0xbe: {  	[sflag:s0] =	ssyncadd.remote.s32 $0x1  }
0xbf: {  	_ =	sfence.sel $0xFFFF  }
0xc0: {  	[dreg:$0x0] =	wrdreg $0xFFFFFFFF;
	(pc) =	sbr.abs _section_cstart, $3  }
0xc1: {  	[dreg:$0x1] =	wrdreg $0xFFFFFFFF  }
0xc2: {  	_ =	task.clear_ibuf [dreg:s7], $0x2FFFF;
	_ =	strace $0x9FFFFFFF  }
0xc3: {  	(tm) =	ssettm $0x7FFFFFFF  }
tec
execute0_lowered:
.L_overlay_start_1:
0x0: {  	(tag) =	ssettag $0x1  }
0x1: {  	s5 =	rddreg [dreg:$0x0]  }
0x2: {  	s1 =	srdreg.scid;
	s0 =	stileid.u32  }
0x3: {  	s9 =	rddreg [dreg:$0x1];
	s4 =	smul.u32 $0x4F00, s0  }
0x4: {  	s2 =	rddreg [dreg:$0x2];
	s3 =	simm.s32 $0x0;
	s10 =	smul.u32 $0xA000, s0  }
0x5: {  	s14 =	simm.s32 $0x1;
	s6 =	sand.u32 $0x1, s1;
	s30 =	smul.u32 $0x28000, s0  }
0x6: {  	s17 =	simm.s32 $0x0;
	s1 =	rddreg [dreg:$0x3];
	s7 =	smul.u32 $0x2780, s6  }
0x7: {  	[smem:$0x7FF] =	sst s3;
	s15 =	sshll.u32 s0, $0x6;
	s8 =	smul.u32 $0xA0000, s6  }
0x8: {  	_ =	strace $0x80000050;
	s6 =	ssub.s32 $0x2, s6;
	s15 =	sor.u32 $0x1C02, s15  }
0x9: {  	s13 =	sshrl.u32 s6, $0x1;
	s31 =	sshrl.u32 s30, $0x2;
	s16 =	sadd.s32 s10, s2  }
0xa: {  	s7 =	sadd.s32 s7, s4;
	s4 =	sadd.s32 $0xA7200, s5;
	s29 =	sadd.s32 s10, s8  }
0xb: {  	s13 =	ssub.s32 s6, s13;
	s10 =	simm.s32 $0x2100;
	s11 =	sshrl.u32 s7, $0x3  }
0xc: {  	s16 =	sshrl.u32 s16, $0x3;
	s7 =	sshrl.u32 s29, $0x3;
	s12 =	sadd.s32 s11, s5  }
0xd: {  	s7 =	sadd.s32 s7, s5;
	s5 =	sadd.s32 s31, s2;
	s9 =	sadd.s32 s11, s9  }
0xe: {  	s11 =	simm.s32 $0x2;
	s6 =	sadd.s32 $0xAE00, s7;
	s7 =	smax.u32 s13, $0x1  }
0xf: {  	v0 =	vimm.f32 $0.0e+00;
	s8 =	sadd.s32 $0x1000, s12;
	s12 =	simm.s32 $0x80;
	s13 =	simm.s32 $0x100  }
.LBB2_1:
0x10: {  	[tilespmem:$0x2100] =	vst v0  }
0x11: {  	[tilespmem:$0x2110] =	vst v0  }
0x12: {  	[tilespmem:$0x2120] =	vst v0  }
0x13: {  	[tilespmem:$0x2130] =	vst v0  }
0x14: {  	[tilespmem:$0x2140] =	vst v0  }
0x15: {  	[tilespmem:$0x2150] =	vst v0  }
0x16: {  	[tilespmem:$0x2160] =	vst v0  }
0x17: {  	[tilespmem:$0x2170] =	vst v0  }
0x18: {  	[tilespmem:$0x2180] =	vst v0  }
0x19: {  	[tilespmem:$0x2190] =	vst v0  }
0x1a: {  	[tilespmem:$0x21A0] =	vst v0  }
0x1b: {  	[tilespmem:$0x21B0] =	vst v0  }
0x1c: {  	[tilespmem:$0x21C0] =	vst v0  }
0x1d: {  	[tilespmem:$0x21D0] =	vst v0  }
0x1e: {  	[tilespmem:$0x21E0] =	vst v0  }
0x1f: {  	[tilespmem:$0x21F0] =	vst v0  }
0x20: {  	[tilespmem:$0x2200] =	vst v0  }
0x21: {  	[tilespmem:$0x2210] =	vst v0  }
0x22: {  	[tilespmem:$0x2220] =	vst v0  }
0x23: {  	[tilespmem:$0x2230] =	vst v0  }
0x24: {  	[tilespmem:$0x2240] =	vst v0  }
0x25: {  	[tilespmem:$0x2250] =	vst v0  }
0x26: {  	[tilespmem:$0x2260] =	vst v0  }
0x27: {  	[tilespmem:$0x2270] =	vst v0  }
0x28: {  	[tilespmem:$0x2280] =	vst v0  }
0x29: {  	[tilespmem:$0x2290] =	vst v0  }
0x2a: {  	[tilespmem:$0x22A0] =	vst v0  }
0x2b: {  	[tilespmem:$0x22B0] =	vst v0  }
0x2c: {  	[tilespmem:$0x22C0] =	vst v0  }
0x2d: {  	[tilespmem:$0x22D0] =	vst v0  }
0x2e: {  	[tilespmem:$0x22E0] =	vst v0  }
0x2f: {  	[tilespmem:$0x22F0] =	vst v0  }
0x30: {  	[tilespmem:$0x2300] =	vst v0  }
0x31: {  	[tilespmem:$0x2310] =	vst v0  }
0x32: {  	[tilespmem:$0x2320] =	vst v0  }
0x33: {  	[tilespmem:$0x2330] =	vst v0  }
0x34: {  	[tilespmem:$0x2340] =	vst v0  }
0x35: {  	[tilespmem:$0x2350] =	vst v0  }
0x36: {  	[tilespmem:$0x2360] =	vst v0  }
0x37: {  	[tilespmem:$0x2370] =	vst v0  }
0x38: {  	[tilespmem:$0x2380] =	vst v0  }
0x39: {  	[tilespmem:$0x2390] =	vst v0  }
0x3a: {  	[tilespmem:$0x23A0] =	vst v0  }
0x3b: {  	[tilespmem:$0x23B0] =	vst v0  }
0x3c: {  	[tilespmem:$0x23C0] =	vst v0  }
0x3d: {  	[tilespmem:$0x23D0] =	vst v0  }
0x3e: {  	[tilespmem:$0x23E0] =	vst v0  }
0x3f: {  	[tilespmem:$0x23F0] =	vst v0  }
0x40: {  	[tilespmem:$0x2400] =	vst v0  }
0x41: {  	[tilespmem:$0x2410] =	vst v0  }
0x42: {  	[tilespmem:$0x2420] =	vst v0  }
0x43: {  	[tilespmem:$0x2430] =	vst v0  }
0x44: {  	[tilespmem:$0x2440] =	vst v0  }
0x45: {  	[tilespmem:$0x2450] =	vst v0  }
0x46: {  	[tilespmem:$0x2460] =	vst v0  }
0x47: {  	[tilespmem:$0x2470] =	vst v0  }
0x48: {  	[tilespmem:$0x2480] =	vst v0  }
0x49: {  	[tilespmem:$0x2490] =	vst v0  }
0x4a: {  	[tilespmem:$0x24A0] =	vst v0  }
0x4b: {  	[tilespmem:$0x24B0] =	vst v0  }
0x4c: {  	[tilespmem:$0x24C0] =	vst v0  }
0x4d: {  	[tilespmem:$0x24D0] =	vst v0  }
0x4e: {  	[tilespmem:$0x24E0] =	vst v0  }
0x4f: {  	[tilespmem:$0x24F0] =	vst v0;
	s18 =	sadd.s32 $0x0, s5  }
0x50: {  	[spmem:s18] =	stream.linear.scatter [tilespmem:s10], [sflag:$0x2], $0x400, $0x38;
	[tilespmem:$0xC500] =	vst v63  }
0x51: {  	s18 =	simm.s32 $0x1000;
	_ =	swait.ge [sflag:s11], $0x400  }
.LBB2_2:
0x52: {  	s19 =	sshra.s32 s18, $0x2;
	[sflag:s11] =	ssyncset.done $0x0;
	p0 =	sne.s32 s18, $0x27000  }
.Ltmp0:
0x53: {  	s19 =	sadd.s32 s19, s5;
	[sflag:s11] =	ssyncadd.s32 $0xFFFFFC00;
	(pc) =	sbr.rel @p0 .LBB2_2-.Ltmp0, $3  }
0x54: {  	[spmem:s19] =	stream.linear.scatter [tilespmem:s10], [sflag:$0x2], $0x400, $0x38;
	[tilespmem:$0xC500] =	vst v63  }
0x55: {  	s18 =	sadd.s32 $0x1000, s18;
	_ =	sdelay $0x1  }
0x56: {  	_ =	swait.ge [sflag:s11], $0x400  }
0x57: {  	[sflag:s11] =	ssyncset.done $0x0  }
0x58: {  	[sflag:s11] =	ssyncadd.s32 $0xFFFFFC00  }
0x59: {  	s18 =	sadd.s32 $0x0, s9;
	[bflag:$0x0] =	sbarrier.arrive $0xFFFF  }
0x5a: {  	[tilespmem:s3], [sflag:$0x2] =	stream.linear.gather [hbm4b:s18+s3], $0x80, $0x38;
	[tilespmem:$0xC500] =	vst v63  }
0x5b: {  	_ =	swait.ge [sflag:s11], $0x80  }
0x5c: {  	[sflag:s11] =	ssyncset.done $0x0  }
0x5d: {  	s31 =	sadd.s32 $0x0, s8;
	[sflag:s11] =	ssyncadd.s32 $0xFFFFFF80  }
0x5e: {  	[tilespmem:s12], [sflag:$0x2] =	stream.linear.gather [hbm4b:s31+s3], $0x80, $0x38;
	[tilespmem:$0xC500] =	vst v63  }
0x5f: {  	_ =	swait.ge [sflag:s11], $0x80  }
0x60: {  	[sflag:s11] =	ssyncset.done $0x0  }
0x61: {  	[sflag:s11] =	ssyncadd.s32 $0xFFFFFF80  }
0x62: {  	[tilespmem:s13], [sflag:$0x1] =	stream.indirect.gather [hbm4b:s4+s12], $0x40, s3, s12, $0xb8;
	[tilespmem:$0xC500] =	vst v63  }
0x63: {  	_ =	swait.ge [sflag:s14], $0x2000  }
0x64: {  	[sflag:s14] =	ssyncset.done $0x0  }
0x65: {  	[sflag:s14] =	ssyncadd.s32 $0xFFFFE000  }
0x66: {  	[spmem:s2] =	stream.indirect.scatter.add.f32 [tilespmem:s13], [sflag:$0x2], $0x40, s12, s12, $0xb8;
	[tilespmem:$0xC500] =	vst v63  }
0x67: {  	_ =	swait.ge [sflag:s11], $0x2000  }
0x68: {  	s19 =	simm.s32 $0x20;
	s18 =	simm.s32 $0x10;
	[sflag:s11] =	ssyncset.done $0x0  }
.LBB2_4:
0x69: {  	s20 =	sadd.s32 s18, s9  }
0x6a: {  	[sflag:s11] =	ssyncadd.s32 $0xFFFFE000;
	s21 =	smov.u32 s19;
	s22 =	sadd.s32 $0x10, s19  }
0x6b: {  	[tilespmem:s3], [sflag:$0x2] =	stream.linear.gather [hbm4b:s20+s3], $0x80, $0x38;
	[tilespmem:$0xC500] =	vst v63  }
0x6c: {  	p0 =	sne.s32 s19, $0x4E0;
	_ =	swait.ge [sflag:s11], $0x80  }
0x6d: {  	[sflag:s11] =	ssyncset.done $0x0  }
0x6e: {  	s19 =	sadd.s32 s18, s8;
	s18 =	smov.u32 s21;
	[sflag:s11] =	ssyncadd.s32 $0xFFFFFF80  }
0x6f: {  	[tilespmem:s12], [sflag:$0x2] =	stream.linear.gather [hbm4b:s19+s3], $0x80, $0x38;
	[tilespmem:$0xC500] =	vst v63  }
0x70: {  	_ =	swait.ge [sflag:s11], $0x80  }
0x71: {  	[sflag:s11] =	ssyncset.done $0x0  }
0x72: {  	[sflag:s11] =	ssyncadd.s32 $0xFFFFFF80  }
0x73: {  	[tilespmem:s13], [sflag:$0x1] =	stream.indirect.gather [hbm4b:s4+s12], $0x40, s3, s12, $0xb8;
	[tilespmem:$0xC500] =	vst v63  }
0x74: {  	_ =	swait.ge [sflag:s14], $0x2000  }
.Ltmp1:
0x75: {  	[sflag:s14] =	ssyncset.done $0x0;
	(pc) =	sbr.rel @p0 .LBB2_4-.Ltmp1, $4  }
0x76: {  	[sflag:s14] =	ssyncadd.s32 $0xFFFFE000  }
0x77: {  	[spmem:s2] =	stream.indirect.scatter.add.f32 [tilespmem:s13], [sflag:$0x2], $0x40, s12, s12, $0xb8;
	[tilespmem:$0xC500] =	vst v63  }
0x78: {  	_ =	swait.ge [sflag:s11], $0x2000  }
0x79: {  	s19 =	smov.u32 s22;
	[sflag:s11] =	ssyncset.done $0x0  }
0x7a: {  	s19 =	sadd.s32 s18, s9;
	[sflag:s11] =	ssyncadd.s32 $0xFFFFE000  }
0x7b: {  	[tilespmem:s3], [sflag:$0x2] =	stream.linear.gather [hbm4b:s19+s3], $0x80, $0x38;
	[tilespmem:$0xC500] =	vst v63  }
0x7c: {  	_ =	swait.ge [sflag:s11], $0x80  }
0x7d: {  	[sflag:s11] =	ssyncset.done $0x0  }
0x7e: {  	s31 =	sadd.s32 s18, s8;
	[sflag:s11] =	ssyncadd.s32 $0xFFFFFF80  }
0x7f: {  	[tilespmem:s12], [sflag:$0x2] =	stream.linear.gather [hbm4b:s31+s3], $0x80, $0x38;
	[tilespmem:$0xC500] =	vst v63  }
0x80: {  	_ =	swait.ge [sflag:s11], $0x80  }
0x81: {  	[sflag:s11] =	ssyncset.done $0x0  }
0x82: {  	[sflag:s11] =	ssyncadd.s32 $0xFFFFFF80  }
0x83: {  	[tilespmem:s13], [sflag:$0x1] =	stream.indirect.gather [hbm4b:s4+s12], $0x40, s3, s12, $0xb8;
	[tilespmem:$0xC500] =	vst v63  }
0x84: {  	_ =	swait.ge [sflag:s14], $0x2000  }
0x85: {  	[sflag:s14] =	ssyncset.done $0x0  }
0x86: {  	[sflag:s14] =	ssyncadd.s32 $0xFFFFE000  }
0x87: {  	[spmem:s2] =	stream.indirect.scatter.add.f32 [tilespmem:s13], [sflag:$0x2], $0x40, s12, s12, $0xb8;
	[tilespmem:$0xC500] =	vst v63  }
0x88: {  	_ =	swait.ge [sflag:s11], $0x2000  }
0x89: {  	s17 =	sadd.s32 $0x1, s17;
	[sflag:s11] =	ssyncset.done $0x0  }
0x8a: {  	p0 =	sne.s32 s17, s7;
	[sflag:s11] =	ssyncadd.s32 $0xFFFFE000  }
.Ltmp2:
0x8b: {  	[bflag:$0x0] =	sbarrier.arrive $0xFFFF;
	(pc) =	sbr.rel @p0 .LBB2_1-.Ltmp2, $4  }
0x8c: {  	[hbm:s6], [sflag:s15] =	dma.local [spmem:s16], $0x1400  }
0x8d: {  	_ =	swait.ge [sflag:s11], $0x1400  }
0x8e: {  	[sflag:s11] =	ssyncset.done $0x0  }
0x8f: {  	[sflag:s11] =	ssyncadd.s32 $0xFFFFEC00  }
0x90: {  	_ =	sfence.sel $0x180000  }
0x91: {  	[bflag:$0x0] =	sbarrier.arrive $0xFFFF  }
0x92: {  	p0 =	sne.s32 s0, $0x0;
	_ =	strace $0x90000050  }
0x93: {  	s0 =	sadd.s32 @!p0 $0x100000, s1;
	[bflag:$0x2] =	sbarrier.arrive $0xFFFF  }
0x94: {  	[sflag:s0] =	ssyncadd.tile.s32 @!p0 $0x1;
	_ =	shalt  }
.Lfunc_end2:
_tile_overlayer_lowered:
.L_overlay_start_2:
0x95: {  	(tag) =	ssettag $0x2  }
0x96: {  	s0 =	rddreg [dreg:$0x0];
	s2 =	stileid.u32  }
0x97: {  	s1 =	rddreg [dreg:$0x1];
	p0 =	sne.s32 s2, $0x0  }
0x98: {  	s3 =	rddreg [dreg:$0x2];
	[bflag:$0x3] =	sbarrier.arrive $0xFFFF;
	s2 =	simm.s32 @!p0 $0x1C02  }
0x99: {  	[timem:s3], [sflag:s2] =	dma.local @!p0 [hbm:s0], s1  }
0x9a: {  	s0 =	simm.s32 @!p0 $0x2  }
0x9b: {  	_ =	swait.ge @!p0 [sflag:s0], s1  }
0x9c: {  	s1 =	ssub.s32 @!p0 $0x0, s1;
	[sflag:s0] =	ssyncset.done @!p0 $0x0  }
0x9d: {  	[sflag:s0] =	ssyncadd.s32 @!p0 s1  }
0x9e: {  	[bflag:$0x3] =	sbarrier.arrive $0xFFFF  }
0x9f: {  	_ =	shalt  }

</sc_bundles>
